<compile_context>
chip_gen: v7x
topology: tpu7x:2x2x1
jax: 0.10.2.dev20260603
libtpu: 0.0.44.dev20260713+nightly
codegen_flags: <defaults>
</compile_context>

<pallas_src>
import functools

import jax
import jax.numpy as jnp
from jax import lax
from jax.experimental import pallas as pl
from jax.experimental.pallas import tpu as pltpu
from jax.experimental.pallas import tpu_sc as plsc

_NUM_CORES = 2
_NUM_SUBCORES = 16
_NUM_WORKERS = _NUM_CORES * _NUM_SUBCORES
_BROW = 128


def _sc_untile_transpose(wte_t, tail_flat):
    d, v = wte_t.shape
    n_full = v // 128
    tail = v - n_full * 128
    per_worker = n_full // _NUM_WORKERS + 1
    steps = per_worker + per_worker % 2

    mesh = plsc.VectorSubcoreMesh(
        core_axis_name="c",
        subcore_axis_name="s",
        num_cores=_NUM_CORES,
        num_subcores=_NUM_SUBCORES,
    )

    @functools.partial(
        pl.kernel,
        out_type=jax.ShapeDtypeStruct((v * d,), jnp.float32),
        mesh=mesh,
        scratch_types=[
            [pltpu.VMEM((d, 128), jnp.float32)] * 2,
            [pltpu.VMEM((128 * d,), jnp.float32)] * 2,
            [pltpu.SemaphoreType.DMA] * 2,
            [pltpu.SemaphoreType.DMA] * 2,
        ],
        compiler_params=pltpu.CompilerParams(
            use_tc_tiling_on_sc=True, needs_layout_passes=False
        ),
    )
    def untile_kernel(src_hbm, tail_hbm, out_hbm, chunk_v, rows_v, gsems, wsems):
        wid = lax.axis_index("s") * _NUM_CORES + lax.axis_index("c")

        iota = lax.iota(jnp.int32, 16)
        rvecs = [(iota + r) % 16 for r in range(16)]
        svecs = [64 * iota + ((iota + r) % 16) for r in range(16)]

        def chunk_of(k):
            return wid + _NUM_WORKERS * k

        def fire_in(k, q, width):
            c = chunk_of(k)
            pltpu.async_copy(
                src_hbm.at[:, pl.ds(c * 128, width)],
                chunk_v[q].at[:, pl.ds(0, width)],
                gsems[q],
            )

        def wait_in(q, width):
            pltpu.make_async_copy(
                src_hbm.at[:, pl.ds(0, width)],
                chunk_v[q].at[:, pl.ds(0, width)],
                gsems[q],
            ).wait()

        def fire_out(k, q, width):
            c = chunk_of(k)
            pltpu.async_copy(
                rows_v[q].at[pl.ds(0, width * d)],
                out_hbm.at[pl.ds(c * 128 * d, width * d)],
                wsems[q],
            )

        def wait_out(q, width):
            pltpu.make_async_copy(
                rows_v[q].at[pl.ds(0, width * d)],
                out_hbm.at[pl.ds(0, width * d)],
                wsems[q],
            ).wait()

        def transpose_chunk(q, n_b0):
            rows = rows_v[q]
            chunk = chunk_v[q]

            def body(t):
                j1 = t // n_b0
                b0 = t % n_b0
                col = jnp.full((16,), 16 * b0, jnp.int32) + iota
                sbase = jnp.full((16,), 16 * b0 * d + 16 * j1, jnp.int32)
                rbase = jnp.full((16,), 16 * j1, jnp.int32)
                for r in range(16):
                    vals = plsc.load_gather(chunk, [rbase + rvecs[r], col])
                    plsc.store_scatter(rows, [sbase + svecs[r]], vals)

            plsc.parallel_loop(0, (d // 16) * n_b0, 1, unroll=2)(body)

        def valid(k):
            return chunk_of(k) < n_full

        fire_in(0, 0, 128)

        def pair_body(p, carry):
            for parity in range(2):
                k = 2 * p + parity

                @pl.when(valid(k + 1))
                def _():
                    fire_in(k + 1, 1 - parity, 128)

                @pl.when(valid(k))
                def _():
                    wait_in(parity, 128)

                    @pl.when(k >= 2)
                    def _():
                        wait_out(parity, 128)

                    transpose_chunk(parity, 8)
                    fire_out(k, parity, 128)

            return carry

        lax.fori_loop(0, steps // 2, pair_body, 0)

        wait_out(0, 128)
        wait_out(1, 128)

        if tail:
            @pl.when(wid == 0)
            def _():
                pltpu.sync_copy(tail_hbm, rows_v[0].at[pl.ds(0, tail * d)])
                pltpu.sync_copy(
                    rows_v[0].at[pl.ds(0, tail * d)],
                    out_hbm.at[pl.ds(n_full * 128 * d, tail * d)],
                )

    return untile_kernel(wte_t, tail_flat)


def _sc_gather_tiled(idx_flat, wte, n_h, n_bt):
    n = idx_flat.shape[0]
    d = wte.shape[1]
    d_t = d // 8
    per_worker_groups = (n_h * n_bt) // _NUM_WORKERS
    per_worker_idx = per_worker_groups * _BROW

    mesh = plsc.VectorSubcoreMesh(
        core_axis_name="c",
        subcore_axis_name="s",
        num_cores=_NUM_CORES,
        num_subcores=_NUM_SUBCORES,
    )

    @functools.partial(
        pl.kernel,
        out_type=jax.ShapeDtypeStruct((n_h, d_t, n_bt, 8, _BROW), jnp.float32),
        mesh=mesh,
        scratch_types=[
            pltpu.VMEM((per_worker_idx,), jnp.int32),
            pltpu.VMEM((2, _BROW, d), jnp.float32),
            pltpu.VMEM((2, d_t, 8, _BROW + 1), jnp.float32),
            [pltpu.SemaphoreType.DMA] * 2,
            [pltpu.SemaphoreType.DMA] * 2,
        ],
        compiler_params=pltpu.CompilerParams(
            use_tc_tiling_on_sc=False, needs_layout_passes=False
        ),
    )
    def gather_kernel(idx_hbm, table_hbm, out_hbm, idx_v, rows_v, tiles_v,
                      gsems, wsems):
        wid = lax.axis_index("s") * _NUM_CORES + lax.axis_index("c")
        gbase = wid * per_worker_groups

        pltpu.sync_copy(idx_hbm.at[pl.ds(gbase * _BROW, per_worker_idx)], idx_v)

        def fire_gather(g, q):
            pltpu.async_copy(
                table_hbm.at[idx_v.at[pl.ds(g * _BROW, _BROW)]],
                rows_v.at[q],
                gsems[q],
            )

        def wait_gather(q):
            pltpu.make_async_copy(
                table_hbm.at[idx_v.at[pl.ds(0, _BROW)]],
                rows_v.at[q],
                gsems[q],
            ).wait()

        def fire_writes(g, q):
            gg = gbase + g
            h = gg // n_bt
            bt = gg % n_bt
            for jt in range(d_t):
                pltpu.async_copy(
                    tiles_v.at[q, jt, :, pl.ds(0, _BROW)],
                    out_hbm.at[h, jt, bt],
                    wsems[q],
                )

        def wait_writes(q):
            for jt in range(d_t):
                pltpu.make_async_copy(
                    tiles_v.at[q, jt, :, pl.ds(0, _BROW)],
                    out_hbm.at[0, jt, 0],
                    wsems[q],
                ).wait()

        def transpose_group(q):
            iota = lax.iota(jnp.int32, 16)
            jt_vecs = [(16 * j0 + iota) // 8 for j0 in range(d // 16)]
            jr_vecs = [(16 * j0 + iota) % 8 for j0 in range(d // 16)]
            tiles = tiles_v.at[q]

            def body(b):
                bb = jnp.full((16,), b, jnp.int32)
                for j0 in range(d // 16):
                    vals = rows_v[q, b, pl.ds(16 * j0, 16)]
                    plsc.store_scatter(
                        tiles, [jt_vecs[j0], jr_vecs[j0], bb], vals
                    )

            plsc.parallel_loop(0, _BROW, 1, unroll=8)(body)

        fire_gather(0, 0)

        def pair_body(p, carry):
            for parity in range(2):
                g = 2 * p + parity

                @pl.when(g + 1 < per_worker_groups)
                def _():
                    fire_gather(g + 1, 1 - parity)

                wait_gather(parity)

                @pl.when(g >= 2)
                def _():
                    wait_writes(parity)

                transpose_group(parity)
                fire_writes(g, parity)
            return carry

        lax.fori_loop(0, per_worker_groups // 2, pair_body, 0)
        wait_writes(0)
        wait_writes(1)

    return gather_kernel(idx_flat, wte)


@jax.jit
def _embed(x, wte):
    b, h = x.shape
    v, d = wte.shape
    n_bt = b // _BROW
    idx_flat = x.T.reshape(h * b).astype(jnp.int32)
    n_tail = v % 128
    tail_flat = wte[v - n_tail:, :].reshape(n_tail * d)
    table_flat = _sc_untile_transpose(wte.T, tail_flat)
    table = table_flat.reshape(v, d)
    out5d = _sc_gather_tiled(idx_flat, table, h, n_bt)
    return out5d.transpose((2, 4, 0, 1, 3)).reshape(b, h, d)


def kernel(x, wte):
    return _embed(x, wte)

# --- scband reference (transcript-rebuilt; emitter-appended) ---
"""Pipeline reference for scband-embedding-27882927685771 (READ-ONLY COPY).

The authoritative reference and input builder live on the scoring server;
editing this copy changes nothing except your own understanding.
"""

import jax, jax.numpy as jnp
import numpy as np

N_VOCAB = 1000000
DIMS = 64
BATCH = 4096
HIST = 200

def setup_inputs(seed: int = 0) -> dict:
    key = jax.random.key(seed)
    k1, k2 = jax.random.split(key)
    x = jax.random.randint(k1, (BATCH, HIST), 0, N_VOCAB, dtype=jnp.int64 if jax.config.jax_enable_x64 else jnp.int32)
    wte = jax.random.normal(k2, (N_VOCAB, DIMS), dtype=jnp.float32)
    return {"x": x, "wte": wte}

def reference(x, wte):
    # Embedding lookup: gather rows of the table. Dropout with p=0.0 is identity.
    out = jnp.take(wte, x, axis=0)
    return out

if __name__ == "__main__":
    import jax
    _d = setup_inputs()
    print(jax.jit(kernel)(*tuple(_d.values())))

</pallas_src>

<mosaic_0001>
#map = affine_map<(d0, d1) -> (0, 0)>
#map1 = affine_map<(d0, d1) -> (0)>
module attributes {stable_mosaic.version = 14 : i64} {
  func.func @untile_kernel(%arg0: i32, %arg1: i32, %arg2: memref<64x1000000xf32, #tpu.memory_space<hbm>>, %arg3: memref<4096xf32, #tpu.memory_space<hbm>>, %arg4: memref<64000000xf32, #tpu.memory_space<hbm>>, %arg5: memref<64x128xf32, #tpu.memory_space<vmem>>, %arg6: memref<64x128xf32, #tpu.memory_space<vmem>>, %arg7: memref<8192xf32, #tpu.memory_space<vmem>>, %arg8: memref<8192xf32, #tpu.memory_space<vmem>>, %arg9: memref<!tpu.dma_semaphore, #tpu.memory_space<semaphore_mem>>, %arg10: memref<!tpu.dma_semaphore, #tpu.memory_space<semaphore_mem>>, %arg11: memref<!tpu.dma_semaphore, #tpu.memory_space<semaphore_mem>>, %arg12: memref<!tpu.dma_semaphore, #tpu.memory_space<semaphore_mem>>) attributes {dimension_semantics = [#tpu.dimension_semantics<core_parallel>, #tpu.dimension_semantics<subcore_parallel>], iteration_bounds = array<i64: 2, 16>, scalar_prefetch = 0 : i64, scratch_operands = 8 : i64, tpu.core_type = #tpu.core_type<sc_vector_subcore>, window_params = [{transform_indices = #map}, {transform_indices = #map1}, {transform_indices = #map1}]} {
    %mul3A = arith.constant 2 : i32
    %mul3A_0 = arith.muli %arg1, %mul3A : i32
    %add3A = arith.addi %mul3A_0, %arg0 : i32
    %iota3A = tpu.iota {dimensions = array<i32: 0>} : vector<16xi32>
    %add3A_1 = arith.constant 0 : i32
    %add3A_2 = vector.broadcast %add3A_1 : i32 to vector<16xi32>
    %add3A_3 = arith.addi %iota3A, %add3A_2 : vector<16xi32>
    %jit3A = arith.constant 16 : i32
    %eq3A = arith.constant 0 : i32
    %eq3A_4 = arith.cmpi eq, %jit3A, %eq3A : i32
    %jit3A_5 = arith.constant 1 : i32
    %select_n3A = arith.select %eq3A_4, %jit3A_5, %jit3A : i32
    %rem3A = vector.broadcast %select_n3A : i32 to vector<16xi32>
    %rem3A_6 = arith.remsi %add3A_3, %rem3A : vector<16xi32>
    %ne3A = arith.constant 0 : i32
    %ne3A_7 = vector.broadcast %ne3A : i32 to vector<16xi32>
    %ne3A_8 = arith.cmpi ne, %rem3A_6, %ne3A_7 : vector<16xi32>
    %lt3A = arith.constant 0 : i32
    %lt3A_9 = vector.broadcast %lt3A : i32 to vector<16xi32>
    %lt3A_10 = arith.cmpi slt, %rem3A_6, %lt3A_9 : vector<16xi32>
    %lt3A_11 = arith.constant 0 : i32
    %lt3A_12 = arith.cmpi slt, %select_n3A, %lt3A_11 : i32
    %ne3A_13 = vector.broadcast %lt3A_12 : i1 to vector<16xi1>
    %ne3A_14 = vector.broadcast %ne3A_13 : vector<16xi1> to vector<16xi1>
    %ne3A_15 = arith.xori %lt3A_10, %ne3A_14 : vector<16xi1>
    %and3A = arith.andi %ne3A_15, %ne3A_8 : vector<16xi1>
    %add3A_16 = vector.broadcast %select_n3A : i32 to vector<16xi32>
    %add3A_17 = arith.addi %rem3A_6, %add3A_16 : vector<16xi32>
    %select_n3A_18 = arith.select %and3A, %add3A_17, %rem3A_6 : vector<16xi1>, vector<16xi32>
    %add3A_19 = arith.constant 1 : i32
    %add3A_20 = vector.broadcast %add3A_19 : i32 to vector<16xi32>
    %add3A_21 = arith.addi %iota3A, %add3A_20 : vector<16xi32>
    %jit3A_22 = arith.constant 16 : i32
    %eq3A_23 = arith.constant 0 : i32
    %eq3A_24 = arith.cmpi eq, %jit3A_22, %eq3A_23 : i32
    %jit3A_25 = arith.constant 1 : i32
    %select_n3A_26 = arith.select %eq3A_24, %jit3A_25, %jit3A_22 : i32
    %rem3A_27 = vector.broadcast %select_n3A_26 : i32 to vector<16xi32>
    %rem3A_28 = arith.remsi %add3A_21, %rem3A_27 : vector<16xi32>
    %ne3A_29 = arith.constant 0 : i32
    %ne3A_30 = vector.broadcast %ne3A_29 : i32 to vector<16xi32>
    %ne3A_31 = arith.cmpi ne, %rem3A_28, %ne3A_30 : vector<16xi32>
    %lt3A_32 = arith.constant 0 : i32
    %lt3A_33 = vector.broadcast %lt3A_32 : i32 to vector<16xi32>
    %lt3A_34 = arith.cmpi slt, %rem3A_28, %lt3A_33 : vector<16xi32>
    %lt3A_35 = arith.constant 0 : i32
    %lt3A_36 = arith.cmpi slt, %select_n3A_26, %lt3A_35 : i32
    %ne3A_37 = vector.broadcast %lt3A_36 : i1 to vector<16xi1>
    %ne3A_38 = vector.broadcast %ne3A_37 : vector<16xi1> to vector<16xi1>
    %ne3A_39 = arith.xori %lt3A_34, %ne3A_38 : vector<16xi1>
    %and3A_40 = arith.andi %ne3A_39, %ne3A_31 : vector<16xi1>
    %add3A_41 = vector.broadcast %select_n3A_26 : i32 to vector<16xi32>
    %add3A_42 = arith.addi %rem3A_28, %add3A_41 : vector<16xi32>
    %select_n3A_43 = arith.select %and3A_40, %add3A_42, %rem3A_28 : vector<16xi1>, vector<16xi32>
    %add3A_44 = arith.constant 2 : i32
    %add3A_45 = vector.broadcast %add3A_44 : i32 to vector<16xi32>
    %add3A_46 = arith.addi %iota3A, %add3A_45 : vector<16xi32>
    %jit3A_47 = arith.constant 16 : i32
    %eq3A_48 = arith.constant 0 : i32
    %eq3A_49 = arith.cmpi eq, %jit3A_47, %eq3A_48 : i32
    %jit3A_50 = arith.constant 1 : i32
    %select_n3A_51 = arith.select %eq3A_49, %jit3A_50, %jit3A_47 : i32
    %rem3A_52 = vector.broadcast %select_n3A_51 : i32 to vector<16xi32>
    %rem3A_53 = arith.remsi %add3A_46, %rem3A_52 : vector<16xi32>
    %ne3A_54 = arith.constant 0 : i32
    %ne3A_55 = vector.broadcast %ne3A_54 : i32 to vector<16xi32>
    %ne3A_56 = arith.cmpi ne, %rem3A_53, %ne3A_55 : vector<16xi32>
    %lt3A_57 = arith.constant 0 : i32
    %lt3A_58 = vector.broadcast %lt3A_57 : i32 to vector<16xi32>
    %lt3A_59 = arith.cmpi slt, %rem3A_53, %lt3A_58 : vector<16xi32>
    %lt3A_60 = arith.constant 0 : i32
    %lt3A_61 = arith.cmpi slt, %select_n3A_51, %lt3A_60 : i32
    %ne3A_62 = vector.broadcast %lt3A_61 : i1 to vector<16xi1>
    %ne3A_63 = vector.broadcast %ne3A_62 : vector<16xi1> to vector<16xi1>
    %ne3A_64 = arith.xori %lt3A_59, %ne3A_63 : vector<16xi1>
    %and3A_65 = arith.andi %ne3A_64, %ne3A_56 : vector<16xi1>
    %add3A_66 = vector.broadcast %select_n3A_51 : i32 to vector<16xi32>
    %add3A_67 = arith.addi %rem3A_53, %add3A_66 : vector<16xi32>
    %select_n3A_68 = arith.select %and3A_65, %add3A_67, %rem3A_53 : vector<16xi1>, vector<16xi32>
    %add3A_69 = arith.constant 3 : i32
    %add3A_70 = vector.broadcast %add3A_69 : i32 to vector<16xi32>
    %add3A_71 = arith.addi %iota3A, %add3A_70 : vector<16xi32>
    %jit3A_72 = arith.constant 16 : i32
    %eq3A_73 = arith.constant 0 : i32
    %eq3A_74 = arith.cmpi eq, %jit3A_72, %eq3A_73 : i32
    %jit3A_75 = arith.constant 1 : i32
    %select_n3A_76 = arith.select %eq3A_74, %jit3A_75, %jit3A_72 : i32
    %rem3A_77 = vector.broadcast %select_n3A_76 : i32 to vector<16xi32>
    %rem3A_78 = arith.remsi %add3A_71, %rem3A_77 : vector<16xi32>
    %ne3A_79 = arith.constant 0 : i32
    %ne3A_80 = vector.broadcast %ne3A_79 : i32 to vector<16xi32>
    %ne3A_81 = arith.cmpi ne, %rem3A_78, %ne3A_80 : vector<16xi32>
    %lt3A_82 = arith.constant 0 : i32
    %lt3A_83 = vector.broadcast %lt3A_82 : i32 to vector<16xi32>
    %lt3A_84 = arith.cmpi slt, %rem3A_78, %lt3A_83 : vector<16xi32>
    %lt3A_85 = arith.constant 0 : i32
    %lt3A_86 = arith.cmpi slt, %select_n3A_76, %lt3A_85 : i32
    %ne3A_87 = vector.broadcast %lt3A_86 : i1 to vector<16xi1>
    %ne3A_88 = vector.broadcast %ne3A_87 : vector<16xi1> to vector<16xi1>
    %ne3A_89 = arith.xori %lt3A_84, %ne3A_88 : vector<16xi1>
    %and3A_90 = arith.andi %ne3A_89, %ne3A_81 : vector<16xi1>
    %add3A_91 = vector.broadcast %select_n3A_76 : i32 to vector<16xi32>
    %add3A_92 = arith.addi %rem3A_78, %add3A_91 : vector<16xi32>
    %select_n3A_93 = arith.select %and3A_90, %add3A_92, %rem3A_78 : vector<16xi1>, vector<16xi32>
    %add3A_94 = arith.constant 4 : i32
    %add3A_95 = vector.broadcast %add3A_94 : i32 to vector<16xi32>
    %add3A_96 = arith.addi %iota3A, %add3A_95 : vector<16xi32>
    %jit3A_97 = arith.constant 16 : i32
    %eq3A_98 = arith.constant 0 : i32
    %eq3A_99 = arith.cmpi eq, %jit3A_97, %eq3A_98 : i32
    %jit3A_100 = arith.constant 1 : i32
    %select_n3A_101 = arith.select %eq3A_99, %jit3A_100, %jit3A_97 : i32
    %rem3A_102 = vector.broadcast %select_n3A_101 : i32 to vector<16xi32>
    %rem3A_103 = arith.remsi %add3A_96, %rem3A_102 : vector<16xi32>
    %ne3A_104 = arith.constant 0 : i32
    %ne3A_105 = vector.broadcast %ne3A_104 : i32 to vector<16xi32>
    %ne3A_106 = arith.cmpi ne, %rem3A_103, %ne3A_105 : vector<16xi32>
    %lt3A_107 = arith.constant 0 : i32
    %lt3A_108 = vector.broadcast %lt3A_107 : i32 to vector<16xi32>
    %lt3A_109 = arith.cmpi slt, %rem3A_103, %lt3A_108 : vector<16xi32>
    %lt3A_110 = arith.constant 0 : i32
    %lt3A_111 = arith.cmpi slt, %select_n3A_101, %lt3A_110 : i32
    %ne3A_112 = vector.broadcast %lt3A_111 : i1 to vector<16xi1>
    %ne3A_113 = vector.broadcast %ne3A_112 : vector<16xi1> to vector<16xi1>
    %ne3A_114 = arith.xori %lt3A_109, %ne3A_113 : vector<16xi1>
    %and3A_115 = arith.andi %ne3A_114, %ne3A_106 : vector<16xi1>
    %add3A_116 = vector.broadcast %select_n3A_101 : i32 to vector<16xi32>
    %add3A_117 = arith.addi %rem3A_103, %add3A_116 : vector<16xi32>
    %select_n3A_118 = arith.select %and3A_115, %add3A_117, %rem3A_103 : vector<16xi1>, vector<16xi32>
    %add3A_119 = arith.constant 5 : i32
    %add3A_120 = vector.broadcast %add3A_119 : i32 to vector<16xi32>
    %add3A_121 = arith.addi %iota3A, %add3A_120 : vector<16xi32>
    %jit3A_122 = arith.constant 16 : i32
    %eq3A_123 = arith.constant 0 : i32
    %eq3A_124 = arith.cmpi eq, %jit3A_122, %eq3A_123 : i32
    %jit3A_125 = arith.constant 1 : i32
    %select_n3A_126 = arith.select %eq3A_124, %jit3A_125, %jit3A_122 : i32
    %rem3A_127 = vector.broadcast %select_n3A_126 : i32 to vector<16xi32>
    %rem3A_128 = arith.remsi %add3A_121, %rem3A_127 : vector<16xi32>
    %ne3A_129 = arith.constant 0 : i32
    %ne3A_130 = vector.broadcast %ne3A_129 : i32 to vector<16xi32>
    %ne3A_131 = arith.cmpi ne, %rem3A_128, %ne3A_130 : vector<16xi32>
    %lt3A_132 = arith.constant 0 : i32
    %lt3A_133 = vector.broadcast %lt3A_132 : i32 to vector<16xi32>
    %lt3A_134 = arith.cmpi slt, %rem3A_128, %lt3A_133 : vector<16xi32>
    %lt3A_135 = arith.constant 0 : i32
    %lt3A_136 = arith.cmpi slt, %select_n3A_126, %lt3A_135 : i32
    %ne3A_137 = vector.broadcast %lt3A_136 : i1 to vector<16xi1>
    %ne3A_138 = vector.broadcast %ne3A_137 : vector<16xi1> to vector<16xi1>
    %ne3A_139 = arith.xori %lt3A_134, %ne3A_138 : vector<16xi1>
    %and3A_140 = arith.andi %ne3A_139, %ne3A_131 : vector<16xi1>
    %add3A_141 = vector.broadcast %select_n3A_126 : i32 to vector<16xi32>
    %add3A_142 = arith.addi %rem3A_128, %add3A_141 : vector<16xi32>
    %select_n3A_143 = arith.select %and3A_140, %add3A_142, %rem3A_128 : vector<16xi1>, vector<16xi32>
    %add3A_144 = arith.constant 6 : i32
    %add3A_145 = vector.broadcast %add3A_144 : i32 to vector<16xi32>
    %add3A_146 = arith.addi %iota3A, %add3A_145 : vector<16xi32>
    %jit3A_147 = arith.constant 16 : i32
    %eq3A_148 = arith.constant 0 : i32
    %eq3A_149 = arith.cmpi eq, %jit3A_147, %eq3A_148 : i32
    %jit3A_150 = arith.constant 1 : i32
    %select_n3A_151 = arith.select %eq3A_149, %jit3A_150, %jit3A_147 : i32
    %rem3A_152 = vector.broadcast %select_n3A_151 : i32 to vector<16xi32>
    %rem3A_153 = arith.remsi %add3A_146, %rem3A_152 : vector<16xi32>
    %ne3A_154 = arith.constant 0 : i32
    %ne3A_155 = vector.broadcast %ne3A_154 : i32 to vector<16xi32>
    %ne3A_156 = arith.cmpi ne, %rem3A_153, %ne3A_155 : vector<16xi32>
    %lt3A_157 = arith.constant 0 : i32
    %lt3A_158 = vector.broadcast %lt3A_157 : i32 to vector<16xi32>
    %lt3A_159 = arith.cmpi slt, %rem3A_153, %lt3A_158 : vector<16xi32>
    %lt3A_160 = arith.constant 0 : i32
    %lt3A_161 = arith.cmpi slt, %select_n3A_151, %lt3A_160 : i32
    %ne3A_162 = vector.broadcast %lt3A_161 : i1 to vector<16xi1>
    %ne3A_163 = vector.broadcast %ne3A_162 : vector<16xi1> to vector<16xi1>
    %ne3A_164 = arith.xori %lt3A_159, %ne3A_163 : vector<16xi1>
    %and3A_165 = arith.andi %ne3A_164, %ne3A_156 : vector<16xi1>
    %add3A_166 = vector.broadcast %select_n3A_151 : i32 to vector<16xi32>
    %add3A_167 = arith.addi %rem3A_153, %add3A_166 : vector<16xi32>
    %select_n3A_168 = arith.select %and3A_165, %add3A_167, %rem3A_153 : vector<16xi1>, vector<16xi32>
    %add3A_169 = arith.constant 7 : i32
    %add3A_170 = vector.broadcast %add3A_169 : i32 to vector<16xi32>
    %add3A_171 = arith.addi %iota3A, %add3A_170 : vector<16xi32>
    %jit3A_172 = arith.constant 16 : i32
    %eq3A_173 = arith.constant 0 : i32
    %eq3A_174 = arith.cmpi eq, %jit3A_172, %eq3A_173 : i32
    %jit3A_175 = arith.constant 1 : i32
    %select_n3A_176 = arith.select %eq3A_174, %jit3A_175, %jit3A_172 : i32
    %rem3A_177 = vector.broadcast %select_n3A_176 : i32 to vector<16xi32>
    %rem3A_178 = arith.remsi %add3A_171, %rem3A_177 : vector<16xi32>
    %ne3A_179 = arith.constant 0 : i32
    %ne3A_180 = vector.broadcast %ne3A_179 : i32 to vector<16xi32>
    %ne3A_181 = arith.cmpi ne, %rem3A_178, %ne3A_180 : vector<16xi32>
    %lt3A_182 = arith.constant 0 : i32
    %lt3A_183 = vector.broadcast %lt3A_182 : i32 to vector<16xi32>
    %lt3A_184 = arith.cmpi slt, %rem3A_178, %lt3A_183 : vector<16xi32>
    %lt3A_185 = arith.constant 0 : i32
    %lt3A_186 = arith.cmpi slt, %select_n3A_176, %lt3A_185 : i32
    %ne3A_187 = vector.broadcast %lt3A_186 : i1 to vector<16xi1>
    %ne3A_188 = vector.broadcast %ne3A_187 : vector<16xi1> to vector<16xi1>
    %ne3A_189 = arith.xori %lt3A_184, %ne3A_188 : vector<16xi1>
    %and3A_190 = arith.andi %ne3A_189, %ne3A_181 : vector<16xi1>
    %add3A_191 = vector.broadcast %select_n3A_176 : i32 to vector<16xi32>
    %add3A_192 = arith.addi %rem3A_178, %add3A_191 : vector<16xi32>
    %select_n3A_193 = arith.select %and3A_190, %add3A_192, %rem3A_178 : vector<16xi1>, vector<16xi32>
    %add3A_194 = arith.constant 8 : i32
    %add3A_195 = vector.broadcast %add3A_194 : i32 to vector<16xi32>
    %add3A_196 = arith.addi %iota3A, %add3A_195 : vector<16xi32>
    %jit3A_197 = arith.constant 16 : i32
    %eq3A_198 = arith.constant 0 : i32
    %eq3A_199 = arith.cmpi eq, %jit3A_197, %eq3A_198 : i32
    %jit3A_200 = arith.constant 1 : i32
    %select_n3A_201 = arith.select %eq3A_199, %jit3A_200, %jit3A_197 : i32
    %rem3A_202 = vector.broadcast %select_n3A_201 : i32 to vector<16xi32>
    %rem3A_203 = arith.remsi %add3A_196, %rem3A_202 : vector<16xi32>
    %ne3A_204 = arith.constant 0 : i32
    %ne3A_205 = vector.broadcast %ne3A_204 : i32 to vector<16xi32>
    %ne3A_206 = arith.cmpi ne, %rem3A_203, %ne3A_205 : vector<16xi32>
    %lt3A_207 = arith.constant 0 : i32
    %lt3A_208 = vector.broadcast %lt3A_207 : i32 to vector<16xi32>
    %lt3A_209 = arith.cmpi slt, %rem3A_203, %lt3A_208 : vector<16xi32>
    %lt3A_210 = arith.constant 0 : i32
    %lt3A_211 = arith.cmpi slt, %select_n3A_201, %lt3A_210 : i32
    %ne3A_212 = vector.broadcast %lt3A_211 : i1 to vector<16xi1>
    %ne3A_213 = vector.broadcast %ne3A_212 : vector<16xi1> to vector<16xi1>
    %ne3A_214 = arith.xori %lt3A_209, %ne3A_213 : vector<16xi1>
    %and3A_215 = arith.andi %ne3A_214, %ne3A_206 : vector<16xi1>
    %add3A_216 = vector.broadcast %select_n3A_201 : i32 to vector<16xi32>
    %add3A_217 = arith.addi %rem3A_203, %add3A_216 : vector<16xi32>
    %select_n3A_218 = arith.select %and3A_215, %add3A_217, %rem3A_203 : vector<16xi1>, vector<16xi32>
    %add3A_219 = arith.constant 9 : i32
    %add3A_220 = vector.broadcast %add3A_219 : i32 to vector<16xi32>
    %add3A_221 = arith.addi %iota3A, %add3A_220 : vector<16xi32>
    %jit3A_222 = arith.constant 16 : i32
    %eq3A_223 = arith.constant 0 : i32
    %eq3A_224 = arith.cmpi eq, %jit3A_222, %eq3A_223 : i32
    %jit3A_225 = arith.constant 1 : i32
    %select_n3A_226 = arith.select %eq3A_224, %jit3A_225, %jit3A_222 : i32
    %rem3A_227 = vector.broadcast %select_n3A_226 : i32 to vector<16xi32>
    %rem3A_228 = arith.remsi %add3A_221, %rem3A_227 : vector<16xi32>
    %ne3A_229 = arith.constant 0 : i32
    %ne3A_230 = vector.broadcast %ne3A_229 : i32 to vector<16xi32>
    %ne3A_231 = arith.cmpi ne, %rem3A_228, %ne3A_230 : vector<16xi32>
    %lt3A_232 = arith.constant 0 : i32
    %lt3A_233 = vector.broadcast %lt3A_232 : i32 to vector<16xi32>
    %lt3A_234 = arith.cmpi slt, %rem3A_228, %lt3A_233 : vector<16xi32>
    %lt3A_235 = arith.constant 0 : i32
    %lt3A_236 = arith.cmpi slt, %select_n3A_226, %lt3A_235 : i32
    %ne3A_237 = vector.broadcast %lt3A_236 : i1 to vector<16xi1>
    %ne3A_238 = vector.broadcast %ne3A_237 : vector<16xi1> to vector<16xi1>
    %ne3A_239 = arith.xori %lt3A_234, %ne3A_238 : vector<16xi1>
    %and3A_240 = arith.andi %ne3A_239, %ne3A_231 : vector<16xi1>
    %add3A_241 = vector.broadcast %select_n3A_226 : i32 to vector<16xi32>
    %add3A_242 = arith.addi %rem3A_228, %add3A_241 : vector<16xi32>
    %select_n3A_243 = arith.select %and3A_240, %add3A_242, %rem3A_228 : vector<16xi1>, vector<16xi32>
    %add3A_244 = arith.constant 10 : i32
    %add3A_245 = vector.broadcast %add3A_244 : i32 to vector<16xi32>
    %add3A_246 = arith.addi %iota3A, %add3A_245 : vector<16xi32>
    %jit3A_247 = arith.constant 16 : i32
    %eq3A_248 = arith.constant 0 : i32
    %eq3A_249 = arith.cmpi eq, %jit3A_247, %eq3A_248 : i32
    %jit3A_250 = arith.constant 1 : i32
    %select_n3A_251 = arith.select %eq3A_249, %jit3A_250, %jit3A_247 : i32
    %rem3A_252 = vector.broadcast %select_n3A_251 : i32 to vector<16xi32>
    %rem3A_253 = arith.remsi %add3A_246, %rem3A_252 : vector<16xi32>
    %ne3A_254 = arith.constant 0 : i32
    %ne3A_255 = vector.broadcast %ne3A_254 : i32 to vector<16xi32>
    %ne3A_256 = arith.cmpi ne, %rem3A_253, %ne3A_255 : vector<16xi32>
    %lt3A_257 = arith.constant 0 : i32
    %lt3A_258 = vector.broadcast %lt3A_257 : i32 to vector<16xi32>
    %lt3A_259 = arith.cmpi slt, %rem3A_253, %lt3A_258 : vector<16xi32>
    %lt3A_260 = arith.constant 0 : i32
    %lt3A_261 = arith.cmpi slt, %select_n3A_251, %lt3A_260 : i32
    %ne3A_262 = vector.broadcast %lt3A_261 : i1 to vector<16xi1>
    %ne3A_263 = vector.broadcast %ne3A_262 : vector<16xi1> to vector<16xi1>
    %ne3A_264 = arith.xori %lt3A_259, %ne3A_263 : vector<16xi1>
    %and3A_265 = arith.andi %ne3A_264, %ne3A_256 : vector<16xi1>
    %add3A_266 = vector.broadcast %select_n3A_251 : i32 to vector<16xi32>
    %add3A_267 = arith.addi %rem3A_253, %add3A_266 : vector<16xi32>
    %select_n3A_268 = arith.select %and3A_265, %add3A_267, %rem3A_253 : vector<16xi1>, vector<16xi32>
    %add3A_269 = arith.constant 11 : i32
    %add3A_270 = vector.broadcast %add3A_269 : i32 to vector<16xi32>
    %add3A_271 = arith.addi %iota3A, %add3A_270 : vector<16xi32>
    %jit3A_272 = arith.constant 16 : i32
    %eq3A_273 = arith.constant 0 : i32
    %eq3A_274 = arith.cmpi eq, %jit3A_272, %eq3A_273 : i32
    %jit3A_275 = arith.constant 1 : i32
    %select_n3A_276 = arith.select %eq3A_274, %jit3A_275, %jit3A_272 : i32
    %rem3A_277 = vector.broadcast %select_n3A_276 : i32 to vector<16xi32>
    %rem3A_278 = arith.remsi %add3A_271, %rem3A_277 : vector<16xi32>
    %ne3A_279 = arith.constant 0 : i32
    %ne3A_280 = vector.broadcast %ne3A_279 : i32 to vector<16xi32>
    %ne3A_281 = arith.cmpi ne, %rem3A_278, %ne3A_280 : vector<16xi32>
    %lt3A_282 = arith.constant 0 : i32
    %lt3A_283 = vector.broadcast %lt3A_282 : i32 to vector<16xi32>
    %lt3A_284 = arith.cmpi slt, %rem3A_278, %lt3A_283 : vector<16xi32>
    %lt3A_285 = arith.constant 0 : i32
    %lt3A_286 = arith.cmpi slt, %select_n3A_276, %lt3A_285 : i32
    %ne3A_287 = vector.broadcast %lt3A_286 : i1 to vector<16xi1>
    %ne3A_288 = vector.broadcast %ne3A_287 : vector<16xi1> to vector<16xi1>
    %ne3A_289 = arith.xori %lt3A_284, %ne3A_288 : vector<16xi1>
    %and3A_290 = arith.andi %ne3A_289, %ne3A_281 : vector<16xi1>
    %add3A_291 = vector.broadcast %select_n3A_276 : i32 to vector<16xi32>
    %add3A_292 = arith.addi %rem3A_278, %add3A_291 : vector<16xi32>
    %select_n3A_293 = arith.select %and3A_290, %add3A_292, %rem3A_278 : vector<16xi1>, vector<16xi32>
    %add3A_294 = arith.constant 12 : i32
    %add3A_295 = vector.broadcast %add3A_294 : i32 to vector<16xi32>
    %add3A_296 = arith.addi %iota3A, %add3A_295 : vector<16xi32>
    %jit3A_297 = arith.constant 16 : i32
    %eq3A_298 = arith.constant 0 : i32
    %eq3A_299 = arith.cmpi eq, %jit3A_297, %eq3A_298 : i32
    %jit3A_300 = arith.constant 1 : i32
    %select_n3A_301 = arith.select %eq3A_299, %jit3A_300, %jit3A_297 : i32
    %rem3A_302 = vector.broadcast %select_n3A_301 : i32 to vector<16xi32>
    %rem3A_303 = arith.remsi %add3A_296, %rem3A_302 : vector<16xi32>
    %ne3A_304 = arith.constant 0 : i32
    %ne3A_305 = vector.broadcast %ne3A_304 : i32 to vector<16xi32>
    %ne3A_306 = arith.cmpi ne, %rem3A_303, %ne3A_305 : vector<16xi32>
    %lt3A_307 = arith.constant 0 : i32
    %lt3A_308 = vector.broadcast %lt3A_307 : i32 to vector<16xi32>
    %lt3A_309 = arith.cmpi slt, %rem3A_303, %lt3A_308 : vector<16xi32>
    %lt3A_310 = arith.constant 0 : i32
    %lt3A_311 = arith.cmpi slt, %select_n3A_301, %lt3A_310 : i32
    %ne3A_312 = vector.broadcast %lt3A_311 : i1 to vector<16xi1>
    %ne3A_313 = vector.broadcast %ne3A_312 : vector<16xi1> to vector<16xi1>
    %ne3A_314 = arith.xori %lt3A_309, %ne3A_313 : vector<16xi1>
    %and3A_315 = arith.andi %ne3A_314, %ne3A_306 : vector<16xi1>
    %add3A_316 = vector.broadcast %select_n3A_301 : i32 to vector<16xi32>
    %add3A_317 = arith.addi %rem3A_303, %add3A_316 : vector<16xi32>
    %select_n3A_318 = arith.select %and3A_315, %add3A_317, %rem3A_303 : vector<16xi1>, vector<16xi32>
    %add3A_319 = arith.constant 13 : i32
    %add3A_320 = vector.broadcast %add3A_319 : i32 to vector<16xi32>
    %add3A_321 = arith.addi %iota3A, %add3A_320 : vector<16xi32>
    %jit3A_322 = arith.constant 16 : i32
    %eq3A_323 = arith.constant 0 : i32
    %eq3A_324 = arith.cmpi eq, %jit3A_322, %eq3A_323 : i32
    %jit3A_325 = arith.constant 1 : i32
    %select_n3A_326 = arith.select %eq3A_324, %jit3A_325, %jit3A_322 : i32
    %rem3A_327 = vector.broadcast %select_n3A_326 : i32 to vector<16xi32>
    %rem3A_328 = arith.remsi %add3A_321, %rem3A_327 : vector<16xi32>
    %ne3A_329 = arith.constant 0 : i32
    %ne3A_330 = vector.broadcast %ne3A_329 : i32 to vector<16xi32>
    %ne3A_331 = arith.cmpi ne, %rem3A_328, %ne3A_330 : vector<16xi32>
    %lt3A_332 = arith.constant 0 : i32
    %lt3A_333 = vector.broadcast %lt3A_332 : i32 to vector<16xi32>
    %lt3A_334 = arith.cmpi slt, %rem3A_328, %lt3A_333 : vector<16xi32>
    %lt3A_335 = arith.constant 0 : i32
    %lt3A_336 = arith.cmpi slt, %select_n3A_326, %lt3A_335 : i32
    %ne3A_337 = vector.broadcast %lt3A_336 : i1 to vector<16xi1>
    %ne3A_338 = vector.broadcast %ne3A_337 : vector<16xi1> to vector<16xi1>
    %ne3A_339 = arith.xori %lt3A_334, %ne3A_338 : vector<16xi1>
    %and3A_340 = arith.andi %ne3A_339, %ne3A_331 : vector<16xi1>
    %add3A_341 = vector.broadcast %select_n3A_326 : i32 to vector<16xi32>
    %add3A_342 = arith.addi %rem3A_328, %add3A_341 : vector<16xi32>
    %select_n3A_343 = arith.select %and3A_340, %add3A_342, %rem3A_328 : vector<16xi1>, vector<16xi32>
    %add3A_344 = arith.constant 14 : i32
    %add3A_345 = vector.broadcast %add3A_344 : i32 to vector<16xi32>
    %add3A_346 = arith.addi %iota3A, %add3A_345 : vector<16xi32>
    %jit3A_347 = arith.constant 16 : i32
    %eq3A_348 = arith.constant 0 : i32
    %eq3A_349 = arith.cmpi eq, %jit3A_347, %eq3A_348 : i32
    %jit3A_350 = arith.constant 1 : i32
    %select_n3A_351 = arith.select %eq3A_349, %jit3A_350, %jit3A_347 : i32
    %rem3A_352 = vector.broadcast %select_n3A_351 : i32 to vector<16xi32>
    %rem3A_353 = arith.remsi %add3A_346, %rem3A_352 : vector<16xi32>
    %ne3A_354 = arith.constant 0 : i32
    %ne3A_355 = vector.broadcast %ne3A_354 : i32 to vector<16xi32>
    %ne3A_356 = arith.cmpi ne, %rem3A_353, %ne3A_355 : vector<16xi32>
    %lt3A_357 = arith.constant 0 : i32
    %lt3A_358 = vector.broadcast %lt3A_357 : i32 to vector<16xi32>
    %lt3A_359 = arith.cmpi slt, %rem3A_353, %lt3A_358 : vector<16xi32>
    %lt3A_360 = arith.constant 0 : i32
    %lt3A_361 = arith.cmpi slt, %select_n3A_351, %lt3A_360 : i32
    %ne3A_362 = vector.broadcast %lt3A_361 : i1 to vector<16xi1>
    %ne3A_363 = vector.broadcast %ne3A_362 : vector<16xi1> to vector<16xi1>
    %ne3A_364 = arith.xori %lt3A_359, %ne3A_363 : vector<16xi1>
    %and3A_365 = arith.andi %ne3A_364, %ne3A_356 : vector<16xi1>
    %add3A_366 = vector.broadcast %select_n3A_351 : i32 to vector<16xi32>
    %add3A_367 = arith.addi %rem3A_353, %add3A_366 : vector<16xi32>
    %select_n3A_368 = arith.select %and3A_365, %add3A_367, %rem3A_353 : vector<16xi1>, vector<16xi32>
    %add3A_369 = arith.constant 15 : i32
    %add3A_370 = vector.broadcast %add3A_369 : i32 to vector<16xi32>
    %add3A_371 = arith.addi %iota3A, %add3A_370 : vector<16xi32>
    %jit3A_372 = arith.constant 16 : i32
    %eq3A_373 = arith.constant 0 : i32
    %eq3A_374 = arith.cmpi eq, %jit3A_372, %eq3A_373 : i32
    %jit3A_375 = arith.constant 1 : i32
    %select_n3A_376 = arith.select %eq3A_374, %jit3A_375, %jit3A_372 : i32
    %rem3A_377 = vector.broadcast %select_n3A_376 : i32 to vector<16xi32>
    %rem3A_378 = arith.remsi %add3A_371, %rem3A_377 : vector<16xi32>
    %ne3A_379 = arith.constant 0 : i32
    %ne3A_380 = vector.broadcast %ne3A_379 : i32 to vector<16xi32>
    %ne3A_381 = arith.cmpi ne, %rem3A_378, %ne3A_380 : vector<16xi32>
    %lt3A_382 = arith.constant 0 : i32
    %lt3A_383 = vector.broadcast %lt3A_382 : i32 to vector<16xi32>
    %lt3A_384 = arith.cmpi slt, %rem3A_378, %lt3A_383 : vector<16xi32>
    %lt3A_385 = arith.constant 0 : i32
    %lt3A_386 = arith.cmpi slt, %select_n3A_376, %lt3A_385 : i32
    %ne3A_387 = vector.broadcast %lt3A_386 : i1 to vector<16xi1>
    %ne3A_388 = vector.broadcast %ne3A_387 : vector<16xi1> to vector<16xi1>
    %ne3A_389 = arith.xori %lt3A_384, %ne3A_388 : vector<16xi1>
    %and3A_390 = arith.andi %ne3A_389, %ne3A_381 : vector<16xi1>
    %add3A_391 = vector.broadcast %select_n3A_376 : i32 to vector<16xi32>
    %add3A_392 = arith.addi %rem3A_378, %add3A_391 : vector<16xi32>
    %select_n3A_393 = arith.select %and3A_390, %add3A_392, %rem3A_378 : vector<16xi1>, vector<16xi32>
    %mul3A_394 = arith.constant 64 : i32
    %mul3A_395 = vector.broadcast %mul3A_394 : i32 to vector<16xi32>
    %mul3A_396 = arith.muli %mul3A_395, %iota3A : vector<16xi32>
    %add3A_397 = arith.constant 0 : i32
    %add3A_398 = vector.broadcast %add3A_397 : i32 to vector<16xi32>
    %add3A_399 = arith.addi %iota3A, %add3A_398 : vector<16xi32>
    %jit3A_400 = arith.constant 16 : i32
    %eq3A_401 = arith.constant 0 : i32
    %eq3A_402 = arith.cmpi eq, %jit3A_400, %eq3A_401 : i32
    %jit3A_403 = arith.constant 1 : i32
    %select_n3A_404 = arith.select %eq3A_402, %jit3A_403, %jit3A_400 : i32
    %rem3A_405 = vector.broadcast %select_n3A_404 : i32 to vector<16xi32>
    %rem3A_406 = arith.remsi %add3A_399, %rem3A_405 : vector<16xi32>
    %ne3A_407 = arith.constant 0 : i32
    %ne3A_408 = vector.broadcast %ne3A_407 : i32 to vector<16xi32>
    %ne3A_409 = arith.cmpi ne, %rem3A_406, %ne3A_408 : vector<16xi32>
    %lt3A_410 = arith.constant 0 : i32
    %lt3A_411 = vector.broadcast %lt3A_410 : i32 to vector<16xi32>
    %lt3A_412 = arith.cmpi slt, %rem3A_406, %lt3A_411 : vector<16xi32>
    %lt3A_413 = arith.constant 0 : i32
    %lt3A_414 = arith.cmpi slt, %select_n3A_404, %lt3A_413 : i32
    %ne3A_415 = vector.broadcast %lt3A_414 : i1 to vector<16xi1>
    %ne3A_416 = vector.broadcast %ne3A_415 : vector<16xi1> to vector<16xi1>
    %ne3A_417 = arith.xori %lt3A_412, %ne3A_416 : vector<16xi1>
    %and3A_418 = arith.andi %ne3A_417, %ne3A_409 : vector<16xi1>
    %add3A_419 = vector.broadcast %select_n3A_404 : i32 to vector<16xi32>
    %add3A_420 = arith.addi %rem3A_406, %add3A_419 : vector<16xi32>
    %select_n3A_421 = arith.select %and3A_418, %add3A_420, %rem3A_406 : vector<16xi1>, vector<16xi32>
    %add3A_422 = arith.addi %mul3A_396, %select_n3A_421 : vector<16xi32>
    %mul3A_423 = arith.constant 64 : i32
    %mul3A_424 = vector.broadcast %mul3A_423 : i32 to vector<16xi32>
    %mul3A_425 = arith.muli %mul3A_424, %iota3A : vector<16xi32>
    %add3A_426 = arith.constant 1 : i32
    %add3A_427 = vector.broadcast %add3A_426 : i32 to vector<16xi32>
    %add3A_428 = arith.addi %iota3A, %add3A_427 : vector<16xi32>
    %jit3A_429 = arith.constant 16 : i32
    %eq3A_430 = arith.constant 0 : i32
    %eq3A_431 = arith.cmpi eq, %jit3A_429, %eq3A_430 : i32
    %jit3A_432 = arith.constant 1 : i32
    %select_n3A_433 = arith.select %eq3A_431, %jit3A_432, %jit3A_429 : i32
    %rem3A_434 = vector.broadcast %select_n3A_433 : i32 to vector<16xi32>
    %rem3A_435 = arith.remsi %add3A_428, %rem3A_434 : vector<16xi32>
    %ne3A_436 = arith.constant 0 : i32
    %ne3A_437 = vector.broadcast %ne3A_436 : i32 to vector<16xi32>
    %ne3A_438 = arith.cmpi ne, %rem3A_435, %ne3A_437 : vector<16xi32>
    %lt3A_439 = arith.constant 0 : i32
    %lt3A_440 = vector.broadcast %lt3A_439 : i32 to vector<16xi32>
    %lt3A_441 = arith.cmpi slt, %rem3A_435, %lt3A_440 : vector<16xi32>
    %lt3A_442 = arith.constant 0 : i32
    %lt3A_443 = arith.cmpi slt, %select_n3A_433, %lt3A_442 : i32
    %ne3A_444 = vector.broadcast %lt3A_443 : i1 to vector<16xi1>
    %ne3A_445 = vector.broadcast %ne3A_444 : vector<16xi1> to vector<16xi1>
    %ne3A_446 = arith.xori %lt3A_441, %ne3A_445 : vector<16xi1>
    %and3A_447 = arith.andi %ne3A_446, %ne3A_438 : vector<16xi1>
    %add3A_448 = vector.broadcast %select_n3A_433 : i32 to vector<16xi32>
    %add3A_449 = arith.addi %rem3A_435, %add3A_448 : vector<16xi32>
    %select_n3A_450 = arith.select %and3A_447, %add3A_449, %rem3A_435 : vector<16xi1>, vector<16xi32>
    %add3A_451 = arith.addi %mul3A_425, %select_n3A_450 : vector<16xi32>
    %mul3A_452 = arith.constant 64 : i32
    %mul3A_453 = vector.broadcast %mul3A_452 : i32 to vector<16xi32>
    %mul3A_454 = arith.muli %mul3A_453, %iota3A : vector<16xi32>
    %add3A_455 = arith.constant 2 : i32
    %add3A_456 = vector.broadcast %add3A_455 : i32 to vector<16xi32>
    %add3A_457 = arith.addi %iota3A, %add3A_456 : vector<16xi32>
    %jit3A_458 = arith.constant 16 : i32
    %eq3A_459 = arith.constant 0 : i32
    %eq3A_460 = arith.cmpi eq, %jit3A_458, %eq3A_459 : i32
    %jit3A_461 = arith.constant 1 : i32
    %select_n3A_462 = arith.select %eq3A_460, %jit3A_461, %jit3A_458 : i32
    %rem3A_463 = vector.broadcast %select_n3A_462 : i32 to vector<16xi32>
    %rem3A_464 = arith.remsi %add3A_457, %rem3A_463 : vector<16xi32>
    %ne3A_465 = arith.constant 0 : i32
    %ne3A_466 = vector.broadcast %ne3A_465 : i32 to vector<16xi32>
    %ne3A_467 = arith.cmpi ne, %rem3A_464, %ne3A_466 : vector<16xi32>
    %lt3A_468 = arith.constant 0 : i32
    %lt3A_469 = vector.broadcast %lt3A_468 : i32 to vector<16xi32>
    %lt3A_470 = arith.cmpi slt, %rem3A_464, %lt3A_469 : vector<16xi32>
    %lt3A_471 = arith.constant 0 : i32
    %lt3A_472 = arith.cmpi slt, %select_n3A_462, %lt3A_471 : i32
    %ne3A_473 = vector.broadcast %lt3A_472 : i1 to vector<16xi1>
    %ne3A_474 = vector.broadcast %ne3A_473 : vector<16xi1> to vector<16xi1>
    %ne3A_475 = arith.xori %lt3A_470, %ne3A_474 : vector<16xi1>
    %and3A_476 = arith.andi %ne3A_475, %ne3A_467 : vector<16xi1>
    %add3A_477 = vector.broadcast %select_n3A_462 : i32 to vector<16xi32>
    %add3A_478 = arith.addi %rem3A_464, %add3A_477 : vector<16xi32>
    %select_n3A_479 = arith.select %and3A_476, %add3A_478, %rem3A_464 : vector<16xi1>, vector<16xi32>
    %add3A_480 = arith.addi %mul3A_454, %select_n3A_479 : vector<16xi32>
    %mul3A_481 = arith.constant 64 : i32
    %mul3A_482 = vector.broadcast %mul3A_481 : i32 to vector<16xi32>
    %mul3A_483 = arith.muli %mul3A_482, %iota3A : vector<16xi32>
    %add3A_484 = arith.constant 3 : i32
    %add3A_485 = vector.broadcast %add3A_484 : i32 to vector<16xi32>
    %add3A_486 = arith.addi %iota3A, %add3A_485 : vector<16xi32>
    %jit3A_487 = arith.constant 16 : i32
    %eq3A_488 = arith.constant 0 : i32
    %eq3A_489 = arith.cmpi eq, %jit3A_487, %eq3A_488 : i32
    %jit3A_490 = arith.constant 1 : i32
    %select_n3A_491 = arith.select %eq3A_489, %jit3A_490, %jit3A_487 : i32
    %rem3A_492 = vector.broadcast %select_n3A_491 : i32 to vector<16xi32>
    %rem3A_493 = arith.remsi %add3A_486, %rem3A_492 : vector<16xi32>
    %ne3A_494 = arith.constant 0 : i32
    %ne3A_495 = vector.broadcast %ne3A_494 : i32 to vector<16xi32>
    %ne3A_496 = arith.cmpi ne, %rem3A_493, %ne3A_495 : vector<16xi32>
    %lt3A_497 = arith.constant 0 : i32
    %lt3A_498 = vector.broadcast %lt3A_497 : i32 to vector<16xi32>
    %lt3A_499 = arith.cmpi slt, %rem3A_493, %lt3A_498 : vector<16xi32>
    %lt3A_500 = arith.constant 0 : i32
    %lt3A_501 = arith.cmpi slt, %select_n3A_491, %lt3A_500 : i32
    %ne3A_502 = vector.broadcast %lt3A_501 : i1 to vector<16xi1>
    %ne3A_503 = vector.broadcast %ne3A_502 : vector<16xi1> to vector<16xi1>
    %ne3A_504 = arith.xori %lt3A_499, %ne3A_503 : vector<16xi1>
    %and3A_505 = arith.andi %ne3A_504, %ne3A_496 : vector<16xi1>
    %add3A_506 = vector.broadcast %select_n3A_491 : i32 to vector<16xi32>
    %add3A_507 = arith.addi %rem3A_493, %add3A_506 : vector<16xi32>
    %select_n3A_508 = arith.select %and3A_505, %add3A_507, %rem3A_493 : vector<16xi1>, vector<16xi32>
    %add3A_509 = arith.addi %mul3A_483, %select_n3A_508 : vector<16xi32>
    %mul3A_510 = arith.constant 64 : i32
    %mul3A_511 = vector.broadcast %mul3A_510 : i32 to vector<16xi32>
    %mul3A_512 = arith.muli %mul3A_511, %iota3A : vector<16xi32>
    %add3A_513 = arith.constant 4 : i32
    %add3A_514 = vector.broadcast %add3A_513 : i32 to vector<16xi32>
    %add3A_515 = arith.addi %iota3A, %add3A_514 : vector<16xi32>
    %jit3A_516 = arith.constant 16 : i32
    %eq3A_517 = arith.constant 0 : i32
    %eq3A_518 = arith.cmpi eq, %jit3A_516, %eq3A_517 : i32
    %jit3A_519 = arith.constant 1 : i32
    %select_n3A_520 = arith.select %eq3A_518, %jit3A_519, %jit3A_516 : i32
    %rem3A_521 = vector.broadcast %select_n3A_520 : i32 to vector<16xi32>
    %rem3A_522 = arith.remsi %add3A_515, %rem3A_521 : vector<16xi32>
    %ne3A_523 = arith.constant 0 : i32
    %ne3A_524 = vector.broadcast %ne3A_523 : i32 to vector<16xi32>
    %ne3A_525 = arith.cmpi ne, %rem3A_522, %ne3A_524 : vector<16xi32>
    %lt3A_526 = arith.constant 0 : i32
    %lt3A_527 = vector.broadcast %lt3A_526 : i32 to vector<16xi32>
    %lt3A_528 = arith.cmpi slt, %rem3A_522, %lt3A_527 : vector<16xi32>
    %lt3A_529 = arith.constant 0 : i32
    %lt3A_530 = arith.cmpi slt, %select_n3A_520, %lt3A_529 : i32
    %ne3A_531 = vector.broadcast %lt3A_530 : i1 to vector<16xi1>
    %ne3A_532 = vector.broadcast %ne3A_531 : vector<16xi1> to vector<16xi1>
    %ne3A_533 = arith.xori %lt3A_528, %ne3A_532 : vector<16xi1>
    %and3A_534 = arith.andi %ne3A_533, %ne3A_525 : vector<16xi1>
    %add3A_535 = vector.broadcast %select_n3A_520 : i32 to vector<16xi32>
    %add3A_536 = arith.addi %rem3A_522, %add3A_535 : vector<16xi32>
    %select_n3A_537 = arith.select %and3A_534, %add3A_536, %rem3A_522 : vector<16xi1>, vector<16xi32>
    %add3A_538 = arith.addi %mul3A_512, %select_n3A_537 : vector<16xi32>
    %mul3A_539 = arith.constant 64 : i32
    %mul3A_540 = vector.broadcast %mul3A_539 : i32 to vector<16xi32>
    %mul3A_541 = arith.muli %mul3A_540, %iota3A : vector<16xi32>
    %add3A_542 = arith.constant 5 : i32
    %add3A_543 = vector.broadcast %add3A_542 : i32 to vector<16xi32>
    %add3A_544 = arith.addi %iota3A, %add3A_543 : vector<16xi32>
    %jit3A_545 = arith.constant 16 : i32
    %eq3A_546 = arith.constant 0 : i32
    %eq3A_547 = arith.cmpi eq, %jit3A_545, %eq3A_546 : i32
    %jit3A_548 = arith.constant 1 : i32
    %select_n3A_549 = arith.select %eq3A_547, %jit3A_548, %jit3A_545 : i32
    %rem3A_550 = vector.broadcast %select_n3A_549 : i32 to vector<16xi32>
    %rem3A_551 = arith.remsi %add3A_544, %rem3A_550 : vector<16xi32>
    %ne3A_552 = arith.constant 0 : i32
    %ne3A_553 = vector.broadcast %ne3A_552 : i32 to vector<16xi32>
    %ne3A_554 = arith.cmpi ne, %rem3A_551, %ne3A_553 : vector<16xi32>
    %lt3A_555 = arith.constant 0 : i32
    %lt3A_556 = vector.broadcast %lt3A_555 : i32 to vector<16xi32>
    %lt3A_557 = arith.cmpi slt, %rem3A_551, %lt3A_556 : vector<16xi32>
    %lt3A_558 = arith.constant 0 : i32
    %lt3A_559 = arith.cmpi slt, %select_n3A_549, %lt3A_558 : i32
    %ne3A_560 = vector.broadcast %lt3A_559 : i1 to vector<16xi1>
    %ne3A_561 = vector.broadcast %ne3A_560 : vector<16xi1> to vector<16xi1>
    %ne3A_562 = arith.xori %lt3A_557, %ne3A_561 : vector<16xi1>
    %and3A_563 = arith.andi %ne3A_562, %ne3A_554 : vector<16xi1>
    %add3A_564 = vector.broadcast %select_n3A_549 : i32 to vector<16xi32>
    %add3A_565 = arith.addi %rem3A_551, %add3A_564 : vector<16xi32>
    %select_n3A_566 = arith.select %and3A_563, %add3A_565, %rem3A_551 : vector<16xi1>, vector<16xi32>
    %add3A_567 = arith.addi %mul3A_541, %select_n3A_566 : vector<16xi32>
    %mul3A_568 = arith.constant 64 : i32
    %mul3A_569 = vector.broadcast %mul3A_568 : i32 to vector<16xi32>
    %mul3A_570 = arith.muli %mul3A_569, %iota3A : vector<16xi32>
    %add3A_571 = arith.constant 6 : i32
    %add3A_572 = vector.broadcast %add3A_571 : i32 to vector<16xi32>
    %add3A_573 = arith.addi %iota3A, %add3A_572 : vector<16xi32>
    %jit3A_574 = arith.constant 16 : i32
    %eq3A_575 = arith.constant 0 : i32
    %eq3A_576 = arith.cmpi eq, %jit3A_574, %eq3A_575 : i32
    %jit3A_577 = arith.constant 1 : i32
    %select_n3A_578 = arith.select %eq3A_576, %jit3A_577, %jit3A_574 : i32
    %rem3A_579 = vector.broadcast %select_n3A_578 : i32 to vector<16xi32>
    %rem3A_580 = arith.remsi %add3A_573, %rem3A_579 : vector<16xi32>
    %ne3A_581 = arith.constant 0 : i32
    %ne3A_582 = vector.broadcast %ne3A_581 : i32 to vector<16xi32>
    %ne3A_583 = arith.cmpi ne, %rem3A_580, %ne3A_582 : vector<16xi32>
    %lt3A_584 = arith.constant 0 : i32
    %lt3A_585 = vector.broadcast %lt3A_584 : i32 to vector<16xi32>
    %lt3A_586 = arith.cmpi slt, %rem3A_580, %lt3A_585 : vector<16xi32>
    %lt3A_587 = arith.constant 0 : i32
    %lt3A_588 = arith.cmpi slt, %select_n3A_578, %lt3A_587 : i32
    %ne3A_589 = vector.broadcast %lt3A_588 : i1 to vector<16xi1>
    %ne3A_590 = vector.broadcast %ne3A_589 : vector<16xi1> to vector<16xi1>
    %ne3A_591 = arith.xori %lt3A_586, %ne3A_590 : vector<16xi1>
    %and3A_592 = arith.andi %ne3A_591, %ne3A_583 : vector<16xi1>
    %add3A_593 = vector.broadcast %select_n3A_578 : i32 to vector<16xi32>
    %add3A_594 = arith.addi %rem3A_580, %add3A_593 : vector<16xi32>
    %select_n3A_595 = arith.select %and3A_592, %add3A_594, %rem3A_580 : vector<16xi1>, vector<16xi32>
    %add3A_596 = arith.addi %mul3A_570, %select_n3A_595 : vector<16xi32>
    %mul3A_597 = arith.constant 64 : i32
    %mul3A_598 = vector.broadcast %mul3A_597 : i32 to vector<16xi32>
    %mul3A_599 = arith.muli %mul3A_598, %iota3A : vector<16xi32>
    %add3A_600 = arith.constant 7 : i32
    %add3A_601 = vector.broadcast %add3A_600 : i32 to vector<16xi32>
    %add3A_602 = arith.addi %iota3A, %add3A_601 : vector<16xi32>
    %jit3A_603 = arith.constant 16 : i32
    %eq3A_604 = arith.constant 0 : i32
    %eq3A_605 = arith.cmpi eq, %jit3A_603, %eq3A_604 : i32
    %jit3A_606 = arith.constant 1 : i32
    %select_n3A_607 = arith.select %eq3A_605, %jit3A_606, %jit3A_603 : i32
    %rem3A_608 = vector.broadcast %select_n3A_607 : i32 to vector<16xi32>
    %rem3A_609 = arith.remsi %add3A_602, %rem3A_608 : vector<16xi32>
    %ne3A_610 = arith.constant 0 : i32
    %ne3A_611 = vector.broadcast %ne3A_610 : i32 to vector<16xi32>
    %ne3A_612 = arith.cmpi ne, %rem3A_609, %ne3A_611 : vector<16xi32>
    %lt3A_613 = arith.constant 0 : i32
    %lt3A_614 = vector.broadcast %lt3A_613 : i32 to vector<16xi32>
    %lt3A_615 = arith.cmpi slt, %rem3A_609, %lt3A_614 : vector<16xi32>
    %lt3A_616 = arith.constant 0 : i32
    %lt3A_617 = arith.cmpi slt, %select_n3A_607, %lt3A_616 : i32
    %ne3A_618 = vector.broadcast %lt3A_617 : i1 to vector<16xi1>
    %ne3A_619 = vector.broadcast %ne3A_618 : vector<16xi1> to vector<16xi1>
    %ne3A_620 = arith.xori %lt3A_615, %ne3A_619 : vector<16xi1>
    %and3A_621 = arith.andi %ne3A_620, %ne3A_612 : vector<16xi1>
    %add3A_622 = vector.broadcast %select_n3A_607 : i32 to vector<16xi32>
    %add3A_623 = arith.addi %rem3A_609, %add3A_622 : vector<16xi32>
    %select_n3A_624 = arith.select %and3A_621, %add3A_623, %rem3A_609 : vector<16xi1>, vector<16xi32>
    %add3A_625 = arith.addi %mul3A_599, %select_n3A_624 : vector<16xi32>
    %mul3A_626 = arith.constant 64 : i32
    %mul3A_627 = vector.broadcast %mul3A_626 : i32 to vector<16xi32>
    %mul3A_628 = arith.muli %mul3A_627, %iota3A : vector<16xi32>
    %add3A_629 = arith.constant 8 : i32
    %add3A_630 = vector.broadcast %add3A_629 : i32 to vector<16xi32>
    %add3A_631 = arith.addi %iota3A, %add3A_630 : vector<16xi32>
    %jit3A_632 = arith.constant 16 : i32
    %eq3A_633 = arith.constant 0 : i32
    %eq3A_634 = arith.cmpi eq, %jit3A_632, %eq3A_633 : i32
    %jit3A_635 = arith.constant 1 : i32
    %select_n3A_636 = arith.select %eq3A_634, %jit3A_635, %jit3A_632 : i32
    %rem3A_637 = vector.broadcast %select_n3A_636 : i32 to vector<16xi32>
    %rem3A_638 = arith.remsi %add3A_631, %rem3A_637 : vector<16xi32>
    %ne3A_639 = arith.constant 0 : i32
    %ne3A_640 = vector.broadcast %ne3A_639 : i32 to vector<16xi32>
    %ne3A_641 = arith.cmpi ne, %rem3A_638, %ne3A_640 : vector<16xi32>
    %lt3A_642 = arith.constant 0 : i32
    %lt3A_643 = vector.broadcast %lt3A_642 : i32 to vector<16xi32>
    %lt3A_644 = arith.cmpi slt, %rem3A_638, %lt3A_643 : vector<16xi32>
    %lt3A_645 = arith.constant 0 : i32
    %lt3A_646 = arith.cmpi slt, %select_n3A_636, %lt3A_645 : i32
    %ne3A_647 = vector.broadcast %lt3A_646 : i1 to vector<16xi1>
    %ne3A_648 = vector.broadcast %ne3A_647 : vector<16xi1> to vector<16xi1>
    %ne3A_649 = arith.xori %lt3A_644, %ne3A_648 : vector<16xi1>
    %and3A_650 = arith.andi %ne3A_649, %ne3A_641 : vector<16xi1>
    %add3A_651 = vector.broadcast %select_n3A_636 : i32 to vector<16xi32>
    %add3A_652 = arith.addi %rem3A_638, %add3A_651 : vector<16xi32>
    %select_n3A_653 = arith.select %and3A_650, %add3A_652, %rem3A_638 : vector<16xi1>, vector<16xi32>
    %add3A_654 = arith.addi %mul3A_628, %select_n3A_653 : vector<16xi32>
    %mul3A_655 = arith.constant 64 : i32
    %mul3A_656 = vector.broadcast %mul3A_655 : i32 to vector<16xi32>
    %mul3A_657 = arith.muli %mul3A_656, %iota3A : vector<16xi32>
    %add3A_658 = arith.constant 9 : i32
    %add3A_659 = vector.broadcast %add3A_658 : i32 to vector<16xi32>
    %add3A_660 = arith.addi %iota3A, %add3A_659 : vector<16xi32>
    %jit3A_661 = arith.constant 16 : i32
    %eq3A_662 = arith.constant 0 : i32
    %eq3A_663 = arith.cmpi eq, %jit3A_661, %eq3A_662 : i32
    %jit3A_664 = arith.constant 1 : i32
    %select_n3A_665 = arith.select %eq3A_663, %jit3A_664, %jit3A_661 : i32
    %rem3A_666 = vector.broadcast %select_n3A_665 : i32 to vector<16xi32>
    %rem3A_667 = arith.remsi %add3A_660, %rem3A_666 : vector<16xi32>
    %ne3A_668 = arith.constant 0 : i32
    %ne3A_669 = vector.broadcast %ne3A_668 : i32 to vector<16xi32>
    %ne3A_670 = arith.cmpi ne, %rem3A_667, %ne3A_669 : vector<16xi32>
    %lt3A_671 = arith.constant 0 : i32
    %lt3A_672 = vector.broadcast %lt3A_671 : i32 to vector<16xi32>
    %lt3A_673 = arith.cmpi slt, %rem3A_667, %lt3A_672 : vector<16xi32>
    %lt3A_674 = arith.constant 0 : i32
    %lt3A_675 = arith.cmpi slt, %select_n3A_665, %lt3A_674 : i32
    %ne3A_676 = vector.broadcast %lt3A_675 : i1 to vector<16xi1>
    %ne3A_677 = vector.broadcast %ne3A_676 : vector<16xi1> to vector<16xi1>
    %ne3A_678 = arith.xori %lt3A_673, %ne3A_677 : vector<16xi1>
    %and3A_679 = arith.andi %ne3A_678, %ne3A_670 : vector<16xi1>
    %add3A_680 = vector.broadcast %select_n3A_665 : i32 to vector<16xi32>
    %add3A_681 = arith.addi %rem3A_667, %add3A_680 : vector<16xi32>
    %select_n3A_682 = arith.select %and3A_679, %add3A_681, %rem3A_667 : vector<16xi1>, vector<16xi32>
    %add3A_683 = arith.addi %mul3A_657, %select_n3A_682 : vector<16xi32>
    %mul3A_684 = arith.constant 64 : i32
    %mul3A_685 = vector.broadcast %mul3A_684 : i32 to vector<16xi32>
    %mul3A_686 = arith.muli %mul3A_685, %iota3A : vector<16xi32>
    %add3A_687 = arith.constant 10 : i32
    %add3A_688 = vector.broadcast %add3A_687 : i32 to vector<16xi32>
    %add3A_689 = arith.addi %iota3A, %add3A_688 : vector<16xi32>
    %jit3A_690 = arith.constant 16 : i32
    %eq3A_691 = arith.constant 0 : i32
    %eq3A_692 = arith.cmpi eq, %jit3A_690, %eq3A_691 : i32
    %jit3A_693 = arith.constant 1 : i32
    %select_n3A_694 = arith.select %eq3A_692, %jit3A_693, %jit3A_690 : i32
    %rem3A_695 = vector.broadcast %select_n3A_694 : i32 to vector<16xi32>
    %rem3A_696 = arith.remsi %add3A_689, %rem3A_695 : vector<16xi32>
    %ne3A_697 = arith.constant 0 : i32
    %ne3A_698 = vector.broadcast %ne3A_697 : i32 to vector<16xi32>
    %ne3A_699 = arith.cmpi ne, %rem3A_696, %ne3A_698 : vector<16xi32>
    %lt3A_700 = arith.constant 0 : i32
    %lt3A_701 = vector.broadcast %lt3A_700 : i32 to vector<16xi32>
    %lt3A_702 = arith.cmpi slt, %rem3A_696, %lt3A_701 : vector<16xi32>
    %lt3A_703 = arith.constant 0 : i32
    %lt3A_704 = arith.cmpi slt, %select_n3A_694, %lt3A_703 : i32
    %ne3A_705 = vector.broadcast %lt3A_704 : i1 to vector<16xi1>
    %ne3A_706 = vector.broadcast %ne3A_705 : vector<16xi1> to vector<16xi1>
    %ne3A_707 = arith.xori %lt3A_702, %ne3A_706 : vector<16xi1>
    %and3A_708 = arith.andi %ne3A_707, %ne3A_699 : vector<16xi1>
    %add3A_709 = vector.broadcast %select_n3A_694 : i32 to vector<16xi32>
    %add3A_710 = arith.addi %rem3A_696, %add3A_709 : vector<16xi32>
    %select_n3A_711 = arith.select %and3A_708, %add3A_710, %rem3A_696 : vector<16xi1>, vector<16xi32>
    %add3A_712 = arith.addi %mul3A_686, %select_n3A_711 : vector<16xi32>
    %mul3A_713 = arith.constant 64 : i32
    %mul3A_714 = vector.broadcast %mul3A_713 : i32 to vector<16xi32>
    %mul3A_715 = arith.muli %mul3A_714, %iota3A : vector<16xi32>
    %add3A_716 = arith.constant 11 : i32
    %add3A_717 = vector.broadcast %add3A_716 : i32 to vector<16xi32>
    %add3A_718 = arith.addi %iota3A, %add3A_717 : vector<16xi32>
    %jit3A_719 = arith.constant 16 : i32
    %eq3A_720 = arith.constant 0 : i32
    %eq3A_721 = arith.cmpi eq, %jit3A_719, %eq3A_720 : i32
    %jit3A_722 = arith.constant 1 : i32
    %select_n3A_723 = arith.select %eq3A_721, %jit3A_722, %jit3A_719 : i32
    %rem3A_724 = vector.broadcast %select_n3A_723 : i32 to vector<16xi32>
    %rem3A_725 = arith.remsi %add3A_718, %rem3A_724 : vector<16xi32>
    %ne3A_726 = arith.constant 0 : i32
    %ne3A_727 = vector.broadcast %ne3A_726 : i32 to vector<16xi32>
    %ne3A_728 = arith.cmpi ne, %rem3A_725, %ne3A_727 : vector<16xi32>
    %lt3A_729 = arith.constant 0 : i32
    %lt3A_730 = vector.broadcast %lt3A_729 : i32 to vector<16xi32>
    %lt3A_731 = arith.cmpi slt, %rem3A_725, %lt3A_730 : vector<16xi32>
    %lt3A_732 = arith.constant 0 : i32
    %lt3A_733 = arith.cmpi slt, %select_n3A_723, %lt3A_732 : i32
    %ne3A_734 = vector.broadcast %lt3A_733 : i1 to vector<16xi1>
    %ne3A_735 = vector.broadcast %ne3A_734 : vector<16xi1> to vector<16xi1>
    %ne3A_736 = arith.xori %lt3A_731, %ne3A_735 : vector<16xi1>
    %and3A_737 = arith.andi %ne3A_736, %ne3A_728 : vector<16xi1>
    %add3A_738 = vector.broadcast %select_n3A_723 : i32 to vector<16xi32>
    %add3A_739 = arith.addi %rem3A_725, %add3A_738 : vector<16xi32>
    %select_n3A_740 = arith.select %and3A_737, %add3A_739, %rem3A_725 : vector<16xi1>, vector<16xi32>
    %add3A_741 = arith.addi %mul3A_715, %select_n3A_740 : vector<16xi32>
    %mul3A_742 = arith.constant 64 : i32
    %mul3A_743 = vector.broadcast %mul3A_742 : i32 to vector<16xi32>
    %mul3A_744 = arith.muli %mul3A_743, %iota3A : vector<16xi32>
    %add3A_745 = arith.constant 12 : i32
    %add3A_746 = vector.broadcast %add3A_745 : i32 to vector<16xi32>
    %add3A_747 = arith.addi %iota3A, %add3A_746 : vector<16xi32>
    %jit3A_748 = arith.constant 16 : i32
    %eq3A_749 = arith.constant 0 : i32
    %eq3A_750 = arith.cmpi eq, %jit3A_748, %eq3A_749 : i32
    %jit3A_751 = arith.constant 1 : i32
    %select_n3A_752 = arith.select %eq3A_750, %jit3A_751, %jit3A_748 : i32
    %rem3A_753 = vector.broadcast %select_n3A_752 : i32 to vector<16xi32>
    %rem3A_754 = arith.remsi %add3A_747, %rem3A_753 : vector<16xi32>
    %ne3A_755 = arith.constant 0 : i32
    %ne3A_756 = vector.broadcast %ne3A_755 : i32 to vector<16xi32>
    %ne3A_757 = arith.cmpi ne, %rem3A_754, %ne3A_756 : vector<16xi32>
    %lt3A_758 = arith.constant 0 : i32
    %lt3A_759 = vector.broadcast %lt3A_758 : i32 to vector<16xi32>
    %lt3A_760 = arith.cmpi slt, %rem3A_754, %lt3A_759 : vector<16xi32>
    %lt3A_761 = arith.constant 0 : i32
    %lt3A_762 = arith.cmpi slt, %select_n3A_752, %lt3A_761 : i32
    %ne3A_763 = vector.broadcast %lt3A_762 : i1 to vector<16xi1>
    %ne3A_764 = vector.broadcast %ne3A_763 : vector<16xi1> to vector<16xi1>
    %ne3A_765 = arith.xori %lt3A_760, %ne3A_764 : vector<16xi1>
    %and3A_766 = arith.andi %ne3A_765, %ne3A_757 : vector<16xi1>
    %add3A_767 = vector.broadcast %select_n3A_752 : i32 to vector<16xi32>
    %add3A_768 = arith.addi %rem3A_754, %add3A_767 : vector<16xi32>
    %select_n3A_769 = arith.select %and3A_766, %add3A_768, %rem3A_754 : vector<16xi1>, vector<16xi32>
    %add3A_770 = arith.addi %mul3A_744, %select_n3A_769 : vector<16xi32>
    %mul3A_771 = arith.constant 64 : i32
    %mul3A_772 = vector.broadcast %mul3A_771 : i32 to vector<16xi32>
    %mul3A_773 = arith.muli %mul3A_772, %iota3A : vector<16xi32>
    %add3A_774 = arith.constant 13 : i32
    %add3A_775 = vector.broadcast %add3A_774 : i32 to vector<16xi32>
    %add3A_776 = arith.addi %iota3A, %add3A_775 : vector<16xi32>
    %jit3A_777 = arith.constant 16 : i32
    %eq3A_778 = arith.constant 0 : i32
    %eq3A_779 = arith.cmpi eq, %jit3A_777, %eq3A_778 : i32
    %jit3A_780 = arith.constant 1 : i32
    %select_n3A_781 = arith.select %eq3A_779, %jit3A_780, %jit3A_777 : i32
    %rem3A_782 = vector.broadcast %select_n3A_781 : i32 to vector<16xi32>
    %rem3A_783 = arith.remsi %add3A_776, %rem3A_782 : vector<16xi32>
    %ne3A_784 = arith.constant 0 : i32
    %ne3A_785 = vector.broadcast %ne3A_784 : i32 to vector<16xi32>
    %ne3A_786 = arith.cmpi ne, %rem3A_783, %ne3A_785 : vector<16xi32>
    %lt3A_787 = arith.constant 0 : i32
    %lt3A_788 = vector.broadcast %lt3A_787 : i32 to vector<16xi32>
    %lt3A_789 = arith.cmpi slt, %rem3A_783, %lt3A_788 : vector<16xi32>
    %lt3A_790 = arith.constant 0 : i32
    %lt3A_791 = arith.cmpi slt, %select_n3A_781, %lt3A_790 : i32
    %ne3A_792 = vector.broadcast %lt3A_791 : i1 to vector<16xi1>
    %ne3A_793 = vector.broadcast %ne3A_792 : vector<16xi1> to vector<16xi1>
    %ne3A_794 = arith.xori %lt3A_789, %ne3A_793 : vector<16xi1>
    %and3A_795 = arith.andi %ne3A_794, %ne3A_786 : vector<16xi1>
    %add3A_796 = vector.broadcast %select_n3A_781 : i32 to vector<16xi32>
    %add3A_797 = arith.addi %rem3A_783, %add3A_796 : vector<16xi32>
    %select_n3A_798 = arith.select %and3A_795, %add3A_797, %rem3A_783 : vector<16xi1>, vector<16xi32>
    %add3A_799 = arith.addi %mul3A_773, %select_n3A_798 : vector<16xi32>
    %mul3A_800 = arith.constant 64 : i32
    %mul3A_801 = vector.broadcast %mul3A_800 : i32 to vector<16xi32>
    %mul3A_802 = arith.muli %mul3A_801, %iota3A : vector<16xi32>
    %add3A_803 = arith.constant 14 : i32
    %add3A_804 = vector.broadcast %add3A_803 : i32 to vector<16xi32>
    %add3A_805 = arith.addi %iota3A, %add3A_804 : vector<16xi32>
    %jit3A_806 = arith.constant 16 : i32
    %eq3A_807 = arith.constant 0 : i32
    %eq3A_808 = arith.cmpi eq, %jit3A_806, %eq3A_807 : i32
    %jit3A_809 = arith.constant 1 : i32
    %select_n3A_810 = arith.select %eq3A_808, %jit3A_809, %jit3A_806 : i32
    %rem3A_811 = vector.broadcast %select_n3A_810 : i32 to vector<16xi32>
    %rem3A_812 = arith.remsi %add3A_805, %rem3A_811 : vector<16xi32>
    %ne3A_813 = arith.constant 0 : i32
    %ne3A_814 = vector.broadcast %ne3A_813 : i32 to vector<16xi32>
    %ne3A_815 = arith.cmpi ne, %rem3A_812, %ne3A_814 : vector<16xi32>
    %lt3A_816 = arith.constant 0 : i32
    %lt3A_817 = vector.broadcast %lt3A_816 : i32 to vector<16xi32>
    %lt3A_818 = arith.cmpi slt, %rem3A_812, %lt3A_817 : vector<16xi32>
    %lt3A_819 = arith.constant 0 : i32
    %lt3A_820 = arith.cmpi slt, %select_n3A_810, %lt3A_819 : i32
    %ne3A_821 = vector.broadcast %lt3A_820 : i1 to vector<16xi1>
    %ne3A_822 = vector.broadcast %ne3A_821 : vector<16xi1> to vector<16xi1>
    %ne3A_823 = arith.xori %lt3A_818, %ne3A_822 : vector<16xi1>
    %and3A_824 = arith.andi %ne3A_823, %ne3A_815 : vector<16xi1>
    %add3A_825 = vector.broadcast %select_n3A_810 : i32 to vector<16xi32>
    %add3A_826 = arith.addi %rem3A_812, %add3A_825 : vector<16xi32>
    %select_n3A_827 = arith.select %and3A_824, %add3A_826, %rem3A_812 : vector<16xi1>, vector<16xi32>
    %add3A_828 = arith.addi %mul3A_802, %select_n3A_827 : vector<16xi32>
    %mul3A_829 = arith.constant 64 : i32
    %mul3A_830 = vector.broadcast %mul3A_829 : i32 to vector<16xi32>
    %mul3A_831 = arith.muli %mul3A_830, %iota3A : vector<16xi32>
    %add3A_832 = arith.constant 15 : i32
    %add3A_833 = vector.broadcast %add3A_832 : i32 to vector<16xi32>
    %add3A_834 = arith.addi %iota3A, %add3A_833 : vector<16xi32>
    %jit3A_835 = arith.constant 16 : i32
    %eq3A_836 = arith.constant 0 : i32
    %eq3A_837 = arith.cmpi eq, %jit3A_835, %eq3A_836 : i32
    %jit3A_838 = arith.constant 1 : i32
    %select_n3A_839 = arith.select %eq3A_837, %jit3A_838, %jit3A_835 : i32
    %rem3A_840 = vector.broadcast %select_n3A_839 : i32 to vector<16xi32>
    %rem3A_841 = arith.remsi %add3A_834, %rem3A_840 : vector<16xi32>
    %ne3A_842 = arith.constant 0 : i32
    %ne3A_843 = vector.broadcast %ne3A_842 : i32 to vector<16xi32>
    %ne3A_844 = arith.cmpi ne, %rem3A_841, %ne3A_843 : vector<16xi32>
    %lt3A_845 = arith.constant 0 : i32
    %lt3A_846 = vector.broadcast %lt3A_845 : i32 to vector<16xi32>
    %lt3A_847 = arith.cmpi slt, %rem3A_841, %lt3A_846 : vector<16xi32>
    %lt3A_848 = arith.constant 0 : i32
    %lt3A_849 = arith.cmpi slt, %select_n3A_839, %lt3A_848 : i32
    %ne3A_850 = vector.broadcast %lt3A_849 : i1 to vector<16xi1>
    %ne3A_851 = vector.broadcast %ne3A_850 : vector<16xi1> to vector<16xi1>
    %ne3A_852 = arith.xori %lt3A_847, %ne3A_851 : vector<16xi1>
    %and3A_853 = arith.andi %ne3A_852, %ne3A_844 : vector<16xi1>
    %add3A_854 = vector.broadcast %select_n3A_839 : i32 to vector<16xi32>
    %add3A_855 = arith.addi %rem3A_841, %add3A_854 : vector<16xi32>
    %select_n3A_856 = arith.select %and3A_853, %add3A_855, %rem3A_841 : vector<16xi1>, vector<16xi32>
    %add3A_857 = arith.addi %mul3A_831, %select_n3A_856 : vector<16xi32>
    %add3A_858 = arith.constant 0 : i32
    %add3A_859 = arith.addi %add3A, %add3A_858 : i32
    %mul3A_860 = arith.constant 128 : i32
    %mul3A_861 = arith.muli %add3A_859, %mul3A_860 : i32
    %dma_start3A = arith.constant 0 : i32
    %dma_start3A_862 = arith.constant 0 : i32
    %dma_start3A_863 = tpu.memref_slice %arg5[%dma_start3A, %dma_start3A_862] : memref<64x128xf32, #tpu.memory_space<vmem>> -> memref<64x128xf32, #tpu.memory_space<vmem>>
    %dma_start3A_864 = arith.constant 0 : i32
    %dma_start3A_865 = tpu.memref_slice %arg2[%dma_start3A_864, %mul3A_861] : memref<64x1000000xf32, #tpu.memory_space<hbm>> -> memref<64x128xf32, #tpu.memory_space<hbm>>
    %dma_start3A_866 = arith.constant 0 : i32
    %dma_start3A_867 = arith.constant 0 : i32
    %dma_start3A_868 = tpu.memref_slice %arg5[%dma_start3A_866, %dma_start3A_867] : memref<64x128xf32, #tpu.memory_space<vmem>> -> memref<64x128xf32, #tpu.memory_space<vmem>>
    %dma_start3A_869 = arith.constant 0 : i32
    %dma_start3A_870 = tpu.memref_slice %arg2[%dma_start3A_869, %mul3A_861] : memref<64x1000000xf32, #tpu.memory_space<hbm>> -> memref<64x128xf32, #tpu.memory_space<hbm>>
    tpu.enqueue_dma source(%dma_start3A_870 : memref<64x128xf32, #tpu.memory_space<hbm>>) target(%dma_start3A_868 : memref<64x128xf32, #tpu.memory_space<vmem>>) target_semaphore(%arg9 : memref<!tpu.dma_semaphore, #tpu.memory_space<semaphore_mem>>)
    %scan3A = arith.constant 0 : i32
    %scan3A_871 = arith.constant 0 : i32
    %scan3A_872 = arith.constant 123 : i32
    %scan3A_873 = arith.addi %scan3A_871, %scan3A_872 : i32
    %scan3A_874 = arith.constant 1 : i32
    scf.for %scan3A_894 = %scan3A_871 to %scan3A_873 step %scan3A_874  : i32 {
      %mul3A_895 = arith.constant 2 : i32
      %mul3A_896 = arith.muli %mul3A_895, %scan3A_894 : i32
      %add3A_897 = arith.constant 0 : i32
      %add3A_898 = arith.addi %mul3A_896, %add3A_897 : i32
      %add3A_899 = arith.constant 1 : i32
      %add3A_900 = arith.addi %add3A_898, %add3A_899 : i32
      %mul3A_901 = arith.constant 32 : i32
      %mul3A_902 = arith.muli %mul3A_901, %add3A_900 : i32
      %add3A_903 = arith.addi %add3A, %mul3A_902 : i32
      %lt3A_904 = arith.constant 7812 : i32
      %lt3A_905 = arith.cmpi slt, %add3A_903, %lt3A_904 : i32
      %convert_element_type3A_906 = arith.extui %lt3A_905 : i1 to i32
      %cond3A_907 = arith.constant 0 : i32
      %cond3A_908 = arith.cmpi ne, %convert_element_type3A_906, %cond3A_907 : i32
      scf.if %cond3A_908 {
        %add3A_939 = arith.constant 1 : i32
        %add3A_940 = arith.addi %add3A_898, %add3A_939 : i32
        %mul3A_941 = arith.constant 32 : i32
        %mul3A_942 = arith.muli %mul3A_941, %add3A_940 : i32
        %add3A_943 = arith.addi %add3A, %mul3A_942 : i32
        %mul3A_944 = arith.constant 128 : i32
        %mul3A_945 = arith.muli %add3A_943, %mul3A_944 : i32
        %dma_start3A_946 = arith.constant 0 : i32
        %dma_start3A_947 = arith.constant 0 : i32
        %dma_start3A_948 = tpu.memref_slice %arg6[%dma_start3A_946, %dma_start3A_947] : memref<64x128xf32, #tpu.memory_space<vmem>> -> memref<64x128xf32, #tpu.memory_space<vmem>>
        %dma_start3A_949 = arith.constant 0 : i32
        %dma_start3A_950 = tpu.memref_slice %arg2[%dma_start3A_949, %mul3A_945] : memref<64x1000000xf32, #tpu.memory_space<hbm>> -> memref<64x128xf32, #tpu.memory_space<hbm>>
        %dma_start3A_951 = arith.constant 0 : i32
        %dma_start3A_952 = arith.constant 0 : i32
        %dma_start3A_953 = tpu.memref_slice %arg6[%dma_start3A_951, %dma_start3A_952] : memref<64x128xf32, #tpu.memory_space<vmem>> -> memref<64x128xf32, #tpu.memory_space<vmem>>
        %dma_start3A_954 = arith.constant 0 : i32
        %dma_start3A_955 = tpu.memref_slice %arg2[%dma_start3A_954, %mul3A_945] : memref<64x1000000xf32, #tpu.memory_space<hbm>> -> memref<64x128xf32, #tpu.memory_space<hbm>>
        tpu.enqueue_dma source(%dma_start3A_955 : memref<64x128xf32, #tpu.memory_space<hbm>>) target(%dma_start3A_953 : memref<64x128xf32, #tpu.memory_space<vmem>>) target_semaphore(%arg10 : memref<!tpu.dma_semaphore, #tpu.memory_space<semaphore_mem>>)
      } else {
      }
      %mul3A_909 = arith.constant 32 : i32
      %mul3A_910 = arith.muli %mul3A_909, %add3A_898 : i32
      %add3A_911 = arith.addi %add3A, %mul3A_910 : i32
      %lt3A_912 = arith.constant 7812 : i32
      %lt3A_913 = arith.cmpi slt, %add3A_911, %lt3A_912 : i32
      %convert_element_type3A_914 = arith.extui %lt3A_913 : i1 to i32
      %cond3A_915 = arith.constant 0 : i32
      %cond3A_916 = arith.cmpi ne, %convert_element_type3A_914, %cond3A_915 : i32
      scf.if %cond3A_916 {
        %dma_wait3A_939 = arith.constant 0 : i32
        %dma_wait3A_940 = arith.constant 0 : i32
        %dma_wait3A_941 = tpu.memref_slice %arg5[%dma_wait3A_939, %dma_wait3A_940] : memref<64x128xf32, #tpu.memory_space<vmem>> -> memref<64x128xf32, #tpu.memory_space<vmem>>
        %dma_wait3A_942 = arith.constant 0 : i32
        %dma_wait3A_943 = arith.constant 0 : i32
        %dma_wait3A_944 = tpu.memref_slice %arg2[%dma_wait3A_942, %dma_wait3A_943] : memref<64x1000000xf32, #tpu.memory_space<hbm>> -> memref<64x128xf32, #tpu.memory_space<hbm>>
        %dma_wait3A_945 = arith.constant 0 : i32
        %dma_wait3A_946 = arith.constant 0 : i32
        %dma_wait3A_947 = tpu.memref_slice %arg5[%dma_wait3A_945, %dma_wait3A_946] : memref<64x128xf32, #tpu.memory_space<vmem>> -> memref<64x128xf32, #tpu.memory_space<vmem>>
        %dma_wait3A_948 = arith.constant 0 : i32
        %dma_wait3A_949 = arith.constant 0 : i32
        %dma_wait3A_950 = tpu.memref_slice %arg2[%dma_wait3A_948, %dma_wait3A_949] : memref<64x1000000xf32, #tpu.memory_space<hbm>> -> memref<64x128xf32, #tpu.memory_space<hbm>>
        tpu.wait_dma2 semaphore(%arg9 : memref<!tpu.dma_semaphore, #tpu.memory_space<semaphore_mem>>) src(%dma_wait3A_950 : memref<64x128xf32, #tpu.memory_space<hbm>>) dst(%dma_wait3A_947 : memref<64x128xf32, #tpu.memory_space<vmem>>)
        %ge3A = arith.constant 2 : i32
        %ge3A_951 = arith.cmpi sge, %add3A_898, %ge3A : i32
        %convert_element_type3A_952 = arith.extui %ge3A_951 : i1 to i32
        %cond3A_953 = arith.constant 0 : i32
        %cond3A_954 = arith.cmpi ne, %convert_element_type3A_952, %cond3A_953 : i32
        scf.if %cond3A_954 {
          %dma_wait3A_970 = arith.constant 0 : i32
          %dma_wait3A_971 = tpu.memref_slice %arg7[%dma_wait3A_970] : memref<8192xf32, #tpu.memory_space<vmem>> -> memref<8192xf32, #tpu.memory_space<vmem>>
          %dma_wait3A_972 = arith.constant 0 : i32
          %dma_wait3A_973 = tpu.memref_slice %arg4[%dma_wait3A_972] : memref<64000000xf32, #tpu.memory_space<hbm>> -> memref<8192xf32, #tpu.memory_space<hbm>>
          %dma_wait3A_974 = arith.constant 0 : i32
          %dma_wait3A_975 = tpu.memref_slice %arg4[%dma_wait3A_974] : memref<64000000xf32, #tpu.memory_space<hbm>> -> memref<8192xf32, #tpu.memory_space<hbm>>
          %dma_wait3A_976 = arith.constant 0 : i32
          %dma_wait3A_977 = tpu.memref_slice %arg7[%dma_wait3A_976] : memref<8192xf32, #tpu.memory_space<vmem>> -> memref<8192xf32, #tpu.memory_space<vmem>>
          tpu.wait_dma2 semaphore(%arg11 : memref<!tpu.dma_semaphore, #tpu.memory_space<semaphore_mem>>) src(%dma_wait3A_977 : memref<8192xf32, #tpu.memory_space<vmem>>) dst(%dma_wait3A_975 : memref<8192xf32, #tpu.memory_space<hbm>>)
        } else {
        }
        %parallel_loop3A = arith.constant 0 : i32
        %parallel_loop3A_955 = arith.constant 32 : i32
        %parallel_loop3A_956 = arith.constant 1 : i32
        scf.for %parallel_loop3A_970 = %parallel_loop3A to %parallel_loop3A_955 step %parallel_loop3A_956  : i32 {
          %parallel_loop3A_971 = arith.constant 8 : i32
          %parallel_loop3A_972 = arith.divsi %parallel_loop3A_970, %parallel_loop3A_971 : i32
          %parallel_loop3A_973 = arith.constant 0 : i32
          %parallel_loop3A_974 = arith.cmpi sgt, %parallel_loop3A_970, %parallel_loop3A_973 : i32
          %parallel_loop3A_975 = arith.extui %parallel_loop3A_974 : i1 to i32
          %parallel_loop3A_976 = arith.constant 0 : i32
          %parallel_loop3A_977 = arith.cmpi slt, %parallel_loop3A_970, %parallel_loop3A_976 : i32
          %parallel_loop3A_978 = arith.extui %parallel_loop3A_977 : i1 to i32
          %parallel_loop3A_979 = arith.subi %parallel_loop3A_975, %parallel_loop3A_978 : i32
          %parallel_loop3A_980 = arith.constant 0 : i32
          %parallel_loop3A_981 = arith.cmpi sgt, %parallel_loop3A_971, %parallel_loop3A_980 : i32
          %parallel_loop3A_982 = arith.extui %parallel_loop3A_981 : i1 to i32
          %parallel_loop3A_983 = arith.constant 0 : i32
          %parallel_loop3A_984 = arith.cmpi slt, %parallel_loop3A_971, %parallel_loop3A_983 : i32
          %parallel_loop3A_985 = arith.extui %parallel_loop3A_984 : i1 to i32
          %parallel_loop3A_986 = arith.subi %parallel_loop3A_982, %parallel_loop3A_985 : i32
          %parallel_loop3A_987 = arith.cmpi ne, %parallel_loop3A_979, %parallel_loop3A_986 : i32
          %parallel_loop3A_988 = arith.remsi %parallel_loop3A_970, %parallel_loop3A_971 : i32
          %parallel_loop3A_989 = arith.constant 0 : i32
          %parallel_loop3A_990 = arith.cmpi ne, %parallel_loop3A_988, %parallel_loop3A_989 : i32
          %parallel_loop3A_991 = arith.andi %parallel_loop3A_987, %parallel_loop3A_990 : i1
          %parallel_loop3A_992 = arith.constant 1 : i32
          %parallel_loop3A_993 = arith.subi %parallel_loop3A_972, %parallel_loop3A_992 : i32
          %parallel_loop3A_994 = arith.select %parallel_loop3A_991, %parallel_loop3A_993, %parallel_loop3A_972 : i32
          %parallel_loop3A_995 = arith.constant 8 : i32
          %parallel_loop3A_996 = arith.constant 0 : i32
          %parallel_loop3A_997 = arith.cmpi eq, %parallel_loop3A_995, %parallel_loop3A_996 : i32
          %parallel_loop3A_998 = arith.constant 1 : i32
          %parallel_loop3A_999 = arith.select %parallel_loop3A_997, %parallel_loop3A_998, %parallel_loop3A_995 : i32
          %parallel_loop3A_1000 = arith.remsi %parallel_loop3A_970, %parallel_loop3A_999 : i32
          %parallel_loop3A_1001 = arith.constant 0 : i32
          %parallel_loop3A_1002 = arith.cmpi ne, %parallel_loop3A_1000, %parallel_loop3A_1001 : i32
          %parallel_loop3A_1003 = arith.constant 0 : i32
          %parallel_loop3A_1004 = arith.cmpi slt, %parallel_loop3A_1000, %parallel_loop3A_1003 : i32
          %parallel_loop3A_1005 = arith.constant 0 : i32
          %parallel_loop3A_1006 = arith.cmpi slt, %parallel_loop3A_999, %parallel_loop3A_1005 : i32
          %parallel_loop3A_1007 = arith.xori %parallel_loop3A_1004, %parallel_loop3A_1006 : i1
          %parallel_loop3A_1008 = arith.andi %parallel_loop3A_1007, %parallel_loop3A_1002 : i1
          %parallel_loop3A_1009 = arith.addi %parallel_loop3A_1000, %parallel_loop3A_999 : i32
          %parallel_loop3A_1010 = arith.select %parallel_loop3A_1008, %parallel_loop3A_1009, %parallel_loop3A_1000 : i32
          %parallel_loop3A_1011 = arith.constant 16 : i32
          %parallel_loop3A_1012 = arith.muli %parallel_loop3A_1011, %parallel_loop3A_1010 : i32
          %parallel_loop3A_1013 = vector.broadcast %parallel_loop3A_1012 : i32 to vector<16xi32>
          %parallel_loop3A_1014 = arith.addi %parallel_loop3A_1013, %iota3A : vector<16xi32>
          %parallel_loop3A_1015 = arith.constant 16 : i32
          %parallel_loop3A_1016 = arith.muli %parallel_loop3A_1015, %parallel_loop3A_1010 : i32
          %parallel_loop3A_1017 = arith.constant 64 : i32
          %parallel_loop3A_1018 = arith.muli %parallel_loop3A_1016, %parallel_loop3A_1017 : i32
          %parallel_loop3A_1019 = arith.constant 16 : i32
          %parallel_loop3A_1020 = arith.muli %parallel_loop3A_1019, %parallel_loop3A_994 : i32
          %parallel_loop3A_1021 = arith.addi %parallel_loop3A_1018, %parallel_loop3A_1020 : i32
          %parallel_loop3A_1022 = vector.broadcast %parallel_loop3A_1021 : i32 to vector<16xi32>
          %parallel_loop3A_1023 = arith.constant 16 : i32
          %parallel_loop3A_1024 = arith.muli %parallel_loop3A_1023, %parallel_loop3A_994 : i32
          %parallel_loop3A_1025 = vector.broadcast %parallel_loop3A_1024 : i32 to vector<16xi32>
          %parallel_loop3A_1026 = arith.addi %parallel_loop3A_1025, %select_n3A_18 : vector<16xi32>
          %parallel_loop3A_1027 = tpu.vector_load_idx %arg5[%parallel_loop3A_1026, %parallel_loop3A_1014] : memref<64x128xf32, #tpu.memory_space<vmem>>[vector<16xi32>, vector<16xi32>], vector<16xf32>,
          %parallel_loop3A_1028 = arith.addi %parallel_loop3A_1022, %add3A_422 : vector<16xi32>
          tpu.vector_store_idx %arg7[%parallel_loop3A_1028], %parallel_loop3A_1027 : memref<8192xf32, #tpu.memory_space<vmem>>[vector<16xi32>], vector<16xf32>,
          %parallel_loop3A_1029 = arith.addi %parallel_loop3A_1025, %select_n3A_43 : vector<16xi32>
          %parallel_loop3A_1030 = tpu.vector_load_idx %arg5[%parallel_loop3A_1029, %parallel_loop3A_1014] : memref<64x128xf32, #tpu.memory_space<vmem>>[vector<16xi32>, vector<16xi32>], vector<16xf32>,
          %parallel_loop3A_1031 = arith.addi %parallel_loop3A_1022, %add3A_451 : vector<16xi32>
          tpu.vector_store_idx %arg7[%parallel_loop3A_1031], %parallel_loop3A_1030 : memref<8192xf32, #tpu.memory_space<vmem>>[vector<16xi32>], vector<16xf32>,
          %parallel_loop3A_1032 = arith.addi %parallel_loop3A_1025, %select_n3A_68 : vector<16xi32>
          %parallel_loop3A_1033 = tpu.vector_load_idx %arg5[%parallel_loop3A_1032, %parallel_loop3A_1014] : memref<64x128xf32, #tpu.memory_space<vmem>>[vector<16xi32>, vector<16xi32>], vector<16xf32>,
          %parallel_loop3A_1034 = arith.addi %parallel_loop3A_1022, %add3A_480 : vector<16xi32>
          tpu.vector_store_idx %arg7[%parallel_loop3A_1034], %parallel_loop3A_1033 : memref<8192xf32, #tpu.memory_space<vmem>>[vector<16xi32>], vector<16xf32>,
          %parallel_loop3A_1035 = arith.addi %parallel_loop3A_1025, %select_n3A_93 : vector<16xi32>
          %parallel_loop3A_1036 = tpu.vector_load_idx %arg5[%parallel_loop3A_1035, %parallel_loop3A_1014] : memref<64x128xf32, #tpu.memory_space<vmem>>[vector<16xi32>, vector<16xi32>], vector<16xf32>,
          %parallel_loop3A_1037 = arith.addi %parallel_loop3A_1022, %add3A_509 : vector<16xi32>
          tpu.vector_store_idx %arg7[%parallel_loop3A_1037], %parallel_loop3A_1036 : memref<8192xf32, #tpu.memory_space<vmem>>[vector<16xi32>], vector<16xf32>,
          %parallel_loop3A_1038 = arith.addi %parallel_loop3A_1025, %select_n3A_118 : vector<16xi32>
          %parallel_loop3A_1039 = tpu.vector_load_idx %arg5[%parallel_loop3A_1038, %parallel_loop3A_1014] : memref<64x128xf32, #tpu.memory_space<vmem>>[vector<16xi32>, vector<16xi32>], vector<16xf32>,
          %parallel_loop3A_1040 = arith.addi %parallel_loop3A_1022, %add3A_538 : vector<16xi32>
          tpu.vector_store_idx %arg7[%parallel_loop3A_1040], %parallel_loop3A_1039 : memref<8192xf32, #tpu.memory_space<vmem>>[vector<16xi32>], vector<16xf32>,
          %parallel_loop3A_1041 = arith.addi %parallel_loop3A_1025, %select_n3A_143 : vector<16xi32>
          %parallel_loop3A_1042 = tpu.vector_load_idx %arg5[%parallel_loop3A_1041, %parallel_loop3A_1014] : memref<64x128xf32, #tpu.memory_space<vmem>>[vector<16xi32>, vector<16xi32>], vector<16xf32>,
          %parallel_loop3A_1043 = arith.addi %parallel_loop3A_1022, %add3A_567 : vector<16xi32>
          tpu.vector_store_idx %arg7[%parallel_loop3A_1043], %parallel_loop3A_1042 : memref<8192xf32, #tpu.memory_space<vmem>>[vector<16xi32>], vector<16xf32>,
          %parallel_loop3A_1044 = arith.addi %parallel_loop3A_1025, %select_n3A_168 : vector<16xi32>
          %parallel_loop3A_1045 = tpu.vector_load_idx %arg5[%parallel_loop3A_1044, %parallel_loop3A_1014] : memref<64x128xf32, #tpu.memory_space<vmem>>[vector<16xi32>, vector<16xi32>], vector<16xf32>,
          %parallel_loop3A_1046 = arith.addi %parallel_loop3A_1022, %add3A_596 : vector<16xi32>
          tpu.vector_store_idx %arg7[%parallel_loop3A_1046], %parallel_loop3A_1045 : memref<8192xf32, #tpu.memory_space<vmem>>[vector<16xi32>], vector<16xf32>,
          %parallel_loop3A_1047 = arith.addi %parallel_loop3A_1025, %select_n3A_193 : vector<16xi32>
          %parallel_loop3A_1048 = tpu.vector_load_idx %arg5[%parallel_loop3A_1047, %parallel_loop3A_1014] : memref<64x128xf32, #tpu.memory_space<vmem>>[vector<16xi32>, vector<16xi32>], vector<16xf32>,
          %parallel_loop3A_1049 = arith.addi %parallel_loop3A_1022, %add3A_625 : vector<16xi32>
          tpu.vector_store_idx %arg7[%parallel_loop3A_1049], %parallel_loop3A_1048 : memref<8192xf32, #tpu.memory_space<vmem>>[vector<16xi32>], vector<16xf32>,
          %parallel_loop3A_1050 = arith.addi %parallel_loop3A_1025, %select_n3A_218 : vector<16xi32>
          %parallel_loop3A_1051 = tpu.vector_load_idx %arg5[%parallel_loop3A_1050, %parallel_loop3A_1014] : memref<64x128xf32, #tpu.memory_space<vmem>>[vector<16xi32>, vector<16xi32>], vector<16xf32>,
          %parallel_loop3A_1052 = arith.addi %parallel_loop3A_1022, %add3A_654 : vector<16xi32>
          tpu.vector_store_idx %arg7[%parallel_loop3A_1052], %parallel_loop3A_1051 : memref<8192xf32, #tpu.memory_space<vmem>>[vector<16xi32>], vector<16xf32>,
          %parallel_loop3A_1053 = arith.addi %parallel_loop3A_1025, %select_n3A_243 : vector<16xi32>
          %parallel_loop3A_1054 = tpu.vector_load_idx %arg5[%parallel_loop3A_1053, %parallel_loop3A_1014] : memref<64x128xf32, #tpu.memory_space<vmem>>[vector<16xi32>, vector<16xi32>], vector<16xf32>,
          %parallel_loop3A_1055 = arith.addi %parallel_loop3A_1022, %add3A_683 : vector<16xi32>
          tpu.vector_store_idx %arg7[%parallel_loop3A_1055], %parallel_loop3A_1054 : memref<8192xf32, #tpu.memory_space<vmem>>[vector<16xi32>], vector<16xf32>,
          %parallel_loop3A_1056 = arith.addi %parallel_loop3A_1025, %select_n3A_268 : vector<16xi32>
          %parallel_loop3A_1057 = tpu.vector_load_idx %arg5[%parallel_loop3A_1056, %parallel_loop3A_1014] : memref<64x128xf32, #tpu.memory_space<vmem>>[vector<16xi32>, vector<16xi32>], vector<16xf32>,
          %parallel_loop3A_1058 = arith.addi %parallel_loop3A_1022, %add3A_712 : vector<16xi32>
          tpu.vector_store_idx %arg7[%parallel_loop3A_1058], %parallel_loop3A_1057 : memref<8192xf32, #tpu.memory_space<vmem>>[vector<16xi32>], vector<16xf32>,
          %parallel_loop3A_1059 = arith.addi %parallel_loop3A_1025, %select_n3A_293 : vector<16xi32>
          %parallel_loop3A_1060 = tpu.vector_load_idx %arg5[%parallel_loop3A_1059, %parallel_loop3A_1014] : memref<64x128xf32, #tpu.memory_space<vmem>>[vector<16xi32>, vector<16xi32>], vector<16xf32>,
          %parallel_loop3A_1061 = arith.addi %parallel_loop3A_1022, %add3A_741 : vector<16xi32>
          tpu.vector_store_idx %arg7[%parallel_loop3A_1061], %parallel_loop3A_1060 : memref<8192xf32, #tpu.memory_space<vmem>>[vector<16xi32>], vector<16xf32>,
          %parallel_loop3A_1062 = arith.addi %parallel_loop3A_1025, %select_n3A_318 : vector<16xi32>
          %parallel_loop3A_1063 = tpu.vector_load_idx %arg5[%parallel_loop3A_1062, %parallel_loop3A_1014] : memref<64x128xf32, #tpu.memory_space<vmem>>[vector<16xi32>, vector<16xi32>], vector<16xf32>,
          %parallel_loop3A_1064 = arith.addi %parallel_loop3A_1022, %add3A_770 : vector<16xi32>
          tpu.vector_store_idx %arg7[%parallel_loop3A_1064], %parallel_loop3A_1063 : memref<8192xf32, #tpu.memory_space<vmem>>[vector<16xi32>], vector<16xf32>,
          %parallel_loop3A_1065 = arith.addi %parallel_loop3A_1025, %select_n3A_343 : vector<16xi32>
          %parallel_loop3A_1066 = tpu.vector_load_idx %arg5[%parallel_loop3A_1065, %parallel_loop3A_1014] : memref<64x128xf32, #tpu.memory_space<vmem>>[vector<16xi32>, vector<16xi32>], vector<16xf32>,
          %parallel_loop3A_1067 = arith.addi %parallel_loop3A_1022, %add3A_799 : vector<16xi32>
          tpu.vector_store_idx %arg7[%parallel_loop3A_1067], %parallel_loop3A_1066 : memref<8192xf32, #tpu.memory_space<vmem>>[vector<16xi32>], vector<16xf32>,
          %parallel_loop3A_1068 = arith.addi %parallel_loop3A_1025, %select_n3A_368 : vector<16xi32>
          %parallel_loop3A_1069 = tpu.vector_load_idx %arg5[%parallel_loop3A_1068, %parallel_loop3A_1014] : memref<64x128xf32, #tpu.memory_space<vmem>>[vector<16xi32>, vector<16xi32>], vector<16xf32>,
          %parallel_loop3A_1070 = arith.addi %parallel_loop3A_1022, %add3A_828 : vector<16xi32>
          tpu.vector_store_idx %arg7[%parallel_loop3A_1070], %parallel_loop3A_1069 : memref<8192xf32, #tpu.memory_space<vmem>>[vector<16xi32>], vector<16xf32>,
          %parallel_loop3A_1071 = arith.addi %parallel_loop3A_1025, %select_n3A_393 : vector<16xi32>
          %parallel_loop3A_1072 = tpu.vector_load_idx %arg5[%parallel_loop3A_1071, %parallel_loop3A_1014] : memref<64x128xf32, #tpu.memory_space<vmem>>[vector<16xi32>, vector<16xi32>], vector<16xf32>,
          %parallel_loop3A_1073 = arith.addi %parallel_loop3A_1022, %add3A_857 : vector<16xi32>
          tpu.vector_store_idx %arg7[%parallel_loop3A_1073], %parallel_loop3A_1072 : memref<8192xf32, #tpu.memory_space<vmem>>[vector<16xi32>], vector<16xf32>,
        } {sc.loop_unroll_factor = 2 : i64, sc.parallel_access}
        %mul3A_957 = arith.constant 32 : i32
        %mul3A_958 = arith.muli %mul3A_957, %add3A_898 : i32
        %add3A_959 = arith.addi %add3A, %mul3A_958 : i32
        %mul3A_960 = arith.constant 128 : i32
        %mul3A_961 = arith.muli %add3A_959, %mul3A_960 : i32
        %mul3A_962 = arith.constant 64 : i32
        %mul3A_963 = arith.muli %mul3A_961, %mul3A_962 : i32
        %dma_start3A_964 = arith.constant 0 : i32
        %dma_start3A_965 = tpu.memref_slice %arg7[%dma_start3A_964] : memref<8192xf32, #tpu.memory_space<vmem>> -> memref<8192xf32, #tpu.memory_space<vmem>>
        %dma_start3A_966 = tpu.memref_slice %arg4[%mul3A_963] : memref<64000000xf32, #tpu.memory_space<hbm>> -> memref<8192xf32, #tpu.memory_space<hbm>>
        %dma_start3A_967 = tpu.memref_slice %arg4[%mul3A_963] : memref<64000000xf32, #tpu.memory_space<hbm>> -> memref<8192xf32, #tpu.memory_space<hbm>>
        %dma_start3A_968 = arith.constant 0 : i32
        %dma_start3A_969 = tpu.memref_slice %arg7[%dma_start3A_968] : memref<8192xf32, #tpu.memory_space<vmem>> -> memref<8192xf32, #tpu.memory_space<vmem>>
        tpu.enqueue_dma source(%dma_start3A_969 : memref<8192xf32, #tpu.memory_space<vmem>>) target(%dma_start3A_967 : memref<8192xf32, #tpu.memory_space<hbm>>) target_semaphore(%arg11 : memref<!tpu.dma_semaphore, #tpu.memory_space<semaphore_mem>>)
      } else {
      }
      %mul3A_917 = arith.constant 2 : i32
      %mul3A_918 = arith.muli %mul3A_917, %scan3A_894 : i32
      %add3A_919 = arith.constant 1 : i32
      %add3A_920 = arith.addi %mul3A_918, %add3A_919 : i32
      %add3A_921 = arith.constant 1 : i32
      %add3A_922 = arith.addi %add3A_920, %add3A_921 : i32
      %mul3A_923 = arith.constant 32 : i32
      %mul3A_924 = arith.muli %mul3A_923, %add3A_922 : i32
      %add3A_925 = arith.addi %add3A, %mul3A_924 : i32
      %lt3A_926 = arith.constant 7812 : i32
      %lt3A_927 = arith.cmpi slt, %add3A_925, %lt3A_926 : i32
      %convert_element_type3A_928 = arith.extui %lt3A_927 : i1 to i32
      %cond3A_929 = arith.constant 0 : i32
      %cond3A_930 = arith.cmpi ne, %convert_element_type3A_928, %cond3A_929 : i32
      scf.if %cond3A_930 {
        %add3A_939 = arith.constant 1 : i32
        %add3A_940 = arith.addi %add3A_920, %add3A_939 : i32
        %mul3A_941 = arith.constant 32 : i32
        %mul3A_942 = arith.muli %mul3A_941, %add3A_940 : i32
        %add3A_943 = arith.addi %add3A, %mul3A_942 : i32
        %mul3A_944 = arith.constant 128 : i32
        %mul3A_945 = arith.muli %add3A_943, %mul3A_944 : i32
        %dma_start3A_946 = arith.constant 0 : i32
        %dma_start3A_947 = arith.constant 0 : i32
        %dma_start3A_948 = tpu.memref_slice %arg5[%dma_start3A_946, %dma_start3A_947] : memref<64x128xf32, #tpu.memory_space<vmem>> -> memref<64x128xf32, #tpu.memory_space<vmem>>
        %dma_start3A_949 = arith.constant 0 : i32
        %dma_start3A_950 = tpu.memref_slice %arg2[%dma_start3A_949, %mul3A_945] : memref<64x1000000xf32, #tpu.memory_space<hbm>> -> memref<64x128xf32, #tpu.memory_space<hbm>>
        %dma_start3A_951 = arith.constant 0 : i32
        %dma_start3A_952 = arith.constant 0 : i32
        %dma_start3A_953 = tpu.memref_slice %arg5[%dma_start3A_951, %dma_start3A_952] : memref<64x128xf32, #tpu.memory_space<vmem>> -> memref<64x128xf32, #tpu.memory_space<vmem>>
        %dma_start3A_954 = arith.constant 0 : i32
        %dma_start3A_955 = tpu.memref_slice %arg2[%dma_start3A_954, %mul3A_945] : memref<64x1000000xf32, #tpu.memory_space<hbm>> -> memref<64x128xf32, #tpu.memory_space<hbm>>
        tpu.enqueue_dma source(%dma_start3A_955 : memref<64x128xf32, #tpu.memory_space<hbm>>) target(%dma_start3A_953 : memref<64x128xf32, #tpu.memory_space<vmem>>) target_semaphore(%arg9 : memref<!tpu.dma_semaphore, #tpu.memory_space<semaphore_mem>>)
      } else {
      }
      %mul3A_931 = arith.constant 32 : i32
      %mul3A_932 = arith.muli %mul3A_931, %add3A_920 : i32
      %add3A_933 = arith.addi %add3A, %mul3A_932 : i32
      %lt3A_934 = arith.constant 7812 : i32
      %lt3A_935 = arith.cmpi slt, %add3A_933, %lt3A_934 : i32
      %convert_element_type3A_936 = arith.extui %lt3A_935 : i1 to i32
      %cond3A_937 = arith.constant 0 : i32
      %cond3A_938 = arith.cmpi ne, %convert_element_type3A_936, %cond3A_937 : i32
      scf.if %cond3A_938 {
        %dma_wait3A_939 = arith.constant 0 : i32
        %dma_wait3A_940 = arith.constant 0 : i32
        %dma_wait3A_941 = tpu.memref_slice %arg6[%dma_wait3A_939, %dma_wait3A_940] : memref<64x128xf32, #tpu.memory_space<vmem>> -> memref<64x128xf32, #tpu.memory_space<vmem>>
        %dma_wait3A_942 = arith.constant 0 : i32
        %dma_wait3A_943 = arith.constant 0 : i32
        %dma_wait3A_944 = tpu.memref_slice %arg2[%dma_wait3A_942, %dma_wait3A_943] : memref<64x1000000xf32, #tpu.memory_space<hbm>> -> memref<64x128xf32, #tpu.memory_space<hbm>>
        %dma_wait3A_945 = arith.constant 0 : i32
        %dma_wait3A_946 = arith.constant 0 : i32
        %dma_wait3A_947 = tpu.memref_slice %arg6[%dma_wait3A_945, %dma_wait3A_946] : memref<64x128xf32, #tpu.memory_space<vmem>> -> memref<64x128xf32, #tpu.memory_space<vmem>>
        %dma_wait3A_948 = arith.constant 0 : i32
        %dma_wait3A_949 = arith.constant 0 : i32
        %dma_wait3A_950 = tpu.memref_slice %arg2[%dma_wait3A_948, %dma_wait3A_949] : memref<64x1000000xf32, #tpu.memory_space<hbm>> -> memref<64x128xf32, #tpu.memory_space<hbm>>
        tpu.wait_dma2 semaphore(%arg10 : memref<!tpu.dma_semaphore, #tpu.memory_space<semaphore_mem>>) src(%dma_wait3A_950 : memref<64x128xf32, #tpu.memory_space<hbm>>) dst(%dma_wait3A_947 : memref<64x128xf32, #tpu.memory_space<vmem>>)
        %ge3A = arith.constant 2 : i32
        %ge3A_951 = arith.cmpi sge, %add3A_920, %ge3A : i32
        %convert_element_type3A_952 = arith.extui %ge3A_951 : i1 to i32
        %cond3A_953 = arith.constant 0 : i32
        %cond3A_954 = arith.cmpi ne, %convert_element_type3A_952, %cond3A_953 : i32
        scf.if %cond3A_954 {
          %dma_wait3A_970 = arith.constant 0 : i32
          %dma_wait3A_971 = tpu.memref_slice %arg8[%dma_wait3A_970] : memref<8192xf32, #tpu.memory_space<vmem>> -> memref<8192xf32, #tpu.memory_space<vmem>>
          %dma_wait3A_972 = arith.constant 0 : i32
          %dma_wait3A_973 = tpu.memref_slice %arg4[%dma_wait3A_972] : memref<64000000xf32, #tpu.memory_space<hbm>> -> memref<8192xf32, #tpu.memory_space<hbm>>
          %dma_wait3A_974 = arith.constant 0 : i32
          %dma_wait3A_975 = tpu.memref_slice %arg4[%dma_wait3A_974] : memref<64000000xf32, #tpu.memory_space<hbm>> -> memref<8192xf32, #tpu.memory_space<hbm>>
          %dma_wait3A_976 = arith.constant 0 : i32
          %dma_wait3A_977 = tpu.memref_slice %arg8[%dma_wait3A_976] : memref<8192xf32, #tpu.memory_space<vmem>> -> memref<8192xf32, #tpu.memory_space<vmem>>
          tpu.wait_dma2 semaphore(%arg12 : memref<!tpu.dma_semaphore, #tpu.memory_space<semaphore_mem>>) src(%dma_wait3A_977 : memref<8192xf32, #tpu.memory_space<vmem>>) dst(%dma_wait3A_975 : memref<8192xf32, #tpu.memory_space<hbm>>)
        } else {
        }
        %parallel_loop3A = arith.constant 0 : i32
        %parallel_loop3A_955 = arith.constant 32 : i32
        %parallel_loop3A_956 = arith.constant 1 : i32
        scf.for %parallel_loop3A_970 = %parallel_loop3A to %parallel_loop3A_955 step %parallel_loop3A_956  : i32 {
          %parallel_loop3A_971 = arith.constant 8 : i32
          %parallel_loop3A_972 = arith.divsi %parallel_loop3A_970, %parallel_loop3A_971 : i32
          %parallel_loop3A_973 = arith.constant 0 : i32
          %parallel_loop3A_974 = arith.cmpi sgt, %parallel_loop3A_970, %parallel_loop3A_973 : i32
          %parallel_loop3A_975 = arith.extui %parallel_loop3A_974 : i1 to i32
          %parallel_loop3A_976 = arith.constant 0 : i32
          %parallel_loop3A_977 = arith.cmpi slt, %parallel_loop3A_970, %parallel_loop3A_976 : i32
          %parallel_loop3A_978 = arith.extui %parallel_loop3A_977 : i1 to i32
          %parallel_loop3A_979 = arith.subi %parallel_loop3A_975, %parallel_loop3A_978 : i32
          %parallel_loop3A_980 = arith.constant 0 : i32
          %parallel_loop3A_981 = arith.cmpi sgt, %parallel_loop3A_971, %parallel_loop3A_980 : i32
          %parallel_loop3A_982 = arith.extui %parallel_loop3A_981 : i1 to i32
          %parallel_loop3A_983 = arith.constant 0 : i32
          %parallel_loop3A_984 = arith.cmpi slt, %parallel_loop3A_971, %parallel_loop3A_983 : i32
          %parallel_loop3A_985 = arith.extui %parallel_loop3A_984 : i1 to i32
          %parallel_loop3A_986 = arith.subi %parallel_loop3A_982, %parallel_loop3A_985 : i32
          %parallel_loop3A_987 = arith.cmpi ne, %parallel_loop3A_979, %parallel_loop3A_986 : i32
          %parallel_loop3A_988 = arith.remsi %parallel_loop3A_970, %parallel_loop3A_971 : i32
          %parallel_loop3A_989 = arith.constant 0 : i32
          %parallel_loop3A_990 = arith.cmpi ne, %parallel_loop3A_988, %parallel_loop3A_989 : i32
          %parallel_loop3A_991 = arith.andi %parallel_loop3A_987, %parallel_loop3A_990 : i1
          %parallel_loop3A_992 = arith.constant 1 : i32
          %parallel_loop3A_993 = arith.subi %parallel_loop3A_972, %parallel_loop3A_992 : i32
          %parallel_loop3A_994 = arith.select %parallel_loop3A_991, %parallel_loop3A_993, %parallel_loop3A_972 : i32
          %parallel_loop3A_995 = arith.constant 8 : i32
          %parallel_loop3A_996 = arith.constant 0 : i32
          %parallel_loop3A_997 = arith.cmpi eq, %parallel_loop3A_995, %parallel_loop3A_996 : i32
          %parallel_loop3A_998 = arith.constant 1 : i32
          %parallel_loop3A_999 = arith.select %parallel_loop3A_997, %parallel_loop3A_998, %parallel_loop3A_995 : i32
          %parallel_loop3A_1000 = arith.remsi %parallel_loop3A_970, %parallel_loop3A_999 : i32
          %parallel_loop3A_1001 = arith.constant 0 : i32
          %parallel_loop3A_1002 = arith.cmpi ne, %parallel_loop3A_1000, %parallel_loop3A_1001 : i32
          %parallel_loop3A_1003 = arith.constant 0 : i32
          %parallel_loop3A_1004 = arith.cmpi slt, %parallel_loop3A_1000, %parallel_loop3A_1003 : i32
          %parallel_loop3A_1005 = arith.constant 0 : i32
          %parallel_loop3A_1006 = arith.cmpi slt, %parallel_loop3A_999, %parallel_loop3A_1005 : i32
          %parallel_loop3A_1007 = arith.xori %parallel_loop3A_1004, %parallel_loop3A_1006 : i1
          %parallel_loop3A_1008 = arith.andi %parallel_loop3A_1007, %parallel_loop3A_1002 : i1
          %parallel_loop3A_1009 = arith.addi %parallel_loop3A_1000, %parallel_loop3A_999 : i32
          %parallel_loop3A_1010 = arith.select %parallel_loop3A_1008, %parallel_loop3A_1009, %parallel_loop3A_1000 : i32
          %parallel_loop3A_1011 = arith.constant 16 : i32
          %parallel_loop3A_1012 = arith.muli %parallel_loop3A_1011, %parallel_loop3A_1010 : i32
          %parallel_loop3A_1013 = vector.broadcast %parallel_loop3A_1012 : i32 to vector<16xi32>
          %parallel_loop3A_1014 = arith.addi %parallel_loop3A_1013, %iota3A : vector<16xi32>
          %parallel_loop3A_1015 = arith.constant 16 : i32
          %parallel_loop3A_1016 = arith.muli %parallel_loop3A_1015, %parallel_loop3A_1010 : i32
          %parallel_loop3A_1017 = arith.constant 64 : i32
          %parallel_loop3A_1018 = arith.muli %parallel_loop3A_1016, %parallel_loop3A_1017 : i32
          %parallel_loop3A_1019 = arith.constant 16 : i32
          %parallel_loop3A_1020 = arith.muli %parallel_loop3A_1019, %parallel_loop3A_994 : i32
          %parallel_loop3A_1021 = arith.addi %parallel_loop3A_1018, %parallel_loop3A_1020 : i32
          %parallel_loop3A_1022 = vector.broadcast %parallel_loop3A_1021 : i32 to vector<16xi32>
          %parallel_loop3A_1023 = arith.constant 16 : i32
          %parallel_loop3A_1024 = arith.muli %parallel_loop3A_1023, %parallel_loop3A_994 : i32
          %parallel_loop3A_1025 = vector.broadcast %parallel_loop3A_1024 : i32 to vector<16xi32>
          %parallel_loop3A_1026 = arith.addi %parallel_loop3A_1025, %select_n3A_18 : vector<16xi32>
          %parallel_loop3A_1027 = tpu.vector_load_idx %arg6[%parallel_loop3A_1026, %parallel_loop3A_1014] : memref<64x128xf32, #tpu.memory_space<vmem>>[vector<16xi32>, vector<16xi32>], vector<16xf32>,
          %parallel_loop3A_1028 = arith.addi %parallel_loop3A_1022, %add3A_422 : vector<16xi32>
          tpu.vector_store_idx %arg8[%parallel_loop3A_1028], %parallel_loop3A_1027 : memref<8192xf32, #tpu.memory_space<vmem>>[vector<16xi32>], vector<16xf32>,
          %parallel_loop3A_1029 = arith.addi %parallel_loop3A_1025, %select_n3A_43 : vector<16xi32>
          %parallel_loop3A_1030 = tpu.vector_load_idx %arg6[%parallel_loop3A_1029, %parallel_loop3A_1014] : memref<64x128xf32, #tpu.memory_space<vmem>>[vector<16xi32>, vector<16xi32>], vector<16xf32>,
          %parallel_loop3A_1031 = arith.addi %parallel_loop3A_1022, %add3A_451 : vector<16xi32>
          tpu.vector_store_idx %arg8[%parallel_loop3A_1031], %parallel_loop3A_1030 : memref<8192xf32, #tpu.memory_space<vmem>>[vector<16xi32>], vector<16xf32>,
          %parallel_loop3A_1032 = arith.addi %parallel_loop3A_1025, %select_n3A_68 : vector<16xi32>
          %parallel_loop3A_1033 = tpu.vector_load_idx %arg6[%parallel_loop3A_1032, %parallel_loop3A_1014] : memref<64x128xf32, #tpu.memory_space<vmem>>[vector<16xi32>, vector<16xi32>], vector<16xf32>,
          %parallel_loop3A_1034 = arith.addi %parallel_loop3A_1022, %add3A_480 : vector<16xi32>
          tpu.vector_store_idx %arg8[%parallel_loop3A_1034], %parallel_loop3A_1033 : memref<8192xf32, #tpu.memory_space<vmem>>[vector<16xi32>], vector<16xf32>,
          %parallel_loop3A_1035 = arith.addi %parallel_loop3A_1025, %select_n3A_93 : vector<16xi32>
          %parallel_loop3A_1036 = tpu.vector_load_idx %arg6[%parallel_loop3A_1035, %parallel_loop3A_1014] : memref<64x128xf32, #tpu.memory_space<vmem>>[vector<16xi32>, vector<16xi32>], vector<16xf32>,
          %parallel_loop3A_1037 = arith.addi %parallel_loop3A_1022, %add3A_509 : vector<16xi32>
          tpu.vector_store_idx %arg8[%parallel_loop3A_1037], %parallel_loop3A_1036 : memref<8192xf32, #tpu.memory_space<vmem>>[vector<16xi32>], vector<16xf32>,
          %parallel_loop3A_1038 = arith.addi %parallel_loop3A_1025, %select_n3A_118 : vector<16xi32>
          %parallel_loop3A_1039 = tpu.vector_load_idx %arg6[%parallel_loop3A_1038, %parallel_loop3A_1014] : memref<64x128xf32, #tpu.memory_space<vmem>>[vector<16xi32>, vector<16xi32>], vector<16xf32>,
          %parallel_loop3A_1040 = arith.addi %parallel_loop3A_1022, %add3A_538 : vector<16xi32>
          tpu.vector_store_idx %arg8[%parallel_loop3A_1040], %parallel_loop3A_1039 : memref<8192xf32, #tpu.memory_space<vmem>>[vector<16xi32>], vector<16xf32>,
          %parallel_loop3A_1041 = arith.addi %parallel_loop3A_1025, %select_n3A_143 : vector<16xi32>
          %parallel_loop3A_1042 = tpu.vector_load_idx %arg6[%parallel_loop3A_1041, %parallel_loop3A_1014] : memref<64x128xf32, #tpu.memory_space<vmem>>[vector<16xi32>, vector<16xi32>], vector<16xf32>,
          %parallel_loop3A_1043 = arith.addi %parallel_loop3A_1022, %add3A_567 : vector<16xi32>
          tpu.vector_store_idx %arg8[%parallel_loop3A_1043], %parallel_loop3A_1042 : memref<8192xf32, #tpu.memory_space<vmem>>[vector<16xi32>], vector<16xf32>,
          %parallel_loop3A_1044 = arith.addi %parallel_loop3A_1025, %select_n3A_168 : vector<16xi32>
          %parallel_loop3A_1045 = tpu.vector_load_idx %arg6[%parallel_loop3A_1044, %parallel_loop3A_1014] : memref<64x128xf32, #tpu.memory_space<vmem>>[vector<16xi32>, vector<16xi32>], vector<16xf32>,
          %parallel_loop3A_1046 = arith.addi %parallel_loop3A_1022, %add3A_596 : vector<16xi32>
          tpu.vector_store_idx %arg8[%parallel_loop3A_1046], %parallel_loop3A_1045 : memref<8192xf32, #tpu.memory_space<vmem>>[vector<16xi32>], vector<16xf32>,
          %parallel_loop3A_1047 = arith.addi %parallel_loop3A_1025, %select_n3A_193 : vector<16xi32>
          %parallel_loop3A_1048 = tpu.vector_load_idx %arg6[%parallel_loop3A_1047, %parallel_loop3A_1014] : memref<64x128xf32, #tpu.memory_space<vmem>>[vector<16xi32>, vector<16xi32>], vector<16xf32>,
          %parallel_loop3A_1049 = arith.addi %parallel_loop3A_1022, %add3A_625 : vector<16xi32>
          tpu.vector_store_idx %arg8[%parallel_loop3A_1049], %parallel_loop3A_1048 : memref<8192xf32, #tpu.memory_space<vmem>>[vector<16xi32>], vector<16xf32>,
          %parallel_loop3A_1050 = arith.addi %parallel_loop3A_1025, %select_n3A_218 : vector<16xi32>
          %parallel_loop3A_1051 = tpu.vector_load_idx %arg6[%parallel_loop3A_1050, %parallel_loop3A_1014] : memref<64x128xf32, #tpu.memory_space<vmem>>[vector<16xi32>, vector<16xi32>], vector<16xf32>,
          %parallel_loop3A_1052 = arith.addi %parallel_loop3A_1022, %add3A_654 : vector<16xi32>
          tpu.vector_store_idx %arg8[%parallel_loop3A_1052], %parallel_loop3A_1051 : memref<8192xf32, #tpu.memory_space<vmem>>[vector<16xi32>], vector<16xf32>,
          %parallel_loop3A_1053 = arith.addi %parallel_loop3A_1025, %select_n3A_243 : vector<16xi32>
          %parallel_loop3A_1054 = tpu.vector_load_idx %arg6[%parallel_loop3A_1053, %parallel_loop3A_1014] : memref<64x128xf32, #tpu.memory_space<vmem>>[vector<16xi32>, vector<16xi32>], vector<16xf32>,
          %parallel_loop3A_1055 = arith.addi %parallel_loop3A_1022, %add3A_683 : vector<16xi32>
          tpu.vector_store_idx %arg8[%parallel_loop3A_1055], %parallel_loop3A_1054 : memref<8192xf32, #tpu.memory_space<vmem>>[vector<16xi32>], vector<16xf32>,
          %parallel_loop3A_1056 = arith.addi %parallel_loop3A_1025, %select_n3A_268 : vector<16xi32>
          %parallel_loop3A_1057 = tpu.vector_load_idx %arg6[%parallel_loop3A_1056, %parallel_loop3A_1014] : memref<64x128xf32, #tpu.memory_space<vmem>>[vector<16xi32>, vector<16xi32>], vector<16xf32>,
          %parallel_loop3A_1058 = arith.addi %parallel_loop3A_1022, %add3A_712 : vector<16xi32>
          tpu.vector_store_idx %arg8[%parallel_loop3A_1058], %parallel_loop3A_1057 : memref<8192xf32, #tpu.memory_space<vmem>>[vector<16xi32>], vector<16xf32>,
          %parallel_loop3A_1059 = arith.addi %parallel_loop3A_1025, %select_n3A_293 : vector<16xi32>
          %parallel_loop3A_1060 = tpu.vector_load_idx %arg6[%parallel_loop3A_1059, %parallel_loop3A_1014] : memref<64x128xf32, #tpu.memory_space<vmem>>[vector<16xi32>, vector<16xi32>], vector<16xf32>,
          %parallel_loop3A_1061 = arith.addi %parallel_loop3A_1022, %add3A_741 : vector<16xi32>
          tpu.vector_store_idx %arg8[%parallel_loop3A_1061], %parallel_loop3A_1060 : memref<8192xf32, #tpu.memory_space<vmem>>[vector<16xi32>], vector<16xf32>,
          %parallel_loop3A_1062 = arith.addi %parallel_loop3A_1025, %select_n3A_318 : vector<16xi32>
          %parallel_loop3A_1063 = tpu.vector_load_idx %arg6[%parallel_loop3A_1062, %parallel_loop3A_1014] : memref<64x128xf32, #tpu.memory_space<vmem>>[vector<16xi32>, vector<16xi32>], vector<16xf32>,
          %parallel_loop3A_1064 = arith.addi %parallel_loop3A_1022, %add3A_770 : vector<16xi32>
          tpu.vector_store_idx %arg8[%parallel_loop3A_1064], %parallel_loop3A_1063 : memref<8192xf32, #tpu.memory_space<vmem>>[vector<16xi32>], vector<16xf32>,
          %parallel_loop3A_1065 = arith.addi %parallel_loop3A_1025, %select_n3A_343 : vector<16xi32>
          %parallel_loop3A_1066 = tpu.vector_load_idx %arg6[%parallel_loop3A_1065, %parallel_loop3A_1014] : memref<64x128xf32, #tpu.memory_space<vmem>>[vector<16xi32>, vector<16xi32>], vector<16xf32>,
          %parallel_loop3A_1067 = arith.addi %parallel_loop3A_1022, %add3A_799 : vector<16xi32>
          tpu.vector_store_idx %arg8[%parallel_loop3A_1067], %parallel_loop3A_1066 : memref<8192xf32, #tpu.memory_space<vmem>>[vector<16xi32>], vector<16xf32>,
          %parallel_loop3A_1068 = arith.addi %parallel_loop3A_1025, %select_n3A_368 : vector<16xi32>
          %parallel_loop3A_1069 = tpu.vector_load_idx %arg6[%parallel_loop3A_1068, %parallel_loop3A_1014] : memref<64x128xf32, #tpu.memory_space<vmem>>[vector<16xi32>, vector<16xi32>], vector<16xf32>,
          %parallel_loop3A_1070 = arith.addi %parallel_loop3A_1022, %add3A_828 : vector<16xi32>
          tpu.vector_store_idx %arg8[%parallel_loop3A_1070], %parallel_loop3A_1069 : memref<8192xf32, #tpu.memory_space<vmem>>[vector<16xi32>], vector<16xf32>,
          %parallel_loop3A_1071 = arith.addi %parallel_loop3A_1025, %select_n3A_393 : vector<16xi32>
          %parallel_loop3A_1072 = tpu.vector_load_idx %arg6[%parallel_loop3A_1071, %parallel_loop3A_1014] : memref<64x128xf32, #tpu.memory_space<vmem>>[vector<16xi32>, vector<16xi32>], vector<16xf32>,
          %parallel_loop3A_1073 = arith.addi %parallel_loop3A_1022, %add3A_857 : vector<16xi32>
          tpu.vector_store_idx %arg8[%parallel_loop3A_1073], %parallel_loop3A_1072 : memref<8192xf32, #tpu.memory_space<vmem>>[vector<16xi32>], vector<16xf32>,
        } {sc.loop_unroll_factor = 2 : i64, sc.parallel_access}
        %mul3A_957 = arith.constant 32 : i32
        %mul3A_958 = arith.muli %mul3A_957, %add3A_920 : i32
        %add3A_959 = arith.addi %add3A, %mul3A_958 : i32
        %mul3A_960 = arith.constant 128 : i32
        %mul3A_961 = arith.muli %add3A_959, %mul3A_960 : i32
        %mul3A_962 = arith.constant 64 : i32
        %mul3A_963 = arith.muli %mul3A_961, %mul3A_962 : i32
        %dma_start3A_964 = arith.constant 0 : i32
        %dma_start3A_965 = tpu.memref_slice %arg8[%dma_start3A_964] : memref<8192xf32, #tpu.memory_space<vmem>> -> memref<8192xf32, #tpu.memory_space<vmem>>
        %dma_start3A_966 = tpu.memref_slice %arg4[%mul3A_963] : memref<64000000xf32, #tpu.memory_space<hbm>> -> memref<8192xf32, #tpu.memory_space<hbm>>
        %dma_start3A_967 = tpu.memref_slice %arg4[%mul3A_963] : memref<64000000xf32, #tpu.memory_space<hbm>> -> memref<8192xf32, #tpu.memory_space<hbm>>
        %dma_start3A_968 = arith.constant 0 : i32
        %dma_start3A_969 = tpu.memref_slice %arg8[%dma_start3A_968] : memref<8192xf32, #tpu.memory_space<vmem>> -> memref<8192xf32, #tpu.memory_space<vmem>>
        tpu.enqueue_dma source(%dma_start3A_969 : memref<8192xf32, #tpu.memory_space<vmem>>) target(%dma_start3A_967 : memref<8192xf32, #tpu.memory_space<hbm>>) target_semaphore(%arg12 : memref<!tpu.dma_semaphore, #tpu.memory_space<semaphore_mem>>)
      } else {
      }
    }
    %scan3A_875 = arith.constant 123 : i32
    %dma_wait3A = arith.constant 0 : i32
    %dma_wait3A_876 = tpu.memref_slice %arg7[%dma_wait3A] : memref<8192xf32, #tpu.memory_space<vmem>> -> memref<8192xf32, #tpu.memory_space<vmem>>
    %dma_wait3A_877 = arith.constant 0 : i32
    %dma_wait3A_878 = tpu.memref_slice %arg4[%dma_wait3A_877] : memref<64000000xf32, #tpu.memory_space<hbm>> -> memref<8192xf32, #tpu.memory_space<hbm>>
    %dma_wait3A_879 = arith.constant 0 : i32
    %dma_wait3A_880 = tpu.memref_slice %arg4[%dma_wait3A_879] : memref<64000000xf32, #tpu.memory_space<hbm>> -> memref<8192xf32, #tpu.memory_space<hbm>>
    %dma_wait3A_881 = arith.constant 0 : i32
    %dma_wait3A_882 = tpu.memref_slice %arg7[%dma_wait3A_881] : memref<8192xf32, #tpu.memory_space<vmem>> -> memref<8192xf32, #tpu.memory_space<vmem>>
    tpu.wait_dma2 semaphore(%arg11 : memref<!tpu.dma_semaphore, #tpu.memory_space<semaphore_mem>>) src(%dma_wait3A_882 : memref<8192xf32, #tpu.memory_space<vmem>>) dst(%dma_wait3A_880 : memref<8192xf32, #tpu.memory_space<hbm>>)
    %dma_wait3A_883 = arith.constant 0 : i32
    %dma_wait3A_884 = tpu.memref_slice %arg8[%dma_wait3A_883] : memref<8192xf32, #tpu.memory_space<vmem>> -> memref<8192xf32, #tpu.memory_space<vmem>>
    %dma_wait3A_885 = arith.constant 0 : i32
    %dma_wait3A_886 = tpu.memref_slice %arg4[%dma_wait3A_885] : memref<64000000xf32, #tpu.memory_space<hbm>> -> memref<8192xf32, #tpu.memory_space<hbm>>
    %dma_wait3A_887 = arith.constant 0 : i32
    %dma_wait3A_888 = tpu.memref_slice %arg4[%dma_wait3A_887] : memref<64000000xf32, #tpu.memory_space<hbm>> -> memref<8192xf32, #tpu.memory_space<hbm>>
    %dma_wait3A_889 = arith.constant 0 : i32
    %dma_wait3A_890 = tpu.memref_slice %arg8[%dma_wait3A_889] : memref<8192xf32, #tpu.memory_space<vmem>> -> memref<8192xf32, #tpu.memory_space<vmem>>
    tpu.wait_dma2 semaphore(%arg12 : memref<!tpu.dma_semaphore, #tpu.memory_space<semaphore_mem>>) src(%dma_wait3A_890 : memref<8192xf32, #tpu.memory_space<vmem>>) dst(%dma_wait3A_888 : memref<8192xf32, #tpu.memory_space<hbm>>)
    %eq3A_891 = arith.constant 0 : i32
    %eq3A_892 = arith.cmpi eq, %add3A, %eq3A_891 : i32
    %convert_element_type3A = arith.extui %eq3A_892 : i1 to i32
    %cond3A = arith.constant 0 : i32
    %cond3A_893 = arith.cmpi ne, %convert_element_type3A, %cond3A : i32
    scf.if %cond3A_893 {
      "tpu.region"() ({
        %run_scoped3A = tpu.sem_alloc : memref<!tpu.dma_semaphore, #tpu.memory_space<semaphore_mem>>
        %dma_start3A_894 = arith.constant 0 : i32
        %dma_start3A_895 = tpu.memref_slice %arg7[%dma_start3A_894] : memref<8192xf32, #tpu.memory_space<vmem>> -> memref<4096xf32, #tpu.memory_space<vmem>>
        %dma_start3A_896 = arith.constant 0 : i32
        %dma_start3A_897 = tpu.memref_slice %arg7[%dma_start3A_896] : memref<8192xf32, #tpu.memory_space<vmem>> -> memref<4096xf32, #tpu.memory_space<vmem>>
        tpu.enqueue_dma source(%arg3 : memref<4096xf32, #tpu.memory_space<hbm>>) target(%dma_start3A_897 : memref<4096xf32, #tpu.memory_space<vmem>>) target_semaphore(%run_scoped3A : memref<!tpu.dma_semaphore, #tpu.memory_space<semaphore_mem>>)
        %dma_wait3A_898 = arith.constant 0 : i32
        %dma_wait3A_899 = tpu.memref_slice %arg7[%dma_wait3A_898] : memref<8192xf32, #tpu.memory_space<vmem>> -> memref<4096xf32, #tpu.memory_space<vmem>>
        %dma_wait3A_900 = arith.constant 0 : i32
        %dma_wait3A_901 = tpu.memref_slice %arg7[%dma_wait3A_900] : memref<8192xf32, #tpu.memory_space<vmem>> -> memref<4096xf32, #tpu.memory_space<vmem>>
        tpu.wait_dma2 semaphore(%run_scoped3A : memref<!tpu.dma_semaphore, #tpu.memory_space<semaphore_mem>>) src(%arg3 : memref<4096xf32, #tpu.memory_space<hbm>>) dst(%dma_wait3A_901 : memref<4096xf32, #tpu.memory_space<vmem>>)
        tpu.yield
      }) : () -> ()
      "tpu.region"() ({
        %run_scoped3A = tpu.sem_alloc : memref<!tpu.dma_semaphore, #tpu.memory_space<semaphore_mem>>
        %dma_start3A_894 = arith.constant 0 : i32
        %dma_start3A_895 = tpu.memref_slice %arg7[%dma_start3A_894] : memref<8192xf32, #tpu.memory_space<vmem>> -> memref<4096xf32, #tpu.memory_space<vmem>>
        %dma_start3A_896 = arith.constant 63995904 : i32
        %dma_start3A_897 = tpu.memref_slice %arg4[%dma_start3A_896] : memref<64000000xf32, #tpu.memory_space<hbm>> -> memref<4096xf32, #tpu.memory_space<hbm>>
        %dma_start3A_898 = arith.constant 63995904 : i32
        %dma_start3A_899 = tpu.memref_slice %arg4[%dma_start3A_898] : memref<64000000xf32, #tpu.memory_space<hbm>> -> memref<4096xf32, #tpu.memory_space<hbm>>
        %dma_start3A_900 = arith.constant 0 : i32
        %dma_start3A_901 = tpu.memref_slice %arg7[%dma_start3A_900] : memref<8192xf32, #tpu.memory_space<vmem>> -> memref<4096xf32, #tpu.memory_space<vmem>>
        tpu.enqueue_dma source(%dma_start3A_901 : memref<4096xf32, #tpu.memory_space<vmem>>) target(%dma_start3A_899 : memref<4096xf32, #tpu.memory_space<hbm>>) target_semaphore(%run_scoped3A : memref<!tpu.dma_semaphore, #tpu.memory_space<semaphore_mem>>)
        %dma_wait3A_902 = arith.constant 0 : i32
        %dma_wait3A_903 = tpu.memref_slice %arg7[%dma_wait3A_902] : memref<8192xf32, #tpu.memory_space<vmem>> -> memref<4096xf32, #tpu.memory_space<vmem>>
        %dma_wait3A_904 = arith.constant 63995904 : i32
        %dma_wait3A_905 = tpu.memref_slice %arg4[%dma_wait3A_904] : memref<64000000xf32, #tpu.memory_space<hbm>> -> memref<4096xf32, #tpu.memory_space<hbm>>
        %dma_wait3A_906 = arith.constant 63995904 : i32
        %dma_wait3A_907 = tpu.memref_slice %arg4[%dma_wait3A_906] : memref<64000000xf32, #tpu.memory_space<hbm>> -> memref<4096xf32, #tpu.memory_space<hbm>>
        %dma_wait3A_908 = arith.constant 0 : i32
        %dma_wait3A_909 = tpu.memref_slice %arg7[%dma_wait3A_908] : memref<8192xf32, #tpu.memory_space<vmem>> -> memref<4096xf32, #tpu.memory_space<vmem>>
        tpu.wait_dma2 semaphore(%run_scoped3A : memref<!tpu.dma_semaphore, #tpu.memory_space<semaphore_mem>>) src(%dma_wait3A_909 : memref<4096xf32, #tpu.memory_space<vmem>>) dst(%dma_wait3A_907 : memref<4096xf32, #tpu.memory_space<hbm>>)
        tpu.yield
      }) : () -> ()
    } else {
    }
    return
  }
}

#map = affine_map<(d0, d1) -> (0)>
#map1 = affine_map<(d0, d1) -> (0, 0)>
#map2 = affine_map<(d0, d1) -> (0, 0, 0, 0, 0)>
module attributes {stable_mosaic.version = 14 : i64} {
  func.func @gather_kernel(%arg0: i32, %arg1: i32, %arg2: memref<819200xi32, #tpu.memory_space<hbm>>, %arg3: memref<1000000x64xf32, #tpu.memory_space<hbm>>, %arg4: memref<200x8x32x8x128xf32, #tpu.memory_space<hbm>>, %arg5: memref<25600xi32, #tpu.memory_space<vmem>>, %arg6: memref<2x128x64xf32, #tpu.memory_space<vmem>>, %arg7: memref<2x8x8x129xf32, #tpu.memory_space<vmem>>, %arg8: memref<!tpu.dma_semaphore, #tpu.memory_space<semaphore_mem>>, %arg9: memref<!tpu.dma_semaphore, #tpu.memory_space<semaphore_mem>>, %arg10: memref<!tpu.dma_semaphore, #tpu.memory_space<semaphore_mem>>, %arg11: memref<!tpu.dma_semaphore, #tpu.memory_space<semaphore_mem>>) attributes {dimension_semantics = [#tpu.dimension_semantics<core_parallel>, #tpu.dimension_semantics<subcore_parallel>], iteration_bounds = array<i64: 2, 16>, scalar_prefetch = 0 : i64, scratch_operands = 7 : i64, tpu.core_type = #tpu.core_type<sc_vector_subcore>, window_params = [{transform_indices = #map}, {transform_indices = #map1}, {transform_indices = #map2}]} {
    %mul3A = arith.constant 2 : i32
    %mul3A_0 = arith.muli %arg1, %mul3A : i32
    %add3A = arith.addi %mul3A_0, %arg0 : i32
    %mul3A_1 = arith.constant 200 : i32
    %mul3A_2 = arith.muli %add3A, %mul3A_1 : i32
    %mul3A_3 = arith.constant 128 : i32
    %mul3A_4 = arith.muli %mul3A_2, %mul3A_3 : i32
    "tpu.region"() ({
      %run_scoped3A = tpu.sem_alloc : memref<!tpu.dma_semaphore, #tpu.memory_space<semaphore_mem>>
      %dma_start3A_354 = tpu.memref_slice %arg2[%mul3A_4] : memref<819200xi32, #tpu.memory_space<hbm>> -> memref<25600xi32, #tpu.memory_space<hbm>>
      %dma_start3A_355 = tpu.memref_slice %arg2[%mul3A_4] : memref<819200xi32, #tpu.memory_space<hbm>> -> memref<25600xi32, #tpu.memory_space<hbm>>
      tpu.enqueue_dma source(%dma_start3A_355 : memref<25600xi32, #tpu.memory_space<hbm>>) target(%arg5 : memref<25600xi32, #tpu.memory_space<vmem>>) target_semaphore(%run_scoped3A : memref<!tpu.dma_semaphore, #tpu.memory_space<semaphore_mem>>)
      %dma_wait3A_356 = tpu.memref_slice %arg2[%mul3A_4] : memref<819200xi32, #tpu.memory_space<hbm>> -> memref<25600xi32, #tpu.memory_space<hbm>>
      %dma_wait3A_357 = tpu.memref_slice %arg2[%mul3A_4] : memref<819200xi32, #tpu.memory_space<hbm>> -> memref<25600xi32, #tpu.memory_space<hbm>>
      tpu.wait_dma2 semaphore(%run_scoped3A : memref<!tpu.dma_semaphore, #tpu.memory_space<semaphore_mem>>) src(%dma_wait3A_357 : memref<25600xi32, #tpu.memory_space<hbm>>) dst(%arg5 : memref<25600xi32, #tpu.memory_space<vmem>>)
      tpu.yield
    }) : () -> ()
    %dma_start3A = arith.constant 0 : i32
    %dma_start3A_5 = arith.constant 0 : i32
    %dma_start3A_6 = arith.constant 0 : i32
    %dma_start3A_7 = tpu.memref_slice %arg6[%dma_start3A, %dma_start3A_5, %dma_start3A_6] : memref<2x128x64xf32, #tpu.memory_space<vmem>> -> memref<1x128x64xf32, #tpu.memory_space<vmem>>
    %dma_start3A_8 = tpu.memref_squeeze %dma_start3A_7 : memref<1x128x64xf32, #tpu.memory_space<vmem>> -> memref<128x64xf32, #tpu.memory_space<vmem>>
    %dma_start3A_9 = arith.constant 0 : i32
    %dma_start3A_10 = tpu.memref_slice %arg5[%dma_start3A_9] : memref<25600xi32, #tpu.memory_space<vmem>> -> memref<128xi32, #tpu.memory_space<vmem>>
    %dma_start3A_11 = arith.constant 0 : i32
    %dma_start3A_12 = arith.constant 0 : i32
    %dma_start3A_13 = tpu.memref_slice %arg3[%dma_start3A_11, %dma_start3A_12] : memref<1000000x64xf32, #tpu.memory_space<hbm>> -> memref<1000000x64xf32, #tpu.memory_space<hbm>>
    tpu.enqueue_indirect_dma source(%dma_start3A_13 : memref<1000000x64xf32, #tpu.memory_space<hbm>>) target(%dma_start3A_8 : memref<128x64xf32, #tpu.memory_space<vmem>>) offsets(%dma_start3A_10 : memref<128xi32, #tpu.memory_space<vmem>>) semaphore(%arg8 : memref<!tpu.dma_semaphore, #tpu.memory_space<semaphore_mem>>)
    %scan3A = arith.constant 0 : i32
    %scan3A_14 = arith.constant 0 : i32
    %scan3A_15 = arith.constant 100 : i32
    %scan3A_16 = arith.addi %scan3A_14, %scan3A_15 : i32
    %scan3A_17 = arith.constant 1 : i32
    scf.for %scan3A_354 = %scan3A_14 to %scan3A_16 step %scan3A_17  : i32 {
      %mul3A_355 = arith.constant 2 : i32
      %mul3A_356 = arith.muli %mul3A_355, %scan3A_354 : i32
      %add3A_357 = arith.constant 0 : i32
      %add3A_358 = arith.addi %mul3A_356, %add3A_357 : i32
      %add3A_359 = arith.constant 1 : i32
      %add3A_360 = arith.addi %add3A_358, %add3A_359 : i32
      %lt3A = arith.constant 200 : i32
      %lt3A_361 = arith.cmpi slt, %add3A_360, %lt3A : i32
      %convert_element_type3A = arith.extui %lt3A_361 : i1 to i32
      %cond3A = arith.constant 0 : i32
      %cond3A_362 = arith.cmpi ne, %convert_element_type3A, %cond3A : i32
      scf.if %cond3A_362 {
        %add3A_1260 = arith.constant 1 : i32
        %add3A_1261 = arith.addi %add3A_358, %add3A_1260 : i32
        %mul3A_1262 = arith.constant 128 : i32
        %mul3A_1263 = arith.muli %add3A_1261, %mul3A_1262 : i32
        %dma_start3A_1264 = arith.constant 1 : i32
        %dma_start3A_1265 = arith.constant 0 : i32
        %dma_start3A_1266 = arith.constant 0 : i32
        %dma_start3A_1267 = tpu.memref_slice %arg6[%dma_start3A_1264, %dma_start3A_1265, %dma_start3A_1266] : memref<2x128x64xf32, #tpu.memory_space<vmem>> -> memref<1x128x64xf32, #tpu.memory_space<vmem>>
        %dma_start3A_1268 = tpu.memref_squeeze %dma_start3A_1267 : memref<1x128x64xf32, #tpu.memory_space<vmem>> -> memref<128x64xf32, #tpu.memory_space<vmem>>
        %dma_start3A_1269 = tpu.memref_slice %arg5[%mul3A_1263] : memref<25600xi32, #tpu.memory_space<vmem>> -> memref<128xi32, #tpu.memory_space<vmem>>
        %dma_start3A_1270 = arith.constant 0 : i32
        %dma_start3A_1271 = arith.constant 0 : i32
        %dma_start3A_1272 = tpu.memref_slice %arg3[%dma_start3A_1270, %dma_start3A_1271] : memref<1000000x64xf32, #tpu.memory_space<hbm>> -> memref<1000000x64xf32, #tpu.memory_space<hbm>>
        tpu.enqueue_indirect_dma source(%dma_start3A_1272 : memref<1000000x64xf32, #tpu.memory_space<hbm>>) target(%dma_start3A_1268 : memref<128x64xf32, #tpu.memory_space<vmem>>) offsets(%dma_start3A_1269 : memref<128xi32, #tpu.memory_space<vmem>>) semaphore(%arg9 : memref<!tpu.dma_semaphore, #tpu.memory_space<semaphore_mem>>)
      } else {
      }
      %dma_wait3A_363 = arith.constant 0 : i32
      %dma_wait3A_364 = arith.constant 0 : i32
      %dma_wait3A_365 = arith.constant 0 : i32
      %dma_wait3A_366 = tpu.memref_slice %arg6[%dma_wait3A_363, %dma_wait3A_364, %dma_wait3A_365] : memref<2x128x64xf32, #tpu.memory_space<vmem>> -> memref<1x128x64xf32, #tpu.memory_space<vmem>>
      %dma_wait3A_367 = tpu.memref_squeeze %dma_wait3A_366 : memref<1x128x64xf32, #tpu.memory_space<vmem>> -> memref<128x64xf32, #tpu.memory_space<vmem>>
      %dma_wait3A_368 = arith.constant 0 : i32
      %dma_wait3A_369 = tpu.memref_slice %arg5[%dma_wait3A_368] : memref<25600xi32, #tpu.memory_space<vmem>> -> memref<128xi32, #tpu.memory_space<vmem>>
      %dma_wait3A_370 = arith.constant 0 : i32
      %dma_wait3A_371 = arith.constant 0 : i32
      %dma_wait3A_372 = tpu.memref_slice %arg3[%dma_wait3A_370, %dma_wait3A_371] : memref<1000000x64xf32, #tpu.memory_space<hbm>> -> memref<1000000x64xf32, #tpu.memory_space<hbm>>
      tpu.wait_indirect_dma semaphore(%arg8 : memref<!tpu.dma_semaphore, #tpu.memory_space<semaphore_mem>>) src(%dma_wait3A_372 : memref<1000000x64xf32, #tpu.memory_space<hbm>>) dst(%dma_wait3A_367 : memref<128x64xf32, #tpu.memory_space<vmem>>)
      %ge3A = arith.constant 2 : i32
      %ge3A_373 = arith.cmpi sge, %add3A_358, %ge3A : i32
      %convert_element_type3A_374 = arith.extui %ge3A_373 : i1 to i32
      %cond3A_375 = arith.constant 0 : i32
      %cond3A_376 = arith.cmpi ne, %convert_element_type3A_374, %cond3A_375 : i32
      scf.if %cond3A_376 {
        %dma_wait3A_1260 = arith.constant 0 : i32
        %dma_wait3A_1261 = arith.constant 0 : i32
        %dma_wait3A_1262 = arith.constant 0 : i32
        %dma_wait3A_1263 = arith.constant 0 : i32
        %dma_wait3A_1264 = arith.constant 0 : i32
        %dma_wait3A_1265 = arith.constant 0 : i32
        %dma_wait3A_1266 = arith.constant 0 : i32
        %dma_wait3A_1267 = tpu.memref_slice %arg7[%dma_wait3A_1260, %dma_wait3A_1261, %dma_wait3A_1265, %dma_wait3A_1266] : memref<2x8x8x129xf32, #tpu.memory_space<vmem>> -> memref<1x1x8x128xf32, #tpu.memory_space<vmem>>
        %dma_wait3A_1268 = tpu.memref_squeeze %dma_wait3A_1267 : memref<1x1x8x128xf32, #tpu.memory_space<vmem>> -> memref<8x128xf32, #tpu.memory_space<vmem>>
        %dma_wait3A_1269 = arith.constant 0 : i32
        %dma_wait3A_1270 = arith.constant 0 : i32
        %dma_wait3A_1271 = tpu.memref_slice %arg4[%dma_wait3A_1262, %dma_wait3A_1263, %dma_wait3A_1264, %dma_wait3A_1269, %dma_wait3A_1270] : memref<200x8x32x8x128xf32, #tpu.memory_space<hbm>> -> memref<1x1x1x8x128xf32, #tpu.memory_space<hbm>>
        %dma_wait3A_1272 = tpu.memref_squeeze %dma_wait3A_1271 : memref<1x1x1x8x128xf32, #tpu.memory_space<hbm>> -> memref<8x128xf32, #tpu.memory_space<hbm>>
        %dma_wait3A_1273 = arith.constant 0 : i32
        %dma_wait3A_1274 = arith.constant 0 : i32
        %dma_wait3A_1275 = tpu.memref_slice %arg4[%dma_wait3A_1262, %dma_wait3A_1263, %dma_wait3A_1264, %dma_wait3A_1273, %dma_wait3A_1274] : memref<200x8x32x8x128xf32, #tpu.memory_space<hbm>> -> memref<1x1x1x8x128xf32, #tpu.memory_space<hbm>>
        %dma_wait3A_1276 = tpu.memref_squeeze %dma_wait3A_1275 : memref<1x1x1x8x128xf32, #tpu.memory_space<hbm>> -> memref<8x128xf32, #tpu.memory_space<hbm>>
        %dma_wait3A_1277 = arith.constant 0 : i32
        %dma_wait3A_1278 = arith.constant 0 : i32
        %dma_wait3A_1279 = tpu.memref_slice %arg7[%dma_wait3A_1260, %dma_wait3A_1261, %dma_wait3A_1277, %dma_wait3A_1278] : memref<2x8x8x129xf32, #tpu.memory_space<vmem>> -> memref<1x1x8x128xf32, #tpu.memory_space<vmem>>
        %dma_wait3A_1280 = tpu.memref_squeeze %dma_wait3A_1279 : memref<1x1x8x128xf32, #tpu.memory_space<vmem>> -> memref<8x128xf32, #tpu.memory_space<vmem>>
        tpu.wait_dma2 semaphore(%arg10 : memref<!tpu.dma_semaphore, #tpu.memory_space<semaphore_mem>>) src(%dma_wait3A_1280 : memref<8x128xf32, #tpu.memory_space<vmem>>) dst(%dma_wait3A_1276 : memref<8x128xf32, #tpu.memory_space<hbm>>)
        %dma_wait3A_1281 = arith.constant 0 : i32
        %dma_wait3A_1282 = arith.constant 1 : i32
        %dma_wait3A_1283 = arith.constant 0 : i32
        %dma_wait3A_1284 = arith.constant 1 : i32
        %dma_wait3A_1285 = arith.constant 0 : i32
        %dma_wait3A_1286 = arith.constant 0 : i32
        %dma_wait3A_1287 = arith.constant 0 : i32
        %dma_wait3A_1288 = tpu.memref_slice %arg7[%dma_wait3A_1281, %dma_wait3A_1282, %dma_wait3A_1286, %dma_wait3A_1287] : memref<2x8x8x129xf32, #tpu.memory_space<vmem>> -> memref<1x1x8x128xf32, #tpu.memory_space<vmem>>
        %dma_wait3A_1289 = tpu.memref_squeeze %dma_wait3A_1288 : memref<1x1x8x128xf32, #tpu.memory_space<vmem>> -> memref<8x128xf32, #tpu.memory_space<vmem>>
        %dma_wait3A_1290 = arith.constant 0 : i32
        %dma_wait3A_1291 = arith.constant 0 : i32
        %dma_wait3A_1292 = tpu.memref_slice %arg4[%dma_wait3A_1283, %dma_wait3A_1284, %dma_wait3A_1285, %dma_wait3A_1290, %dma_wait3A_1291] : memref<200x8x32x8x128xf32, #tpu.memory_space<hbm>> -> memref<1x1x1x8x128xf32, #tpu.memory_space<hbm>>
        %dma_wait3A_1293 = tpu.memref_squeeze %dma_wait3A_1292 : memref<1x1x1x8x128xf32, #tpu.memory_space<hbm>> -> memref<8x128xf32, #tpu.memory_space<hbm>>
        %dma_wait3A_1294 = arith.constant 0 : i32
        %dma_wait3A_1295 = arith.constant 0 : i32
        %dma_wait3A_1296 = tpu.memref_slice %arg4[%dma_wait3A_1283, %dma_wait3A_1284, %dma_wait3A_1285, %dma_wait3A_1294, %dma_wait3A_1295] : memref<200x8x32x8x128xf32, #tpu.memory_space<hbm>> -> memref<1x1x1x8x128xf32, #tpu.memory_space<hbm>>
        %dma_wait3A_1297 = tpu.memref_squeeze %dma_wait3A_1296 : memref<1x1x1x8x128xf32, #tpu.memory_space<hbm>> -> memref<8x128xf32, #tpu.memory_space<hbm>>
        %dma_wait3A_1298 = arith.constant 0 : i32
        %dma_wait3A_1299 = arith.constant 0 : i32
        %dma_wait3A_1300 = tpu.memref_slice %arg7[%dma_wait3A_1281, %dma_wait3A_1282, %dma_wait3A_1298, %dma_wait3A_1299] : memref<2x8x8x129xf32, #tpu.memory_space<vmem>> -> memref<1x1x8x128xf32, #tpu.memory_space<vmem>>
        %dma_wait3A_1301 = tpu.memref_squeeze %dma_wait3A_1300 : memref<1x1x8x128xf32, #tpu.memory_space<vmem>> -> memref<8x128xf32, #tpu.memory_space<vmem>>
        tpu.wait_dma2 semaphore(%arg10 : memref<!tpu.dma_semaphore, #tpu.memory_space<semaphore_mem>>) src(%dma_wait3A_1301 : memref<8x128xf32, #tpu.memory_space<vmem>>) dst(%dma_wait3A_1297 : memref<8x128xf32, #tpu.memory_space<hbm>>)
        %dma_wait3A_1302 = arith.constant 0 : i32
        %dma_wait3A_1303 = arith.constant 2 : i32
        %dma_wait3A_1304 = arith.constant 0 : i32
        %dma_wait3A_1305 = arith.constant 2 : i32
        %dma_wait3A_1306 = arith.constant 0 : i32
        %dma_wait3A_1307 = arith.constant 0 : i32
        %dma_wait3A_1308 = arith.constant 0 : i32
        %dma_wait3A_1309 = tpu.memref_slice %arg7[%dma_wait3A_1302, %dma_wait3A_1303, %dma_wait3A_1307, %dma_wait3A_1308] : memref<2x8x8x129xf32, #tpu.memory_space<vmem>> -> memref<1x1x8x128xf32, #tpu.memory_space<vmem>>
        %dma_wait3A_1310 = tpu.memref_squeeze %dma_wait3A_1309 : memref<1x1x8x128xf32, #tpu.memory_space<vmem>> -> memref<8x128xf32, #tpu.memory_space<vmem>>
        %dma_wait3A_1311 = arith.constant 0 : i32
        %dma_wait3A_1312 = arith.constant 0 : i32
        %dma_wait3A_1313 = tpu.memref_slice %arg4[%dma_wait3A_1304, %dma_wait3A_1305, %dma_wait3A_1306, %dma_wait3A_1311, %dma_wait3A_1312] : memref<200x8x32x8x128xf32, #tpu.memory_space<hbm>> -> memref<1x1x1x8x128xf32, #tpu.memory_space<hbm>>
        %dma_wait3A_1314 = tpu.memref_squeeze %dma_wait3A_1313 : memref<1x1x1x8x128xf32, #tpu.memory_space<hbm>> -> memref<8x128xf32, #tpu.memory_space<hbm>>
        %dma_wait3A_1315 = arith.constant 0 : i32
        %dma_wait3A_1316 = arith.constant 0 : i32
        %dma_wait3A_1317 = tpu.memref_slice %arg4[%dma_wait3A_1304, %dma_wait3A_1305, %dma_wait3A_1306, %dma_wait3A_1315, %dma_wait3A_1316] : memref<200x8x32x8x128xf32, #tpu.memory_space<hbm>> -> memref<1x1x1x8x128xf32, #tpu.memory_space<hbm>>
        %dma_wait3A_1318 = tpu.memref_squeeze %dma_wait3A_1317 : memref<1x1x1x8x128xf32, #tpu.memory_space<hbm>> -> memref<8x128xf32, #tpu.memory_space<hbm>>
        %dma_wait3A_1319 = arith.constant 0 : i32
        %dma_wait3A_1320 = arith.constant 0 : i32
        %dma_wait3A_1321 = tpu.memref_slice %arg7[%dma_wait3A_1302, %dma_wait3A_1303, %dma_wait3A_1319, %dma_wait3A_1320] : memref<2x8x8x129xf32, #tpu.memory_space<vmem>> -> memref<1x1x8x128xf32, #tpu.memory_space<vmem>>
        %dma_wait3A_1322 = tpu.memref_squeeze %dma_wait3A_1321 : memref<1x1x8x128xf32, #tpu.memory_space<vmem>> -> memref<8x128xf32, #tpu.memory_space<vmem>>
        tpu.wait_dma2 semaphore(%arg10 : memref<!tpu.dma_semaphore, #tpu.memory_space<semaphore_mem>>) src(%dma_wait3A_1322 : memref<8x128xf32, #tpu.memory_space<vmem>>) dst(%dma_wait3A_1318 : memref<8x128xf32, #tpu.memory_space<hbm>>)
        %dma_wait3A_1323 = arith.constant 0 : i32
        %dma_wait3A_1324 = arith.constant 3 : i32
        %dma_wait3A_1325 = arith.constant 0 : i32
        %dma_wait3A_1326 = arith.constant 3 : i32
        %dma_wait3A_1327 = arith.constant 0 : i32
        %dma_wait3A_1328 = arith.constant 0 : i32
        %dma_wait3A_1329 = arith.constant 0 : i32
        %dma_wait3A_1330 = tpu.memref_slice %arg7[%dma_wait3A_1323, %dma_wait3A_1324, %dma_wait3A_1328, %dma_wait3A_1329] : memref<2x8x8x129xf32, #tpu.memory_space<vmem>> -> memref<1x1x8x128xf32, #tpu.memory_space<vmem>>
        %dma_wait3A_1331 = tpu.memref_squeeze %dma_wait3A_1330 : memref<1x1x8x128xf32, #tpu.memory_space<vmem>> -> memref<8x128xf32, #tpu.memory_space<vmem>>
        %dma_wait3A_1332 = arith.constant 0 : i32
        %dma_wait3A_1333 = arith.constant 0 : i32
        %dma_wait3A_1334 = tpu.memref_slice %arg4[%dma_wait3A_1325, %dma_wait3A_1326, %dma_wait3A_1327, %dma_wait3A_1332, %dma_wait3A_1333] : memref<200x8x32x8x128xf32, #tpu.memory_space<hbm>> -> memref<1x1x1x8x128xf32, #tpu.memory_space<hbm>>
        %dma_wait3A_1335 = tpu.memref_squeeze %dma_wait3A_1334 : memref<1x1x1x8x128xf32, #tpu.memory_space<hbm>> -> memref<8x128xf32, #tpu.memory_space<hbm>>
        %dma_wait3A_1336 = arith.constant 0 : i32
        %dma_wait3A_1337 = arith.constant 0 : i32
        %dma_wait3A_1338 = tpu.memref_slice %arg4[%dma_wait3A_1325, %dma_wait3A_1326, %dma_wait3A_1327, %dma_wait3A_1336, %dma_wait3A_1337] : memref<200x8x32x8x128xf32, #tpu.memory_space<hbm>> -> memref<1x1x1x8x128xf32, #tpu.memory_space<hbm>>
        %dma_wait3A_1339 = tpu.memref_squeeze %dma_wait3A_1338 : memref<1x1x1x8x128xf32, #tpu.memory_space<hbm>> -> memref<8x128xf32, #tpu.memory_space<hbm>>
        %dma_wait3A_1340 = arith.constant 0 : i32
        %dma_wait3A_1341 = arith.constant 0 : i32
        %dma_wait3A_1342 = tpu.memref_slice %arg7[%dma_wait3A_1323, %dma_wait3A_1324, %dma_wait3A_1340, %dma_wait3A_1341] : memref<2x8x8x129xf32, #tpu.memory_space<vmem>> -> memref<1x1x8x128xf32, #tpu.memory_space<vmem>>
        %dma_wait3A_1343 = tpu.memref_squeeze %dma_wait3A_1342 : memref<1x1x8x128xf32, #tpu.memory_space<vmem>> -> memref<8x128xf32, #tpu.memory_space<vmem>>
        tpu.wait_dma2 semaphore(%arg10 : memref<!tpu.dma_semaphore, #tpu.memory_space<semaphore_mem>>) src(%dma_wait3A_1343 : memref<8x128xf32, #tpu.memory_space<vmem>>) dst(%dma_wait3A_1339 : memref<8x128xf32, #tpu.memory_space<hbm>>)
        %dma_wait3A_1344 = arith.constant 0 : i32
        %dma_wait3A_1345 = arith.constant 4 : i32
        %dma_wait3A_1346 = arith.constant 0 : i32
        %dma_wait3A_1347 = arith.constant 4 : i32
        %dma_wait3A_1348 = arith.constant 0 : i32
        %dma_wait3A_1349 = arith.constant 0 : i32
        %dma_wait3A_1350 = arith.constant 0 : i32
        %dma_wait3A_1351 = tpu.memref_slice %arg7[%dma_wait3A_1344, %dma_wait3A_1345, %dma_wait3A_1349, %dma_wait3A_1350] : memref<2x8x8x129xf32, #tpu.memory_space<vmem>> -> memref<1x1x8x128xf32, #tpu.memory_space<vmem>>
        %dma_wait3A_1352 = tpu.memref_squeeze %dma_wait3A_1351 : memref<1x1x8x128xf32, #tpu.memory_space<vmem>> -> memref<8x128xf32, #tpu.memory_space<vmem>>
        %dma_wait3A_1353 = arith.constant 0 : i32
        %dma_wait3A_1354 = arith.constant 0 : i32
        %dma_wait3A_1355 = tpu.memref_slice %arg4[%dma_wait3A_1346, %dma_wait3A_1347, %dma_wait3A_1348, %dma_wait3A_1353, %dma_wait3A_1354] : memref<200x8x32x8x128xf32, #tpu.memory_space<hbm>> -> memref<1x1x1x8x128xf32, #tpu.memory_space<hbm>>
        %dma_wait3A_1356 = tpu.memref_squeeze %dma_wait3A_1355 : memref<1x1x1x8x128xf32, #tpu.memory_space<hbm>> -> memref<8x128xf32, #tpu.memory_space<hbm>>
        %dma_wait3A_1357 = arith.constant 0 : i32
        %dma_wait3A_1358 = arith.constant 0 : i32
        %dma_wait3A_1359 = tpu.memref_slice %arg4[%dma_wait3A_1346, %dma_wait3A_1347, %dma_wait3A_1348, %dma_wait3A_1357, %dma_wait3A_1358] : memref<200x8x32x8x128xf32, #tpu.memory_space<hbm>> -> memref<1x1x1x8x128xf32, #tpu.memory_space<hbm>>
        %dma_wait3A_1360 = tpu.memref_squeeze %dma_wait3A_1359 : memref<1x1x1x8x128xf32, #tpu.memory_space<hbm>> -> memref<8x128xf32, #tpu.memory_space<hbm>>
        %dma_wait3A_1361 = arith.constant 0 : i32
        %dma_wait3A_1362 = arith.constant 0 : i32
        %dma_wait3A_1363 = tpu.memref_slice %arg7[%dma_wait3A_1344, %dma_wait3A_1345, %dma_wait3A_1361, %dma_wait3A_1362] : memref<2x8x8x129xf32, #tpu.memory_space<vmem>> -> memref<1x1x8x128xf32, #tpu.memory_space<vmem>>
        %dma_wait3A_1364 = tpu.memref_squeeze %dma_wait3A_1363 : memref<1x1x8x128xf32, #tpu.memory_space<vmem>> -> memref<8x128xf32, #tpu.memory_space<vmem>>
        tpu.wait_dma2 semaphore(%arg10 : memref<!tpu.dma_semaphore, #tpu.memory_space<semaphore_mem>>) src(%dma_wait3A_1364 : memref<8x128xf32, #tpu.memory_space<vmem>>) dst(%dma_wait3A_1360 : memref<8x128xf32, #tpu.memory_space<hbm>>)
        %dma_wait3A_1365 = arith.constant 0 : i32
        %dma_wait3A_1366 = arith.constant 5 : i32
        %dma_wait3A_1367 = arith.constant 0 : i32
        %dma_wait3A_1368 = arith.constant 5 : i32
        %dma_wait3A_1369 = arith.constant 0 : i32
        %dma_wait3A_1370 = arith.constant 0 : i32
        %dma_wait3A_1371 = arith.constant 0 : i32
        %dma_wait3A_1372 = tpu.memref_slice %arg7[%dma_wait3A_1365, %dma_wait3A_1366, %dma_wait3A_1370, %dma_wait3A_1371] : memref<2x8x8x129xf32, #tpu.memory_space<vmem>> -> memref<1x1x8x128xf32, #tpu.memory_space<vmem>>
        %dma_wait3A_1373 = tpu.memref_squeeze %dma_wait3A_1372 : memref<1x1x8x128xf32, #tpu.memory_space<vmem>> -> memref<8x128xf32, #tpu.memory_space<vmem>>
        %dma_wait3A_1374 = arith.constant 0 : i32
        %dma_wait3A_1375 = arith.constant 0 : i32
        %dma_wait3A_1376 = tpu.memref_slice %arg4[%dma_wait3A_1367, %dma_wait3A_1368, %dma_wait3A_1369, %dma_wait3A_1374, %dma_wait3A_1375] : memref<200x8x32x8x128xf32, #tpu.memory_space<hbm>> -> memref<1x1x1x8x128xf32, #tpu.memory_space<hbm>>
        %dma_wait3A_1377 = tpu.memref_squeeze %dma_wait3A_1376 : memref<1x1x1x8x128xf32, #tpu.memory_space<hbm>> -> memref<8x128xf32, #tpu.memory_space<hbm>>
        %dma_wait3A_1378 = arith.constant 0 : i32
        %dma_wait3A_1379 = arith.constant 0 : i32
        %dma_wait3A_1380 = tpu.memref_slice %arg4[%dma_wait3A_1367, %dma_wait3A_1368, %dma_wait3A_1369, %dma_wait3A_1378, %dma_wait3A_1379] : memref<200x8x32x8x128xf32, #tpu.memory_space<hbm>> -> memref<1x1x1x8x128xf32, #tpu.memory_space<hbm>>
        %dma_wait3A_1381 = tpu.memref_squeeze %dma_wait3A_1380 : memref<1x1x1x8x128xf32, #tpu.memory_space<hbm>> -> memref<8x128xf32, #tpu.memory_space<hbm>>
        %dma_wait3A_1382 = arith.constant 0 : i32
        %dma_wait3A_1383 = arith.constant 0 : i32
        %dma_wait3A_1384 = tpu.memref_slice %arg7[%dma_wait3A_1365, %dma_wait3A_1366, %dma_wait3A_1382, %dma_wait3A_1383] : memref<2x8x8x129xf32, #tpu.memory_space<vmem>> -> memref<1x1x8x128xf32, #tpu.memory_space<vmem>>
        %dma_wait3A_1385 = tpu.memref_squeeze %dma_wait3A_1384 : memref<1x1x8x128xf32, #tpu.memory_space<vmem>> -> memref<8x128xf32, #tpu.memory_space<vmem>>
        tpu.wait_dma2 semaphore(%arg10 : memref<!tpu.dma_semaphore, #tpu.memory_space<semaphore_mem>>) src(%dma_wait3A_1385 : memref<8x128xf32, #tpu.memory_space<vmem>>) dst(%dma_wait3A_1381 : memref<8x128xf32, #tpu.memory_space<hbm>>)
        %dma_wait3A_1386 = arith.constant 0 : i32
        %dma_wait3A_1387 = arith.constant 6 : i32
        %dma_wait3A_1388 = arith.constant 0 : i32
        %dma_wait3A_1389 = arith.constant 6 : i32
        %dma_wait3A_1390 = arith.constant 0 : i32
        %dma_wait3A_1391 = arith.constant 0 : i32
        %dma_wait3A_1392 = arith.constant 0 : i32
        %dma_wait3A_1393 = tpu.memref_slice %arg7[%dma_wait3A_1386, %dma_wait3A_1387, %dma_wait3A_1391, %dma_wait3A_1392] : memref<2x8x8x129xf32, #tpu.memory_space<vmem>> -> memref<1x1x8x128xf32, #tpu.memory_space<vmem>>
        %dma_wait3A_1394 = tpu.memref_squeeze %dma_wait3A_1393 : memref<1x1x8x128xf32, #tpu.memory_space<vmem>> -> memref<8x128xf32, #tpu.memory_space<vmem>>
        %dma_wait3A_1395 = arith.constant 0 : i32
        %dma_wait3A_1396 = arith.constant 0 : i32
        %dma_wait3A_1397 = tpu.memref_slice %arg4[%dma_wait3A_1388, %dma_wait3A_1389, %dma_wait3A_1390, %dma_wait3A_1395, %dma_wait3A_1396] : memref<200x8x32x8x128xf32, #tpu.memory_space<hbm>> -> memref<1x1x1x8x128xf32, #tpu.memory_space<hbm>>
        %dma_wait3A_1398 = tpu.memref_squeeze %dma_wait3A_1397 : memref<1x1x1x8x128xf32, #tpu.memory_space<hbm>> -> memref<8x128xf32, #tpu.memory_space<hbm>>
        %dma_wait3A_1399 = arith.constant 0 : i32
        %dma_wait3A_1400 = arith.constant 0 : i32
        %dma_wait3A_1401 = tpu.memref_slice %arg4[%dma_wait3A_1388, %dma_wait3A_1389, %dma_wait3A_1390, %dma_wait3A_1399, %dma_wait3A_1400] : memref<200x8x32x8x128xf32, #tpu.memory_space<hbm>> -> memref<1x1x1x8x128xf32, #tpu.memory_space<hbm>>
        %dma_wait3A_1402 = tpu.memref_squeeze %dma_wait3A_1401 : memref<1x1x1x8x128xf32, #tpu.memory_space<hbm>> -> memref<8x128xf32, #tpu.memory_space<hbm>>
        %dma_wait3A_1403 = arith.constant 0 : i32
        %dma_wait3A_1404 = arith.constant 0 : i32
        %dma_wait3A_1405 = tpu.memref_slice %arg7[%dma_wait3A_1386, %dma_wait3A_1387, %dma_wait3A_1403, %dma_wait3A_1404] : memref<2x8x8x129xf32, #tpu.memory_space<vmem>> -> memref<1x1x8x128xf32, #tpu.memory_space<vmem>>
        %dma_wait3A_1406 = tpu.memref_squeeze %dma_wait3A_1405 : memref<1x1x8x128xf32, #tpu.memory_space<vmem>> -> memref<8x128xf32, #tpu.memory_space<vmem>>
        tpu.wait_dma2 semaphore(%arg10 : memref<!tpu.dma_semaphore, #tpu.memory_space<semaphore_mem>>) src(%dma_wait3A_1406 : memref<8x128xf32, #tpu.memory_space<vmem>>) dst(%dma_wait3A_1402 : memref<8x128xf32, #tpu.memory_space<hbm>>)
        %dma_wait3A_1407 = arith.constant 0 : i32
        %dma_wait3A_1408 = arith.constant 7 : i32
        %dma_wait3A_1409 = arith.constant 0 : i32
        %dma_wait3A_1410 = arith.constant 7 : i32
        %dma_wait3A_1411 = arith.constant 0 : i32
        %dma_wait3A_1412 = arith.constant 0 : i32
        %dma_wait3A_1413 = arith.constant 0 : i32
        %dma_wait3A_1414 = tpu.memref_slice %arg7[%dma_wait3A_1407, %dma_wait3A_1408, %dma_wait3A_1412, %dma_wait3A_1413] : memref<2x8x8x129xf32, #tpu.memory_space<vmem>> -> memref<1x1x8x128xf32, #tpu.memory_space<vmem>>
        %dma_wait3A_1415 = tpu.memref_squeeze %dma_wait3A_1414 : memref<1x1x8x128xf32, #tpu.memory_space<vmem>> -> memref<8x128xf32, #tpu.memory_space<vmem>>
        %dma_wait3A_1416 = arith.constant 0 : i32
        %dma_wait3A_1417 = arith.constant 0 : i32
        %dma_wait3A_1418 = tpu.memref_slice %arg4[%dma_wait3A_1409, %dma_wait3A_1410, %dma_wait3A_1411, %dma_wait3A_1416, %dma_wait3A_1417] : memref<200x8x32x8x128xf32, #tpu.memory_space<hbm>> -> memref<1x1x1x8x128xf32, #tpu.memory_space<hbm>>
        %dma_wait3A_1419 = tpu.memref_squeeze %dma_wait3A_1418 : memref<1x1x1x8x128xf32, #tpu.memory_space<hbm>> -> memref<8x128xf32, #tpu.memory_space<hbm>>
        %dma_wait3A_1420 = arith.constant 0 : i32
        %dma_wait3A_1421 = arith.constant 0 : i32
        %dma_wait3A_1422 = tpu.memref_slice %arg4[%dma_wait3A_1409, %dma_wait3A_1410, %dma_wait3A_1411, %dma_wait3A_1420, %dma_wait3A_1421] : memref<200x8x32x8x128xf32, #tpu.memory_space<hbm>> -> memref<1x1x1x8x128xf32, #tpu.memory_space<hbm>>
        %dma_wait3A_1423 = tpu.memref_squeeze %dma_wait3A_1422 : memref<1x1x1x8x128xf32, #tpu.memory_space<hbm>> -> memref<8x128xf32, #tpu.memory_space<hbm>>
        %dma_wait3A_1424 = arith.constant 0 : i32
        %dma_wait3A_1425 = arith.constant 0 : i32
        %dma_wait3A_1426 = tpu.memref_slice %arg7[%dma_wait3A_1407, %dma_wait3A_1408, %dma_wait3A_1424, %dma_wait3A_1425] : memref<2x8x8x129xf32, #tpu.memory_space<vmem>> -> memref<1x1x8x128xf32, #tpu.memory_space<vmem>>
        %dma_wait3A_1427 = tpu.memref_squeeze %dma_wait3A_1426 : memref<1x1x8x128xf32, #tpu.memory_space<vmem>> -> memref<8x128xf32, #tpu.memory_space<vmem>>
        tpu.wait_dma2 semaphore(%arg10 : memref<!tpu.dma_semaphore, #tpu.memory_space<semaphore_mem>>) src(%dma_wait3A_1427 : memref<8x128xf32, #tpu.memory_space<vmem>>) dst(%dma_wait3A_1423 : memref<8x128xf32, #tpu.memory_space<hbm>>)
      } else {
      }
      %iota3A = tpu.iota {dimensions = array<i32: 0>} : vector<16xi32>
      %add3A_377 = arith.constant 0 : i32
      %add3A_378 = vector.broadcast %add3A_377 : i32 to vector<16xi32>
      %add3A_379 = arith.addi %add3A_378, %iota3A : vector<16xi32>
      %jit3A = arith.constant 8 : i32
      %div3A = vector.broadcast %jit3A : i32 to vector<16xi32>
      %div3A_380 = arith.divsi %add3A_379, %div3A : vector<16xi32>
      %sign3A = arith.constant 0 : i32
      %sign3A_381 = vector.broadcast %sign3A : i32 to vector<16xi32>
      %sign3A_382 = arith.cmpi sgt, %add3A_379, %sign3A_381 : vector<16xi32>
      %sign3A_383 = arith.extui %sign3A_382 : vector<16xi1> to vector<16xi32>
      %sign3A_384 = arith.constant 0 : i32
      %sign3A_385 = vector.broadcast %sign3A_384 : i32 to vector<16xi32>
      %sign3A_386 = arith.cmpi slt, %add3A_379, %sign3A_385 : vector<16xi32>
      %sign3A_387 = arith.extui %sign3A_386 : vector<16xi1> to vector<16xi32>
      %sign3A_388 = arith.subi %sign3A_383, %sign3A_387 : vector<16xi32>
      %sign3A_389 = arith.constant 0 : i32
      %sign3A_390 = arith.cmpi sgt, %jit3A, %sign3A_389 : i32
      %sign3A_391 = arith.extui %sign3A_390 : i1 to i32
      %sign3A_392 = arith.constant 0 : i32
      %sign3A_393 = arith.cmpi slt, %jit3A, %sign3A_392 : i32
      %sign3A_394 = arith.extui %sign3A_393 : i1 to i32
      %sign3A_395 = arith.subi %sign3A_391, %sign3A_394 : i32
      %ne3A = vector.broadcast %sign3A_395 : i32 to vector<16xi32>
      %ne3A_396 = arith.cmpi ne, %sign3A_388, %ne3A : vector<16xi32>
      %rem3A = vector.broadcast %jit3A : i32 to vector<16xi32>
      %rem3A_397 = arith.remsi %add3A_379, %rem3A : vector<16xi32>
      %ne3A_398 = arith.constant 0 : i32
      %ne3A_399 = vector.broadcast %ne3A_398 : i32 to vector<16xi32>
      %ne3A_400 = arith.cmpi ne, %rem3A_397, %ne3A_399 : vector<16xi32>
      %and3A = arith.andi %ne3A_396, %ne3A_400 : vector<16xi1>
      %sub3A = arith.constant 1 : i32
      %sub3A_401 = vector.broadcast %sub3A : i32 to vector<16xi32>
      %sub3A_402 = arith.subi %div3A_380, %sub3A_401 : vector<16xi32>
      %select_n3A = arith.select %and3A, %sub3A_402, %div3A_380 : vector<16xi1>, vector<16xi32>
      %add3A_403 = arith.constant 16 : i32
      %add3A_404 = vector.broadcast %add3A_403 : i32 to vector<16xi32>
      %add3A_405 = arith.addi %add3A_404, %iota3A : vector<16xi32>
      %jit3A_406 = arith.constant 8 : i32
      %div3A_407 = vector.broadcast %jit3A_406 : i32 to vector<16xi32>
      %div3A_408 = arith.divsi %add3A_405, %div3A_407 : vector<16xi32>
      %sign3A_409 = arith.constant 0 : i32
      %sign3A_410 = vector.broadcast %sign3A_409 : i32 to vector<16xi32>
      %sign3A_411 = arith.cmpi sgt, %add3A_405, %sign3A_410 : vector<16xi32>
      %sign3A_412 = arith.extui %sign3A_411 : vector<16xi1> to vector<16xi32>
      %sign3A_413 = arith.constant 0 : i32
      %sign3A_414 = vector.broadcast %sign3A_413 : i32 to vector<16xi32>
      %sign3A_415 = arith.cmpi slt, %add3A_405, %sign3A_414 : vector<16xi32>
      %sign3A_416 = arith.extui %sign3A_415 : vector<16xi1> to vector<16xi32>
      %sign3A_417 = arith.subi %sign3A_412, %sign3A_416 : vector<16xi32>
      %sign3A_418 = arith.constant 0 : i32
      %sign3A_419 = arith.cmpi sgt, %jit3A_406, %sign3A_418 : i32
      %sign3A_420 = arith.extui %sign3A_419 : i1 to i32
      %sign3A_421 = arith.constant 0 : i32
      %sign3A_422 = arith.cmpi slt, %jit3A_406, %sign3A_421 : i32
      %sign3A_423 = arith.extui %sign3A_422 : i1 to i32
      %sign3A_424 = arith.subi %sign3A_420, %sign3A_423 : i32
      %ne3A_425 = vector.broadcast %sign3A_424 : i32 to vector<16xi32>
      %ne3A_426 = arith.cmpi ne, %sign3A_417, %ne3A_425 : vector<16xi32>
      %rem3A_427 = vector.broadcast %jit3A_406 : i32 to vector<16xi32>
      %rem3A_428 = arith.remsi %add3A_405, %rem3A_427 : vector<16xi32>
      %ne3A_429 = arith.constant 0 : i32
      %ne3A_430 = vector.broadcast %ne3A_429 : i32 to vector<16xi32>
      %ne3A_431 = arith.cmpi ne, %rem3A_428, %ne3A_430 : vector<16xi32>
      %and3A_432 = arith.andi %ne3A_426, %ne3A_431 : vector<16xi1>
      %sub3A_433 = arith.constant 1 : i32
      %sub3A_434 = vector.broadcast %sub3A_433 : i32 to vector<16xi32>
      %sub3A_435 = arith.subi %div3A_408, %sub3A_434 : vector<16xi32>
      %select_n3A_436 = arith.select %and3A_432, %sub3A_435, %div3A_408 : vector<16xi1>, vector<16xi32>
      %add3A_437 = arith.constant 32 : i32
      %add3A_438 = vector.broadcast %add3A_437 : i32 to vector<16xi32>
      %add3A_439 = arith.addi %add3A_438, %iota3A : vector<16xi32>
      %jit3A_440 = arith.constant 8 : i32
      %div3A_441 = vector.broadcast %jit3A_440 : i32 to vector<16xi32>
      %div3A_442 = arith.divsi %add3A_439, %div3A_441 : vector<16xi32>
      %sign3A_443 = arith.constant 0 : i32
      %sign3A_444 = vector.broadcast %sign3A_443 : i32 to vector<16xi32>
      %sign3A_445 = arith.cmpi sgt, %add3A_439, %sign3A_444 : vector<16xi32>
      %sign3A_446 = arith.extui %sign3A_445 : vector<16xi1> to vector<16xi32>
      %sign3A_447 = arith.constant 0 : i32
      %sign3A_448 = vector.broadcast %sign3A_447 : i32 to vector<16xi32>
      %sign3A_449 = arith.cmpi slt, %add3A_439, %sign3A_448 : vector<16xi32>
      %sign3A_450 = arith.extui %sign3A_449 : vector<16xi1> to vector<16xi32>
      %sign3A_451 = arith.subi %sign3A_446, %sign3A_450 : vector<16xi32>
      %sign3A_452 = arith.constant 0 : i32
      %sign3A_453 = arith.cmpi sgt, %jit3A_440, %sign3A_452 : i32
      %sign3A_454 = arith.extui %sign3A_453 : i1 to i32
      %sign3A_455 = arith.constant 0 : i32
      %sign3A_456 = arith.cmpi slt, %jit3A_440, %sign3A_455 : i32
      %sign3A_457 = arith.extui %sign3A_456 : i1 to i32
      %sign3A_458 = arith.subi %sign3A_454, %sign3A_457 : i32
      %ne3A_459 = vector.broadcast %sign3A_458 : i32 to vector<16xi32>
      %ne3A_460 = arith.cmpi ne, %sign3A_451, %ne3A_459 : vector<16xi32>
      %rem3A_461 = vector.broadcast %jit3A_440 : i32 to vector<16xi32>
      %rem3A_462 = arith.remsi %add3A_439, %rem3A_461 : vector<16xi32>
      %ne3A_463 = arith.constant 0 : i32
      %ne3A_464 = vector.broadcast %ne3A_463 : i32 to vector<16xi32>
      %ne3A_465 = arith.cmpi ne, %rem3A_462, %ne3A_464 : vector<16xi32>
      %and3A_466 = arith.andi %ne3A_460, %ne3A_465 : vector<16xi1>
      %sub3A_467 = arith.constant 1 : i32
      %sub3A_468 = vector.broadcast %sub3A_467 : i32 to vector<16xi32>
      %sub3A_469 = arith.subi %div3A_442, %sub3A_468 : vector<16xi32>
      %select_n3A_470 = arith.select %and3A_466, %sub3A_469, %div3A_442 : vector<16xi1>, vector<16xi32>
      %add3A_471 = arith.constant 48 : i32
      %add3A_472 = vector.broadcast %add3A_471 : i32 to vector<16xi32>
      %add3A_473 = arith.addi %add3A_472, %iota3A : vector<16xi32>
      %jit3A_474 = arith.constant 8 : i32
      %div3A_475 = vector.broadcast %jit3A_474 : i32 to vector<16xi32>
      %div3A_476 = arith.divsi %add3A_473, %div3A_475 : vector<16xi32>
      %sign3A_477 = arith.constant 0 : i32
      %sign3A_478 = vector.broadcast %sign3A_477 : i32 to vector<16xi32>
      %sign3A_479 = arith.cmpi sgt, %add3A_473, %sign3A_478 : vector<16xi32>
      %sign3A_480 = arith.extui %sign3A_479 : vector<16xi1> to vector<16xi32>
      %sign3A_481 = arith.constant 0 : i32
      %sign3A_482 = vector.broadcast %sign3A_481 : i32 to vector<16xi32>
      %sign3A_483 = arith.cmpi slt, %add3A_473, %sign3A_482 : vector<16xi32>
      %sign3A_484 = arith.extui %sign3A_483 : vector<16xi1> to vector<16xi32>
      %sign3A_485 = arith.subi %sign3A_480, %sign3A_484 : vector<16xi32>
      %sign3A_486 = arith.constant 0 : i32
      %sign3A_487 = arith.cmpi sgt, %jit3A_474, %sign3A_486 : i32
      %sign3A_488 = arith.extui %sign3A_487 : i1 to i32
      %sign3A_489 = arith.constant 0 : i32
      %sign3A_490 = arith.cmpi slt, %jit3A_474, %sign3A_489 : i32
      %sign3A_491 = arith.extui %sign3A_490 : i1 to i32
      %sign3A_492 = arith.subi %sign3A_488, %sign3A_491 : i32
      %ne3A_493 = vector.broadcast %sign3A_492 : i32 to vector<16xi32>
      %ne3A_494 = arith.cmpi ne, %sign3A_485, %ne3A_493 : vector<16xi32>
      %rem3A_495 = vector.broadcast %jit3A_474 : i32 to vector<16xi32>
      %rem3A_496 = arith.remsi %add3A_473, %rem3A_495 : vector<16xi32>
      %ne3A_497 = arith.constant 0 : i32
      %ne3A_498 = vector.broadcast %ne3A_497 : i32 to vector<16xi32>
      %ne3A_499 = arith.cmpi ne, %rem3A_496, %ne3A_498 : vector<16xi32>
      %and3A_500 = arith.andi %ne3A_494, %ne3A_499 : vector<16xi1>
      %sub3A_501 = arith.constant 1 : i32
      %sub3A_502 = vector.broadcast %sub3A_501 : i32 to vector<16xi32>
      %sub3A_503 = arith.subi %div3A_476, %sub3A_502 : vector<16xi32>
      %select_n3A_504 = arith.select %and3A_500, %sub3A_503, %div3A_476 : vector<16xi1>, vector<16xi32>
      %add3A_505 = arith.constant 0 : i32
      %add3A_506 = vector.broadcast %add3A_505 : i32 to vector<16xi32>
      %add3A_507 = arith.addi %add3A_506, %iota3A : vector<16xi32>
      %jit3A_508 = arith.constant 8 : i32
      %eq3A = arith.constant 0 : i32
      %eq3A_509 = arith.cmpi eq, %jit3A_508, %eq3A : i32
      %jit3A_510 = arith.constant 1 : i32
      %select_n3A_511 = arith.select %eq3A_509, %jit3A_510, %jit3A_508 : i32
      %rem3A_512 = vector.broadcast %select_n3A_511 : i32 to vector<16xi32>
      %rem3A_513 = arith.remsi %add3A_507, %rem3A_512 : vector<16xi32>
      %ne3A_514 = arith.constant 0 : i32
      %ne3A_515 = vector.broadcast %ne3A_514 : i32 to vector<16xi32>
      %ne3A_516 = arith.cmpi ne, %rem3A_513, %ne3A_515 : vector<16xi32>
      %lt3A_517 = arith.constant 0 : i32
      %lt3A_518 = vector.broadcast %lt3A_517 : i32 to vector<16xi32>
      %lt3A_519 = arith.cmpi slt, %rem3A_513, %lt3A_518 : vector<16xi32>
      %lt3A_520 = arith.constant 0 : i32
      %lt3A_521 = arith.cmpi slt, %select_n3A_511, %lt3A_520 : i32
      %ne3A_522 = vector.broadcast %lt3A_521 : i1 to vector<16xi1>
      %ne3A_523 = vector.broadcast %ne3A_522 : vector<16xi1> to vector<16xi1>
      %ne3A_524 = arith.xori %lt3A_519, %ne3A_523 : vector<16xi1>
      %and3A_525 = arith.andi %ne3A_524, %ne3A_516 : vector<16xi1>
      %add3A_526 = vector.broadcast %select_n3A_511 : i32 to vector<16xi32>
      %add3A_527 = arith.addi %rem3A_513, %add3A_526 : vector<16xi32>
      %select_n3A_528 = arith.select %and3A_525, %add3A_527, %rem3A_513 : vector<16xi1>, vector<16xi32>
      %add3A_529 = arith.constant 16 : i32
      %add3A_530 = vector.broadcast %add3A_529 : i32 to vector<16xi32>
      %add3A_531 = arith.addi %add3A_530, %iota3A : vector<16xi32>
      %jit3A_532 = arith.constant 8 : i32
      %eq3A_533 = arith.constant 0 : i32
      %eq3A_534 = arith.cmpi eq, %jit3A_532, %eq3A_533 : i32
      %jit3A_535 = arith.constant 1 : i32
      %select_n3A_536 = arith.select %eq3A_534, %jit3A_535, %jit3A_532 : i32
      %rem3A_537 = vector.broadcast %select_n3A_536 : i32 to vector<16xi32>
      %rem3A_538 = arith.remsi %add3A_531, %rem3A_537 : vector<16xi32>
      %ne3A_539 = arith.constant 0 : i32
      %ne3A_540 = vector.broadcast %ne3A_539 : i32 to vector<16xi32>
      %ne3A_541 = arith.cmpi ne, %rem3A_538, %ne3A_540 : vector<16xi32>
      %lt3A_542 = arith.constant 0 : i32
      %lt3A_543 = vector.broadcast %lt3A_542 : i32 to vector<16xi32>
      %lt3A_544 = arith.cmpi slt, %rem3A_538, %lt3A_543 : vector<16xi32>
      %lt3A_545 = arith.constant 0 : i32
      %lt3A_546 = arith.cmpi slt, %select_n3A_536, %lt3A_545 : i32
      %ne3A_547 = vector.broadcast %lt3A_546 : i1 to vector<16xi1>
      %ne3A_548 = vector.broadcast %ne3A_547 : vector<16xi1> to vector<16xi1>
      %ne3A_549 = arith.xori %lt3A_544, %ne3A_548 : vector<16xi1>
      %and3A_550 = arith.andi %ne3A_549, %ne3A_541 : vector<16xi1>
      %add3A_551 = vector.broadcast %select_n3A_536 : i32 to vector<16xi32>
      %add3A_552 = arith.addi %rem3A_538, %add3A_551 : vector<16xi32>
      %select_n3A_553 = arith.select %and3A_550, %add3A_552, %rem3A_538 : vector<16xi1>, vector<16xi32>
      %add3A_554 = arith.constant 32 : i32
      %add3A_555 = vector.broadcast %add3A_554 : i32 to vector<16xi32>
      %add3A_556 = arith.addi %add3A_555, %iota3A : vector<16xi32>
      %jit3A_557 = arith.constant 8 : i32
      %eq3A_558 = arith.constant 0 : i32
      %eq3A_559 = arith.cmpi eq, %jit3A_557, %eq3A_558 : i32
      %jit3A_560 = arith.constant 1 : i32
      %select_n3A_561 = arith.select %eq3A_559, %jit3A_560, %jit3A_557 : i32
      %rem3A_562 = vector.broadcast %select_n3A_561 : i32 to vector<16xi32>
      %rem3A_563 = arith.remsi %add3A_556, %rem3A_562 : vector<16xi32>
      %ne3A_564 = arith.constant 0 : i32
      %ne3A_565 = vector.broadcast %ne3A_564 : i32 to vector<16xi32>
      %ne3A_566 = arith.cmpi ne, %rem3A_563, %ne3A_565 : vector<16xi32>
      %lt3A_567 = arith.constant 0 : i32
      %lt3A_568 = vector.broadcast %lt3A_567 : i32 to vector<16xi32>
      %lt3A_569 = arith.cmpi slt, %rem3A_563, %lt3A_568 : vector<16xi32>
      %lt3A_570 = arith.constant 0 : i32
      %lt3A_571 = arith.cmpi slt, %select_n3A_561, %lt3A_570 : i32
      %ne3A_572 = vector.broadcast %lt3A_571 : i1 to vector<16xi1>
      %ne3A_573 = vector.broadcast %ne3A_572 : vector<16xi1> to vector<16xi1>
      %ne3A_574 = arith.xori %lt3A_569, %ne3A_573 : vector<16xi1>
      %and3A_575 = arith.andi %ne3A_574, %ne3A_566 : vector<16xi1>
      %add3A_576 = vector.broadcast %select_n3A_561 : i32 to vector<16xi32>
      %add3A_577 = arith.addi %rem3A_563, %add3A_576 : vector<16xi32>
      %select_n3A_578 = arith.select %and3A_575, %add3A_577, %rem3A_563 : vector<16xi1>, vector<16xi32>
      %add3A_579 = arith.constant 48 : i32
      %add3A_580 = vector.broadcast %add3A_579 : i32 to vector<16xi32>
      %add3A_581 = arith.addi %add3A_580, %iota3A : vector<16xi32>
      %jit3A_582 = arith.constant 8 : i32
      %eq3A_583 = arith.constant 0 : i32
      %eq3A_584 = arith.cmpi eq, %jit3A_582, %eq3A_583 : i32
      %jit3A_585 = arith.constant 1 : i32
      %select_n3A_586 = arith.select %eq3A_584, %jit3A_585, %jit3A_582 : i32
      %rem3A_587 = vector.broadcast %select_n3A_586 : i32 to vector<16xi32>
      %rem3A_588 = arith.remsi %add3A_581, %rem3A_587 : vector<16xi32>
      %ne3A_589 = arith.constant 0 : i32
      %ne3A_590 = vector.broadcast %ne3A_589 : i32 to vector<16xi32>
      %ne3A_591 = arith.cmpi ne, %rem3A_588, %ne3A_590 : vector<16xi32>
      %lt3A_592 = arith.constant 0 : i32
      %lt3A_593 = vector.broadcast %lt3A_592 : i32 to vector<16xi32>
      %lt3A_594 = arith.cmpi slt, %rem3A_588, %lt3A_593 : vector<16xi32>
      %lt3A_595 = arith.constant 0 : i32
      %lt3A_596 = arith.cmpi slt, %select_n3A_586, %lt3A_595 : i32
      %ne3A_597 = vector.broadcast %lt3A_596 : i1 to vector<16xi1>
      %ne3A_598 = vector.broadcast %ne3A_597 : vector<16xi1> to vector<16xi1>
      %ne3A_599 = arith.xori %lt3A_594, %ne3A_598 : vector<16xi1>
      %and3A_600 = arith.andi %ne3A_599, %ne3A_591 : vector<16xi1>
      %add3A_601 = vector.broadcast %select_n3A_586 : i32 to vector<16xi32>
      %add3A_602 = arith.addi %rem3A_588, %add3A_601 : vector<16xi32>
      %select_n3A_603 = arith.select %and3A_600, %add3A_602, %rem3A_588 : vector<16xi1>, vector<16xi32>
      %parallel_loop3A = arith.constant 0 : i32
      %parallel_loop3A_604 = arith.constant 128 : i32
      %parallel_loop3A_605 = arith.constant 1 : i32
      %parallel_loop3A_606 = arith.constant 0 : i32
      scf.for %parallel_loop3A_1260 = %parallel_loop3A to %parallel_loop3A_604 step %parallel_loop3A_605  : i32 {
        %parallel_loop3A_1261 = vector.broadcast %parallel_loop3A_1260 : i32 to vector<16xi32>
        %parallel_loop3A_1262 = arith.constant 0 : i32
        %parallel_loop3A_1263 = arith.index_cast %parallel_loop3A_1262 : i32 to index
        %parallel_loop3A_1264 = arith.index_cast %parallel_loop3A_1260 : i32 to index
        %parallel_loop3A_1265 = arith.constant 0 : index
        %parallel_loop3A_1266 = tpu.vector_load %arg6[%parallel_loop3A_1263, %parallel_loop3A_1264, %parallel_loop3A_1265] {strides = array<i32>} : memref<2x128x64xf32, #tpu.memory_space<vmem>>, vector<16xf32>,
        %parallel_loop3A_1267 = arith.constant 0 : i32
        %parallel_loop3A_1268 = arith.constant 0 : i32
        %parallel_loop3A_1269 = arith.constant 0 : i32
        %parallel_loop3A_1270 = tpu.memref_slice %arg7[%parallel_loop3A_606, %parallel_loop3A_1267, %parallel_loop3A_1268, %parallel_loop3A_1269] : memref<2x8x8x129xf32, #tpu.memory_space<vmem>> -> memref<1x8x8x129xf32, #tpu.memory_space<vmem>>
        %parallel_loop3A_1271 = tpu.memref_squeeze %parallel_loop3A_1270 : memref<1x8x8x129xf32, #tpu.memory_space<vmem>> -> memref<8x8x129xf32, #tpu.memory_space<vmem>>
        tpu.vector_store_idx %parallel_loop3A_1271[%select_n3A, %select_n3A_528, %parallel_loop3A_1261], %parallel_loop3A_1266 : memref<8x8x129xf32, #tpu.memory_space<vmem>>[vector<16xi32>, vector<16xi32>, vector<16xi32>], vector<16xf32>,
        %parallel_loop3A_1272 = arith.constant 0 : i32
        %parallel_loop3A_1273 = arith.index_cast %parallel_loop3A_1272 : i32 to index
        %parallel_loop3A_1274 = arith.index_cast %parallel_loop3A_1260 : i32 to index
        %parallel_loop3A_1275 = arith.constant 16 : index
        %parallel_loop3A_1276 = tpu.vector_load %arg6[%parallel_loop3A_1273, %parallel_loop3A_1274, %parallel_loop3A_1275] {strides = array<i32>} : memref<2x128x64xf32, #tpu.memory_space<vmem>>, vector<16xf32>,
        %parallel_loop3A_1277 = arith.constant 0 : i32
        %parallel_loop3A_1278 = arith.constant 0 : i32
        %parallel_loop3A_1279 = arith.constant 0 : i32
        %parallel_loop3A_1280 = tpu.memref_slice %arg7[%parallel_loop3A_606, %parallel_loop3A_1277, %parallel_loop3A_1278, %parallel_loop3A_1279] : memref<2x8x8x129xf32, #tpu.memory_space<vmem>> -> memref<1x8x8x129xf32, #tpu.memory_space<vmem>>
        %parallel_loop3A_1281 = tpu.memref_squeeze %parallel_loop3A_1280 : memref<1x8x8x129xf32, #tpu.memory_space<vmem>> -> memref<8x8x129xf32, #tpu.memory_space<vmem>>
        tpu.vector_store_idx %parallel_loop3A_1281[%select_n3A_436, %select_n3A_553, %parallel_loop3A_1261], %parallel_loop3A_1276 : memref<8x8x129xf32, #tpu.memory_space<vmem>>[vector<16xi32>, vector<16xi32>, vector<16xi32>], vector<16xf32>,
        %parallel_loop3A_1282 = arith.constant 0 : i32
        %parallel_loop3A_1283 = arith.index_cast %parallel_loop3A_1282 : i32 to index
        %parallel_loop3A_1284 = arith.index_cast %parallel_loop3A_1260 : i32 to index
        %parallel_loop3A_1285 = arith.constant 32 : index
        %parallel_loop3A_1286 = tpu.vector_load %arg6[%parallel_loop3A_1283, %parallel_loop3A_1284, %parallel_loop3A_1285] {strides = array<i32>} : memref<2x128x64xf32, #tpu.memory_space<vmem>>, vector<16xf32>,
        %parallel_loop3A_1287 = arith.constant 0 : i32
        %parallel_loop3A_1288 = arith.constant 0 : i32
        %parallel_loop3A_1289 = arith.constant 0 : i32
        %parallel_loop3A_1290 = tpu.memref_slice %arg7[%parallel_loop3A_606, %parallel_loop3A_1287, %parallel_loop3A_1288, %parallel_loop3A_1289] : memref<2x8x8x129xf32, #tpu.memory_space<vmem>> -> memref<1x8x8x129xf32, #tpu.memory_space<vmem>>
        %parallel_loop3A_1291 = tpu.memref_squeeze %parallel_loop3A_1290 : memref<1x8x8x129xf32, #tpu.memory_space<vmem>> -> memref<8x8x129xf32, #tpu.memory_space<vmem>>
        tpu.vector_store_idx %parallel_loop3A_1291[%select_n3A_470, %select_n3A_578, %parallel_loop3A_1261], %parallel_loop3A_1286 : memref<8x8x129xf32, #tpu.memory_space<vmem>>[vector<16xi32>, vector<16xi32>, vector<16xi32>], vector<16xf32>,
        %parallel_loop3A_1292 = arith.constant 0 : i32
        %parallel_loop3A_1293 = arith.index_cast %parallel_loop3A_1292 : i32 to index
        %parallel_loop3A_1294 = arith.index_cast %parallel_loop3A_1260 : i32 to index
        %parallel_loop3A_1295 = arith.constant 48 : index
        %parallel_loop3A_1296 = tpu.vector_load %arg6[%parallel_loop3A_1293, %parallel_loop3A_1294, %parallel_loop3A_1295] {strides = array<i32>} : memref<2x128x64xf32, #tpu.memory_space<vmem>>, vector<16xf32>,
        %parallel_loop3A_1297 = arith.constant 0 : i32
        %parallel_loop3A_1298 = arith.constant 0 : i32
        %parallel_loop3A_1299 = arith.constant 0 : i32
        %parallel_loop3A_1300 = tpu.memref_slice %arg7[%parallel_loop3A_606, %parallel_loop3A_1297, %parallel_loop3A_1298, %parallel_loop3A_1299] : memref<2x8x8x129xf32, #tpu.memory_space<vmem>> -> memref<1x8x8x129xf32, #tpu.memory_space<vmem>>
        %parallel_loop3A_1301 = tpu.memref_squeeze %parallel_loop3A_1300 : memref<1x8x8x129xf32, #tpu.memory_space<vmem>> -> memref<8x8x129xf32, #tpu.memory_space<vmem>>
        tpu.vector_store_idx %parallel_loop3A_1301[%select_n3A_504, %select_n3A_603, %parallel_loop3A_1261], %parallel_loop3A_1296 : memref<8x8x129xf32, #tpu.memory_space<vmem>>[vector<16xi32>, vector<16xi32>, vector<16xi32>], vector<16xf32>,
      } {sc.loop_unroll_factor = 8 : i64, sc.parallel_access}
      %add3A_607 = arith.addi %mul3A_2, %add3A_358 : i32
      %jit3A_608 = arith.constant 32 : i32
      %div3A_609 = arith.divsi %add3A_607, %jit3A_608 : i32
      %sign3A_610 = arith.constant 0 : i32
      %sign3A_611 = arith.cmpi sgt, %add3A_607, %sign3A_610 : i32
      %sign3A_612 = arith.extui %sign3A_611 : i1 to i32
      %sign3A_613 = arith.constant 0 : i32
      %sign3A_614 = arith.cmpi slt, %add3A_607, %sign3A_613 : i32
      %sign3A_615 = arith.extui %sign3A_614 : i1 to i32
      %sign3A_616 = arith.subi %sign3A_612, %sign3A_615 : i32
      %sign3A_617 = arith.constant 0 : i32
      %sign3A_618 = arith.cmpi sgt, %jit3A_608, %sign3A_617 : i32
      %sign3A_619 = arith.extui %sign3A_618 : i1 to i32
      %sign3A_620 = arith.constant 0 : i32
      %sign3A_621 = arith.cmpi slt, %jit3A_608, %sign3A_620 : i32
      %sign3A_622 = arith.extui %sign3A_621 : i1 to i32
      %sign3A_623 = arith.subi %sign3A_619, %sign3A_622 : i32
      %ne3A_624 = arith.cmpi ne, %sign3A_616, %sign3A_623 : i32
      %rem3A_625 = arith.remsi %add3A_607, %jit3A_608 : i32
      %ne3A_626 = arith.constant 0 : i32
      %ne3A_627 = arith.cmpi ne, %rem3A_625, %ne3A_626 : i32
      %and3A_628 = arith.andi %ne3A_624, %ne3A_627 : i1
      %sub3A_629 = arith.constant 1 : i32
      %sub3A_630 = arith.subi %div3A_609, %sub3A_629 : i32
      %select_n3A_631 = arith.select %and3A_628, %sub3A_630, %div3A_609 : i32
      %jit3A_632 = arith.constant 32 : i32
      %eq3A_633 = arith.constant 0 : i32
      %eq3A_634 = arith.cmpi eq, %jit3A_632, %eq3A_633 : i32
      %jit3A_635 = arith.constant 1 : i32
      %select_n3A_636 = arith.select %eq3A_634, %jit3A_635, %jit3A_632 : i32
      %rem3A_637 = arith.remsi %add3A_607, %select_n3A_636 : i32
      %ne3A_638 = arith.constant 0 : i32
      %ne3A_639 = arith.cmpi ne, %rem3A_637, %ne3A_638 : i32
      %lt3A_640 = arith.constant 0 : i32
      %lt3A_641 = arith.cmpi slt, %rem3A_637, %lt3A_640 : i32
      %lt3A_642 = arith.constant 0 : i32
      %lt3A_643 = arith.cmpi slt, %select_n3A_636, %lt3A_642 : i32
      %ne3A_644 = arith.xori %lt3A_641, %lt3A_643 : i1
      %and3A_645 = arith.andi %ne3A_644, %ne3A_639 : i1
      %add3A_646 = arith.addi %rem3A_637, %select_n3A_636 : i32
      %select_n3A_647 = arith.select %and3A_645, %add3A_646, %rem3A_637 : i32
      %dma_start3A_648 = arith.constant 0 : i32
      %dma_start3A_649 = arith.constant 0 : i32
      %dma_start3A_650 = arith.constant 0 : i32
      %dma_start3A_651 = arith.constant 0 : i32
      %dma_start3A_652 = arith.constant 0 : i32
      %dma_start3A_653 = tpu.memref_slice %arg7[%dma_start3A_648, %dma_start3A_649, %dma_start3A_651, %dma_start3A_652] : memref<2x8x8x129xf32, #tpu.memory_space<vmem>> -> memref<1x1x8x128xf32, #tpu.memory_space<vmem>>
      %dma_start3A_654 = tpu.memref_squeeze %dma_start3A_653 : memref<1x1x8x128xf32, #tpu.memory_space<vmem>> -> memref<8x128xf32, #tpu.memory_space<vmem>>
      %dma_start3A_655 = arith.constant 0 : i32
      %dma_start3A_656 = arith.constant 0 : i32
      %dma_start3A_657 = tpu.memref_slice %arg4[%select_n3A_631, %dma_start3A_650, %select_n3A_647, %dma_start3A_655, %dma_start3A_656] : memref<200x8x32x8x128xf32, #tpu.memory_space<hbm>> -> memref<1x1x1x8x128xf32, #tpu.memory_space<hbm>>
      %dma_start3A_658 = tpu.memref_squeeze %dma_start3A_657 : memref<1x1x1x8x128xf32, #tpu.memory_space<hbm>> -> memref<8x128xf32, #tpu.memory_space<hbm>>
      %dma_start3A_659 = arith.constant 0 : i32
      %dma_start3A_660 = arith.constant 0 : i32
      %dma_start3A_661 = tpu.memref_slice %arg4[%select_n3A_631, %dma_start3A_650, %select_n3A_647, %dma_start3A_659, %dma_start3A_660] : memref<200x8x32x8x128xf32, #tpu.memory_space<hbm>> -> memref<1x1x1x8x128xf32, #tpu.memory_space<hbm>>
      %dma_start3A_662 = tpu.memref_squeeze %dma_start3A_661 : memref<1x1x1x8x128xf32, #tpu.memory_space<hbm>> -> memref<8x128xf32, #tpu.memory_space<hbm>>
      %dma_start3A_663 = arith.constant 0 : i32
      %dma_start3A_664 = arith.constant 0 : i32
      %dma_start3A_665 = tpu.memref_slice %arg7[%dma_start3A_648, %dma_start3A_649, %dma_start3A_663, %dma_start3A_664] : memref<2x8x8x129xf32, #tpu.memory_space<vmem>> -> memref<1x1x8x128xf32, #tpu.memory_space<vmem>>
      %dma_start3A_666 = tpu.memref_squeeze %dma_start3A_665 : memref<1x1x8x128xf32, #tpu.memory_space<vmem>> -> memref<8x128xf32, #tpu.memory_space<vmem>>
      tpu.enqueue_dma source(%dma_start3A_666 : memref<8x128xf32, #tpu.memory_space<vmem>>) target(%dma_start3A_662 : memref<8x128xf32, #tpu.memory_space<hbm>>) target_semaphore(%arg10 : memref<!tpu.dma_semaphore, #tpu.memory_space<semaphore_mem>>)
      %dma_start3A_667 = arith.constant 0 : i32
      %dma_start3A_668 = arith.constant 1 : i32
      %dma_start3A_669 = arith.constant 1 : i32
      %dma_start3A_670 = arith.constant 0 : i32
      %dma_start3A_671 = arith.constant 0 : i32
      %dma_start3A_672 = tpu.memref_slice %arg7[%dma_start3A_667, %dma_start3A_668, %dma_start3A_670, %dma_start3A_671] : memref<2x8x8x129xf32, #tpu.memory_space<vmem>> -> memref<1x1x8x128xf32, #tpu.memory_space<vmem>>
      %dma_start3A_673 = tpu.memref_squeeze %dma_start3A_672 : memref<1x1x8x128xf32, #tpu.memory_space<vmem>> -> memref<8x128xf32, #tpu.memory_space<vmem>>
      %dma_start3A_674 = arith.constant 0 : i32
      %dma_start3A_675 = arith.constant 0 : i32
      %dma_start3A_676 = tpu.memref_slice %arg4[%select_n3A_631, %dma_start3A_669, %select_n3A_647, %dma_start3A_674, %dma_start3A_675] : memref<200x8x32x8x128xf32, #tpu.memory_space<hbm>> -> memref<1x1x1x8x128xf32, #tpu.memory_space<hbm>>
      %dma_start3A_677 = tpu.memref_squeeze %dma_start3A_676 : memref<1x1x1x8x128xf32, #tpu.memory_space<hbm>> -> memref<8x128xf32, #tpu.memory_space<hbm>>
      %dma_start3A_678 = arith.constant 0 : i32
      %dma_start3A_679 = arith.constant 0 : i32
      %dma_start3A_680 = tpu.memref_slice %arg4[%select_n3A_631, %dma_start3A_669, %select_n3A_647, %dma_start3A_678, %dma_start3A_679] : memref<200x8x32x8x128xf32, #tpu.memory_space<hbm>> -> memref<1x1x1x8x128xf32, #tpu.memory_space<hbm>>
      %dma_start3A_681 = tpu.memref_squeeze %dma_start3A_680 : memref<1x1x1x8x128xf32, #tpu.memory_space<hbm>> -> memref<8x128xf32, #tpu.memory_space<hbm>>
      %dma_start3A_682 = arith.constant 0 : i32
      %dma_start3A_683 = arith.constant 0 : i32
      %dma_start3A_684 = tpu.memref_slice %arg7[%dma_start3A_667, %dma_start3A_668, %dma_start3A_682, %dma_start3A_683] : memref<2x8x8x129xf32, #tpu.memory_space<vmem>> -> memref<1x1x8x128xf32, #tpu.memory_space<vmem>>
      %dma_start3A_685 = tpu.memref_squeeze %dma_start3A_684 : memref<1x1x8x128xf32, #tpu.memory_space<vmem>> -> memref<8x128xf32, #tpu.memory_space<vmem>>
      tpu.enqueue_dma source(%dma_start3A_685 : memref<8x128xf32, #tpu.memory_space<vmem>>) target(%dma_start3A_681 : memref<8x128xf32, #tpu.memory_space<hbm>>) target_semaphore(%arg10 : memref<!tpu.dma_semaphore, #tpu.memory_space<semaphore_mem>>)
      %dma_start3A_686 = arith.constant 0 : i32
      %dma_start3A_687 = arith.constant 2 : i32
      %dma_start3A_688 = arith.constant 2 : i32
      %dma_start3A_689 = arith.constant 0 : i32
      %dma_start3A_690 = arith.constant 0 : i32
      %dma_start3A_691 = tpu.memref_slice %arg7[%dma_start3A_686, %dma_start3A_687, %dma_start3A_689, %dma_start3A_690] : memref<2x8x8x129xf32, #tpu.memory_space<vmem>> -> memref<1x1x8x128xf32, #tpu.memory_space<vmem>>
      %dma_start3A_692 = tpu.memref_squeeze %dma_start3A_691 : memref<1x1x8x128xf32, #tpu.memory_space<vmem>> -> memref<8x128xf32, #tpu.memory_space<vmem>>
      %dma_start3A_693 = arith.constant 0 : i32
      %dma_start3A_694 = arith.constant 0 : i32
      %dma_start3A_695 = tpu.memref_slice %arg4[%select_n3A_631, %dma_start3A_688, %select_n3A_647, %dma_start3A_693, %dma_start3A_694] : memref<200x8x32x8x128xf32, #tpu.memory_space<hbm>> -> memref<1x1x1x8x128xf32, #tpu.memory_space<hbm>>
      %dma_start3A_696 = tpu.memref_squeeze %dma_start3A_695 : memref<1x1x1x8x128xf32, #tpu.memory_space<hbm>> -> memref<8x128xf32, #tpu.memory_space<hbm>>
      %dma_start3A_697 = arith.constant 0 : i32
      %dma_start3A_698 = arith.constant 0 : i32
      %dma_start3A_699 = tpu.memref_slice %arg4[%select_n3A_631, %dma_start3A_688, %select_n3A_647, %dma_start3A_697, %dma_start3A_698] : memref<200x8x32x8x128xf32, #tpu.memory_space<hbm>> -> memref<1x1x1x8x128xf32, #tpu.memory_space<hbm>>
      %dma_start3A_700 = tpu.memref_squeeze %dma_start3A_699 : memref<1x1x1x8x128xf32, #tpu.memory_space<hbm>> -> memref<8x128xf32, #tpu.memory_space<hbm>>
      %dma_start3A_701 = arith.constant 0 : i32
      %dma_start3A_702 = arith.constant 0 : i32
      %dma_start3A_703 = tpu.memref_slice %arg7[%dma_start3A_686, %dma_start3A_687, %dma_start3A_701, %dma_start3A_702] : memref<2x8x8x129xf32, #tpu.memory_space<vmem>> -> memref<1x1x8x128xf32, #tpu.memory_space<vmem>>
      %dma_start3A_704 = tpu.memref_squeeze %dma_start3A_703 : memref<1x1x8x128xf32, #tpu.memory_space<vmem>> -> memref<8x128xf32, #tpu.memory_space<vmem>>
      tpu.enqueue_dma source(%dma_start3A_704 : memref<8x128xf32, #tpu.memory_space<vmem>>) target(%dma_start3A_700 : memref<8x128xf32, #tpu.memory_space<hbm>>) target_semaphore(%arg10 : memref<!tpu.dma_semaphore, #tpu.memory_space<semaphore_mem>>)
      %dma_start3A_705 = arith.constant 0 : i32
      %dma_start3A_706 = arith.constant 3 : i32
      %dma_start3A_707 = arith.constant 3 : i32
      %dma_start3A_708 = arith.constant 0 : i32
      %dma_start3A_709 = arith.constant 0 : i32
      %dma_start3A_710 = tpu.memref_slice %arg7[%dma_start3A_705, %dma_start3A_706, %dma_start3A_708, %dma_start3A_709] : memref<2x8x8x129xf32, #tpu.memory_space<vmem>> -> memref<1x1x8x128xf32, #tpu.memory_space<vmem>>
      %dma_start3A_711 = tpu.memref_squeeze %dma_start3A_710 : memref<1x1x8x128xf32, #tpu.memory_space<vmem>> -> memref<8x128xf32, #tpu.memory_space<vmem>>
      %dma_start3A_712 = arith.constant 0 : i32
      %dma_start3A_713 = arith.constant 0 : i32
      %dma_start3A_714 = tpu.memref_slice %arg4[%select_n3A_631, %dma_start3A_707, %select_n3A_647, %dma_start3A_712, %dma_start3A_713] : memref<200x8x32x8x128xf32, #tpu.memory_space<hbm>> -> memref<1x1x1x8x128xf32, #tpu.memory_space<hbm>>
      %dma_start3A_715 = tpu.memref_squeeze %dma_start3A_714 : memref<1x1x1x8x128xf32, #tpu.memory_space<hbm>> -> memref<8x128xf32, #tpu.memory_space<hbm>>
      %dma_start3A_716 = arith.constant 0 : i32
      %dma_start3A_717 = arith.constant 0 : i32
      %dma_start3A_718 = tpu.memref_slice %arg4[%select_n3A_631, %dma_start3A_707, %select_n3A_647, %dma_start3A_716, %dma_start3A_717] : memref<200x8x32x8x128xf32, #tpu.memory_space<hbm>> -> memref<1x1x1x8x128xf32, #tpu.memory_space<hbm>>
      %dma_start3A_719 = tpu.memref_squeeze %dma_start3A_718 : memref<1x1x1x8x128xf32, #tpu.memory_space<hbm>> -> memref<8x128xf32, #tpu.memory_space<hbm>>
      %dma_start3A_720 = arith.constant 0 : i32
      %dma_start3A_721 = arith.constant 0 : i32
      %dma_start3A_722 = tpu.memref_slice %arg7[%dma_start3A_705, %dma_start3A_706, %dma_start3A_720, %dma_start3A_721] : memref<2x8x8x129xf32, #tpu.memory_space<vmem>> -> memref<1x1x8x128xf32, #tpu.memory_space<vmem>>
      %dma_start3A_723 = tpu.memref_squeeze %dma_start3A_722 : memref<1x1x8x128xf32, #tpu.memory_space<vmem>> -> memref<8x128xf32, #tpu.memory_space<vmem>>
      tpu.enqueue_dma source(%dma_start3A_723 : memref<8x128xf32, #tpu.memory_space<vmem>>) target(%dma_start3A_719 : memref<8x128xf32, #tpu.memory_space<hbm>>) target_semaphore(%arg10 : memref<!tpu.dma_semaphore, #tpu.memory_space<semaphore_mem>>)
      %dma_start3A_724 = arith.constant 0 : i32
      %dma_start3A_725 = arith.constant 4 : i32
      %dma_start3A_726 = arith.constant 4 : i32
      %dma_start3A_727 = arith.constant 0 : i32
      %dma_start3A_728 = arith.constant 0 : i32
      %dma_start3A_729 = tpu.memref_slice %arg7[%dma_start3A_724, %dma_start3A_725, %dma_start3A_727, %dma_start3A_728] : memref<2x8x8x129xf32, #tpu.memory_space<vmem>> -> memref<1x1x8x128xf32, #tpu.memory_space<vmem>>
      %dma_start3A_730 = tpu.memref_squeeze %dma_start3A_729 : memref<1x1x8x128xf32, #tpu.memory_space<vmem>> -> memref<8x128xf32, #tpu.memory_space<vmem>>
      %dma_start3A_731 = arith.constant 0 : i32
      %dma_start3A_732 = arith.constant 0 : i32
      %dma_start3A_733 = tpu.memref_slice %arg4[%select_n3A_631, %dma_start3A_726, %select_n3A_647, %dma_start3A_731, %dma_start3A_732] : memref<200x8x32x8x128xf32, #tpu.memory_space<hbm>> -> memref<1x1x1x8x128xf32, #tpu.memory_space<hbm>>
      %dma_start3A_734 = tpu.memref_squeeze %dma_start3A_733 : memref<1x1x1x8x128xf32, #tpu.memory_space<hbm>> -> memref<8x128xf32, #tpu.memory_space<hbm>>
      %dma_start3A_735 = arith.constant 0 : i32
      %dma_start3A_736 = arith.constant 0 : i32
      %dma_start3A_737 = tpu.memref_slice %arg4[%select_n3A_631, %dma_start3A_726, %select_n3A_647, %dma_start3A_735, %dma_start3A_736] : memref<200x8x32x8x128xf32, #tpu.memory_space<hbm>> -> memref<1x1x1x8x128xf32, #tpu.memory_space<hbm>>
      %dma_start3A_738 = tpu.memref_squeeze %dma_start3A_737 : memref<1x1x1x8x128xf32, #tpu.memory_space<hbm>> -> memref<8x128xf32, #tpu.memory_space<hbm>>
      %dma_start3A_739 = arith.constant 0 : i32
      %dma_start3A_740 = arith.constant 0 : i32
      %dma_start3A_741 = tpu.memref_slice %arg7[%dma_start3A_724, %dma_start3A_725, %dma_start3A_739, %dma_start3A_740] : memref<2x8x8x129xf32, #tpu.memory_space<vmem>> -> memref<1x1x8x128xf32, #tpu.memory_space<vmem>>
      %dma_start3A_742 = tpu.memref_squeeze %dma_start3A_741 : memref<1x1x8x128xf32, #tpu.memory_space<vmem>> -> memref<8x128xf32, #tpu.memory_space<vmem>>
      tpu.enqueue_dma source(%dma_start3A_742 : memref<8x128xf32, #tpu.memory_space<vmem>>) target(%dma_start3A_738 : memref<8x128xf32, #tpu.memory_space<hbm>>) target_semaphore(%arg10 : memref<!tpu.dma_semaphore, #tpu.memory_space<semaphore_mem>>)
      %dma_start3A_743 = arith.constant 0 : i32
      %dma_start3A_744 = arith.constant 5 : i32
      %dma_start3A_745 = arith.constant 5 : i32
      %dma_start3A_746 = arith.constant 0 : i32
      %dma_start3A_747 = arith.constant 0 : i32
      %dma_start3A_748 = tpu.memref_slice %arg7[%dma_start3A_743, %dma_start3A_744, %dma_start3A_746, %dma_start3A_747] : memref<2x8x8x129xf32, #tpu.memory_space<vmem>> -> memref<1x1x8x128xf32, #tpu.memory_space<vmem>>
      %dma_start3A_749 = tpu.memref_squeeze %dma_start3A_748 : memref<1x1x8x128xf32, #tpu.memory_space<vmem>> -> memref<8x128xf32, #tpu.memory_space<vmem>>
      %dma_start3A_750 = arith.constant 0 : i32
      %dma_start3A_751 = arith.constant 0 : i32
      %dma_start3A_752 = tpu.memref_slice %arg4[%select_n3A_631, %dma_start3A_745, %select_n3A_647, %dma_start3A_750, %dma_start3A_751] : memref<200x8x32x8x128xf32, #tpu.memory_space<hbm>> -> memref<1x1x1x8x128xf32, #tpu.memory_space<hbm>>
      %dma_start3A_753 = tpu.memref_squeeze %dma_start3A_752 : memref<1x1x1x8x128xf32, #tpu.memory_space<hbm>> -> memref<8x128xf32, #tpu.memory_space<hbm>>
      %dma_start3A_754 = arith.constant 0 : i32
      %dma_start3A_755 = arith.constant 0 : i32
      %dma_start3A_756 = tpu.memref_slice %arg4[%select_n3A_631, %dma_start3A_745, %select_n3A_647, %dma_start3A_754, %dma_start3A_755] : memref<200x8x32x8x128xf32, #tpu.memory_space<hbm>> -> memref<1x1x1x8x128xf32, #tpu.memory_space<hbm>>
      %dma_start3A_757 = tpu.memref_squeeze %dma_start3A_756 : memref<1x1x1x8x128xf32, #tpu.memory_space<hbm>> -> memref<8x128xf32, #tpu.memory_space<hbm>>
      %dma_start3A_758 = arith.constant 0 : i32
      %dma_start3A_759 = arith.constant 0 : i32
      %dma_start3A_760 = tpu.memref_slice %arg7[%dma_start3A_743, %dma_start3A_744, %dma_start3A_758, %dma_start3A_759] : memref<2x8x8x129xf32, #tpu.memory_space<vmem>> -> memref<1x1x8x128xf32, #tpu.memory_space<vmem>>
      %dma_start3A_761 = tpu.memref_squeeze %dma_start3A_760 : memref<1x1x8x128xf32, #tpu.memory_space<vmem>> -> memref<8x128xf32, #tpu.memory_space<vmem>>
      tpu.enqueue_dma source(%dma_start3A_761 : memref<8x128xf32, #tpu.memory_space<vmem>>) target(%dma_start3A_757 : memref<8x128xf32, #tpu.memory_space<hbm>>) target_semaphore(%arg10 : memref<!tpu.dma_semaphore, #tpu.memory_space<semaphore_mem>>)
      %dma_start3A_762 = arith.constant 0 : i32
      %dma_start3A_763 = arith.constant 6 : i32
      %dma_start3A_764 = arith.constant 6 : i32
      %dma_start3A_765 = arith.constant 0 : i32
      %dma_start3A_766 = arith.constant 0 : i32
      %dma_start3A_767 = tpu.memref_slice %arg7[%dma_start3A_762, %dma_start3A_763, %dma_start3A_765, %dma_start3A_766] : memref<2x8x8x129xf32, #tpu.memory_space<vmem>> -> memref<1x1x8x128xf32, #tpu.memory_space<vmem>>
      %dma_start3A_768 = tpu.memref_squeeze %dma_start3A_767 : memref<1x1x8x128xf32, #tpu.memory_space<vmem>> -> memref<8x128xf32, #tpu.memory_space<vmem>>
      %dma_start3A_769 = arith.constant 0 : i32
      %dma_start3A_770 = arith.constant 0 : i32
      %dma_start3A_771 = tpu.memref_slice %arg4[%select_n3A_631, %dma_start3A_764, %select_n3A_647, %dma_start3A_769, %dma_start3A_770] : memref<200x8x32x8x128xf32, #tpu.memory_space<hbm>> -> memref<1x1x1x8x128xf32, #tpu.memory_space<hbm>>
      %dma_start3A_772 = tpu.memref_squeeze %dma_start3A_771 : memref<1x1x1x8x128xf32, #tpu.memory_space<hbm>> -> memref<8x128xf32, #tpu.memory_space<hbm>>
      %dma_start3A_773 = arith.constant 0 : i32
      %dma_start3A_774 = arith.constant 0 : i32
      %dma_start3A_775 = tpu.memref_slice %arg4[%select_n3A_631, %dma_start3A_764, %select_n3A_647, %dma_start3A_773, %dma_start3A_774] : memref<200x8x32x8x128xf32, #tpu.memory_space<hbm>> -> memref<1x1x1x8x128xf32, #tpu.memory_space<hbm>>
      %dma_start3A_776 = tpu.memref_squeeze %dma_start3A_775 : memref<1x1x1x8x128xf32, #tpu.memory_space<hbm>> -> memref<8x128xf32, #tpu.memory_space<hbm>>
      %dma_start3A_777 = arith.constant 0 : i32
      %dma_start3A_778 = arith.constant 0 : i32
      %dma_start3A_779 = tpu.memref_slice %arg7[%dma_start3A_762, %dma_start3A_763, %dma_start3A_777, %dma_start3A_778] : memref<2x8x8x129xf32, #tpu.memory_space<vmem>> -> memref<1x1x8x128xf32, #tpu.memory_space<vmem>>
      %dma_start3A_780 = tpu.memref_squeeze %dma_start3A_779 : memref<1x1x8x128xf32, #tpu.memory_space<vmem>> -> memref<8x128xf32, #tpu.memory_space<vmem>>
      tpu.enqueue_dma source(%dma_start3A_780 : memref<8x128xf32, #tpu.memory_space<vmem>>) target(%dma_start3A_776 : memref<8x128xf32, #tpu.memory_space<hbm>>) target_semaphore(%arg10 : memref<!tpu.dma_semaphore, #tpu.memory_space<semaphore_mem>>)
      %dma_start3A_781 = arith.constant 0 : i32
      %dma_start3A_782 = arith.constant 7 : i32
      %dma_start3A_783 = arith.constant 7 : i32
      %dma_start3A_784 = arith.constant 0 : i32
      %dma_start3A_785 = arith.constant 0 : i32
      %dma_start3A_786 = tpu.memref_slice %arg7[%dma_start3A_781, %dma_start3A_782, %dma_start3A_784, %dma_start3A_785] : memref<2x8x8x129xf32, #tpu.memory_space<vmem>> -> memref<1x1x8x128xf32, #tpu.memory_space<vmem>>
      %dma_start3A_787 = tpu.memref_squeeze %dma_start3A_786 : memref<1x1x8x128xf32, #tpu.memory_space<vmem>> -> memref<8x128xf32, #tpu.memory_space<vmem>>
      %dma_start3A_788 = arith.constant 0 : i32
      %dma_start3A_789 = arith.constant 0 : i32
      %dma_start3A_790 = tpu.memref_slice %arg4[%select_n3A_631, %dma_start3A_783, %select_n3A_647, %dma_start3A_788, %dma_start3A_789] : memref<200x8x32x8x128xf32, #tpu.memory_space<hbm>> -> memref<1x1x1x8x128xf32, #tpu.memory_space<hbm>>
      %dma_start3A_791 = tpu.memref_squeeze %dma_start3A_790 : memref<1x1x1x8x128xf32, #tpu.memory_space<hbm>> -> memref<8x128xf32, #tpu.memory_space<hbm>>
      %dma_start3A_792 = arith.constant 0 : i32
      %dma_start3A_793 = arith.constant 0 : i32
      %dma_start3A_794 = tpu.memref_slice %arg4[%select_n3A_631, %dma_start3A_783, %select_n3A_647, %dma_start3A_792, %dma_start3A_793] : memref<200x8x32x8x128xf32, #tpu.memory_space<hbm>> -> memref<1x1x1x8x128xf32, #tpu.memory_space<hbm>>
      %dma_start3A_795 = tpu.memref_squeeze %dma_start3A_794 : memref<1x1x1x8x128xf32, #tpu.memory_space<hbm>> -> memref<8x128xf32, #tpu.memory_space<hbm>>
      %dma_start3A_796 = arith.constant 0 : i32
      %dma_start3A_797 = arith.constant 0 : i32
      %dma_start3A_798 = tpu.memref_slice %arg7[%dma_start3A_781, %dma_start3A_782, %dma_start3A_796, %dma_start3A_797] : memref<2x8x8x129xf32, #tpu.memory_space<vmem>> -> memref<1x1x8x128xf32, #tpu.memory_space<vmem>>
      %dma_start3A_799 = tpu.memref_squeeze %dma_start3A_798 : memref<1x1x8x128xf32, #tpu.memory_space<vmem>> -> memref<8x128xf32, #tpu.memory_space<vmem>>
      tpu.enqueue_dma source(%dma_start3A_799 : memref<8x128xf32, #tpu.memory_space<vmem>>) target(%dma_start3A_795 : memref<8x128xf32, #tpu.memory_space<hbm>>) target_semaphore(%arg10 : memref<!tpu.dma_semaphore, #tpu.memory_space<semaphore_mem>>)
      %mul3A_800 = arith.constant 2 : i32
      %mul3A_801 = arith.muli %mul3A_800, %scan3A_354 : i32
      %add3A_802 = arith.constant 1 : i32
      %add3A_803 = arith.addi %mul3A_801, %add3A_802 : i32
      %add3A_804 = arith.constant 1 : i32
      %add3A_805 = arith.addi %add3A_803, %add3A_804 : i32
      %lt3A_806 = arith.constant 200 : i32
      %lt3A_807 = arith.cmpi slt, %add3A_805, %lt3A_806 : i32
      %convert_element_type3A_808 = arith.extui %lt3A_807 : i1 to i32
      %cond3A_809 = arith.constant 0 : i32
      %cond3A_810 = arith.cmpi ne, %convert_element_type3A_808, %cond3A_809 : i32
      scf.if %cond3A_810 {
        %add3A_1260 = arith.constant 1 : i32
        %add3A_1261 = arith.addi %add3A_803, %add3A_1260 : i32
        %mul3A_1262 = arith.constant 128 : i32
        %mul3A_1263 = arith.muli %add3A_1261, %mul3A_1262 : i32
        %dma_start3A_1264 = arith.constant 0 : i32
        %dma_start3A_1265 = arith.constant 0 : i32
        %dma_start3A_1266 = arith.constant 0 : i32
        %dma_start3A_1267 = tpu.memref_slice %arg6[%dma_start3A_1264, %dma_start3A_1265, %dma_start3A_1266] : memref<2x128x64xf32, #tpu.memory_space<vmem>> -> memref<1x128x64xf32, #tpu.memory_space<vmem>>
        %dma_start3A_1268 = tpu.memref_squeeze %dma_start3A_1267 : memref<1x128x64xf32, #tpu.memory_space<vmem>> -> memref<128x64xf32, #tpu.memory_space<vmem>>
        %dma_start3A_1269 = tpu.memref_slice %arg5[%mul3A_1263] : memref<25600xi32, #tpu.memory_space<vmem>> -> memref<128xi32, #tpu.memory_space<vmem>>
        %dma_start3A_1270 = arith.constant 0 : i32
        %dma_start3A_1271 = arith.constant 0 : i32
        %dma_start3A_1272 = tpu.memref_slice %arg3[%dma_start3A_1270, %dma_start3A_1271] : memref<1000000x64xf32, #tpu.memory_space<hbm>> -> memref<1000000x64xf32, #tpu.memory_space<hbm>>
        tpu.enqueue_indirect_dma source(%dma_start3A_1272 : memref<1000000x64xf32, #tpu.memory_space<hbm>>) target(%dma_start3A_1268 : memref<128x64xf32, #tpu.memory_space<vmem>>) offsets(%dma_start3A_1269 : memref<128xi32, #tpu.memory_space<vmem>>) semaphore(%arg8 : memref<!tpu.dma_semaphore, #tpu.memory_space<semaphore_mem>>)
      } else {
      }
      %dma_wait3A_811 = arith.constant 1 : i32
      %dma_wait3A_812 = arith.constant 0 : i32
      %dma_wait3A_813 = arith.constant 0 : i32
      %dma_wait3A_814 = tpu.memref_slice %arg6[%dma_wait3A_811, %dma_wait3A_812, %dma_wait3A_813] : memref<2x128x64xf32, #tpu.memory_space<vmem>> -> memref<1x128x64xf32, #tpu.memory_space<vmem>>
      %dma_wait3A_815 = tpu.memref_squeeze %dma_wait3A_814 : memref<1x128x64xf32, #tpu.memory_space<vmem>> -> memref<128x64xf32, #tpu.memory_space<vmem>>
      %dma_wait3A_816 = arith.constant 0 : i32
      %dma_wait3A_817 = tpu.memref_slice %arg5[%dma_wait3A_816] : memref<25600xi32, #tpu.memory_space<vmem>> -> memref<128xi32, #tpu.memory_space<vmem>>
      %dma_wait3A_818 = arith.constant 0 : i32
      %dma_wait3A_819 = arith.constant 0 : i32
      %dma_wait3A_820 = tpu.memref_slice %arg3[%dma_wait3A_818, %dma_wait3A_819] : memref<1000000x64xf32, #tpu.memory_space<hbm>> -> memref<1000000x64xf32, #tpu.memory_space<hbm>>
      tpu.wait_indirect_dma semaphore(%arg9 : memref<!tpu.dma_semaphore, #tpu.memory_space<semaphore_mem>>) src(%dma_wait3A_820 : memref<1000000x64xf32, #tpu.memory_space<hbm>>) dst(%dma_wait3A_815 : memref<128x64xf32, #tpu.memory_space<vmem>>)
      %ge3A_821 = arith.constant 2 : i32
      %ge3A_822 = arith.cmpi sge, %add3A_803, %ge3A_821 : i32
      %convert_element_type3A_823 = arith.extui %ge3A_822 : i1 to i32
      %cond3A_824 = arith.constant 0 : i32
      %cond3A_825 = arith.cmpi ne, %convert_element_type3A_823, %cond3A_824 : i32
      scf.if %cond3A_825 {
        %dma_wait3A_1260 = arith.constant 1 : i32
        %dma_wait3A_1261 = arith.constant 0 : i32
        %dma_wait3A_1262 = arith.constant 0 : i32
        %dma_wait3A_1263 = arith.constant 0 : i32
        %dma_wait3A_1264 = arith.constant 0 : i32
        %dma_wait3A_1265 = arith.constant 0 : i32
        %dma_wait3A_1266 = arith.constant 0 : i32
        %dma_wait3A_1267 = tpu.memref_slice %arg7[%dma_wait3A_1260, %dma_wait3A_1261, %dma_wait3A_1265, %dma_wait3A_1266] : memref<2x8x8x129xf32, #tpu.memory_space<vmem>> -> memref<1x1x8x128xf32, #tpu.memory_space<vmem>>
        %dma_wait3A_1268 = tpu.memref_squeeze %dma_wait3A_1267 : memref<1x1x8x128xf32, #tpu.memory_space<vmem>> -> memref<8x128xf32, #tpu.memory_space<vmem>>
        %dma_wait3A_1269 = arith.constant 0 : i32
        %dma_wait3A_1270 = arith.constant 0 : i32
        %dma_wait3A_1271 = tpu.memref_slice %arg4[%dma_wait3A_1262, %dma_wait3A_1263, %dma_wait3A_1264, %dma_wait3A_1269, %dma_wait3A_1270] : memref<200x8x32x8x128xf32, #tpu.memory_space<hbm>> -> memref<1x1x1x8x128xf32, #tpu.memory_space<hbm>>
        %dma_wait3A_1272 = tpu.memref_squeeze %dma_wait3A_1271 : memref<1x1x1x8x128xf32, #tpu.memory_space<hbm>> -> memref<8x128xf32, #tpu.memory_space<hbm>>
        %dma_wait3A_1273 = arith.constant 0 : i32
        %dma_wait3A_1274 = arith.constant 0 : i32
        %dma_wait3A_1275 = tpu.memref_slice %arg4[%dma_wait3A_1262, %dma_wait3A_1263, %dma_wait3A_1264, %dma_wait3A_1273, %dma_wait3A_1274] : memref<200x8x32x8x128xf32, #tpu.memory_space<hbm>> -> memref<1x1x1x8x128xf32, #tpu.memory_space<hbm>>
        %dma_wait3A_1276 = tpu.memref_squeeze %dma_wait3A_1275 : memref<1x1x1x8x128xf32, #tpu.memory_space<hbm>> -> memref<8x128xf32, #tpu.memory_space<hbm>>
        %dma_wait3A_1277 = arith.constant 0 : i32
        %dma_wait3A_1278 = arith.constant 0 : i32
        %dma_wait3A_1279 = tpu.memref_slice %arg7[%dma_wait3A_1260, %dma_wait3A_1261, %dma_wait3A_1277, %dma_wait3A_1278] : memref<2x8x8x129xf32, #tpu.memory_space<vmem>> -> memref<1x1x8x128xf32, #tpu.memory_space<vmem>>
        %dma_wait3A_1280 = tpu.memref_squeeze %dma_wait3A_1279 : memref<1x1x8x128xf32, #tpu.memory_space<vmem>> -> memref<8x128xf32, #tpu.memory_space<vmem>>
        tpu.wait_dma2 semaphore(%arg11 : memref<!tpu.dma_semaphore, #tpu.memory_space<semaphore_mem>>) src(%dma_wait3A_1280 : memref<8x128xf32, #tpu.memory_space<vmem>>) dst(%dma_wait3A_1276 : memref<8x128xf32, #tpu.memory_space<hbm>>)
        %dma_wait3A_1281 = arith.constant 1 : i32
        %dma_wait3A_1282 = arith.constant 1 : i32
        %dma_wait3A_1283 = arith.constant 0 : i32
        %dma_wait3A_1284 = arith.constant 1 : i32
        %dma_wait3A_1285 = arith.constant 0 : i32
        %dma_wait3A_1286 = arith.constant 0 : i32
        %dma_wait3A_1287 = arith.constant 0 : i32
        %dma_wait3A_1288 = tpu.memref_slice %arg7[%dma_wait3A_1281, %dma_wait3A_1282, %dma_wait3A_1286, %dma_wait3A_1287] : memref<2x8x8x129xf32, #tpu.memory_space<vmem>> -> memref<1x1x8x128xf32, #tpu.memory_space<vmem>>
        %dma_wait3A_1289 = tpu.memref_squeeze %dma_wait3A_1288 : memref<1x1x8x128xf32, #tpu.memory_space<vmem>> -> memref<8x128xf32, #tpu.memory_space<vmem>>
        %dma_wait3A_1290 = arith.constant 0 : i32
        %dma_wait3A_1291 = arith.constant 0 : i32
        %dma_wait3A_1292 = tpu.memref_slice %arg4[%dma_wait3A_1283, %dma_wait3A_1284, %dma_wait3A_1285, %dma_wait3A_1290, %dma_wait3A_1291] : memref<200x8x32x8x128xf32, #tpu.memory_space<hbm>> -> memref<1x1x1x8x128xf32, #tpu.memory_space<hbm>>
        %dma_wait3A_1293 = tpu.memref_squeeze %dma_wait3A_1292 : memref<1x1x1x8x128xf32, #tpu.memory_space<hbm>> -> memref<8x128xf32, #tpu.memory_space<hbm>>
        %dma_wait3A_1294 = arith.constant 0 : i32
        %dma_wait3A_1295 = arith.constant 0 : i32
        %dma_wait3A_1296 = tpu.memref_slice %arg4[%dma_wait3A_1283, %dma_wait3A_1284, %dma_wait3A_1285, %dma_wait3A_1294, %dma_wait3A_1295] : memref<200x8x32x8x128xf32, #tpu.memory_space<hbm>> -> memref<1x1x1x8x128xf32, #tpu.memory_space<hbm>>
        %dma_wait3A_1297 = tpu.memref_squeeze %dma_wait3A_1296 : memref<1x1x1x8x128xf32, #tpu.memory_space<hbm>> -> memref<8x128xf32, #tpu.memory_space<hbm>>
        %dma_wait3A_1298 = arith.constant 0 : i32
        %dma_wait3A_1299 = arith.constant 0 : i32
        %dma_wait3A_1300 = tpu.memref_slice %arg7[%dma_wait3A_1281, %dma_wait3A_1282, %dma_wait3A_1298, %dma_wait3A_1299] : memref<2x8x8x129xf32, #tpu.memory_space<vmem>> -> memref<1x1x8x128xf32, #tpu.memory_space<vmem>>
        %dma_wait3A_1301 = tpu.memref_squeeze %dma_wait3A_1300 : memref<1x1x8x128xf32, #tpu.memory_space<vmem>> -> memref<8x128xf32, #tpu.memory_space<vmem>>
        tpu.wait_dma2 semaphore(%arg11 : memref<!tpu.dma_semaphore, #tpu.memory_space<semaphore_mem>>) src(%dma_wait3A_1301 : memref<8x128xf32, #tpu.memory_space<vmem>>) dst(%dma_wait3A_1297 : memref<8x128xf32, #tpu.memory_space<hbm>>)
        %dma_wait3A_1302 = arith.constant 1 : i32
        %dma_wait3A_1303 = arith.constant 2 : i32
        %dma_wait3A_1304 = arith.constant 0 : i32
        %dma_wait3A_1305 = arith.constant 2 : i32
        %dma_wait3A_1306 = arith.constant 0 : i32
        %dma_wait3A_1307 = arith.constant 0 : i32
        %dma_wait3A_1308 = arith.constant 0 : i32
        %dma_wait3A_1309 = tpu.memref_slice %arg7[%dma_wait3A_1302, %dma_wait3A_1303, %dma_wait3A_1307, %dma_wait3A_1308] : memref<2x8x8x129xf32, #tpu.memory_space<vmem>> -> memref<1x1x8x128xf32, #tpu.memory_space<vmem>>
        %dma_wait3A_1310 = tpu.memref_squeeze %dma_wait3A_1309 : memref<1x1x8x128xf32, #tpu.memory_space<vmem>> -> memref<8x128xf32, #tpu.memory_space<vmem>>
        %dma_wait3A_1311 = arith.constant 0 : i32
        %dma_wait3A_1312 = arith.constant 0 : i32
        %dma_wait3A_1313 = tpu.memref_slice %arg4[%dma_wait3A_1304, %dma_wait3A_1305, %dma_wait3A_1306, %dma_wait3A_1311, %dma_wait3A_1312] : memref<200x8x32x8x128xf32, #tpu.memory_space<hbm>> -> memref<1x1x1x8x128xf32, #tpu.memory_space<hbm>>
        %dma_wait3A_1314 = tpu.memref_squeeze %dma_wait3A_1313 : memref<1x1x1x8x128xf32, #tpu.memory_space<hbm>> -> memref<8x128xf32, #tpu.memory_space<hbm>>
        %dma_wait3A_1315 = arith.constant 0 : i32
        %dma_wait3A_1316 = arith.constant 0 : i32
        %dma_wait3A_1317 = tpu.memref_slice %arg4[%dma_wait3A_1304, %dma_wait3A_1305, %dma_wait3A_1306, %dma_wait3A_1315, %dma_wait3A_1316] : memref<200x8x32x8x128xf32, #tpu.memory_space<hbm>> -> memref<1x1x1x8x128xf32, #tpu.memory_space<hbm>>
        %dma_wait3A_1318 = tpu.memref_squeeze %dma_wait3A_1317 : memref<1x1x1x8x128xf32, #tpu.memory_space<hbm>> -> memref<8x128xf32, #tpu.memory_space<hbm>>
        %dma_wait3A_1319 = arith.constant 0 : i32
        %dma_wait3A_1320 = arith.constant 0 : i32
        %dma_wait3A_1321 = tpu.memref_slice %arg7[%dma_wait3A_1302, %dma_wait3A_1303, %dma_wait3A_1319, %dma_wait3A_1320] : memref<2x8x8x129xf32, #tpu.memory_space<vmem>> -> memref<1x1x8x128xf32, #tpu.memory_space<vmem>>
        %dma_wait3A_1322 = tpu.memref_squeeze %dma_wait3A_1321 : memref<1x1x8x128xf32, #tpu.memory_space<vmem>> -> memref<8x128xf32, #tpu.memory_space<vmem>>
        tpu.wait_dma2 semaphore(%arg11 : memref<!tpu.dma_semaphore, #tpu.memory_space<semaphore_mem>>) src(%dma_wait3A_1322 : memref<8x128xf32, #tpu.memory_space<vmem>>) dst(%dma_wait3A_1318 : memref<8x128xf32, #tpu.memory_space<hbm>>)
        %dma_wait3A_1323 = arith.constant 1 : i32
        %dma_wait3A_1324 = arith.constant 3 : i32
        %dma_wait3A_1325 = arith.constant 0 : i32
        %dma_wait3A_1326 = arith.constant 3 : i32
        %dma_wait3A_1327 = arith.constant 0 : i32
        %dma_wait3A_1328 = arith.constant 0 : i32
        %dma_wait3A_1329 = arith.constant 0 : i32
        %dma_wait3A_1330 = tpu.memref_slice %arg7[%dma_wait3A_1323, %dma_wait3A_1324, %dma_wait3A_1328, %dma_wait3A_1329] : memref<2x8x8x129xf32, #tpu.memory_space<vmem>> -> memref<1x1x8x128xf32, #tpu.memory_space<vmem>>
        %dma_wait3A_1331 = tpu.memref_squeeze %dma_wait3A_1330 : memref<1x1x8x128xf32, #tpu.memory_space<vmem>> -> memref<8x128xf32, #tpu.memory_space<vmem>>
        %dma_wait3A_1332 = arith.constant 0 : i32
        %dma_wait3A_1333 = arith.constant 0 : i32
        %dma_wait3A_1334 = tpu.memref_slice %arg4[%dma_wait3A_1325, %dma_wait3A_1326, %dma_wait3A_1327, %dma_wait3A_1332, %dma_wait3A_1333] : memref<200x8x32x8x128xf32, #tpu.memory_space<hbm>> -> memref<1x1x1x8x128xf32, #tpu.memory_space<hbm>>
        %dma_wait3A_1335 = tpu.memref_squeeze %dma_wait3A_1334 : memref<1x1x1x8x128xf32, #tpu.memory_space<hbm>> -> memref<8x128xf32, #tpu.memory_space<hbm>>
        %dma_wait3A_1336 = arith.constant 0 : i32
        %dma_wait3A_1337 = arith.constant 0 : i32
        %dma_wait3A_1338 = tpu.memref_slice %arg4[%dma_wait3A_1325, %dma_wait3A_1326, %dma_wait3A_1327, %dma_wait3A_1336, %dma_wait3A_1337] : memref<200x8x32x8x128xf32, #tpu.memory_space<hbm>> -> memref<1x1x1x8x128xf32, #tpu.memory_space<hbm>>
        %dma_wait3A_1339 = tpu.memref_squeeze %dma_wait3A_1338 : memref<1x1x1x8x128xf32, #tpu.memory_space<hbm>> -> memref<8x128xf32, #tpu.memory_space<hbm>>
        %dma_wait3A_1340 = arith.constant 0 : i32
        %dma_wait3A_1341 = arith.constant 0 : i32
        %dma_wait3A_1342 = tpu.memref_slice %arg7[%dma_wait3A_1323, %dma_wait3A_1324, %dma_wait3A_1340, %dma_wait3A_1341] : memref<2x8x8x129xf32, #tpu.memory_space<vmem>> -> memref<1x1x8x128xf32, #tpu.memory_space<vmem>>
        %dma_wait3A_1343 = tpu.memref_squeeze %dma_wait3A_1342 : memref<1x1x8x128xf32, #tpu.memory_space<vmem>> -> memref<8x128xf32, #tpu.memory_space<vmem>>
        tpu.wait_dma2 semaphore(%arg11 : memref<!tpu.dma_semaphore, #tpu.memory_space<semaphore_mem>>) src(%dma_wait3A_1343 : memref<8x128xf32, #tpu.memory_space<vmem>>) dst(%dma_wait3A_1339 : memref<8x128xf32, #tpu.memory_space<hbm>>)
        %dma_wait3A_1344 = arith.constant 1 : i32
        %dma_wait3A_1345 = arith.constant 4 : i32
        %dma_wait3A_1346 = arith.constant 0 : i32
        %dma_wait3A_1347 = arith.constant 4 : i32
        %dma_wait3A_1348 = arith.constant 0 : i32
        %dma_wait3A_1349 = arith.constant 0 : i32
        %dma_wait3A_1350 = arith.constant 0 : i32
        %dma_wait3A_1351 = tpu.memref_slice %arg7[%dma_wait3A_1344, %dma_wait3A_1345, %dma_wait3A_1349, %dma_wait3A_1350] : memref<2x8x8x129xf32, #tpu.memory_space<vmem>> -> memref<1x1x8x128xf32, #tpu.memory_space<vmem>>
        %dma_wait3A_1352 = tpu.memref_squeeze %dma_wait3A_1351 : memref<1x1x8x128xf32, #tpu.memory_space<vmem>> -> memref<8x128xf32, #tpu.memory_space<vmem>>
        %dma_wait3A_1353 = arith.constant 0 : i32
        %dma_wait3A_1354 = arith.constant 0 : i32
        %dma_wait3A_1355 = tpu.memref_slice %arg4[%dma_wait3A_1346, %dma_wait3A_1347, %dma_wait3A_1348, %dma_wait3A_1353, %dma_wait3A_1354] : memref<200x8x32x8x128xf32, #tpu.memory_space<hbm>> -> memref<1x1x1x8x128xf32, #tpu.memory_space<hbm>>
        %dma_wait3A_1356 = tpu.memref_squeeze %dma_wait3A_1355 : memref<1x1x1x8x128xf32, #tpu.memory_space<hbm>> -> memref<8x128xf32, #tpu.memory_space<hbm>>
        %dma_wait3A_1357 = arith.constant 0 : i32
        %dma_wait3A_1358 = arith.constant 0 : i32
        %dma_wait3A_1359 = tpu.memref_slice %arg4[%dma_wait3A_1346, %dma_wait3A_1347, %dma_wait3A_1348, %dma_wait3A_1357, %dma_wait3A_1358] : memref<200x8x32x8x128xf32, #tpu.memory_space<hbm>> -> memref<1x1x1x8x128xf32, #tpu.memory_space<hbm>>
        %dma_wait3A_1360 = tpu.memref_squeeze %dma_wait3A_1359 : memref<1x1x1x8x128xf32, #tpu.memory_space<hbm>> -> memref<8x128xf32, #tpu.memory_space<hbm>>
        %dma_wait3A_1361 = arith.constant 0 : i32
        %dma_wait3A_1362 = arith.constant 0 : i32
        %dma_wait3A_1363 = tpu.memref_slice %arg7[%dma_wait3A_1344, %dma_wait3A_1345, %dma_wait3A_1361, %dma_wait3A_1362] : memref<2x8x8x129xf32, #tpu.memory_space<vmem>> -> memref<1x1x8x128xf32, #tpu.memory_space<vmem>>
        %dma_wait3A_1364 = tpu.memref_squeeze %dma_wait3A_1363 : memref<1x1x8x128xf32, #tpu.memory_space<vmem>> -> memref<8x128xf32, #tpu.memory_space<vmem>>
        tpu.wait_dma2 semaphore(%arg11 : memref<!tpu.dma_semaphore, #tpu.memory_space<semaphore_mem>>) src(%dma_wait3A_1364 : memref<8x128xf32, #tpu.memory_space<vmem>>) dst(%dma_wait3A_1360 : memref<8x128xf32, #tpu.memory_space<hbm>>)
        %dma_wait3A_1365 = arith.constant 1 : i32
        %dma_wait3A_1366 = arith.constant 5 : i32
        %dma_wait3A_1367 = arith.constant 0 : i32
        %dma_wait3A_1368 = arith.constant 5 : i32
        %dma_wait3A_1369 = arith.constant 0 : i32
        %dma_wait3A_1370 = arith.constant 0 : i32
        %dma_wait3A_1371 = arith.constant 0 : i32
        %dma_wait3A_1372 = tpu.memref_slice %arg7[%dma_wait3A_1365, %dma_wait3A_1366, %dma_wait3A_1370, %dma_wait3A_1371] : memref<2x8x8x129xf32, #tpu.memory_space<vmem>> -> memref<1x1x8x128xf32, #tpu.memory_space<vmem>>
        %dma_wait3A_1373 = tpu.memref_squeeze %dma_wait3A_1372 : memref<1x1x8x128xf32, #tpu.memory_space<vmem>> -> memref<8x128xf32, #tpu.memory_space<vmem>>
        %dma_wait3A_1374 = arith.constant 0 : i32
        %dma_wait3A_1375 = arith.constant 0 : i32
        %dma_wait3A_1376 = tpu.memref_slice %arg4[%dma_wait3A_1367, %dma_wait3A_1368, %dma_wait3A_1369, %dma_wait3A_1374, %dma_wait3A_1375] : memref<200x8x32x8x128xf32, #tpu.memory_space<hbm>> -> memref<1x1x1x8x128xf32, #tpu.memory_space<hbm>>
        %dma_wait3A_1377 = tpu.memref_squeeze %dma_wait3A_1376 : memref<1x1x1x8x128xf32, #tpu.memory_space<hbm>> -> memref<8x128xf32, #tpu.memory_space<hbm>>
        %dma_wait3A_1378 = arith.constant 0 : i32
        %dma_wait3A_1379 = arith.constant 0 : i32
        %dma_wait3A_1380 = tpu.memref_slice %arg4[%dma_wait3A_1367, %dma_wait3A_1368, %dma_wait3A_1369, %dma_wait3A_1378, %dma_wait3A_1379] : memref<200x8x32x8x128xf32, #tpu.memory_space<hbm>> -> memref<1x1x1x8x128xf32, #tpu.memory_space<hbm>>
        %dma_wait3A_1381 = tpu.memref_squeeze %dma_wait3A_1380 : memref<1x1x1x8x128xf32, #tpu.memory_space<hbm>> -> memref<8x128xf32, #tpu.memory_space<hbm>>
        %dma_wait3A_1382 = arith.constant 0 : i32
        %dma_wait3A_1383 = arith.constant 0 : i32
        %dma_wait3A_1384 = tpu.memref_slice %arg7[%dma_wait3A_1365, %dma_wait3A_1366, %dma_wait3A_1382, %dma_wait3A_1383] : memref<2x8x8x129xf32, #tpu.memory_space<vmem>> -> memref<1x1x8x128xf32, #tpu.memory_space<vmem>>
        %dma_wait3A_1385 = tpu.memref_squeeze %dma_wait3A_1384 : memref<1x1x8x128xf32, #tpu.memory_space<vmem>> -> memref<8x128xf32, #tpu.memory_space<vmem>>
        tpu.wait_dma2 semaphore(%arg11 : memref<!tpu.dma_semaphore, #tpu.memory_space<semaphore_mem>>) src(%dma_wait3A_1385 : memref<8x128xf32, #tpu.memory_space<vmem>>) dst(%dma_wait3A_1381 : memref<8x128xf32, #tpu.memory_space<hbm>>)
        %dma_wait3A_1386 = arith.constant 1 : i32
        %dma_wait3A_1387 = arith.constant 6 : i32
        %dma_wait3A_1388 = arith.constant 0 : i32
        %dma_wait3A_1389 = arith.constant 6 : i32
        %dma_wait3A_1390 = arith.constant 0 : i32
        %dma_wait3A_1391 = arith.constant 0 : i32
        %dma_wait3A_1392 = arith.constant 0 : i32
        %dma_wait3A_1393 = tpu.memref_slice %arg7[%dma_wait3A_1386, %dma_wait3A_1387, %dma_wait3A_1391, %dma_wait3A_1392] : memref<2x8x8x129xf32, #tpu.memory_space<vmem>> -> memref<1x1x8x128xf32, #tpu.memory_space<vmem>>
        %dma_wait3A_1394 = tpu.memref_squeeze %dma_wait3A_1393 : memref<1x1x8x128xf32, #tpu.memory_space<vmem>> -> memref<8x128xf32, #tpu.memory_space<vmem>>
        %dma_wait3A_1395 = arith.constant 0 : i32
        %dma_wait3A_1396 = arith.constant 0 : i32
        %dma_wait3A_1397 = tpu.memref_slice %arg4[%dma_wait3A_1388, %dma_wait3A_1389, %dma_wait3A_1390, %dma_wait3A_1395, %dma_wait3A_1396] : memref<200x8x32x8x128xf32, #tpu.memory_space<hbm>> -> memref<1x1x1x8x128xf32, #tpu.memory_space<hbm>>
        %dma_wait3A_1398 = tpu.memref_squeeze %dma_wait3A_1397 : memref<1x1x1x8x128xf32, #tpu.memory_space<hbm>> -> memref<8x128xf32, #tpu.memory_space<hbm>>
        %dma_wait3A_1399 = arith.constant 0 : i32
        %dma_wait3A_1400 = arith.constant 0 : i32
        %dma_wait3A_1401 = tpu.memref_slice %arg4[%dma_wait3A_1388, %dma_wait3A_1389, %dma_wait3A_1390, %dma_wait3A_1399, %dma_wait3A_1400] : memref<200x8x32x8x128xf32, #tpu.memory_space<hbm>> -> memref<1x1x1x8x128xf32, #tpu.memory_space<hbm>>
        %dma_wait3A_1402 = tpu.memref_squeeze %dma_wait3A_1401 : memref<1x1x1x8x128xf32, #tpu.memory_space<hbm>> -> memref<8x128xf32, #tpu.memory_space<hbm>>
        %dma_wait3A_1403 = arith.constant 0 : i32
        %dma_wait3A_1404 = arith.constant 0 : i32
        %dma_wait3A_1405 = tpu.memref_slice %arg7[%dma_wait3A_1386, %dma_wait3A_1387, %dma_wait3A_1403, %dma_wait3A_1404] : memref<2x8x8x129xf32, #tpu.memory_space<vmem>> -> memref<1x1x8x128xf32, #tpu.memory_space<vmem>>
        %dma_wait3A_1406 = tpu.memref_squeeze %dma_wait3A_1405 : memref<1x1x8x128xf32, #tpu.memory_space<vmem>> -> memref<8x128xf32, #tpu.memory_space<vmem>>
        tpu.wait_dma2 semaphore(%arg11 : memref<!tpu.dma_semaphore, #tpu.memory_space<semaphore_mem>>) src(%dma_wait3A_1406 : memref<8x128xf32, #tpu.memory_space<vmem>>) dst(%dma_wait3A_1402 : memref<8x128xf32, #tpu.memory_space<hbm>>)
        %dma_wait3A_1407 = arith.constant 1 : i32
        %dma_wait3A_1408 = arith.constant 7 : i32
        %dma_wait3A_1409 = arith.constant 0 : i32
        %dma_wait3A_1410 = arith.constant 7 : i32
        %dma_wait3A_1411 = arith.constant 0 : i32
        %dma_wait3A_1412 = arith.constant 0 : i32
        %dma_wait3A_1413 = arith.constant 0 : i32
        %dma_wait3A_1414 = tpu.memref_slice %arg7[%dma_wait3A_1407, %dma_wait3A_1408, %dma_wait3A_1412, %dma_wait3A_1413] : memref<2x8x8x129xf32, #tpu.memory_space<vmem>> -> memref<1x1x8x128xf32, #tpu.memory_space<vmem>>
        %dma_wait3A_1415 = tpu.memref_squeeze %dma_wait3A_1414 : memref<1x1x8x128xf32, #tpu.memory_space<vmem>> -> memref<8x128xf32, #tpu.memory_space<vmem>>
        %dma_wait3A_1416 = arith.constant 0 : i32
        %dma_wait3A_1417 = arith.constant 0 : i32
        %dma_wait3A_1418 = tpu.memref_slice %arg4[%dma_wait3A_1409, %dma_wait3A_1410, %dma_wait3A_1411, %dma_wait3A_1416, %dma_wait3A_1417] : memref<200x8x32x8x128xf32, #tpu.memory_space<hbm>> -> memref<1x1x1x8x128xf32, #tpu.memory_space<hbm>>
        %dma_wait3A_1419 = tpu.memref_squeeze %dma_wait3A_1418 : memref<1x1x1x8x128xf32, #tpu.memory_space<hbm>> -> memref<8x128xf32, #tpu.memory_space<hbm>>
        %dma_wait3A_1420 = arith.constant 0 : i32
        %dma_wait3A_1421 = arith.constant 0 : i32
        %dma_wait3A_1422 = tpu.memref_slice %arg4[%dma_wait3A_1409, %dma_wait3A_1410, %dma_wait3A_1411, %dma_wait3A_1420, %dma_wait3A_1421] : memref<200x8x32x8x128xf32, #tpu.memory_space<hbm>> -> memref<1x1x1x8x128xf32, #tpu.memory_space<hbm>>
        %dma_wait3A_1423 = tpu.memref_squeeze %dma_wait3A_1422 : memref<1x1x1x8x128xf32, #tpu.memory_space<hbm>> -> memref<8x128xf32, #tpu.memory_space<hbm>>
        %dma_wait3A_1424 = arith.constant 0 : i32
        %dma_wait3A_1425 = arith.constant 0 : i32
        %dma_wait3A_1426 = tpu.memref_slice %arg7[%dma_wait3A_1407, %dma_wait3A_1408, %dma_wait3A_1424, %dma_wait3A_1425] : memref<2x8x8x129xf32, #tpu.memory_space<vmem>> -> memref<1x1x8x128xf32, #tpu.memory_space<vmem>>
        %dma_wait3A_1427 = tpu.memref_squeeze %dma_wait3A_1426 : memref<1x1x8x128xf32, #tpu.memory_space<vmem>> -> memref<8x128xf32, #tpu.memory_space<vmem>>
        tpu.wait_dma2 semaphore(%arg11 : memref<!tpu.dma_semaphore, #tpu.memory_space<semaphore_mem>>) src(%dma_wait3A_1427 : memref<8x128xf32, #tpu.memory_space<vmem>>) dst(%dma_wait3A_1423 : memref<8x128xf32, #tpu.memory_space<hbm>>)
      } else {
      }
      %iota3A_826 = tpu.iota {dimensions = array<i32: 0>} : vector<16xi32>
      %add3A_827 = arith.constant 0 : i32
      %add3A_828 = vector.broadcast %add3A_827 : i32 to vector<16xi32>
      %add3A_829 = arith.addi %add3A_828, %iota3A_826 : vector<16xi32>
      %jit3A_830 = arith.constant 8 : i32
      %div3A_831 = vector.broadcast %jit3A_830 : i32 to vector<16xi32>
      %div3A_832 = arith.divsi %add3A_829, %div3A_831 : vector<16xi32>
      %sign3A_833 = arith.constant 0 : i32
      %sign3A_834 = vector.broadcast %sign3A_833 : i32 to vector<16xi32>
      %sign3A_835 = arith.cmpi sgt, %add3A_829, %sign3A_834 : vector<16xi32>
      %sign3A_836 = arith.extui %sign3A_835 : vector<16xi1> to vector<16xi32>
      %sign3A_837 = arith.constant 0 : i32
      %sign3A_838 = vector.broadcast %sign3A_837 : i32 to vector<16xi32>
      %sign3A_839 = arith.cmpi slt, %add3A_829, %sign3A_838 : vector<16xi32>
      %sign3A_840 = arith.extui %sign3A_839 : vector<16xi1> to vector<16xi32>
      %sign3A_841 = arith.subi %sign3A_836, %sign3A_840 : vector<16xi32>
      %sign3A_842 = arith.constant 0 : i32
      %sign3A_843 = arith.cmpi sgt, %jit3A_830, %sign3A_842 : i32
      %sign3A_844 = arith.extui %sign3A_843 : i1 to i32
      %sign3A_845 = arith.constant 0 : i32
      %sign3A_846 = arith.cmpi slt, %jit3A_830, %sign3A_845 : i32
      %sign3A_847 = arith.extui %sign3A_846 : i1 to i32
      %sign3A_848 = arith.subi %sign3A_844, %sign3A_847 : i32
      %ne3A_849 = vector.broadcast %sign3A_848 : i32 to vector<16xi32>
      %ne3A_850 = arith.cmpi ne, %sign3A_841, %ne3A_849 : vector<16xi32>
      %rem3A_851 = vector.broadcast %jit3A_830 : i32 to vector<16xi32>
      %rem3A_852 = arith.remsi %add3A_829, %rem3A_851 : vector<16xi32>
      %ne3A_853 = arith.constant 0 : i32
      %ne3A_854 = vector.broadcast %ne3A_853 : i32 to vector<16xi32>
      %ne3A_855 = arith.cmpi ne, %rem3A_852, %ne3A_854 : vector<16xi32>
      %and3A_856 = arith.andi %ne3A_850, %ne3A_855 : vector<16xi1>
      %sub3A_857 = arith.constant 1 : i32
      %sub3A_858 = vector.broadcast %sub3A_857 : i32 to vector<16xi32>
      %sub3A_859 = arith.subi %div3A_832, %sub3A_858 : vector<16xi32>
      %select_n3A_860 = arith.select %and3A_856, %sub3A_859, %div3A_832 : vector<16xi1>, vector<16xi32>
      %add3A_861 = arith.constant 16 : i32
      %add3A_862 = vector.broadcast %add3A_861 : i32 to vector<16xi32>
      %add3A_863 = arith.addi %add3A_862, %iota3A_826 : vector<16xi32>
      %jit3A_864 = arith.constant 8 : i32
      %div3A_865 = vector.broadcast %jit3A_864 : i32 to vector<16xi32>
      %div3A_866 = arith.divsi %add3A_863, %div3A_865 : vector<16xi32>
      %sign3A_867 = arith.constant 0 : i32
      %sign3A_868 = vector.broadcast %sign3A_867 : i32 to vector<16xi32>
      %sign3A_869 = arith.cmpi sgt, %add3A_863, %sign3A_868 : vector<16xi32>
      %sign3A_870 = arith.extui %sign3A_869 : vector<16xi1> to vector<16xi32>
      %sign3A_871 = arith.constant 0 : i32
      %sign3A_872 = vector.broadcast %sign3A_871 : i32 to vector<16xi32>
      %sign3A_873 = arith.cmpi slt, %add3A_863, %sign3A_872 : vector<16xi32>
      %sign3A_874 = arith.extui %sign3A_873 : vector<16xi1> to vector<16xi32>
      %sign3A_875 = arith.subi %sign3A_870, %sign3A_874 : vector<16xi32>
      %sign3A_876 = arith.constant 0 : i32
      %sign3A_877 = arith.cmpi sgt, %jit3A_864, %sign3A_876 : i32
      %sign3A_878 = arith.extui %sign3A_877 : i1 to i32
      %sign3A_879 = arith.constant 0 : i32
      %sign3A_880 = arith.cmpi slt, %jit3A_864, %sign3A_879 : i32
      %sign3A_881 = arith.extui %sign3A_880 : i1 to i32
      %sign3A_882 = arith.subi %sign3A_878, %sign3A_881 : i32
      %ne3A_883 = vector.broadcast %sign3A_882 : i32 to vector<16xi32>
      %ne3A_884 = arith.cmpi ne, %sign3A_875, %ne3A_883 : vector<16xi32>
      %rem3A_885 = vector.broadcast %jit3A_864 : i32 to vector<16xi32>
      %rem3A_886 = arith.remsi %add3A_863, %rem3A_885 : vector<16xi32>
      %ne3A_887 = arith.constant 0 : i32
      %ne3A_888 = vector.broadcast %ne3A_887 : i32 to vector<16xi32>
      %ne3A_889 = arith.cmpi ne, %rem3A_886, %ne3A_888 : vector<16xi32>
      %and3A_890 = arith.andi %ne3A_884, %ne3A_889 : vector<16xi1>
      %sub3A_891 = arith.constant 1 : i32
      %sub3A_892 = vector.broadcast %sub3A_891 : i32 to vector<16xi32>
      %sub3A_893 = arith.subi %div3A_866, %sub3A_892 : vector<16xi32>
      %select_n3A_894 = arith.select %and3A_890, %sub3A_893, %div3A_866 : vector<16xi1>, vector<16xi32>
      %add3A_895 = arith.constant 32 : i32
      %add3A_896 = vector.broadcast %add3A_895 : i32 to vector<16xi32>
      %add3A_897 = arith.addi %add3A_896, %iota3A_826 : vector<16xi32>
      %jit3A_898 = arith.constant 8 : i32
      %div3A_899 = vector.broadcast %jit3A_898 : i32 to vector<16xi32>
      %div3A_900 = arith.divsi %add3A_897, %div3A_899 : vector<16xi32>
      %sign3A_901 = arith.constant 0 : i32
      %sign3A_902 = vector.broadcast %sign3A_901 : i32 to vector<16xi32>
      %sign3A_903 = arith.cmpi sgt, %add3A_897, %sign3A_902 : vector<16xi32>
      %sign3A_904 = arith.extui %sign3A_903 : vector<16xi1> to vector<16xi32>
      %sign3A_905 = arith.constant 0 : i32
      %sign3A_906 = vector.broadcast %sign3A_905 : i32 to vector<16xi32>
      %sign3A_907 = arith.cmpi slt, %add3A_897, %sign3A_906 : vector<16xi32>
      %sign3A_908 = arith.extui %sign3A_907 : vector<16xi1> to vector<16xi32>
      %sign3A_909 = arith.subi %sign3A_904, %sign3A_908 : vector<16xi32>
      %sign3A_910 = arith.constant 0 : i32
      %sign3A_911 = arith.cmpi sgt, %jit3A_898, %sign3A_910 : i32
      %sign3A_912 = arith.extui %sign3A_911 : i1 to i32
      %sign3A_913 = arith.constant 0 : i32
      %sign3A_914 = arith.cmpi slt, %jit3A_898, %sign3A_913 : i32
      %sign3A_915 = arith.extui %sign3A_914 : i1 to i32
      %sign3A_916 = arith.subi %sign3A_912, %sign3A_915 : i32
      %ne3A_917 = vector.broadcast %sign3A_916 : i32 to vector<16xi32>
      %ne3A_918 = arith.cmpi ne, %sign3A_909, %ne3A_917 : vector<16xi32>
      %rem3A_919 = vector.broadcast %jit3A_898 : i32 to vector<16xi32>
      %rem3A_920 = arith.remsi %add3A_897, %rem3A_919 : vector<16xi32>
      %ne3A_921 = arith.constant 0 : i32
      %ne3A_922 = vector.broadcast %ne3A_921 : i32 to vector<16xi32>
      %ne3A_923 = arith.cmpi ne, %rem3A_920, %ne3A_922 : vector<16xi32>
      %and3A_924 = arith.andi %ne3A_918, %ne3A_923 : vector<16xi1>
      %sub3A_925 = arith.constant 1 : i32
      %sub3A_926 = vector.broadcast %sub3A_925 : i32 to vector<16xi32>
      %sub3A_927 = arith.subi %div3A_900, %sub3A_926 : vector<16xi32>
      %select_n3A_928 = arith.select %and3A_924, %sub3A_927, %div3A_900 : vector<16xi1>, vector<16xi32>
      %add3A_929 = arith.constant 48 : i32
      %add3A_930 = vector.broadcast %add3A_929 : i32 to vector<16xi32>
      %add3A_931 = arith.addi %add3A_930, %iota3A_826 : vector<16xi32>
      %jit3A_932 = arith.constant 8 : i32
      %div3A_933 = vector.broadcast %jit3A_932 : i32 to vector<16xi32>
      %div3A_934 = arith.divsi %add3A_931, %div3A_933 : vector<16xi32>
      %sign3A_935 = arith.constant 0 : i32
      %sign3A_936 = vector.broadcast %sign3A_935 : i32 to vector<16xi32>
      %sign3A_937 = arith.cmpi sgt, %add3A_931, %sign3A_936 : vector<16xi32>
      %sign3A_938 = arith.extui %sign3A_937 : vector<16xi1> to vector<16xi32>
      %sign3A_939 = arith.constant 0 : i32
      %sign3A_940 = vector.broadcast %sign3A_939 : i32 to vector<16xi32>
      %sign3A_941 = arith.cmpi slt, %add3A_931, %sign3A_940 : vector<16xi32>
      %sign3A_942 = arith.extui %sign3A_941 : vector<16xi1> to vector<16xi32>
      %sign3A_943 = arith.subi %sign3A_938, %sign3A_942 : vector<16xi32>
      %sign3A_944 = arith.constant 0 : i32
      %sign3A_945 = arith.cmpi sgt, %jit3A_932, %sign3A_944 : i32
      %sign3A_946 = arith.extui %sign3A_945 : i1 to i32
      %sign3A_947 = arith.constant 0 : i32
      %sign3A_948 = arith.cmpi slt, %jit3A_932, %sign3A_947 : i32
      %sign3A_949 = arith.extui %sign3A_948 : i1 to i32
      %sign3A_950 = arith.subi %sign3A_946, %sign3A_949 : i32
      %ne3A_951 = vector.broadcast %sign3A_950 : i32 to vector<16xi32>
      %ne3A_952 = arith.cmpi ne, %sign3A_943, %ne3A_951 : vector<16xi32>
      %rem3A_953 = vector.broadcast %jit3A_932 : i32 to vector<16xi32>
      %rem3A_954 = arith.remsi %add3A_931, %rem3A_953 : vector<16xi32>
      %ne3A_955 = arith.constant 0 : i32
      %ne3A_956 = vector.broadcast %ne3A_955 : i32 to vector<16xi32>
      %ne3A_957 = arith.cmpi ne, %rem3A_954, %ne3A_956 : vector<16xi32>
      %and3A_958 = arith.andi %ne3A_952, %ne3A_957 : vector<16xi1>
      %sub3A_959 = arith.constant 1 : i32
      %sub3A_960 = vector.broadcast %sub3A_959 : i32 to vector<16xi32>
      %sub3A_961 = arith.subi %div3A_934, %sub3A_960 : vector<16xi32>
      %select_n3A_962 = arith.select %and3A_958, %sub3A_961, %div3A_934 : vector<16xi1>, vector<16xi32>
      %add3A_963 = arith.constant 0 : i32
      %add3A_964 = vector.broadcast %add3A_963 : i32 to vector<16xi32>
      %add3A_965 = arith.addi %add3A_964, %iota3A_826 : vector<16xi32>
      %jit3A_966 = arith.constant 8 : i32
      %eq3A_967 = arith.constant 0 : i32
      %eq3A_968 = arith.cmpi eq, %jit3A_966, %eq3A_967 : i32
      %jit3A_969 = arith.constant 1 : i32
      %select_n3A_970 = arith.select %eq3A_968, %jit3A_969, %jit3A_966 : i32
      %rem3A_971 = vector.broadcast %select_n3A_970 : i32 to vector<16xi32>
      %rem3A_972 = arith.remsi %add3A_965, %rem3A_971 : vector<16xi32>
      %ne3A_973 = arith.constant 0 : i32
      %ne3A_974 = vector.broadcast %ne3A_973 : i32 to vector<16xi32>
      %ne3A_975 = arith.cmpi ne, %rem3A_972, %ne3A_974 : vector<16xi32>
      %lt3A_976 = arith.constant 0 : i32
      %lt3A_977 = vector.broadcast %lt3A_976 : i32 to vector<16xi32>
      %lt3A_978 = arith.cmpi slt, %rem3A_972, %lt3A_977 : vector<16xi32>
      %lt3A_979 = arith.constant 0 : i32
      %lt3A_980 = arith.cmpi slt, %select_n3A_970, %lt3A_979 : i32
      %ne3A_981 = vector.broadcast %lt3A_980 : i1 to vector<16xi1>
      %ne3A_982 = vector.broadcast %ne3A_981 : vector<16xi1> to vector<16xi1>
      %ne3A_983 = arith.xori %lt3A_978, %ne3A_982 : vector<16xi1>
      %and3A_984 = arith.andi %ne3A_983, %ne3A_975 : vector<16xi1>
      %add3A_985 = vector.broadcast %select_n3A_970 : i32 to vector<16xi32>
      %add3A_986 = arith.addi %rem3A_972, %add3A_985 : vector<16xi32>
      %select_n3A_987 = arith.select %and3A_984, %add3A_986, %rem3A_972 : vector<16xi1>, vector<16xi32>
      %add3A_988 = arith.constant 16 : i32
      %add3A_989 = vector.broadcast %add3A_988 : i32 to vector<16xi32>
      %add3A_990 = arith.addi %add3A_989, %iota3A_826 : vector<16xi32>
      %jit3A_991 = arith.constant 8 : i32
      %eq3A_992 = arith.constant 0 : i32
      %eq3A_993 = arith.cmpi eq, %jit3A_991, %eq3A_992 : i32
      %jit3A_994 = arith.constant 1 : i32
      %select_n3A_995 = arith.select %eq3A_993, %jit3A_994, %jit3A_991 : i32
      %rem3A_996 = vector.broadcast %select_n3A_995 : i32 to vector<16xi32>
      %rem3A_997 = arith.remsi %add3A_990, %rem3A_996 : vector<16xi32>
      %ne3A_998 = arith.constant 0 : i32
      %ne3A_999 = vector.broadcast %ne3A_998 : i32 to vector<16xi32>
      %ne3A_1000 = arith.cmpi ne, %rem3A_997, %ne3A_999 : vector<16xi32>
      %lt3A_1001 = arith.constant 0 : i32
      %lt3A_1002 = vector.broadcast %lt3A_1001 : i32 to vector<16xi32>
      %lt3A_1003 = arith.cmpi slt, %rem3A_997, %lt3A_1002 : vector<16xi32>
      %lt3A_1004 = arith.constant 0 : i32
      %lt3A_1005 = arith.cmpi slt, %select_n3A_995, %lt3A_1004 : i32
      %ne3A_1006 = vector.broadcast %lt3A_1005 : i1 to vector<16xi1>
      %ne3A_1007 = vector.broadcast %ne3A_1006 : vector<16xi1> to vector<16xi1>
      %ne3A_1008 = arith.xori %lt3A_1003, %ne3A_1007 : vector<16xi1>
      %and3A_1009 = arith.andi %ne3A_1008, %ne3A_1000 : vector<16xi1>
      %add3A_1010 = vector.broadcast %select_n3A_995 : i32 to vector<16xi32>
      %add3A_1011 = arith.addi %rem3A_997, %add3A_1010 : vector<16xi32>
      %select_n3A_1012 = arith.select %and3A_1009, %add3A_1011, %rem3A_997 : vector<16xi1>, vector<16xi32>
      %add3A_1013 = arith.constant 32 : i32
      %add3A_1014 = vector.broadcast %add3A_1013 : i32 to vector<16xi32>
      %add3A_1015 = arith.addi %add3A_1014, %iota3A_826 : vector<16xi32>
      %jit3A_1016 = arith.constant 8 : i32
      %eq3A_1017 = arith.constant 0 : i32
      %eq3A_1018 = arith.cmpi eq, %jit3A_1016, %eq3A_1017 : i32
      %jit3A_1019 = arith.constant 1 : i32
      %select_n3A_1020 = arith.select %eq3A_1018, %jit3A_1019, %jit3A_1016 : i32
      %rem3A_1021 = vector.broadcast %select_n3A_1020 : i32 to vector<16xi32>
      %rem3A_1022 = arith.remsi %add3A_1015, %rem3A_1021 : vector<16xi32>
      %ne3A_1023 = arith.constant 0 : i32
      %ne3A_1024 = vector.broadcast %ne3A_1023 : i32 to vector<16xi32>
      %ne3A_1025 = arith.cmpi ne, %rem3A_1022, %ne3A_1024 : vector<16xi32>
      %lt3A_1026 = arith.constant 0 : i32
      %lt3A_1027 = vector.broadcast %lt3A_1026 : i32 to vector<16xi32>
      %lt3A_1028 = arith.cmpi slt, %rem3A_1022, %lt3A_1027 : vector<16xi32>
      %lt3A_1029 = arith.constant 0 : i32
      %lt3A_1030 = arith.cmpi slt, %select_n3A_1020, %lt3A_1029 : i32
      %ne3A_1031 = vector.broadcast %lt3A_1030 : i1 to vector<16xi1>
      %ne3A_1032 = vector.broadcast %ne3A_1031 : vector<16xi1> to vector<16xi1>
      %ne3A_1033 = arith.xori %lt3A_1028, %ne3A_1032 : vector<16xi1>
      %and3A_1034 = arith.andi %ne3A_1033, %ne3A_1025 : vector<16xi1>
      %add3A_1035 = vector.broadcast %select_n3A_1020 : i32 to vector<16xi32>
      %add3A_1036 = arith.addi %rem3A_1022, %add3A_1035 : vector<16xi32>
      %select_n3A_1037 = arith.select %and3A_1034, %add3A_1036, %rem3A_1022 : vector<16xi1>, vector<16xi32>
      %add3A_1038 = arith.constant 48 : i32
      %add3A_1039 = vector.broadcast %add3A_1038 : i32 to vector<16xi32>
      %add3A_1040 = arith.addi %add3A_1039, %iota3A_826 : vector<16xi32>
      %jit3A_1041 = arith.constant 8 : i32
      %eq3A_1042 = arith.constant 0 : i32
      %eq3A_1043 = arith.cmpi eq, %jit3A_1041, %eq3A_1042 : i32
      %jit3A_1044 = arith.constant 1 : i32
      %select_n3A_1045 = arith.select %eq3A_1043, %jit3A_1044, %jit3A_1041 : i32
      %rem3A_1046 = vector.broadcast %select_n3A_1045 : i32 to vector<16xi32>
      %rem3A_1047 = arith.remsi %add3A_1040, %rem3A_1046 : vector<16xi32>
      %ne3A_1048 = arith.constant 0 : i32
      %ne3A_1049 = vector.broadcast %ne3A_1048 : i32 to vector<16xi32>
      %ne3A_1050 = arith.cmpi ne, %rem3A_1047, %ne3A_1049 : vector<16xi32>
      %lt3A_1051 = arith.constant 0 : i32
      %lt3A_1052 = vector.broadcast %lt3A_1051 : i32 to vector<16xi32>
      %lt3A_1053 = arith.cmpi slt, %rem3A_1047, %lt3A_1052 : vector<16xi32>
      %lt3A_1054 = arith.constant 0 : i32
      %lt3A_1055 = arith.cmpi slt, %select_n3A_1045, %lt3A_1054 : i32
      %ne3A_1056 = vector.broadcast %lt3A_1055 : i1 to vector<16xi1>
      %ne3A_1057 = vector.broadcast %ne3A_1056 : vector<16xi1> to vector<16xi1>
      %ne3A_1058 = arith.xori %lt3A_1053, %ne3A_1057 : vector<16xi1>
      %and3A_1059 = arith.andi %ne3A_1058, %ne3A_1050 : vector<16xi1>
      %add3A_1060 = vector.broadcast %select_n3A_1045 : i32 to vector<16xi32>
      %add3A_1061 = arith.addi %rem3A_1047, %add3A_1060 : vector<16xi32>
      %select_n3A_1062 = arith.select %and3A_1059, %add3A_1061, %rem3A_1047 : vector<16xi1>, vector<16xi32>
      %parallel_loop3A_1063 = arith.constant 0 : i32
      %parallel_loop3A_1064 = arith.constant 128 : i32
      %parallel_loop3A_1065 = arith.constant 1 : i32
      %parallel_loop3A_1066 = arith.constant 1 : i32
      scf.for %parallel_loop3A_1260 = %parallel_loop3A_1063 to %parallel_loop3A_1064 step %parallel_loop3A_1065  : i32 {
        %parallel_loop3A_1261 = vector.broadcast %parallel_loop3A_1260 : i32 to vector<16xi32>
        %parallel_loop3A_1262 = arith.constant 1 : i32
        %parallel_loop3A_1263 = arith.index_cast %parallel_loop3A_1262 : i32 to index
        %parallel_loop3A_1264 = arith.index_cast %parallel_loop3A_1260 : i32 to index
        %parallel_loop3A_1265 = arith.constant 0 : index
        %parallel_loop3A_1266 = tpu.vector_load %arg6[%parallel_loop3A_1263, %parallel_loop3A_1264, %parallel_loop3A_1265] {strides = array<i32>} : memref<2x128x64xf32, #tpu.memory_space<vmem>>, vector<16xf32>,
        %parallel_loop3A_1267 = arith.constant 0 : i32
        %parallel_loop3A_1268 = arith.constant 0 : i32
        %parallel_loop3A_1269 = arith.constant 0 : i32
        %parallel_loop3A_1270 = tpu.memref_slice %arg7[%parallel_loop3A_1066, %parallel_loop3A_1267, %parallel_loop3A_1268, %parallel_loop3A_1269] : memref<2x8x8x129xf32, #tpu.memory_space<vmem>> -> memref<1x8x8x129xf32, #tpu.memory_space<vmem>>
        %parallel_loop3A_1271 = tpu.memref_squeeze %parallel_loop3A_1270 : memref<1x8x8x129xf32, #tpu.memory_space<vmem>> -> memref<8x8x129xf32, #tpu.memory_space<vmem>>
        tpu.vector_store_idx %parallel_loop3A_1271[%select_n3A_860, %select_n3A_987, %parallel_loop3A_1261], %parallel_loop3A_1266 : memref<8x8x129xf32, #tpu.memory_space<vmem>>[vector<16xi32>, vector<16xi32>, vector<16xi32>], vector<16xf32>,
        %parallel_loop3A_1272 = arith.constant 1 : i32
        %parallel_loop3A_1273 = arith.index_cast %parallel_loop3A_1272 : i32 to index
        %parallel_loop3A_1274 = arith.index_cast %parallel_loop3A_1260 : i32 to index
        %parallel_loop3A_1275 = arith.constant 16 : index
        %parallel_loop3A_1276 = tpu.vector_load %arg6[%parallel_loop3A_1273, %parallel_loop3A_1274, %parallel_loop3A_1275] {strides = array<i32>} : memref<2x128x64xf32, #tpu.memory_space<vmem>>, vector<16xf32>,
        %parallel_loop3A_1277 = arith.constant 0 : i32
        %parallel_loop3A_1278 = arith.constant 0 : i32
        %parallel_loop3A_1279 = arith.constant 0 : i32
        %parallel_loop3A_1280 = tpu.memref_slice %arg7[%parallel_loop3A_1066, %parallel_loop3A_1277, %parallel_loop3A_1278, %parallel_loop3A_1279] : memref<2x8x8x129xf32, #tpu.memory_space<vmem>> -> memref<1x8x8x129xf32, #tpu.memory_space<vmem>>
        %parallel_loop3A_1281 = tpu.memref_squeeze %parallel_loop3A_1280 : memref<1x8x8x129xf32, #tpu.memory_space<vmem>> -> memref<8x8x129xf32, #tpu.memory_space<vmem>>
        tpu.vector_store_idx %parallel_loop3A_1281[%select_n3A_894, %select_n3A_1012, %parallel_loop3A_1261], %parallel_loop3A_1276 : memref<8x8x129xf32, #tpu.memory_space<vmem>>[vector<16xi32>, vector<16xi32>, vector<16xi32>], vector<16xf32>,
        %parallel_loop3A_1282 = arith.constant 1 : i32
        %parallel_loop3A_1283 = arith.index_cast %parallel_loop3A_1282 : i32 to index
        %parallel_loop3A_1284 = arith.index_cast %parallel_loop3A_1260 : i32 to index
        %parallel_loop3A_1285 = arith.constant 32 : index
        %parallel_loop3A_1286 = tpu.vector_load %arg6[%parallel_loop3A_1283, %parallel_loop3A_1284, %parallel_loop3A_1285] {strides = array<i32>} : memref<2x128x64xf32, #tpu.memory_space<vmem>>, vector<16xf32>,
        %parallel_loop3A_1287 = arith.constant 0 : i32
        %parallel_loop3A_1288 = arith.constant 0 : i32
        %parallel_loop3A_1289 = arith.constant 0 : i32
        %parallel_loop3A_1290 = tpu.memref_slice %arg7[%parallel_loop3A_1066, %parallel_loop3A_1287, %parallel_loop3A_1288, %parallel_loop3A_1289] : memref<2x8x8x129xf32, #tpu.memory_space<vmem>> -> memref<1x8x8x129xf32, #tpu.memory_space<vmem>>
        %parallel_loop3A_1291 = tpu.memref_squeeze %parallel_loop3A_1290 : memref<1x8x8x129xf32, #tpu.memory_space<vmem>> -> memref<8x8x129xf32, #tpu.memory_space<vmem>>
        tpu.vector_store_idx %parallel_loop3A_1291[%select_n3A_928, %select_n3A_1037, %parallel_loop3A_1261], %parallel_loop3A_1286 : memref<8x8x129xf32, #tpu.memory_space<vmem>>[vector<16xi32>, vector<16xi32>, vector<16xi32>], vector<16xf32>,
        %parallel_loop3A_1292 = arith.constant 1 : i32
        %parallel_loop3A_1293 = arith.index_cast %parallel_loop3A_1292 : i32 to index
        %parallel_loop3A_1294 = arith.index_cast %parallel_loop3A_1260 : i32 to index
        %parallel_loop3A_1295 = arith.constant 48 : index
        %parallel_loop3A_1296 = tpu.vector_load %arg6[%parallel_loop3A_1293, %parallel_loop3A_1294, %parallel_loop3A_1295] {strides = array<i32>} : memref<2x128x64xf32, #tpu.memory_space<vmem>>, vector<16xf32>,
        %parallel_loop3A_1297 = arith.constant 0 : i32
        %parallel_loop3A_1298 = arith.constant 0 : i32
        %parallel_loop3A_1299 = arith.constant 0 : i32
        %parallel_loop3A_1300 = tpu.memref_slice %arg7[%parallel_loop3A_1066, %parallel_loop3A_1297, %parallel_loop3A_1298, %parallel_loop3A_1299] : memref<2x8x8x129xf32, #tpu.memory_space<vmem>> -> memref<1x8x8x129xf32, #tpu.memory_space<vmem>>
        %parallel_loop3A_1301 = tpu.memref_squeeze %parallel_loop3A_1300 : memref<1x8x8x129xf32, #tpu.memory_space<vmem>> -> memref<8x8x129xf32, #tpu.memory_space<vmem>>
        tpu.vector_store_idx %parallel_loop3A_1301[%select_n3A_962, %select_n3A_1062, %parallel_loop3A_1261], %parallel_loop3A_1296 : memref<8x8x129xf32, #tpu.memory_space<vmem>>[vector<16xi32>, vector<16xi32>, vector<16xi32>], vector<16xf32>,
      } {sc.loop_unroll_factor = 8 : i64, sc.parallel_access}
      %add3A_1067 = arith.addi %mul3A_2, %add3A_803 : i32
      %jit3A_1068 = arith.constant 32 : i32
      %div3A_1069 = arith.divsi %add3A_1067, %jit3A_1068 : i32
      %sign3A_1070 = arith.constant 0 : i32
      %sign3A_1071 = arith.cmpi sgt, %add3A_1067, %sign3A_1070 : i32
      %sign3A_1072 = arith.extui %sign3A_1071 : i1 to i32
      %sign3A_1073 = arith.constant 0 : i32
      %sign3A_1074 = arith.cmpi slt, %add3A_1067, %sign3A_1073 : i32
      %sign3A_1075 = arith.extui %sign3A_1074 : i1 to i32
      %sign3A_1076 = arith.subi %sign3A_1072, %sign3A_1075 : i32
      %sign3A_1077 = arith.constant 0 : i32
      %sign3A_1078 = arith.cmpi sgt, %jit3A_1068, %sign3A_1077 : i32
      %sign3A_1079 = arith.extui %sign3A_1078 : i1 to i32
      %sign3A_1080 = arith.constant 0 : i32
      %sign3A_1081 = arith.cmpi slt, %jit3A_1068, %sign3A_1080 : i32
      %sign3A_1082 = arith.extui %sign3A_1081 : i1 to i32
      %sign3A_1083 = arith.subi %sign3A_1079, %sign3A_1082 : i32
      %ne3A_1084 = arith.cmpi ne, %sign3A_1076, %sign3A_1083 : i32
      %rem3A_1085 = arith.remsi %add3A_1067, %jit3A_1068 : i32
      %ne3A_1086 = arith.constant 0 : i32
      %ne3A_1087 = arith.cmpi ne, %rem3A_1085, %ne3A_1086 : i32
      %and3A_1088 = arith.andi %ne3A_1084, %ne3A_1087 : i1
      %sub3A_1089 = arith.constant 1 : i32
      %sub3A_1090 = arith.subi %div3A_1069, %sub3A_1089 : i32
      %select_n3A_1091 = arith.select %and3A_1088, %sub3A_1090, %div3A_1069 : i32
      %jit3A_1092 = arith.constant 32 : i32
      %eq3A_1093 = arith.constant 0 : i32
      %eq3A_1094 = arith.cmpi eq, %jit3A_1092, %eq3A_1093 : i32
      %jit3A_1095 = arith.constant 1 : i32
      %select_n3A_1096 = arith.select %eq3A_1094, %jit3A_1095, %jit3A_1092 : i32
      %rem3A_1097 = arith.remsi %add3A_1067, %select_n3A_1096 : i32
      %ne3A_1098 = arith.constant 0 : i32
      %ne3A_1099 = arith.cmpi ne, %rem3A_1097, %ne3A_1098 : i32
      %lt3A_1100 = arith.constant 0 : i32
      %lt3A_1101 = arith.cmpi slt, %rem3A_1097, %lt3A_1100 : i32
      %lt3A_1102 = arith.constant 0 : i32
      %lt3A_1103 = arith.cmpi slt, %select_n3A_1096, %lt3A_1102 : i32
      %ne3A_1104 = arith.xori %lt3A_1101, %lt3A_1103 : i1
      %and3A_1105 = arith.andi %ne3A_1104, %ne3A_1099 : i1
      %add3A_1106 = arith.addi %rem3A_1097, %select_n3A_1096 : i32
      %select_n3A_1107 = arith.select %and3A_1105, %add3A_1106, %rem3A_1097 : i32
      %dma_start3A_1108 = arith.constant 1 : i32
      %dma_start3A_1109 = arith.constant 0 : i32
      %dma_start3A_1110 = arith.constant 0 : i32
      %dma_start3A_1111 = arith.constant 0 : i32
      %dma_start3A_1112 = arith.constant 0 : i32
      %dma_start3A_1113 = tpu.memref_slice %arg7[%dma_start3A_1108, %dma_start3A_1109, %dma_start3A_1111, %dma_start3A_1112] : memref<2x8x8x129xf32, #tpu.memory_space<vmem>> -> memref<1x1x8x128xf32, #tpu.memory_space<vmem>>
      %dma_start3A_1114 = tpu.memref_squeeze %dma_start3A_1113 : memref<1x1x8x128xf32, #tpu.memory_space<vmem>> -> memref<8x128xf32, #tpu.memory_space<vmem>>
      %dma_start3A_1115 = arith.constant 0 : i32
      %dma_start3A_1116 = arith.constant 0 : i32
      %dma_start3A_1117 = tpu.memref_slice %arg4[%select_n3A_1091, %dma_start3A_1110, %select_n3A_1107, %dma_start3A_1115, %dma_start3A_1116] : memref<200x8x32x8x128xf32, #tpu.memory_space<hbm>> -> memref<1x1x1x8x128xf32, #tpu.memory_space<hbm>>
      %dma_start3A_1118 = tpu.memref_squeeze %dma_start3A_1117 : memref<1x1x1x8x128xf32, #tpu.memory_space<hbm>> -> memref<8x128xf32, #tpu.memory_space<hbm>>
      %dma_start3A_1119 = arith.constant 0 : i32
      %dma_start3A_1120 = arith.constant 0 : i32
      %dma_start3A_1121 = tpu.memref_slice %arg4[%select_n3A_1091, %dma_start3A_1110, %select_n3A_1107, %dma_start3A_1119, %dma_start3A_1120] : memref<200x8x32x8x128xf32, #tpu.memory_space<hbm>> -> memref<1x1x1x8x128xf32, #tpu.memory_space<hbm>>
      %dma_start3A_1122 = tpu.memref_squeeze %dma_start3A_1121 : memref<1x1x1x8x128xf32, #tpu.memory_space<hbm>> -> memref<8x128xf32, #tpu.memory_space<hbm>>
      %dma_start3A_1123 = arith.constant 0 : i32
      %dma_start3A_1124 = arith.constant 0 : i32
      %dma_start3A_1125 = tpu.memref_slice %arg7[%dma_start3A_1108, %dma_start3A_1109, %dma_start3A_1123, %dma_start3A_1124] : memref<2x8x8x129xf32, #tpu.memory_space<vmem>> -> memref<1x1x8x128xf32, #tpu.memory_space<vmem>>
      %dma_start3A_1126 = tpu.memref_squeeze %dma_start3A_1125 : memref<1x1x8x128xf32, #tpu.memory_space<vmem>> -> memref<8x128xf32, #tpu.memory_space<vmem>>
      tpu.enqueue_dma source(%dma_start3A_1126 : memref<8x128xf32, #tpu.memory_space<vmem>>) target(%dma_start3A_1122 : memref<8x128xf32, #tpu.memory_space<hbm>>) target_semaphore(%arg11 : memref<!tpu.dma_semaphore, #tpu.memory_space<semaphore_mem>>)
      %dma_start3A_1127 = arith.constant 1 : i32
      %dma_start3A_1128 = arith.constant 1 : i32
      %dma_start3A_1129 = arith.constant 1 : i32
      %dma_start3A_1130 = arith.constant 0 : i32
      %dma_start3A_1131 = arith.constant 0 : i32
      %dma_start3A_1132 = tpu.memref_slice %arg7[%dma_start3A_1127, %dma_start3A_1128, %dma_start3A_1130, %dma_start3A_1131] : memref<2x8x8x129xf32, #tpu.memory_space<vmem>> -> memref<1x1x8x128xf32, #tpu.memory_space<vmem>>
      %dma_start3A_1133 = tpu.memref_squeeze %dma_start3A_1132 : memref<1x1x8x128xf32, #tpu.memory_space<vmem>> -> memref<8x128xf32, #tpu.memory_space<vmem>>
      %dma_start3A_1134 = arith.constant 0 : i32
      %dma_start3A_1135 = arith.constant 0 : i32
      %dma_start3A_1136 = tpu.memref_slice %arg4[%select_n3A_1091, %dma_start3A_1129, %select_n3A_1107, %dma_start3A_1134, %dma_start3A_1135] : memref<200x8x32x8x128xf32, #tpu.memory_space<hbm>> -> memref<1x1x1x8x128xf32, #tpu.memory_space<hbm>>
      %dma_start3A_1137 = tpu.memref_squeeze %dma_start3A_1136 : memref<1x1x1x8x128xf32, #tpu.memory_space<hbm>> -> memref<8x128xf32, #tpu.memory_space<hbm>>
      %dma_start3A_1138 = arith.constant 0 : i32
      %dma_start3A_1139 = arith.constant 0 : i32
      %dma_start3A_1140 = tpu.memref_slice %arg4[%select_n3A_1091, %dma_start3A_1129, %select_n3A_1107, %dma_start3A_1138, %dma_start3A_1139] : memref<200x8x32x8x128xf32, #tpu.memory_space<hbm>> -> memref<1x1x1x8x128xf32, #tpu.memory_space<hbm>>
      %dma_start3A_1141 = tpu.memref_squeeze %dma_start3A_1140 : memref<1x1x1x8x128xf32, #tpu.memory_space<hbm>> -> memref<8x128xf32, #tpu.memory_space<hbm>>
      %dma_start3A_1142 = arith.constant 0 : i32
      %dma_start3A_1143 = arith.constant 0 : i32
      %dma_start3A_1144 = tpu.memref_slice %arg7[%dma_start3A_1127, %dma_start3A_1128, %dma_start3A_1142, %dma_start3A_1143] : memref<2x8x8x129xf32, #tpu.memory_space<vmem>> -> memref<1x1x8x128xf32, #tpu.memory_space<vmem>>
      %dma_start3A_1145 = tpu.memref_squeeze %dma_start3A_1144 : memref<1x1x8x128xf32, #tpu.memory_space<vmem>> -> memref<8x128xf32, #tpu.memory_space<vmem>>
      tpu.enqueue_dma source(%dma_start3A_1145 : memref<8x128xf32, #tpu.memory_space<vmem>>) target(%dma_start3A_1141 : memref<8x128xf32, #tpu.memory_space<hbm>>) target_semaphore(%arg11 : memref<!tpu.dma_semaphore, #tpu.memory_space<semaphore_mem>>)
      %dma_start3A_1146 = arith.constant 1 : i32
      %dma_start3A_1147 = arith.constant 2 : i32
      %dma_start3A_1148 = arith.constant 2 : i32
      %dma_start3A_1149 = arith.constant 0 : i32
      %dma_start3A_1150 = arith.constant 0 : i32
      %dma_start3A_1151 = tpu.memref_slice %arg7[%dma_start3A_1146, %dma_start3A_1147, %dma_start3A_1149, %dma_start3A_1150] : memref<2x8x8x129xf32, #tpu.memory_space<vmem>> -> memref<1x1x8x128xf32, #tpu.memory_space<vmem>>
      %dma_start3A_1152 = tpu.memref_squeeze %dma_start3A_1151 : memref<1x1x8x128xf32, #tpu.memory_space<vmem>> -> memref<8x128xf32, #tpu.memory_space<vmem>>
      %dma_start3A_1153 = arith.constant 0 : i32
      %dma_start3A_1154 = arith.constant 0 : i32
      %dma_start3A_1155 = tpu.memref_slice %arg4[%select_n3A_1091, %dma_start3A_1148, %select_n3A_1107, %dma_start3A_1153, %dma_start3A_1154] : memref<200x8x32x8x128xf32, #tpu.memory_space<hbm>> -> memref<1x1x1x8x128xf32, #tpu.memory_space<hbm>>
      %dma_start3A_1156 = tpu.memref_squeeze %dma_start3A_1155 : memref<1x1x1x8x128xf32, #tpu.memory_space<hbm>> -> memref<8x128xf32, #tpu.memory_space<hbm>>
      %dma_start3A_1157 = arith.constant 0 : i32
      %dma_start3A_1158 = arith.constant 0 : i32
      %dma_start3A_1159 = tpu.memref_slice %arg4[%select_n3A_1091, %dma_start3A_1148, %select_n3A_1107, %dma_start3A_1157, %dma_start3A_1158] : memref<200x8x32x8x128xf32, #tpu.memory_space<hbm>> -> memref<1x1x1x8x128xf32, #tpu.memory_space<hbm>>
      %dma_start3A_1160 = tpu.memref_squeeze %dma_start3A_1159 : memref<1x1x1x8x128xf32, #tpu.memory_space<hbm>> -> memref<8x128xf32, #tpu.memory_space<hbm>>
      %dma_start3A_1161 = arith.constant 0 : i32
      %dma_start3A_1162 = arith.constant 0 : i32
      %dma_start3A_1163 = tpu.memref_slice %arg7[%dma_start3A_1146, %dma_start3A_1147, %dma_start3A_1161, %dma_start3A_1162] : memref<2x8x8x129xf32, #tpu.memory_space<vmem>> -> memref<1x1x8x128xf32, #tpu.memory_space<vmem>>
      %dma_start3A_1164 = tpu.memref_squeeze %dma_start3A_1163 : memref<1x1x8x128xf32, #tpu.memory_space<vmem>> -> memref<8x128xf32, #tpu.memory_space<vmem>>
      tpu.enqueue_dma source(%dma_start3A_1164 : memref<8x128xf32, #tpu.memory_space<vmem>>) target(%dma_start3A_1160 : memref<8x128xf32, #tpu.memory_space<hbm>>) target_semaphore(%arg11 : memref<!tpu.dma_semaphore, #tpu.memory_space<semaphore_mem>>)
      %dma_start3A_1165 = arith.constant 1 : i32
      %dma_start3A_1166 = arith.constant 3 : i32
      %dma_start3A_1167 = arith.constant 3 : i32
      %dma_start3A_1168 = arith.constant 0 : i32
      %dma_start3A_1169 = arith.constant 0 : i32
      %dma_start3A_1170 = tpu.memref_slice %arg7[%dma_start3A_1165, %dma_start3A_1166, %dma_start3A_1168, %dma_start3A_1169] : memref<2x8x8x129xf32, #tpu.memory_space<vmem>> -> memref<1x1x8x128xf32, #tpu.memory_space<vmem>>
      %dma_start3A_1171 = tpu.memref_squeeze %dma_start3A_1170 : memref<1x1x8x128xf32, #tpu.memory_space<vmem>> -> memref<8x128xf32, #tpu.memory_space<vmem>>
      %dma_start3A_1172 = arith.constant 0 : i32
      %dma_start3A_1173 = arith.constant 0 : i32
      %dma_start3A_1174 = tpu.memref_slice %arg4[%select_n3A_1091, %dma_start3A_1167, %select_n3A_1107, %dma_start3A_1172, %dma_start3A_1173] : memref<200x8x32x8x128xf32, #tpu.memory_space<hbm>> -> memref<1x1x1x8x128xf32, #tpu.memory_space<hbm>>
      %dma_start3A_1175 = tpu.memref_squeeze %dma_start3A_1174 : memref<1x1x1x8x128xf32, #tpu.memory_space<hbm>> -> memref<8x128xf32, #tpu.memory_space<hbm>>
      %dma_start3A_1176 = arith.constant 0 : i32
      %dma_start3A_1177 = arith.constant 0 : i32
      %dma_start3A_1178 = tpu.memref_slice %arg4[%select_n3A_1091, %dma_start3A_1167, %select_n3A_1107, %dma_start3A_1176, %dma_start3A_1177] : memref<200x8x32x8x128xf32, #tpu.memory_space<hbm>> -> memref<1x1x1x8x128xf32, #tpu.memory_space<hbm>>
      %dma_start3A_1179 = tpu.memref_squeeze %dma_start3A_1178 : memref<1x1x1x8x128xf32, #tpu.memory_space<hbm>> -> memref<8x128xf32, #tpu.memory_space<hbm>>
      %dma_start3A_1180 = arith.constant 0 : i32
      %dma_start3A_1181 = arith.constant 0 : i32
      %dma_start3A_1182 = tpu.memref_slice %arg7[%dma_start3A_1165, %dma_start3A_1166, %dma_start3A_1180, %dma_start3A_1181] : memref<2x8x8x129xf32, #tpu.memory_space<vmem>> -> memref<1x1x8x128xf32, #tpu.memory_space<vmem>>
      %dma_start3A_1183 = tpu.memref_squeeze %dma_start3A_1182 : memref<1x1x8x128xf32, #tpu.memory_space<vmem>> -> memref<8x128xf32, #tpu.memory_space<vmem>>
      tpu.enqueue_dma source(%dma_start3A_1183 : memref<8x128xf32, #tpu.memory_space<vmem>>) target(%dma_start3A_1179 : memref<8x128xf32, #tpu.memory_space<hbm>>) target_semaphore(%arg11 : memref<!tpu.dma_semaphore, #tpu.memory_space<semaphore_mem>>)
      %dma_start3A_1184 = arith.constant 1 : i32
      %dma_start3A_1185 = arith.constant 4 : i32
      %dma_start3A_1186 = arith.constant 4 : i32
      %dma_start3A_1187 = arith.constant 0 : i32
      %dma_start3A_1188 = arith.constant 0 : i32
      %dma_start3A_1189 = tpu.memref_slice %arg7[%dma_start3A_1184, %dma_start3A_1185, %dma_start3A_1187, %dma_start3A_1188] : memref<2x8x8x129xf32, #tpu.memory_space<vmem>> -> memref<1x1x8x128xf32, #tpu.memory_space<vmem>>
      %dma_start3A_1190 = tpu.memref_squeeze %dma_start3A_1189 : memref<1x1x8x128xf32, #tpu.memory_space<vmem>> -> memref<8x128xf32, #tpu.memory_space<vmem>>
      %dma_start3A_1191 = arith.constant 0 : i32
      %dma_start3A_1192 = arith.constant 0 : i32
      %dma_start3A_1193 = tpu.memref_slice %arg4[%select_n3A_1091, %dma_start3A_1186, %select_n3A_1107, %dma_start3A_1191, %dma_start3A_1192] : memref<200x8x32x8x128xf32, #tpu.memory_space<hbm>> -> memref<1x1x1x8x128xf32, #tpu.memory_space<hbm>>
      %dma_start3A_1194 = tpu.memref_squeeze %dma_start3A_1193 : memref<1x1x1x8x128xf32, #tpu.memory_space<hbm>> -> memref<8x128xf32, #tpu.memory_space<hbm>>
      %dma_start3A_1195 = arith.constant 0 : i32
      %dma_start3A_1196 = arith.constant 0 : i32
      %dma_start3A_1197 = tpu.memref_slice %arg4[%select_n3A_1091, %dma_start3A_1186, %select_n3A_1107, %dma_start3A_1195, %dma_start3A_1196] : memref<200x8x32x8x128xf32, #tpu.memory_space<hbm>> -> memref<1x1x1x8x128xf32, #tpu.memory_space<hbm>>
      %dma_start3A_1198 = tpu.memref_squeeze %dma_start3A_1197 : memref<1x1x1x8x128xf32, #tpu.memory_space<hbm>> -> memref<8x128xf32, #tpu.memory_space<hbm>>
      %dma_start3A_1199 = arith.constant 0 : i32
      %dma_start3A_1200 = arith.constant 0 : i32
      %dma_start3A_1201 = tpu.memref_slice %arg7[%dma_start3A_1184, %dma_start3A_1185, %dma_start3A_1199, %dma_start3A_1200] : memref<2x8x8x129xf32, #tpu.memory_space<vmem>> -> memref<1x1x8x128xf32, #tpu.memory_space<vmem>>
      %dma_start3A_1202 = tpu.memref_squeeze %dma_start3A_1201 : memref<1x1x8x128xf32, #tpu.memory_space<vmem>> -> memref<8x128xf32, #tpu.memory_space<vmem>>
      tpu.enqueue_dma source(%dma_start3A_1202 : memref<8x128xf32, #tpu.memory_space<vmem>>) target(%dma_start3A_1198 : memref<8x128xf32, #tpu.memory_space<hbm>>) target_semaphore(%arg11 : memref<!tpu.dma_semaphore, #tpu.memory_space<semaphore_mem>>)
      %dma_start3A_1203 = arith.constant 1 : i32
      %dma_start3A_1204 = arith.constant 5 : i32
      %dma_start3A_1205 = arith.constant 5 : i32
      %dma_start3A_1206 = arith.constant 0 : i32
      %dma_start3A_1207 = arith.constant 0 : i32
      %dma_start3A_1208 = tpu.memref_slice %arg7[%dma_start3A_1203, %dma_start3A_1204, %dma_start3A_1206, %dma_start3A_1207] : memref<2x8x8x129xf32, #tpu.memory_space<vmem>> -> memref<1x1x8x128xf32, #tpu.memory_space<vmem>>
      %dma_start3A_1209 = tpu.memref_squeeze %dma_start3A_1208 : memref<1x1x8x128xf32, #tpu.memory_space<vmem>> -> memref<8x128xf32, #tpu.memory_space<vmem>>
      %dma_start3A_1210 = arith.constant 0 : i32
      %dma_start3A_1211 = arith.constant 0 : i32
      %dma_start3A_1212 = tpu.memref_slice %arg4[%select_n3A_1091, %dma_start3A_1205, %select_n3A_1107, %dma_start3A_1210, %dma_start3A_1211] : memref<200x8x32x8x128xf32, #tpu.memory_space<hbm>> -> memref<1x1x1x8x128xf32, #tpu.memory_space<hbm>>
      %dma_start3A_1213 = tpu.memref_squeeze %dma_start3A_1212 : memref<1x1x1x8x128xf32, #tpu.memory_space<hbm>> -> memref<8x128xf32, #tpu.memory_space<hbm>>
      %dma_start3A_1214 = arith.constant 0 : i32
      %dma_start3A_1215 = arith.constant 0 : i32
      %dma_start3A_1216 = tpu.memref_slice %arg4[%select_n3A_1091, %dma_start3A_1205, %select_n3A_1107, %dma_start3A_1214, %dma_start3A_1215] : memref<200x8x32x8x128xf32, #tpu.memory_space<hbm>> -> memref<1x1x1x8x128xf32, #tpu.memory_space<hbm>>
      %dma_start3A_1217 = tpu.memref_squeeze %dma_start3A_1216 : memref<1x1x1x8x128xf32, #tpu.memory_space<hbm>> -> memref<8x128xf32, #tpu.memory_space<hbm>>
      %dma_start3A_1218 = arith.constant 0 : i32
      %dma_start3A_1219 = arith.constant 0 : i32
      %dma_start3A_1220 = tpu.memref_slice %arg7[%dma_start3A_1203, %dma_start3A_1204, %dma_start3A_1218, %dma_start3A_1219] : memref<2x8x8x129xf32, #tpu.memory_space<vmem>> -> memref<1x1x8x128xf32, #tpu.memory_space<vmem>>
      %dma_start3A_1221 = tpu.memref_squeeze %dma_start3A_1220 : memref<1x1x8x128xf32, #tpu.memory_space<vmem>> -> memref<8x128xf32, #tpu.memory_space<vmem>>
      tpu.enqueue_dma source(%dma_start3A_1221 : memref<8x128xf32, #tpu.memory_space<vmem>>) target(%dma_start3A_1217 : memref<8x128xf32, #tpu.memory_space<hbm>>) target_semaphore(%arg11 : memref<!tpu.dma_semaphore, #tpu.memory_space<semaphore_mem>>)
      %dma_start3A_1222 = arith.constant 1 : i32
      %dma_start3A_1223 = arith.constant 6 : i32
      %dma_start3A_1224 = arith.constant 6 : i32
      %dma_start3A_1225 = arith.constant 0 : i32
      %dma_start3A_1226 = arith.constant 0 : i32
      %dma_start3A_1227 = tpu.memref_slice %arg7[%dma_start3A_1222, %dma_start3A_1223, %dma_start3A_1225, %dma_start3A_1226] : memref<2x8x8x129xf32, #tpu.memory_space<vmem>> -> memref<1x1x8x128xf32, #tpu.memory_space<vmem>>
      %dma_start3A_1228 = tpu.memref_squeeze %dma_start3A_1227 : memref<1x1x8x128xf32, #tpu.memory_space<vmem>> -> memref<8x128xf32, #tpu.memory_space<vmem>>
      %dma_start3A_1229 = arith.constant 0 : i32
      %dma_start3A_1230 = arith.constant 0 : i32
      %dma_start3A_1231 = tpu.memref_slice %arg4[%select_n3A_1091, %dma_start3A_1224, %select_n3A_1107, %dma_start3A_1229, %dma_start3A_1230] : memref<200x8x32x8x128xf32, #tpu.memory_space<hbm>> -> memref<1x1x1x8x128xf32, #tpu.memory_space<hbm>>
      %dma_start3A_1232 = tpu.memref_squeeze %dma_start3A_1231 : memref<1x1x1x8x128xf32, #tpu.memory_space<hbm>> -> memref<8x128xf32, #tpu.memory_space<hbm>>
      %dma_start3A_1233 = arith.constant 0 : i32
      %dma_start3A_1234 = arith.constant 0 : i32
      %dma_start3A_1235 = tpu.memref_slice %arg4[%select_n3A_1091, %dma_start3A_1224, %select_n3A_1107, %dma_start3A_1233, %dma_start3A_1234] : memref<200x8x32x8x128xf32, #tpu.memory_space<hbm>> -> memref<1x1x1x8x128xf32, #tpu.memory_space<hbm>>
      %dma_start3A_1236 = tpu.memref_squeeze %dma_start3A_1235 : memref<1x1x1x8x128xf32, #tpu.memory_space<hbm>> -> memref<8x128xf32, #tpu.memory_space<hbm>>
      %dma_start3A_1237 = arith.constant 0 : i32
      %dma_start3A_1238 = arith.constant 0 : i32
      %dma_start3A_1239 = tpu.memref_slice %arg7[%dma_start3A_1222, %dma_start3A_1223, %dma_start3A_1237, %dma_start3A_1238] : memref<2x8x8x129xf32, #tpu.memory_space<vmem>> -> memref<1x1x8x128xf32, #tpu.memory_space<vmem>>
      %dma_start3A_1240 = tpu.memref_squeeze %dma_start3A_1239 : memref<1x1x8x128xf32, #tpu.memory_space<vmem>> -> memref<8x128xf32, #tpu.memory_space<vmem>>
      tpu.enqueue_dma source(%dma_start3A_1240 : memref<8x128xf32, #tpu.memory_space<vmem>>) target(%dma_start3A_1236 : memref<8x128xf32, #tpu.memory_space<hbm>>) target_semaphore(%arg11 : memref<!tpu.dma_semaphore, #tpu.memory_space<semaphore_mem>>)
      %dma_start3A_1241 = arith.constant 1 : i32
      %dma_start3A_1242 = arith.constant 7 : i32
      %dma_start3A_1243 = arith.constant 7 : i32
      %dma_start3A_1244 = arith.constant 0 : i32
      %dma_start3A_1245 = arith.constant 0 : i32
      %dma_start3A_1246 = tpu.memref_slice %arg7[%dma_start3A_1241, %dma_start3A_1242, %dma_start3A_1244, %dma_start3A_1245] : memref<2x8x8x129xf32, #tpu.memory_space<vmem>> -> memref<1x1x8x128xf32, #tpu.memory_space<vmem>>
      %dma_start3A_1247 = tpu.memref_squeeze %dma_start3A_1246 : memref<1x1x8x128xf32, #tpu.memory_space<vmem>> -> memref<8x128xf32, #tpu.memory_space<vmem>>
      %dma_start3A_1248 = arith.constant 0 : i32
      %dma_start3A_1249 = arith.constant 0 : i32
      %dma_start3A_1250 = tpu.memref_slice %arg4[%select_n3A_1091, %dma_start3A_1243, %select_n3A_1107, %dma_start3A_1248, %dma_start3A_1249] : memref<200x8x32x8x128xf32, #tpu.memory_space<hbm>> -> memref<1x1x1x8x128xf32, #tpu.memory_space<hbm>>
      %dma_start3A_1251 = tpu.memref_squeeze %dma_start3A_1250 : memref<1x1x1x8x128xf32, #tpu.memory_space<hbm>> -> memref<8x128xf32, #tpu.memory_space<hbm>>
      %dma_start3A_1252 = arith.constant 0 : i32
      %dma_start3A_1253 = arith.constant 0 : i32
      %dma_start3A_1254 = tpu.memref_slice %arg4[%select_n3A_1091, %dma_start3A_1243, %select_n3A_1107, %dma_start3A_1252, %dma_start3A_1253] : memref<200x8x32x8x128xf32, #tpu.memory_space<hbm>> -> memref<1x1x1x8x128xf32, #tpu.memory_space<hbm>>
      %dma_start3A_1255 = tpu.memref_squeeze %dma_start3A_1254 : memref<1x1x1x8x128xf32, #tpu.memory_space<hbm>> -> memref<8x128xf32, #tpu.memory_space<hbm>>
      %dma_start3A_1256 = arith.constant 0 : i32
      %dma_start3A_1257 = arith.constant 0 : i32
      %dma_start3A_1258 = tpu.memref_slice %arg7[%dma_start3A_1241, %dma_start3A_1242, %dma_start3A_1256, %dma_start3A_1257] : memref<2x8x8x129xf32, #tpu.memory_space<vmem>> -> memref<1x1x8x128xf32, #tpu.memory_space<vmem>>
      %dma_start3A_1259 = tpu.memref_squeeze %dma_start3A_1258 : memref<1x1x8x128xf32, #tpu.memory_space<vmem>> -> memref<8x128xf32, #tpu.memory_space<vmem>>
      tpu.enqueue_dma source(%dma_start3A_1259 : memref<8x128xf32, #tpu.memory_space<vmem>>) target(%dma_start3A_1255 : memref<8x128xf32, #tpu.memory_space<hbm>>) target_semaphore(%arg11 : memref<!tpu.dma_semaphore, #tpu.memory_space<semaphore_mem>>)
    }
    %scan3A_18 = arith.constant 100 : i32
    %dma_wait3A = arith.constant 0 : i32
    %dma_wait3A_19 = arith.constant 0 : i32
    %dma_wait3A_20 = arith.constant 0 : i32
    %dma_wait3A_21 = arith.constant 0 : i32
    %dma_wait3A_22 = arith.constant 0 : i32
    %dma_wait3A_23 = arith.constant 0 : i32
    %dma_wait3A_24 = arith.constant 0 : i32
    %dma_wait3A_25 = tpu.memref_slice %arg7[%dma_wait3A, %dma_wait3A_19, %dma_wait3A_23, %dma_wait3A_24] : memref<2x8x8x129xf32, #tpu.memory_space<vmem>> -> memref<1x1x8x128xf32, #tpu.memory_space<vmem>>
    %dma_wait3A_26 = tpu.memref_squeeze %dma_wait3A_25 : memref<1x1x8x128xf32, #tpu.memory_space<vmem>> -> memref<8x128xf32, #tpu.memory_space<vmem>>
    %dma_wait3A_27 = arith.constant 0 : i32
    %dma_wait3A_28 = arith.constant 0 : i32
    %dma_wait3A_29 = tpu.memref_slice %arg4[%dma_wait3A_20, %dma_wait3A_21, %dma_wait3A_22, %dma_wait3A_27, %dma_wait3A_28] : memref<200x8x32x8x128xf32, #tpu.memory_space<hbm>> -> memref<1x1x1x8x128xf32, #tpu.memory_space<hbm>>
    %dma_wait3A_30 = tpu.memref_squeeze %dma_wait3A_29 : memref<1x1x1x8x128xf32, #tpu.memory_space<hbm>> -> memref<8x128xf32, #tpu.memory_space<hbm>>
    %dma_wait3A_31 = arith.constant 0 : i32
    %dma_wait3A_32 = arith.constant 0 : i32
    %dma_wait3A_33 = tpu.memref_slice %arg4[%dma_wait3A_20, %dma_wait3A_21, %dma_wait3A_22, %dma_wait3A_31, %dma_wait3A_32] : memref<200x8x32x8x128xf32, #tpu.memory_space<hbm>> -> memref<1x1x1x8x128xf32, #tpu.memory_space<hbm>>
    %dma_wait3A_34 = tpu.memref_squeeze %dma_wait3A_33 : memref<1x1x1x8x128xf32, #tpu.memory_space<hbm>> -> memref<8x128xf32, #tpu.memory_space<hbm>>
    %dma_wait3A_35 = arith.constant 0 : i32
    %dma_wait3A_36 = arith.constant 0 : i32
    %dma_wait3A_37 = tpu.memref_slice %arg7[%dma_wait3A, %dma_wait3A_19, %dma_wait3A_35, %dma_wait3A_36] : memref<2x8x8x129xf32, #tpu.memory_space<vmem>> -> memref<1x1x8x128xf32, #tpu.memory_space<vmem>>
    %dma_wait3A_38 = tpu.memref_squeeze %dma_wait3A_37 : memref<1x1x8x128xf32, #tpu.memory_space<vmem>> -> memref<8x128xf32, #tpu.memory_space<vmem>>
    tpu.wait_dma2 semaphore(%arg10 : memref<!tpu.dma_semaphore, #tpu.memory_space<semaphore_mem>>) src(%dma_wait3A_38 : memref<8x128xf32, #tpu.memory_space<vmem>>) dst(%dma_wait3A_34 : memref<8x128xf32, #tpu.memory_space<hbm>>)
    %dma_wait3A_39 = arith.constant 0 : i32
    %dma_wait3A_40 = arith.constant 1 : i32
    %dma_wait3A_41 = arith.constant 0 : i32
    %dma_wait3A_42 = arith.constant 1 : i32
    %dma_wait3A_43 = arith.constant 0 : i32
    %dma_wait3A_44 = arith.constant 0 : i32
    %dma_wait3A_45 = arith.constant 0 : i32
    %dma_wait3A_46 = tpu.memref_slice %arg7[%dma_wait3A_39, %dma_wait3A_40, %dma_wait3A_44, %dma_wait3A_45] : memref<2x8x8x129xf32, #tpu.memory_space<vmem>> -> memref<1x1x8x128xf32, #tpu.memory_space<vmem>>
    %dma_wait3A_47 = tpu.memref_squeeze %dma_wait3A_46 : memref<1x1x8x128xf32, #tpu.memory_space<vmem>> -> memref<8x128xf32, #tpu.memory_space<vmem>>
    %dma_wait3A_48 = arith.constant 0 : i32
    %dma_wait3A_49 = arith.constant 0 : i32
    %dma_wait3A_50 = tpu.memref_slice %arg4[%dma_wait3A_41, %dma_wait3A_42, %dma_wait3A_43, %dma_wait3A_48, %dma_wait3A_49] : memref<200x8x32x8x128xf32, #tpu.memory_space<hbm>> -> memref<1x1x1x8x128xf32, #tpu.memory_space<hbm>>
    %dma_wait3A_51 = tpu.memref_squeeze %dma_wait3A_50 : memref<1x1x1x8x128xf32, #tpu.memory_space<hbm>> -> memref<8x128xf32, #tpu.memory_space<hbm>>
    %dma_wait3A_52 = arith.constant 0 : i32
    %dma_wait3A_53 = arith.constant 0 : i32
    %dma_wait3A_54 = tpu.memref_slice %arg4[%dma_wait3A_41, %dma_wait3A_42, %dma_wait3A_43, %dma_wait3A_52, %dma_wait3A_53] : memref<200x8x32x8x128xf32, #tpu.memory_space<hbm>> -> memref<1x1x1x8x128xf32, #tpu.memory_space<hbm>>
    %dma_wait3A_55 = tpu.memref_squeeze %dma_wait3A_54 : memref<1x1x1x8x128xf32, #tpu.memory_space<hbm>> -> memref<8x128xf32, #tpu.memory_space<hbm>>
    %dma_wait3A_56 = arith.constant 0 : i32
    %dma_wait3A_57 = arith.constant 0 : i32
    %dma_wait3A_58 = tpu.memref_slice %arg7[%dma_wait3A_39, %dma_wait3A_40, %dma_wait3A_56, %dma_wait3A_57] : memref<2x8x8x129xf32, #tpu.memory_space<vmem>> -> memref<1x1x8x128xf32, #tpu.memory_space<vmem>>
    %dma_wait3A_59 = tpu.memref_squeeze %dma_wait3A_58 : memref<1x1x8x128xf32, #tpu.memory_space<vmem>> -> memref<8x128xf32, #tpu.memory_space<vmem>>
    tpu.wait_dma2 semaphore(%arg10 : memref<!tpu.dma_semaphore, #tpu.memory_space<semaphore_mem>>) src(%dma_wait3A_59 : memref<8x128xf32, #tpu.memory_space<vmem>>) dst(%dma_wait3A_55 : memref<8x128xf32, #tpu.memory_space<hbm>>)
    %dma_wait3A_60 = arith.constant 0 : i32
    %dma_wait3A_61 = arith.constant 2 : i32
    %dma_wait3A_62 = arith.constant 0 : i32
    %dma_wait3A_63 = arith.constant 2 : i32
    %dma_wait3A_64 = arith.constant 0 : i32
    %dma_wait3A_65 = arith.constant 0 : i32
    %dma_wait3A_66 = arith.constant 0 : i32
    %dma_wait3A_67 = tpu.memref_slice %arg7[%dma_wait3A_60, %dma_wait3A_61, %dma_wait3A_65, %dma_wait3A_66] : memref<2x8x8x129xf32, #tpu.memory_space<vmem>> -> memref<1x1x8x128xf32, #tpu.memory_space<vmem>>
    %dma_wait3A_68 = tpu.memref_squeeze %dma_wait3A_67 : memref<1x1x8x128xf32, #tpu.memory_space<vmem>> -> memref<8x128xf32, #tpu.memory_space<vmem>>
    %dma_wait3A_69 = arith.constant 0 : i32
    %dma_wait3A_70 = arith.constant 0 : i32
    %dma_wait3A_71 = tpu.memref_slice %arg4[%dma_wait3A_62, %dma_wait3A_63, %dma_wait3A_64, %dma_wait3A_69, %dma_wait3A_70] : memref<200x8x32x8x128xf32, #tpu.memory_space<hbm>> -> memref<1x1x1x8x128xf32, #tpu.memory_space<hbm>>
    %dma_wait3A_72 = tpu.memref_squeeze %dma_wait3A_71 : memref<1x1x1x8x128xf32, #tpu.memory_space<hbm>> -> memref<8x128xf32, #tpu.memory_space<hbm>>
    %dma_wait3A_73 = arith.constant 0 : i32
    %dma_wait3A_74 = arith.constant 0 : i32
    %dma_wait3A_75 = tpu.memref_slice %arg4[%dma_wait3A_62, %dma_wait3A_63, %dma_wait3A_64, %dma_wait3A_73, %dma_wait3A_74] : memref<200x8x32x8x128xf32, #tpu.memory_space<hbm>> -> memref<1x1x1x8x128xf32, #tpu.memory_space<hbm>>
    %dma_wait3A_76 = tpu.memref_squeeze %dma_wait3A_75 : memref<1x1x1x8x128xf32, #tpu.memory_space<hbm>> -> memref<8x128xf32, #tpu.memory_space<hbm>>
    %dma_wait3A_77 = arith.constant 0 : i32
    %dma_wait3A_78 = arith.constant 0 : i32
    %dma_wait3A_79 = tpu.memref_slice %arg7[%dma_wait3A_60, %dma_wait3A_61, %dma_wait3A_77, %dma_wait3A_78] : memref<2x8x8x129xf32, #tpu.memory_space<vmem>> -> memref<1x1x8x128xf32, #tpu.memory_space<vmem>>
    %dma_wait3A_80 = tpu.memref_squeeze %dma_wait3A_79 : memref<1x1x8x128xf32, #tpu.memory_space<vmem>> -> memref<8x128xf32, #tpu.memory_space<vmem>>
    tpu.wait_dma2 semaphore(%arg10 : memref<!tpu.dma_semaphore, #tpu.memory_space<semaphore_mem>>) src(%dma_wait3A_80 : memref<8x128xf32, #tpu.memory_space<vmem>>) dst(%dma_wait3A_76 : memref<8x128xf32, #tpu.memory_space<hbm>>)
    %dma_wait3A_81 = arith.constant 0 : i32
    %dma_wait3A_82 = arith.constant 3 : i32
    %dma_wait3A_83 = arith.constant 0 : i32
    %dma_wait3A_84 = arith.constant 3 : i32
    %dma_wait3A_85 = arith.constant 0 : i32
    %dma_wait3A_86 = arith.constant 0 : i32
    %dma_wait3A_87 = arith.constant 0 : i32
    %dma_wait3A_88 = tpu.memref_slice %arg7[%dma_wait3A_81, %dma_wait3A_82, %dma_wait3A_86, %dma_wait3A_87] : memref<2x8x8x129xf32, #tpu.memory_space<vmem>> -> memref<1x1x8x128xf32, #tpu.memory_space<vmem>>
    %dma_wait3A_89 = tpu.memref_squeeze %dma_wait3A_88 : memref<1x1x8x128xf32, #tpu.memory_space<vmem>> -> memref<8x128xf32, #tpu.memory_space<vmem>>
    %dma_wait3A_90 = arith.constant 0 : i32
    %dma_wait3A_91 = arith.constant 0 : i32
    %dma_wait3A_92 = tpu.memref_slice %arg4[%dma_wait3A_83, %dma_wait3A_84, %dma_wait3A_85, %dma_wait3A_90, %dma_wait3A_91] : memref<200x8x32x8x128xf32, #tpu.memory_space<hbm>> -> memref<1x1x1x8x128xf32, #tpu.memory_space<hbm>>
    %dma_wait3A_93 = tpu.memref_squeeze %dma_wait3A_92 : memref<1x1x1x8x128xf32, #tpu.memory_space<hbm>> -> memref<8x128xf32, #tpu.memory_space<hbm>>
    %dma_wait3A_94 = arith.constant 0 : i32
    %dma_wait3A_95 = arith.constant 0 : i32
    %dma_wait3A_96 = tpu.memref_slice %arg4[%dma_wait3A_83, %dma_wait3A_84, %dma_wait3A_85, %dma_wait3A_94, %dma_wait3A_95] : memref<200x8x32x8x128xf32, #tpu.memory_space<hbm>> -> memref<1x1x1x8x128xf32, #tpu.memory_space<hbm>>
    %dma_wait3A_97 = tpu.memref_squeeze %dma_wait3A_96 : memref<1x1x1x8x128xf32, #tpu.memory_space<hbm>> -> memref<8x128xf32, #tpu.memory_space<hbm>>
    %dma_wait3A_98 = arith.constant 0 : i32
    %dma_wait3A_99 = arith.constant 0 : i32
    %dma_wait3A_100 = tpu.memref_slice %arg7[%dma_wait3A_81, %dma_wait3A_82, %dma_wait3A_98, %dma_wait3A_99] : memref<2x8x8x129xf32, #tpu.memory_space<vmem>> -> memref<1x1x8x128xf32, #tpu.memory_space<vmem>>
    %dma_wait3A_101 = tpu.memref_squeeze %dma_wait3A_100 : memref<1x1x8x128xf32, #tpu.memory_space<vmem>> -> memref<8x128xf32, #tpu.memory_space<vmem>>
    tpu.wait_dma2 semaphore(%arg10 : memref<!tpu.dma_semaphore, #tpu.memory_space<semaphore_mem>>) src(%dma_wait3A_101 : memref<8x128xf32, #tpu.memory_space<vmem>>) dst(%dma_wait3A_97 : memref<8x128xf32, #tpu.memory_space<hbm>>)
    %dma_wait3A_102 = arith.constant 0 : i32
    %dma_wait3A_103 = arith.constant 4 : i32
    %dma_wait3A_104 = arith.constant 0 : i32
    %dma_wait3A_105 = arith.constant 4 : i32
    %dma_wait3A_106 = arith.constant 0 : i32
    %dma_wait3A_107 = arith.constant 0 : i32
    %dma_wait3A_108 = arith.constant 0 : i32
    %dma_wait3A_109 = tpu.memref_slice %arg7[%dma_wait3A_102, %dma_wait3A_103, %dma_wait3A_107, %dma_wait3A_108] : memref<2x8x8x129xf32, #tpu.memory_space<vmem>> -> memref<1x1x8x128xf32, #tpu.memory_space<vmem>>
    %dma_wait3A_110 = tpu.memref_squeeze %dma_wait3A_109 : memref<1x1x8x128xf32, #tpu.memory_space<vmem>> -> memref<8x128xf32, #tpu.memory_space<vmem>>
    %dma_wait3A_111 = arith.constant 0 : i32
    %dma_wait3A_112 = arith.constant 0 : i32
    %dma_wait3A_113 = tpu.memref_slice %arg4[%dma_wait3A_104, %dma_wait3A_105, %dma_wait3A_106, %dma_wait3A_111, %dma_wait3A_112] : memref<200x8x32x8x128xf32, #tpu.memory_space<hbm>> -> memref<1x1x1x8x128xf32, #tpu.memory_space<hbm>>
    %dma_wait3A_114 = tpu.memref_squeeze %dma_wait3A_113 : memref<1x1x1x8x128xf32, #tpu.memory_space<hbm>> -> memref<8x128xf32, #tpu.memory_space<hbm>>
    %dma_wait3A_115 = arith.constant 0 : i32
    %dma_wait3A_116 = arith.constant 0 : i32
    %dma_wait3A_117 = tpu.memref_slice %arg4[%dma_wait3A_104, %dma_wait3A_105, %dma_wait3A_106, %dma_wait3A_115, %dma_wait3A_116] : memref<200x8x32x8x128xf32, #tpu.memory_space<hbm>> -> memref<1x1x1x8x128xf32, #tpu.memory_space<hbm>>
    %dma_wait3A_118 = tpu.memref_squeeze %dma_wait3A_117 : memref<1x1x1x8x128xf32, #tpu.memory_space<hbm>> -> memref<8x128xf32, #tpu.memory_space<hbm>>
    %dma_wait3A_119 = arith.constant 0 : i32
    %dma_wait3A_120 = arith.constant 0 : i32
    %dma_wait3A_121 = tpu.memref_slice %arg7[%dma_wait3A_102, %dma_wait3A_103, %dma_wait3A_119, %dma_wait3A_120] : memref<2x8x8x129xf32, #tpu.memory_space<vmem>> -> memref<1x1x8x128xf32, #tpu.memory_space<vmem>>
    %dma_wait3A_122 = tpu.memref_squeeze %dma_wait3A_121 : memref<1x1x8x128xf32, #tpu.memory_space<vmem>> -> memref<8x128xf32, #tpu.memory_space<vmem>>
    tpu.wait_dma2 semaphore(%arg10 : memref<!tpu.dma_semaphore, #tpu.memory_space<semaphore_mem>>) src(%dma_wait3A_122 : memref<8x128xf32, #tpu.memory_space<vmem>>) dst(%dma_wait3A_118 : memref<8x128xf32, #tpu.memory_space<hbm>>)
    %dma_wait3A_123 = arith.constant 0 : i32
    %dma_wait3A_124 = arith.constant 5 : i32
    %dma_wait3A_125 = arith.constant 0 : i32
    %dma_wait3A_126 = arith.constant 5 : i32
    %dma_wait3A_127 = arith.constant 0 : i32
    %dma_wait3A_128 = arith.constant 0 : i32
    %dma_wait3A_129 = arith.constant 0 : i32
    %dma_wait3A_130 = tpu.memref_slice %arg7[%dma_wait3A_123, %dma_wait3A_124, %dma_wait3A_128, %dma_wait3A_129] : memref<2x8x8x129xf32, #tpu.memory_space<vmem>> -> memref<1x1x8x128xf32, #tpu.memory_space<vmem>>
    %dma_wait3A_131 = tpu.memref_squeeze %dma_wait3A_130 : memref<1x1x8x128xf32, #tpu.memory_space<vmem>> -> memref<8x128xf32, #tpu.memory_space<vmem>>
    %dma_wait3A_132 = arith.constant 0 : i32
    %dma_wait3A_133 = arith.constant 0 : i32
    %dma_wait3A_134 = tpu.memref_slice %arg4[%dma_wait3A_125, %dma_wait3A_126, %dma_wait3A_127, %dma_wait3A_132, %dma_wait3A_133] : memref<200x8x32x8x128xf32, #tpu.memory_space<hbm>> -> memref<1x1x1x8x128xf32, #tpu.memory_space<hbm>>
    %dma_wait3A_135 = tpu.memref_squeeze %dma_wait3A_134 : memref<1x1x1x8x128xf32, #tpu.memory_space<hbm>> -> memref<8x128xf32, #tpu.memory_space<hbm>>
    %dma_wait3A_136 = arith.constant 0 : i32
    %dma_wait3A_137 = arith.constant 0 : i32
    %dma_wait3A_138 = tpu.memref_slice %arg4[%dma_wait3A_125, %dma_wait3A_126, %dma_wait3A_127, %dma_wait3A_136, %dma_wait3A_137] : memref<200x8x32x8x128xf32, #tpu.memory_space<hbm>> -> memref<1x1x1x8x128xf32, #tpu.memory_space<hbm>>
    %dma_wait3A_139 = tpu.memref_squeeze %dma_wait3A_138 : memref<1x1x1x8x128xf32, #tpu.memory_space<hbm>> -> memref<8x128xf32, #tpu.memory_space<hbm>>
    %dma_wait3A_140 = arith.constant 0 : i32
    %dma_wait3A_141 = arith.constant 0 : i32
    %dma_wait3A_142 = tpu.memref_slice %arg7[%dma_wait3A_123, %dma_wait3A_124, %dma_wait3A_140, %dma_wait3A_141] : memref<2x8x8x129xf32, #tpu.memory_space<vmem>> -> memref<1x1x8x128xf32, #tpu.memory_space<vmem>>
    %dma_wait3A_143 = tpu.memref_squeeze %dma_wait3A_142 : memref<1x1x8x128xf32, #tpu.memory_space<vmem>> -> memref<8x128xf32, #tpu.memory_space<vmem>>
    tpu.wait_dma2 semaphore(%arg10 : memref<!tpu.dma_semaphore, #tpu.memory_space<semaphore_mem>>) src(%dma_wait3A_143 : memref<8x128xf32, #tpu.memory_space<vmem>>) dst(%dma_wait3A_139 : memref<8x128xf32, #tpu.memory_space<hbm>>)
    %dma_wait3A_144 = arith.constant 0 : i32
    %dma_wait3A_145 = arith.constant 6 : i32
    %dma_wait3A_146 = arith.constant 0 : i32
    %dma_wait3A_147 = arith.constant 6 : i32
    %dma_wait3A_148 = arith.constant 0 : i32
    %dma_wait3A_149 = arith.constant 0 : i32
    %dma_wait3A_150 = arith.constant 0 : i32
    %dma_wait3A_151 = tpu.memref_slice %arg7[%dma_wait3A_144, %dma_wait3A_145, %dma_wait3A_149, %dma_wait3A_150] : memref<2x8x8x129xf32, #tpu.memory_space<vmem>> -> memref<1x1x8x128xf32, #tpu.memory_space<vmem>>
    %dma_wait3A_152 = tpu.memref_squeeze %dma_wait3A_151 : memref<1x1x8x128xf32, #tpu.memory_space<vmem>> -> memref<8x128xf32, #tpu.memory_space<vmem>>
    %dma_wait3A_153 = arith.constant 0 : i32
    %dma_wait3A_154 = arith.constant 0 : i32
    %dma_wait3A_155 = tpu.memref_slice %arg4[%dma_wait3A_146, %dma_wait3A_147, %dma_wait3A_148, %dma_wait3A_153, %dma_wait3A_154] : memref<200x8x32x8x128xf32, #tpu.memory_space<hbm>> -> memref<1x1x1x8x128xf32, #tpu.memory_space<hbm>>
    %dma_wait3A_156 = tpu.memref_squeeze %dma_wait3A_155 : memref<1x1x1x8x128xf32, #tpu.memory_space<hbm>> -> memref<8x128xf32, #tpu.memory_space<hbm>>
    %dma_wait3A_157 = arith.constant 0 : i32
    %dma_wait3A_158 = arith.constant 0 : i32
    %dma_wait3A_159 = tpu.memref_slice %arg4[%dma_wait3A_146, %dma_wait3A_147, %dma_wait3A_148, %dma_wait3A_157, %dma_wait3A_158] : memref<200x8x32x8x128xf32, #tpu.memory_space<hbm>> -> memref<1x1x1x8x128xf32, #tpu.memory_space<hbm>>
    %dma_wait3A_160 = tpu.memref_squeeze %dma_wait3A_159 : memref<1x1x1x8x128xf32, #tpu.memory_space<hbm>> -> memref<8x128xf32, #tpu.memory_space<hbm>>
    %dma_wait3A_161 = arith.constant 0 : i32
    %dma_wait3A_162 = arith.constant 0 : i32
    %dma_wait3A_163 = tpu.memref_slice %arg7[%dma_wait3A_144, %dma_wait3A_145, %dma_wait3A_161, %dma_wait3A_162] : memref<2x8x8x129xf32, #tpu.memory_space<vmem>> -> memref<1x1x8x128xf32, #tpu.memory_space<vmem>>
    %dma_wait3A_164 = tpu.memref_squeeze %dma_wait3A_163 : memref<1x1x8x128xf32, #tpu.memory_space<vmem>> -> memref<8x128xf32, #tpu.memory_space<vmem>>
    tpu.wait_dma2 semaphore(%arg10 : memref<!tpu.dma_semaphore, #tpu.memory_space<semaphore_mem>>) src(%dma_wait3A_164 : memref<8x128xf32, #tpu.memory_space<vmem>>) dst(%dma_wait3A_160 : memref<8x128xf32, #tpu.memory_space<hbm>>)
    %dma_wait3A_165 = arith.constant 0 : i32
    %dma_wait3A_166 = arith.constant 7 : i32
    %dma_wait3A_167 = arith.constant 0 : i32
    %dma_wait3A_168 = arith.constant 7 : i32
    %dma_wait3A_169 = arith.constant 0 : i32
    %dma_wait3A_170 = arith.constant 0 : i32
    %dma_wait3A_171 = arith.constant 0 : i32
    %dma_wait3A_172 = tpu.memref_slice %arg7[%dma_wait3A_165, %dma_wait3A_166, %dma_wait3A_170, %dma_wait3A_171] : memref<2x8x8x129xf32, #tpu.memory_space<vmem>> -> memref<1x1x8x128xf32, #tpu.memory_space<vmem>>
    %dma_wait3A_173 = tpu.memref_squeeze %dma_wait3A_172 : memref<1x1x8x128xf32, #tpu.memory_space<vmem>> -> memref<8x128xf32, #tpu.memory_space<vmem>>
    %dma_wait3A_174 = arith.constant 0 : i32
    %dma_wait3A_175 = arith.constant 0 : i32
    %dma_wait3A_176 = tpu.memref_slice %arg4[%dma_wait3A_167, %dma_wait3A_168, %dma_wait3A_169, %dma_wait3A_174, %dma_wait3A_175] : memref<200x8x32x8x128xf32, #tpu.memory_space<hbm>> -> memref<1x1x1x8x128xf32, #tpu.memory_space<hbm>>
    %dma_wait3A_177 = tpu.memref_squeeze %dma_wait3A_176 : memref<1x1x1x8x128xf32, #tpu.memory_space<hbm>> -> memref<8x128xf32, #tpu.memory_space<hbm>>
    %dma_wait3A_178 = arith.constant 0 : i32
    %dma_wait3A_179 = arith.constant 0 : i32
    %dma_wait3A_180 = tpu.memref_slice %arg4[%dma_wait3A_167, %dma_wait3A_168, %dma_wait3A_169, %dma_wait3A_178, %dma_wait3A_179] : memref<200x8x32x8x128xf32, #tpu.memory_space<hbm>> -> memref<1x1x1x8x128xf32, #tpu.memory_space<hbm>>
    %dma_wait3A_181 = tpu.memref_squeeze %dma_wait3A_180 : memref<1x1x1x8x128xf32, #tpu.memory_space<hbm>> -> memref<8x128xf32, #tpu.memory_space<hbm>>
    %dma_wait3A_182 = arith.constant 0 : i32
    %dma_wait3A_183 = arith.constant 0 : i32
    %dma_wait3A_184 = tpu.memref_slice %arg7[%dma_wait3A_165, %dma_wait3A_166, %dma_wait3A_182, %dma_wait3A_183] : memref<2x8x8x129xf32, #tpu.memory_space<vmem>> -> memref<1x1x8x128xf32, #tpu.memory_space<vmem>>
    %dma_wait3A_185 = tpu.memref_squeeze %dma_wait3A_184 : memref<1x1x8x128xf32, #tpu.memory_space<vmem>> -> memref<8x128xf32, #tpu.memory_space<vmem>>
    tpu.wait_dma2 semaphore(%arg10 : memref<!tpu.dma_semaphore, #tpu.memory_space<semaphore_mem>>) src(%dma_wait3A_185 : memref<8x128xf32, #tpu.memory_space<vmem>>) dst(%dma_wait3A_181 : memref<8x128xf32, #tpu.memory_space<hbm>>)
    %dma_wait3A_186 = arith.constant 1 : i32
    %dma_wait3A_187 = arith.constant 0 : i32
    %dma_wait3A_188 = arith.constant 0 : i32
    %dma_wait3A_189 = arith.constant 0 : i32
    %dma_wait3A_190 = arith.constant 0 : i32
    %dma_wait3A_191 = arith.constant 0 : i32
    %dma_wait3A_192 = arith.constant 0 : i32
    %dma_wait3A_193 = tpu.memref_slice %arg7[%dma_wait3A_186, %dma_wait3A_187, %dma_wait3A_191, %dma_wait3A_192] : memref<2x8x8x129xf32, #tpu.memory_space<vmem>> -> memref<1x1x8x128xf32, #tpu.memory_space<vmem>>
    %dma_wait3A_194 = tpu.memref_squeeze %dma_wait3A_193 : memref<1x1x8x128xf32, #tpu.memory_space<vmem>> -> memref<8x128xf32, #tpu.memory_space<vmem>>
    %dma_wait3A_195 = arith.constant 0 : i32
    %dma_wait3A_196 = arith.constant 0 : i32
    %dma_wait3A_197 = tpu.memref_slice %arg4[%dma_wait3A_188, %dma_wait3A_189, %dma_wait3A_190, %dma_wait3A_195, %dma_wait3A_196] : memref<200x8x32x8x128xf32, #tpu.memory_space<hbm>> -> memref<1x1x1x8x128xf32, #tpu.memory_space<hbm>>
    %dma_wait3A_198 = tpu.memref_squeeze %dma_wait3A_197 : memref<1x1x1x8x128xf32, #tpu.memory_space<hbm>> -> memref<8x128xf32, #tpu.memory_space<hbm>>
    %dma_wait3A_199 = arith.constant 0 : i32
    %dma_wait3A_200 = arith.constant 0 : i32
    %dma_wait3A_201 = tpu.memref_slice %arg4[%dma_wait3A_188, %dma_wait3A_189, %dma_wait3A_190, %dma_wait3A_199, %dma_wait3A_200] : memref<200x8x32x8x128xf32, #tpu.memory_space<hbm>> -> memref<1x1x1x8x128xf32, #tpu.memory_space<hbm>>
    %dma_wait3A_202 = tpu.memref_squeeze %dma_wait3A_201 : memref<1x1x1x8x128xf32, #tpu.memory_space<hbm>> -> memref<8x128xf32, #tpu.memory_space<hbm>>
    %dma_wait3A_203 = arith.constant 0 : i32
    %dma_wait3A_204 = arith.constant 0 : i32
    %dma_wait3A_205 = tpu.memref_slice %arg7[%dma_wait3A_186, %dma_wait3A_187, %dma_wait3A_203, %dma_wait3A_204] : memref<2x8x8x129xf32, #tpu.memory_space<vmem>> -> memref<1x1x8x128xf32, #tpu.memory_space<vmem>>
    %dma_wait3A_206 = tpu.memref_squeeze %dma_wait3A_205 : memref<1x1x8x128xf32, #tpu.memory_space<vmem>> -> memref<8x128xf32, #tpu.memory_space<vmem>>
    tpu.wait_dma2 semaphore(%arg11 : memref<!tpu.dma_semaphore, #tpu.memory_space<semaphore_mem>>) src(%dma_wait3A_206 : memref<8x128xf32, #tpu.memory_space<vmem>>) dst(%dma_wait3A_202 : memref<8x128xf32, #tpu.memory_space<hbm>>)
    %dma_wait3A_207 = arith.constant 1 : i32
    %dma_wait3A_208 = arith.constant 1 : i32
    %dma_wait3A_209 = arith.constant 0 : i32
    %dma_wait3A_210 = arith.constant 1 : i32
    %dma_wait3A_211 = arith.constant 0 : i32
    %dma_wait3A_212 = arith.constant 0 : i32
    %dma_wait3A_213 = arith.constant 0 : i32
    %dma_wait3A_214 = tpu.memref_slice %arg7[%dma_wait3A_207, %dma_wait3A_208, %dma_wait3A_212, %dma_wait3A_213] : memref<2x8x8x129xf32, #tpu.memory_space<vmem>> -> memref<1x1x8x128xf32, #tpu.memory_space<vmem>>
    %dma_wait3A_215 = tpu.memref_squeeze %dma_wait3A_214 : memref<1x1x8x128xf32, #tpu.memory_space<vmem>> -> memref<8x128xf32, #tpu.memory_space<vmem>>
    %dma_wait3A_216 = arith.constant 0 : i32
    %dma_wait3A_217 = arith.constant 0 : i32
    %dma_wait3A_218 = tpu.memref_slice %arg4[%dma_wait3A_209, %dma_wait3A_210, %dma_wait3A_211, %dma_wait3A_216, %dma_wait3A_217] : memref<200x8x32x8x128xf32, #tpu.memory_space<hbm>> -> memref<1x1x1x8x128xf32, #tpu.memory_space<hbm>>
    %dma_wait3A_219 = tpu.memref_squeeze %dma_wait3A_218 : memref<1x1x1x8x128xf32, #tpu.memory_space<hbm>> -> memref<8x128xf32, #tpu.memory_space<hbm>>
    %dma_wait3A_220 = arith.constant 0 : i32
    %dma_wait3A_221 = arith.constant 0 : i32
    %dma_wait3A_222 = tpu.memref_slice %arg4[%dma_wait3A_209, %dma_wait3A_210, %dma_wait3A_211, %dma_wait3A_220, %dma_wait3A_221] : memref<200x8x32x8x128xf32, #tpu.memory_space<hbm>> -> memref<1x1x1x8x128xf32, #tpu.memory_space<hbm>>
    %dma_wait3A_223 = tpu.memref_squeeze %dma_wait3A_222 : memref<1x1x1x8x128xf32, #tpu.memory_space<hbm>> -> memref<8x128xf32, #tpu.memory_space<hbm>>
    %dma_wait3A_224 = arith.constant 0 : i32
    %dma_wait3A_225 = arith.constant 0 : i32
    %dma_wait3A_226 = tpu.memref_slice %arg7[%dma_wait3A_207, %dma_wait3A_208, %dma_wait3A_224, %dma_wait3A_225] : memref<2x8x8x129xf32, #tpu.memory_space<vmem>> -> memref<1x1x8x128xf32, #tpu.memory_space<vmem>>
    %dma_wait3A_227 = tpu.memref_squeeze %dma_wait3A_226 : memref<1x1x8x128xf32, #tpu.memory_space<vmem>> -> memref<8x128xf32, #tpu.memory_space<vmem>>
    tpu.wait_dma2 semaphore(%arg11 : memref<!tpu.dma_semaphore, #tpu.memory_space<semaphore_mem>>) src(%dma_wait3A_227 : memref<8x128xf32, #tpu.memory_space<vmem>>) dst(%dma_wait3A_223 : memref<8x128xf32, #tpu.memory_space<hbm>>)
    %dma_wait3A_228 = arith.constant 1 : i32
    %dma_wait3A_229 = arith.constant 2 : i32
    %dma_wait3A_230 = arith.constant 0 : i32
    %dma_wait3A_231 = arith.constant 2 : i32
    %dma_wait3A_232 = arith.constant 0 : i32
    %dma_wait3A_233 = arith.constant 0 : i32
    %dma_wait3A_234 = arith.constant 0 : i32
    %dma_wait3A_235 = tpu.memref_slice %arg7[%dma_wait3A_228, %dma_wait3A_229, %dma_wait3A_233, %dma_wait3A_234] : memref<2x8x8x129xf32, #tpu.memory_space<vmem>> -> memref<1x1x8x128xf32, #tpu.memory_space<vmem>>
    %dma_wait3A_236 = tpu.memref_squeeze %dma_wait3A_235 : memref<1x1x8x128xf32, #tpu.memory_space<vmem>> -> memref<8x128xf32, #tpu.memory_space<vmem>>
    %dma_wait3A_237 = arith.constant 0 : i32
    %dma_wait3A_238 = arith.constant 0 : i32
    %dma_wait3A_239 = tpu.memref_slice %arg4[%dma_wait3A_230, %dma_wait3A_231, %dma_wait3A_232, %dma_wait3A_237, %dma_wait3A_238] : memref<200x8x32x8x128xf32, #tpu.memory_space<hbm>> -> memref<1x1x1x8x128xf32, #tpu.memory_space<hbm>>
    %dma_wait3A_240 = tpu.memref_squeeze %dma_wait3A_239 : memref<1x1x1x8x128xf32, #tpu.memory_space<hbm>> -> memref<8x128xf32, #tpu.memory_space<hbm>>
    %dma_wait3A_241 = arith.constant 0 : i32
    %dma_wait3A_242 = arith.constant 0 : i32
    %dma_wait3A_243 = tpu.memref_slice %arg4[%dma_wait3A_230, %dma_wait3A_231, %dma_wait3A_232, %dma_wait3A_241, %dma_wait3A_242] : memref<200x8x32x8x128xf32, #tpu.memory_space<hbm>> -> memref<1x1x1x8x128xf32, #tpu.memory_space<hbm>>
    %dma_wait3A_244 = tpu.memref_squeeze %dma_wait3A_243 : memref<1x1x1x8x128xf32, #tpu.memory_space<hbm>> -> memref<8x128xf32, #tpu.memory_space<hbm>>
    %dma_wait3A_245 = arith.constant 0 : i32
    %dma_wait3A_246 = arith.constant 0 : i32
    %dma_wait3A_247 = tpu.memref_slice %arg7[%dma_wait3A_228, %dma_wait3A_229, %dma_wait3A_245, %dma_wait3A_246] : memref<2x8x8x129xf32, #tpu.memory_space<vmem>> -> memref<1x1x8x128xf32, #tpu.memory_space<vmem>>
    %dma_wait3A_248 = tpu.memref_squeeze %dma_wait3A_247 : memref<1x1x8x128xf32, #tpu.memory_space<vmem>> -> memref<8x128xf32, #tpu.memory_space<vmem>>
    tpu.wait_dma2 semaphore(%arg11 : memref<!tpu.dma_semaphore, #tpu.memory_space<semaphore_mem>>) src(%dma_wait3A_248 : memref<8x128xf32, #tpu.memory_space<vmem>>) dst(%dma_wait3A_244 : memref<8x128xf32, #tpu.memory_space<hbm>>)
    %dma_wait3A_249 = arith.constant 1 : i32
    %dma_wait3A_250 = arith.constant 3 : i32
    %dma_wait3A_251 = arith.constant 0 : i32
    %dma_wait3A_252 = arith.constant 3 : i32
    %dma_wait3A_253 = arith.constant 0 : i32
    %dma_wait3A_254 = arith.constant 0 : i32
    %dma_wait3A_255 = arith.constant 0 : i32
    %dma_wait3A_256 = tpu.memref_slice %arg7[%dma_wait3A_249, %dma_wait3A_250, %dma_wait3A_254, %dma_wait3A_255] : memref<2x8x8x129xf32, #tpu.memory_space<vmem>> -> memref<1x1x8x128xf32, #tpu.memory_space<vmem>>
    %dma_wait3A_257 = tpu.memref_squeeze %dma_wait3A_256 : memref<1x1x8x128xf32, #tpu.memory_space<vmem>> -> memref<8x128xf32, #tpu.memory_space<vmem>>
    %dma_wait3A_258 = arith.constant 0 : i32
    %dma_wait3A_259 = arith.constant 0 : i32
    %dma_wait3A_260 = tpu.memref_slice %arg4[%dma_wait3A_251, %dma_wait3A_252, %dma_wait3A_253, %dma_wait3A_258, %dma_wait3A_259] : memref<200x8x32x8x128xf32, #tpu.memory_space<hbm>> -> memref<1x1x1x8x128xf32, #tpu.memory_space<hbm>>
    %dma_wait3A_261 = tpu.memref_squeeze %dma_wait3A_260 : memref<1x1x1x8x128xf32, #tpu.memory_space<hbm>> -> memref<8x128xf32, #tpu.memory_space<hbm>>
    %dma_wait3A_262 = arith.constant 0 : i32
    %dma_wait3A_263 = arith.constant 0 : i32
    %dma_wait3A_264 = tpu.memref_slice %arg4[%dma_wait3A_251, %dma_wait3A_252, %dma_wait3A_253, %dma_wait3A_262, %dma_wait3A_263] : memref<200x8x32x8x128xf32, #tpu.memory_space<hbm>> -> memref<1x1x1x8x128xf32, #tpu.memory_space<hbm>>
    %dma_wait3A_265 = tpu.memref_squeeze %dma_wait3A_264 : memref<1x1x1x8x128xf32, #tpu.memory_space<hbm>> -> memref<8x128xf32, #tpu.memory_space<hbm>>
    %dma_wait3A_266 = arith.constant 0 : i32
    %dma_wait3A_267 = arith.constant 0 : i32
    %dma_wait3A_268 = tpu.memref_slice %arg7[%dma_wait3A_249, %dma_wait3A_250, %dma_wait3A_266, %dma_wait3A_267] : memref<2x8x8x129xf32, #tpu.memory_space<vmem>> -> memref<1x1x8x128xf32, #tpu.memory_space<vmem>>
    %dma_wait3A_269 = tpu.memref_squeeze %dma_wait3A_268 : memref<1x1x8x128xf32, #tpu.memory_space<vmem>> -> memref<8x128xf32, #tpu.memory_space<vmem>>
    tpu.wait_dma2 semaphore(%arg11 : memref<!tpu.dma_semaphore, #tpu.memory_space<semaphore_mem>>) src(%dma_wait3A_269 : memref<8x128xf32, #tpu.memory_space<vmem>>) dst(%dma_wait3A_265 : memref<8x128xf32, #tpu.memory_space<hbm>>)
    %dma_wait3A_270 = arith.constant 1 : i32
    %dma_wait3A_271 = arith.constant 4 : i32
    %dma_wait3A_272 = arith.constant 0 : i32
    %dma_wait3A_273 = arith.constant 4 : i32
    %dma_wait3A_274 = arith.constant 0 : i32
    %dma_wait3A_275 = arith.constant 0 : i32
    %dma_wait3A_276 = arith.constant 0 : i32
    %dma_wait3A_277 = tpu.memref_slice %arg7[%dma_wait3A_270, %dma_wait3A_271, %dma_wait3A_275, %dma_wait3A_276] : memref<2x8x8x129xf32, #tpu.memory_space<vmem>> -> memref<1x1x8x128xf32, #tpu.memory_space<vmem>>
    %dma_wait3A_278 = tpu.memref_squeeze %dma_wait3A_277 : memref<1x1x8x128xf32, #tpu.memory_space<vmem>> -> memref<8x128xf32, #tpu.memory_space<vmem>>
    %dma_wait3A_279 = arith.constant 0 : i32
    %dma_wait3A_280 = arith.constant 0 : i32
    %dma_wait3A_281 = tpu.memref_slice %arg4[%dma_wait3A_272, %dma_wait3A_273, %dma_wait3A_274, %dma_wait3A_279, %dma_wait3A_280] : memref<200x8x32x8x128xf32, #tpu.memory_space<hbm>> -> memref<1x1x1x8x128xf32, #tpu.memory_space<hbm>>
    %dma_wait3A_282 = tpu.memref_squeeze %dma_wait3A_281 : memref<1x1x1x8x128xf32, #tpu.memory_space<hbm>> -> memref<8x128xf32, #tpu.memory_space<hbm>>
    %dma_wait3A_283 = arith.constant 0 : i32
    %dma_wait3A_284 = arith.constant 0 : i32
    %dma_wait3A_285 = tpu.memref_slice %arg4[%dma_wait3A_272, %dma_wait3A_273, %dma_wait3A_274, %dma_wait3A_283, %dma_wait3A_284] : memref<200x8x32x8x128xf32, #tpu.memory_space<hbm>> -> memref<1x1x1x8x128xf32, #tpu.memory_space<hbm>>
    %dma_wait3A_286 = tpu.memref_squeeze %dma_wait3A_285 : memref<1x1x1x8x128xf32, #tpu.memory_space<hbm>> -> memref<8x128xf32, #tpu.memory_space<hbm>>
    %dma_wait3A_287 = arith.constant 0 : i32
    %dma_wait3A_288 = arith.constant 0 : i32
    %dma_wait3A_289 = tpu.memref_slice %arg7[%dma_wait3A_270, %dma_wait3A_271, %dma_wait3A_287, %dma_wait3A_288] : memref<2x8x8x129xf32, #tpu.memory_space<vmem>> -> memref<1x1x8x128xf32, #tpu.memory_space<vmem>>
    %dma_wait3A_290 = tpu.memref_squeeze %dma_wait3A_289 : memref<1x1x8x128xf32, #tpu.memory_space<vmem>> -> memref<8x128xf32, #tpu.memory_space<vmem>>
    tpu.wait_dma2 semaphore(%arg11 : memref<!tpu.dma_semaphore, #tpu.memory_space<semaphore_mem>>) src(%dma_wait3A_290 : memref<8x128xf32, #tpu.memory_space<vmem>>) dst(%dma_wait3A_286 : memref<8x128xf32, #tpu.memory_space<hbm>>)
    %dma_wait3A_291 = arith.constant 1 : i32
    %dma_wait3A_292 = arith.constant 5 : i32
    %dma_wait3A_293 = arith.constant 0 : i32
    %dma_wait3A_294 = arith.constant 5 : i32
    %dma_wait3A_295 = arith.constant 0 : i32
    %dma_wait3A_296 = arith.constant 0 : i32
    %dma_wait3A_297 = arith.constant 0 : i32
    %dma_wait3A_298 = tpu.memref_slice %arg7[%dma_wait3A_291, %dma_wait3A_292, %dma_wait3A_296, %dma_wait3A_297] : memref<2x8x8x129xf32, #tpu.memory_space<vmem>> -> memref<1x1x8x128xf32, #tpu.memory_space<vmem>>
    %dma_wait3A_299 = tpu.memref_squeeze %dma_wait3A_298 : memref<1x1x8x128xf32, #tpu.memory_space<vmem>> -> memref<8x128xf32, #tpu.memory_space<vmem>>
    %dma_wait3A_300 = arith.constant 0 : i32
    %dma_wait3A_301 = arith.constant 0 : i32
    %dma_wait3A_302 = tpu.memref_slice %arg4[%dma_wait3A_293, %dma_wait3A_294, %dma_wait3A_295, %dma_wait3A_300, %dma_wait3A_301] : memref<200x8x32x8x128xf32, #tpu.memory_space<hbm>> -> memref<1x1x1x8x128xf32, #tpu.memory_space<hbm>>
    %dma_wait3A_303 = tpu.memref_squeeze %dma_wait3A_302 : memref<1x1x1x8x128xf32, #tpu.memory_space<hbm>> -> memref<8x128xf32, #tpu.memory_space<hbm>>
    %dma_wait3A_304 = arith.constant 0 : i32
    %dma_wait3A_305 = arith.constant 0 : i32
    %dma_wait3A_306 = tpu.memref_slice %arg4[%dma_wait3A_293, %dma_wait3A_294, %dma_wait3A_295, %dma_wait3A_304, %dma_wait3A_305] : memref<200x8x32x8x128xf32, #tpu.memory_space<hbm>> -> memref<1x1x1x8x128xf32, #tpu.memory_space<hbm>>
    %dma_wait3A_307 = tpu.memref_squeeze %dma_wait3A_306 : memref<1x1x1x8x128xf32, #tpu.memory_space<hbm>> -> memref<8x128xf32, #tpu.memory_space<hbm>>
    %dma_wait3A_308 = arith.constant 0 : i32
    %dma_wait3A_309 = arith.constant 0 : i32
    %dma_wait3A_310 = tpu.memref_slice %arg7[%dma_wait3A_291, %dma_wait3A_292, %dma_wait3A_308, %dma_wait3A_309] : memref<2x8x8x129xf32, #tpu.memory_space<vmem>> -> memref<1x1x8x128xf32, #tpu.memory_space<vmem>>
    %dma_wait3A_311 = tpu.memref_squeeze %dma_wait3A_310 : memref<1x1x8x128xf32, #tpu.memory_space<vmem>> -> memref<8x128xf32, #tpu.memory_space<vmem>>
    tpu.wait_dma2 semaphore(%arg11 : memref<!tpu.dma_semaphore, #tpu.memory_space<semaphore_mem>>) src(%dma_wait3A_311 : memref<8x128xf32, #tpu.memory_space<vmem>>) dst(%dma_wait3A_307 : memref<8x128xf32, #tpu.memory_space<hbm>>)
    %dma_wait3A_312 = arith.constant 1 : i32
    %dma_wait3A_313 = arith.constant 6 : i32
    %dma_wait3A_314 = arith.constant 0 : i32
    %dma_wait3A_315 = arith.constant 6 : i32
    %dma_wait3A_316 = arith.constant 0 : i32
    %dma_wait3A_317 = arith.constant 0 : i32
    %dma_wait3A_318 = arith.constant 0 : i32
    %dma_wait3A_319 = tpu.memref_slice %arg7[%dma_wait3A_312, %dma_wait3A_313, %dma_wait3A_317, %dma_wait3A_318] : memref<2x8x8x129xf32, #tpu.memory_space<vmem>> -> memref<1x1x8x128xf32, #tpu.memory_space<vmem>>
    %dma_wait3A_320 = tpu.memref_squeeze %dma_wait3A_319 : memref<1x1x8x128xf32, #tpu.memory_space<vmem>> -> memref<8x128xf32, #tpu.memory_space<vmem>>
    %dma_wait3A_321 = arith.constant 0 : i32
    %dma_wait3A_322 = arith.constant 0 : i32
    %dma_wait3A_323 = tpu.memref_slice %arg4[%dma_wait3A_314, %dma_wait3A_315, %dma_wait3A_316, %dma_wait3A_321, %dma_wait3A_322] : memref<200x8x32x8x128xf32, #tpu.memory_space<hbm>> -> memref<1x1x1x8x128xf32, #tpu.memory_space<hbm>>
    %dma_wait3A_324 = tpu.memref_squeeze %dma_wait3A_323 : memref<1x1x1x8x128xf32, #tpu.memory_space<hbm>> -> memref<8x128xf32, #tpu.memory_space<hbm>>
    %dma_wait3A_325 = arith.constant 0 : i32
    %dma_wait3A_326 = arith.constant 0 : i32
    %dma_wait3A_327 = tpu.memref_slice %arg4[%dma_wait3A_314, %dma_wait3A_315, %dma_wait3A_316, %dma_wait3A_325, %dma_wait3A_326] : memref<200x8x32x8x128xf32, #tpu.memory_space<hbm>> -> memref<1x1x1x8x128xf32, #tpu.memory_space<hbm>>
    %dma_wait3A_328 = tpu.memref_squeeze %dma_wait3A_327 : memref<1x1x1x8x128xf32, #tpu.memory_space<hbm>> -> memref<8x128xf32, #tpu.memory_space<hbm>>
    %dma_wait3A_329 = arith.constant 0 : i32
    %dma_wait3A_330 = arith.constant 0 : i32
    %dma_wait3A_331 = tpu.memref_slice %arg7[%dma_wait3A_312, %dma_wait3A_313, %dma_wait3A_329, %dma_wait3A_330] : memref<2x8x8x129xf32, #tpu.memory_space<vmem>> -> memref<1x1x8x128xf32, #tpu.memory_space<vmem>>
    %dma_wait3A_332 = tpu.memref_squeeze %dma_wait3A_331 : memref<1x1x8x128xf32, #tpu.memory_space<vmem>> -> memref<8x128xf32, #tpu.memory_space<vmem>>
    tpu.wait_dma2 semaphore(%arg11 : memref<!tpu.dma_semaphore, #tpu.memory_space<semaphore_mem>>) src(%dma_wait3A_332 : memref<8x128xf32, #tpu.memory_space<vmem>>) dst(%dma_wait3A_328 : memref<8x128xf32, #tpu.memory_space<hbm>>)
    %dma_wait3A_333 = arith.constant 1 : i32
    %dma_wait3A_334 = arith.constant 7 : i32
    %dma_wait3A_335 = arith.constant 0 : i32
    %dma_wait3A_336 = arith.constant 7 : i32
    %dma_wait3A_337 = arith.constant 0 : i32
    %dma_wait3A_338 = arith.constant 0 : i32
    %dma_wait3A_339 = arith.constant 0 : i32
    %dma_wait3A_340 = tpu.memref_slice %arg7[%dma_wait3A_333, %dma_wait3A_334, %dma_wait3A_338, %dma_wait3A_339] : memref<2x8x8x129xf32, #tpu.memory_space<vmem>> -> memref<1x1x8x128xf32, #tpu.memory_space<vmem>>
    %dma_wait3A_341 = tpu.memref_squeeze %dma_wait3A_340 : memref<1x1x8x128xf32, #tpu.memory_space<vmem>> -> memref<8x128xf32, #tpu.memory_space<vmem>>
    %dma_wait3A_342 = arith.constant 0 : i32
    %dma_wait3A_343 = arith.constant 0 : i32
    %dma_wait3A_344 = tpu.memref_slice %arg4[%dma_wait3A_335, %dma_wait3A_336, %dma_wait3A_337, %dma_wait3A_342, %dma_wait3A_343] : memref<200x8x32x8x128xf32, #tpu.memory_space<hbm>> -> memref<1x1x1x8x128xf32, #tpu.memory_space<hbm>>
    %dma_wait3A_345 = tpu.memref_squeeze %dma_wait3A_344 : memref<1x1x1x8x128xf32, #tpu.memory_space<hbm>> -> memref<8x128xf32, #tpu.memory_space<hbm>>
    %dma_wait3A_346 = arith.constant 0 : i32
    %dma_wait3A_347 = arith.constant 0 : i32
    %dma_wait3A_348 = tpu.memref_slice %arg4[%dma_wait3A_335, %dma_wait3A_336, %dma_wait3A_337, %dma_wait3A_346, %dma_wait3A_347] : memref<200x8x32x8x128xf32, #tpu.memory_space<hbm>> -> memref<1x1x1x8x128xf32, #tpu.memory_space<hbm>>
    %dma_wait3A_349 = tpu.memref_squeeze %dma_wait3A_348 : memref<1x1x1x8x128xf32, #tpu.memory_space<hbm>> -> memref<8x128xf32, #tpu.memory_space<hbm>>
    %dma_wait3A_350 = arith.constant 0 : i32
    %dma_wait3A_351 = arith.constant 0 : i32
    %dma_wait3A_352 = tpu.memref_slice %arg7[%dma_wait3A_333, %dma_wait3A_334, %dma_wait3A_350, %dma_wait3A_351] : memref<2x8x8x129xf32, #tpu.memory_space<vmem>> -> memref<1x1x8x128xf32, #tpu.memory_space<vmem>>
    %dma_wait3A_353 = tpu.memref_squeeze %dma_wait3A_352 : memref<1x1x8x128xf32, #tpu.memory_space<vmem>> -> memref<8x128xf32, #tpu.memory_space<vmem>>
    tpu.wait_dma2 semaphore(%arg11 : memref<!tpu.dma_semaphore, #tpu.memory_space<semaphore_mem>>) src(%dma_wait3A_353 : memref<8x128xf32, #tpu.memory_space<vmem>>) dst(%dma_wait3A_349 : memref<8x128xf32, #tpu.memory_space<hbm>>)
    return
  }
}

</mosaic_0001>

<sc_bundles>
// kernel: _embed.4.cloned.1.call-start
scs
__scs_entry_jumppad:
0x0: {  	(pc) =	sbr.rel $0x88, $3  }
0x1: {  	(tag) =	ssettag $0x0;
	lr =	simm.s32 $0x1  }
0x2: {  	[smem:$0x3F9F] =	sst lr;
	_ =	strace $0xD0000000  }
0x3: {  	_ = 	snop  }
0x4: {  	_ = 	snop  }
0x5: {  	_ = 	snop  }
0x6: {  	_ = 	snop  }
0x7: {  	_ = 	snop  }
__scs_overlays_trampoline_lowered:
0x8: {  	[smem:$0x3FAE] =	sst s0  }
0x9: {  	[smem:$0x3FAF] =	sst s1  }
0xa: {  	[smem:$0x3FB0] =	sst s2  }
0xb: {  	[smem:$0x3FB1] =	sst s3  }
0xc: {  	[smem:$0x3FB2] =	sst s4  }
0xd: {  	[smem:$0x3FB3] =	sst s5  }
0xe: {  	[smem:$0x3FB4] =	sst s6  }
0xf: {  	[smem:$0x3FB5] =	sst s7  }
0x10: {  	[smem:$0x3FB6] =	sst s8  }
0x11: {  	[smem:$0x3FB7] =	sst s9;
	s0 =	simm.s32 @!p0 $0x0  }
0x12: {  	s1 =	sld [smem:$0x3F9D];
	s0 =	simm.s32 @p0 $0x1  }
0x13: {  	[smem:$0x3FB8] =	sst s0;
	s0 =	simm.s32 @!p1 $0x0  }
0x14: {  	s2 =	sld [smem:$0x3F9C];
	s0 =	simm.s32 @p1 $0x1  }
0x15: {  	[smem:$0x3FB9] =	sst s0;
	s0 =	simm.s32 @!p2 $0x0  }
0x16: {  	s3 =	sld [smem:$0x3FDB];
	s0 =	simm.s32 @p2 $0x1  }
0x17: {  	s4 =	simm.s32 $0x1BF5;
	[smem:$0x3FBB] =	sst s0  }
0x18: {  	s0 =	sld [smem:$0x3F9E];
	_ =	swait.ge [sflag:s4], $0x0  }
0x19: {  	s7 =	sld [smem:$0x3F9F]  }
0x1a: {  	s8 =	sadd.s32 $0xFFFFE003, lr  }
0x1b: {  	s9 =	sadd.s32 $0xFFFFFEF7, lr;
	s5 =	simm.s32 $0xFFFFFFFF;
	p2 =	slt.u32 s8, $0xFFFFF086  }
0x1c: {  	p1 =	slt.u32 s9, $0xF7A;
	s5 =	simm.s32 @!p2 $0x0  }
0x1d: {  	s5 =	simm.s32 @p1 $0x1;
	p0 =	seq.s32 s7, s2  }
0x1e: {  	s7 =	smul.u32 @!p0 $0xF7A, s2;
	p2 =	seq.s32 @!p0 s5, $0x0  }
0x1f: {  	s9 =	smul.u32 $0xF7A, s1;
	s8 =	simm.s32 @!p0 $0x1BF5;
	p2 =	por !p2, p0  }
0x20: {  	[sflag:s8] =	ssyncset.s32 @!p0 $0xFFFFF086;
	s6 =	sadd.s32 @!p0 s3, s7;
	s7 =	simm.s32 @!p0 $0x108  }
0x21: {  	s3 =	sadd.s32 s3, s9;
	s6 =	sadd.s32 @!p0 $0x88, s6;
	s7 =	simm.s32 @p2 $0x1082  }
0x22: {  	[simem:s7], [sflag:s8] =	dma.local @!p0 [hbm:s6], $0xF7A  }
0x23: {  	s9 =	sor.u32 $0xD0000000, s2;
	s6 =	simm.s32 $0x108;
	_ =	swait.ge @!p0 [sflag:s8], $0x0  }
0x24: {  	s3 =	sadd.s32 $0x88, s3;
	s6 =	simm.s32 @!p1 $0x1082;
	[sflag:s4] =	ssyncset.s32 $0xFFFFF086  }
0x25: {  	[simem:s6], [sflag:s4] =	dma.local [hbm:s3], $0xF7A  }
0x26: {  	[smem:$0x3F9F] =	sst s1;
	(tag) =	ssettag s2;
	_ =	strace s9  }
0x27: {  	s1 =	sld [smem:$0x3FAF]  }
0x28: {  	s2 =	sld [smem:$0x3FB0]  }
0x29: {  	s4 =	sld [smem:$0x3FB2]  }
0x2a: {  	p0 =	seq.s32 s5, $0x0;
	s5 =	sld [smem:$0x3FB3]  }
0x2b: {  	s6 =	sld [smem:$0x3FB4]  }
0x2c: {  	s7 =	sld [smem:$0x3FB5]  }
0x2d: {  	s3 =	simm.s32 $0x108;
	s8 =	sld [smem:$0x3FB6]  }
0x2e: {  	s3 =	simm.s32 @!p0 $0x1082;
	s9 =	sld [smem:$0x3FB7]  }
0x2f: {  	lr =	sadd.s32 s0, s3;
	s0 =	sld [smem:$0x3FAE]  }
0x30: {  	s3 =	sld [smem:$0x3FB1]  }
0x31: {  	[smem:$0x3FBA] =	sst s10  }
0x32: {  	s10 =	sld [smem:$0x3FB8];
	_ =	sdelay $0x3  }
0x33: {  	p0 =	seq.s32 s10, $0x1;
	s10 =	sld [smem:$0x3FBA];
	_ =	sdelay $0x3  }
0x34: {  	[smem:$0x3FBA] =	sst s10  }
0x35: {  	s10 =	sld [smem:$0x3FB9];
	_ =	sdelay $0x3  }
0x36: {  	p1 =	seq.s32 s10, $0x1;
	s10 =	sld [smem:$0x3FBA];
	_ =	sdelay $0x3  }
0x37: {  	[smem:$0x3FBA] =	sst s10  }
0x38: {  	s10 =	sld [smem:$0x3FBB]  }
0x39: {  	_ = 	snop;
	(pc) =	sbr.ind lr, $3  }
0x3a: {  	_ = 	snop  }
0x3b: {  	_ = 	snop  }
0x3c: {  	p2 =	seq.s32 s10, $0x1;
	s10 =	sld [smem:$0x3FBA]  }
0x3d: {  	_ =	shalt  }
0x3e: {  	_ =	shalt  }
0x3f: {  	_ =	shalt  }
0x40: {  	_ =	shalt  }
0x41: {  	_ =	shalt  }
0x42: {  	_ =	shalt  }
0x43: {  	_ =	shalt  }
0x44: {  	_ =	shalt  }
0x45: {  	_ =	shalt  }
0x46: {  	_ =	shalt  }
0x47: {  	_ =	shalt  }
0x48: {  	_ =	shalt  }
0x49: {  	_ =	shalt  }
0x4a: {  	_ =	shalt  }
0x4b: {  	_ =	shalt  }
0x4c: {  	_ =	shalt  }
0x4d: {  	_ =	shalt  }
0x4e: {  	_ =	shalt  }
0x4f: {  	_ =	shalt  }
0x50: {  	_ =	shalt  }
0x51: {  	_ =	shalt  }
0x52: {  	_ =	shalt  }
0x53: {  	_ =	shalt  }
0x54: {  	_ =	shalt  }
0x55: {  	_ =	shalt  }
0x56: {  	_ =	shalt  }
0x57: {  	_ =	shalt  }
0x58: {  	_ =	shalt  }
0x59: {  	_ =	shalt  }
0x5a: {  	_ =	shalt  }
0x5b: {  	_ =	shalt  }
0x5c: {  	_ =	shalt  }
0x5d: {  	_ =	shalt  }
0x5e: {  	_ =	shalt  }
0x5f: {  	_ =	shalt  }
0x60: {  	_ =	shalt  }
0x61: {  	_ =	shalt  }
0x62: {  	_ =	shalt  }
0x63: {  	_ =	shalt  }
0x64: {  	_ =	shalt  }
0x65: {  	_ =	shalt  }
0x66: {  	_ =	shalt  }
0x67: {  	_ =	shalt  }
0x68: {  	_ =	shalt  }
0x69: {  	_ =	shalt  }
0x6a: {  	_ =	shalt  }
0x6b: {  	_ =	shalt  }
0x6c: {  	_ =	shalt  }
0x6d: {  	_ =	shalt  }
0x6e: {  	_ =	shalt  }
0x6f: {  	_ =	shalt  }
0x70: {  	_ =	shalt  }
0x71: {  	_ =	shalt  }
0x72: {  	_ =	shalt  }
0x73: {  	_ =	shalt  }
0x74: {  	_ =	shalt  }
0x75: {  	_ =	shalt  }
0x76: {  	_ =	shalt  }
0x77: {  	_ =	shalt  }
0x78: {  	_ =	shalt  }
0x79: {  	_ =	shalt  }
0x7a: {  	_ =	shalt  }
0x7b: {  	_ =	shalt  }
0x7c: {  	_ =	shalt  }
0x7d: {  	_ =	shalt  }
0x7e: {  	_ =	shalt  }
0x7f: {  	_ =	shalt  }
0x80: {  	_ =	shalt  }
0x81: {  	_ =	shalt  }
0x82: {  	_ =	shalt  }
0x83: {  	_ =	shalt  }
0x84: {  	_ =	shalt  }
0x85: {  	_ =	shalt  }
0x86: {  	_ =	shalt  }
0x87: {  	_ =	shalt  }
.Lfunc_end0:
.L_simem_size_0:
called_computation_lowered:
.L_overlay_start_0:
0x88: {  	s2 =	sld [smem:$0x3FD9]  }
0x89: {  	s3 =	sld [smem:$0x3FFE];
	_ =	sdelay $0x1  }
0x8a: {  	s1 =	srdreg.scid  }
0x8b: {  	s0 =	sand.u32 $0x1, s1  }
0x8c: {  	s17 =	sshll.u32 s0, $0xA;
	s2 =	sadd.s32 s3, s2  }
0x8d: {  	s2 =	sadd.s32 s2, s17  }
0x8e: {  	[smem:$0x3FC6] =	sst s2  }
0x8f: {  	_ = 	snop  }
0x90: {  	s2 =	sld [smem:$0x3FC8]  }
0x91: {  	s18 =	sld [smem:$0x3FD0];
	(tm) =	ssettm $0x1  }
0x92: {  	s4 =	sld [smem:$0x3FFB];
	_ =	sdelay $0x3  }
0x93: {  	_ =	strace s4  }
0x94: {  	s4 =	sld [smem:$0x3FFC];
	_ =	sdelay $0x3  }
0x95: {  	_ =	strace s4  }
0x96: {  	s4 =	sld [smem:$0x3FFD];
	_ =	sdelay $0x3  }
0x97: {  	_ =	strace s4  }
0x98: {  	_ =	strace $0x8FFFFFFF  }
0x99: {  	s19 =	sld [smem:$0x3FDB];
	_ =	sdelay $0x1  }
0x9a: {  	s5 =	simm.s32 $_scs_section_size  }
0x9b: {  	s6 =	simm.s32 $_size__tile_overlayer_lowered;
	s7 =	simm.s32 $_tile_overlayer_lowered  }
0x9c: {  	s22 =	simm.s32 $0x1BFF;
	s21 =	sshll.u32 s7, $0x1;
	s4 =	sadd.s32 s5, s19  }
0x9d: {  	s8 =	simm.s32 $0x0;
	s20 =	sshll.u32 s6, $0x1;
	s6 =	sadd.s32 s21, s4  }
0x9e: {  	[timem:s8], [sflag:s22] =	dma.local [hbm:s6], s20  }
0x9f: {  	_ =	swait.ge [sflag:s22], s20  }
0xa0: {  	s5 =	ssub.s32 $0x0, s20;
	[sflag:s22] =	ssyncset.done $0x0  }
0xa1: {  	[sflag:s22] =	ssyncadd.s32 s5;
	_ =	sdelay $0x1  }
0xa2: {  	s23 =	simm.s32 $0x1B8B  }
0xa3: {  	_ =	swait.ge [sflag:s23], $0x1  }
0xa4: {  	[sflag:s23] =	ssyncset.done $0x0  }
0xa5: {  	s25 =	simm.s32 $0x1B8E;
	s24 =	sld [smem:$0x3FFE];
	[sflag:s23] =	ssyncadd.s32 $0xFFFFFFFF  }
0xa6: {  	s26 =	simm.s32 $execute0_lowered;
	[smem:$0x3FD2] =	sst s25  }
0xa7: {  	s6 =	sshll.u32 s26, $0x1;
	_ =	strace $0x80000046;
	[dreg:$0x1] =	wrdreg $0xFFFFFFFF  }
0xa8: {  	s28 =	simm.s32 $_size_execute0_lowered;
	s4 =	sadd.s32 s4, s6;
	[dreg:$0x0] =	wrdreg $0x0  }
0xa9: {  	s6 =	sshll.u32 s28, $0x1;
	[dreg:$0x2] =	wrdreg s4  }
0xaa: {  	[dreg:$0x3] =	wrdreg s6  }
0xab: {  	[dreg:$0x4] =	wrdreg $0xC0  }
0xac: {  	_ =	task [dreg:s8], $0x5FFFF  }
0xad: {  	[dreg:$0x1] =	wrdreg $0xFFFFFFFF  }
0xae: {  	[dreg:$0x0] =	wrdreg $0x60  }
0xaf: {  	[dreg:$0x2] =	wrdreg s2  }
0xb0: {  	[dreg:$0x3] =	wrdreg s18  }
0xb1: {  	[dreg:$0x4] =	wrdreg s24  }
0xb2: {  	[dreg:$0x5] =	wrdreg $0x9  }
0xb3: {  	_ =	task.clear_ibuf [dreg:s8], $0x6FFFF;
	_ =	strace $0x90000046  }
0xb4: {  	s29 =	simm.s32 $0x9;
	_ =	strace $0x80000048  }
0xb5: {  	_ =	swait.ge [sflag:s29], $0x1  }
0xb6: {  	[sflag:s29] =	ssyncadd.s32 $0xFFFFFFFF  }
0xb7: {  	_ =	strace $0x90000048  }
0xb8: {  	_ =	sfence  }
0xb9: {  	s30 =	sld [smem:$0x0];
	_ =	sdelay $0x2  }
0xba: {  	s31 =	sshll.u32 s1, $0xD;
	s1 =	sshrl.u32 s1, $0x2  }
0xbb: {  	s3 =	sand.u32 $0x4000, s31;
	s1 =	sadd.s32 s1, s30  }
0xbc: {  	s0 =	sor.u32 s3, s0;
	s1 =	sshll.u32 s1, $0x11  }
0xbd: {  	s0 =	sor.u32 s1, s0  }
0xbe: {  	s0 =	sadd.s32 $0x8F2B, s0  }
0xbf: {  	[sflag:s0] =	ssyncadd.remote.s32 $0x1  }
0xc0: {  	_ =	sfence.sel $0xFFFF  }
0xc1: {  	[dreg:$0x0] =	wrdreg $0xFFFFFFFF;
	(pc) =	sbr.abs _section_cstart, $3  }
0xc2: {  	[dreg:$0x1] =	wrdreg $0xFFFFFFFF  }
0xc3: {  	_ =	task.clear_ibuf [dreg:s8], $0x2FFFF;
	_ =	strace $0x9FFFFFFF  }
0xc4: {  	(tm) =	ssettm $0x7FFFFFFF  }
0xc5: {  	_ =	shalt  }
tec
execute0_lowered:
.L_overlay_start_1:
0x0: {  	(tag) =	ssettag $0x1  }
0x1: {  	v0 =	vimm.s32 $0x700  }
0x2: {  	vm14 =	vcmask $0x300;
	vm13 =	vcmask $0x704;
	vm12 =	vcmask $0xB08  }
0x3: {  	vm11 =	vcmask $0xF0C;
	vm10 =	vcmask $0x1310;
	vm9 =	vcmask $0x1714  }
0x4: {  	vm8 =	vcmask $0x1B18;
	vm5 =	vcmask $0x1F1C;
	v31 =	vlaneseq.u32  }
0x5: {  	v1 =	vimm.s32 $0x680;
	vm0 =	vcmask $0x2320;
	v2 =	vimm.s32 $0x600  }
0x6: {  	vm1 =	vcmask $0x2724;
	vm2 =	vcmask $0x2B28;
	vm3 =	vcmask $0x2F2C  }
0x7: {  	vm4 =	vcmask $0x3330;
	vm6 =	vcmask $0x3734;
	vm7 =	vcmask $0x3B38  }
0x8: {  	v40 =	vimm.s32 $0x580;
	v42 =	vimm.s32 $0x500;
	v43 =	vimm.s32 $0x480  }
0x9: {  	v47 =	vimm.s32 $0x400;
	v49 =	vimm.s32 $0x380;
	v50 =	vimm.s32 $0x300  }
0xa: {  	v54 =	vimm.s32 $0x280;
	v57 =	vimm.s32 $0x200;
	v58 =	vimm.s32 $0x180  }
0xb: {  	v63 =	vimm.s32 $0x100;
	v5 =	vimm.s32 $0x80;
	v6 =	vimm.s32 $0x0  }
0xc: {  	v10 =	vimm.s32 $0xC4834201;
	v11 =	vimm.s32 $0xC5844302;
	v3 =	vimm.s32 $0xC6854403  }
0xd: {  	vm15 =	vcmask $0xF00;
	v14 =	vimm.s32 $0xC7864504;
	v18 =	vimm.s32 $0xCA894807  }
0xe: {  	v19 =	vimm.s32 $0xCB8A4908;
	v36 =	vimm.s32 $0xCC8B4A09;
	v0 =	vsel vm14, $0x780, v0  }
0xf: {  	v1 =	vsel vm14, $0x700, v1;
	v2 =	vsel vm14, $0x680, v2;
	v41 =	vsel vm14, $0x600, v40  }
0x10: {  	v48 =	vsel vm14, $0x480, v47;
	v55 =	vsel vm14, $0x300, v54;
	v4 =	vsel vm14, $0x180, v63  }
0x11: {  	v12 =	vunpack.c.0.s8.s32 v11;
	v13 =	vunpack.c.0.s8.s32 v3;
	v33 =	vmul.u32 $0x80, v31  }
0x12: {  	v3 =	vunpack.c.0.s8.s32 v14;
	v54 =	vimm.s32 $0xC281400F;
	v0 =	vsel vm13, $0x0, v0  }
0x13: {  	v1 =	vsel vm13, $0x780, v1;
	v2 =	vsel vm13, $0x700, v2;
	v0 =	vsel vm12, $0x80, v0  }
0x14: {  	v1 =	vsel vm12, $0x0, v1;
	v2 =	vsel vm12, $0x780, v2;
	v15 =	vand.u32 $0xFF, v3  }
0x15: {  	v3 =	vunpack.c.0.s8.s32 v18;
	v0 =	vsel vm11, $0x100, v0;
	v1 =	vsel vm11, $0x80, v1  }
0x16: {  	v2 =	vsel vm11, $0x0, v2;
	v0 =	vsel vm10, $0x180, v0;
	v1 =	vsel vm10, $0x100, v1  }
0x17: {  	v2 =	vsel vm10, $0x80, v2;
	v0 =	vsel vm9, $0x200, v0;
	v1 =	vsel vm9, $0x180, v1  }
0x18: {  	v2 =	vsel vm9, $0x100, v2;
	v0 =	vsel vm8, $0x280, v0;
	v1 =	vsel vm8, $0x200, v1  }
0x19: {  	v2 =	vsel vm8, $0x180, v2;
	v0 =	vsel vm5, $0x300, v0;
	v1 =	vsel vm5, $0x280, v1  }
0x1a: {  	v2 =	vsel vm5, $0x200, v2;
	v0 =	vsel vm0, $0x380, v0;
	v1 =	vsel vm0, $0x300, v1  }
0x1b: {  	v2 =	vsel vm0, $0x280, v2;
	v0 =	vsel vm1, $0x400, v0;
	v1 =	vsel vm1, $0x380, v1  }
0x1c: {  	v2 =	vsel vm1, $0x300, v2;
	v0 =	vsel vm2, $0x480, v0;
	v1 =	vsel vm2, $0x400, v1  }
0x1d: {  	v2 =	vsel vm2, $0x380, v2;
	v0 =	vsel vm3, $0x500, v0;
	v1 =	vsel vm3, $0x480, v1  }
0x1e: {  	v2 =	vsel vm3, $0x400, v2;
	v0 =	vsel vm4, $0x580, v0;
	v1 =	vsel vm4, $0x500, v1  }
0x1f: {  	v38 =	vsel vm4, $0x480, v2;
	v2 =	vsel vm14, $0x500, v43;
	v43 =	vimm.s32 $0xCD8C4B0A  }
0x20: {  	v0 =	vsel vm6, $0x600, v0;
	v37 =	vsel vm6, $0x580, v1;
	v39 =	vsel vm6, $0x500, v38  }
0x21: {  	v1 =	vsel vm14, $0x580, v42;
	v2 =	vsel vm13, $0x580, v2;
	v38 =	vand.u32 $0xFF, v3  }
0x22: {  	v3 =	vunpack.c.0.s8.s32 v43;
	v0 =	vsel vm7, $0x680, v0;
	v32 =	vsel vm7, $0x600, v37  }
0x23: {  	v27 =	vsel vm7, $0x580, v39;
	v1 =	vsel vm13, $0x600, v1;
	v2 =	vsel vm12, $0x600, v2  }
0x24: {  	[tilespmem:$0x1FE00] =	vst v0;
	v0 =	vsel vm13, $0x680, v41;
	v1 =	vsel vm12, $0x680, v1;
	v2 =	vsel vm11, $0x680, v2  }
0x25: {  	v0 =	vsel vm12, $0x700, v0;
	v1 =	vsel vm11, $0x700, v1;
	v2 =	vsel vm10, $0x700, v2  }
0x26: {  	v0 =	vsel vm11, $0x780, v0;
	v1 =	vsel vm10, $0x780, v1;
	v2 =	vsel vm9, $0x780, v2  }
0x27: {  	v0 =	vsel vm10, $0x0, v0;
	v1 =	vsel vm9, $0x0, v1;
	v2 =	vsel vm8, $0x0, v2  }
0x28: {  	v0 =	vsel vm9, $0x80, v0;
	v1 =	vsel vm8, $0x80, v1;
	v2 =	vsel vm5, $0x80, v2  }
0x29: {  	v0 =	vsel vm8, $0x100, v0;
	v1 =	vsel vm5, $0x100, v1;
	v2 =	vsel vm0, $0x100, v2  }
0x2a: {  	v0 =	vsel vm5, $0x180, v0;
	v1 =	vsel vm0, $0x180, v1;
	v2 =	vsel vm1, $0x180, v2  }
0x2b: {  	v0 =	vsel vm0, $0x200, v0;
	v1 =	vsel vm1, $0x200, v1;
	v2 =	vsel vm2, $0x200, v2  }
0x2c: {  	v0 =	vsel vm1, $0x280, v0;
	v1 =	vsel vm2, $0x280, v1;
	v2 =	vsel vm3, $0x280, v2  }
0x2d: {  	v0 =	vsel vm2, $0x300, v0;
	v1 =	vsel vm3, $0x300, v1;
	v45 =	vsel vm4, $0x300, v2  }
0x2e: {  	v2 =	vsel vm14, $0x380, v50;
	v50 =	vimm.s32 $0xC08F4E0D;
	v0 =	vsel vm3, $0x380, v0  }
0x2f: {  	v1 =	vsel vm4, $0x380, v1;
	v46 =	vsel vm6, $0x380, v45;
	v2 =	vsel vm13, $0x400, v2  }
0x30: {  	v45 =	vimm.s32 $0xCF8E4D0C;
	v0 =	vsel vm4, $0x400, v0;
	v44 =	vsel vm6, $0x400, v1  }
0x31: {  	v1 =	vsel vm14, $0x400, v49;
	v2 =	vsel vm12, $0x480, v2;
	v0 =	vsel vm6, $0x480, v0  }
0x32: {  	v1 =	vsel vm13, $0x480, v1;
	v2 =	vsel vm11, $0x500, v2;
	v0 =	vsel vm7, $0x500, v0  }
0x33: {  	v1 =	vsel vm12, $0x500, v1;
	v2 =	vsel vm10, $0x580, v2;
	[tilespmem:$0x1FE10] =	vst v0;
	v0 =	vsel vm7, $0x480, v44  }
0x34: {  	v1 =	vsel vm11, $0x580, v1;
	v2 =	vsel vm9, $0x600, v2;
	v44 =	vimm.s32 $0xCE8D4C0B  }
0x35: {  	[tilespmem:$0x1FE20] =	vst v0;
	v0 =	vsel vm7, $0x400, v46;
	v1 =	vsel vm10, $0x600, v1;
	v2 =	vsel vm8, $0x680, v2  }
0x36: {  	v46 =	vand.u32 $0xFF, v3;
	v3 =	vunpack.c.0.s8.s32 v50;
	[tilespmem:$0x1FE30] =	vst v0;
	v0 =	vsel vm13, $0x500, v48  }
0x37: {  	v1 =	vsel vm9, $0x680, v1;
	v2 =	vsel vm5, $0x700, v2;
	v0 =	vsel vm12, $0x580, v0  }
0x38: {  	v1 =	vsel vm8, $0x700, v1;
	v2 =	vsel vm0, $0x780, v2;
	v0 =	vsel vm11, $0x600, v0  }
0x39: {  	v1 =	vsel vm5, $0x780, v1;
	v2 =	vsel vm1, $0x0, v2;
	v0 =	vsel vm10, $0x680, v0  }
0x3a: {  	v1 =	vsel vm0, $0x0, v1;
	v2 =	vsel vm2, $0x80, v2;
	v0 =	vsel vm9, $0x700, v0  }
0x3b: {  	v1 =	vsel vm1, $0x80, v1;
	v2 =	vsel vm3, $0x100, v2;
	v0 =	vsel vm8, $0x780, v0  }
0x3c: {  	v1 =	vsel vm2, $0x100, v1;
	v52 =	vsel vm4, $0x180, v2;
	v2 =	vsel vm14, $0x200, v58  }
0x3d: {  	v58 =	vmul.u32 $0x41, v31;
	v0 =	vsel vm5, $0x0, v0;
	v1 =	vsel vm3, $0x180, v1  }
0x3e: {  	v53 =	vsel vm6, $0x200, v52;
	v2 =	vsel vm13, $0x280, v2;
	v0 =	vsel vm0, $0x80, v0  }
0x3f: {  	v1 =	vsel vm4, $0x200, v1;
	v62 =	vsel vm7, $0x280, v53;
	v2 =	vsel vm12, $0x300, v2  }
0x40: {  	v53 =	vimm.s32 $0xC1804F0E;
	v0 =	vsel vm1, $0x100, v0;
	v51 =	vsel vm6, $0x280, v1  }
0x41: {  	v1 =	vsel vm14, $0x280, v57;
	v2 =	vsel vm11, $0x380, v2;
	v57 =	vand.u32 $0xFF, v3  }
0x42: {  	v0 =	vsel vm2, $0x180, v0;
	v56 =	vsel vm7, $0x300, v51;
	v1 =	vsel vm13, $0x300, v1  }
0x43: {  	v2 =	vsel vm10, $0x400, v2;
	v0 =	vsel vm3, $0x200, v0;
	v1 =	vsel vm12, $0x380, v1  }
0x44: {  	v2 =	vsel vm9, $0x480, v2;
	v0 =	vsel vm4, $0x280, v0;
	v1 =	vsel vm11, $0x400, v1  }
0x45: {  	v2 =	vsel vm8, $0x500, v2;
	v0 =	vsel vm6, $0x300, v0;
	v1 =	vsel vm10, $0x480, v1  }
0x46: {  	v2 =	vsel vm5, $0x580, v2;
	v25 =	vsel vm7, $0x380, v0;
	v0 =	vsel vm13, $0x380, v55  }
0x47: {  	v1 =	vsel vm9, $0x500, v1;
	v2 =	vsel vm0, $0x600, v2;
	v0 =	vsel vm12, $0x400, v0  }
0x48: {  	v1 =	vsel vm8, $0x580, v1;
	v2 =	vsel vm1, $0x680, v2;
	v0 =	vsel vm11, $0x480, v0  }
0x49: {  	v1 =	vsel vm5, $0x600, v1;
	v2 =	vsel vm2, $0x700, v2;
	v0 =	vsel vm10, $0x500, v0  }
0x4a: {  	v1 =	vsel vm0, $0x680, v1;
	v2 =	vsel vm3, $0x780, v2;
	v0 =	vsel vm9, $0x580, v0  }
0x4b: {  	v1 =	vsel vm1, $0x700, v1;
	v60 =	vsel vm4, $0x0, v2;
	v2 =	vsel vm14, $0x80, v6  }
0x4c: {  	v0 =	vsel vm8, $0x600, v0;
	v1 =	vsel vm2, $0x780, v1;
	v61 =	vsel vm6, $0x80, v60  }
0x4d: {  	v2 =	vsel vm13, $0x100, v2;
	v0 =	vsel vm5, $0x680, v0;
	v1 =	vsel vm3, $0x0, v1  }
0x4e: {  	v40 =	vsel vm7, $0x100, v61;
	v2 =	vsel vm12, $0x180, v2;
	v0 =	vsel vm0, $0x700, v0  }
0x4f: {  	v1 =	vsel vm4, $0x80, v1;
	v2 =	vsel vm11, $0x200, v2;
	v0 =	vsel vm1, $0x780, v0  }
0x50: {  	v59 =	vsel vm6, $0x100, v1;
	v1 =	vsel vm14, $0x100, v5;
	v2 =	vsel vm10, $0x280, v2  }
0x51: {  	v5 =	vimm.s32 $0xC9884706;
	v0 =	vsel vm2, $0x0, v0;
	v34 =	vsel vm7, $0x180, v59  }
0x52: {  	v1 =	vsel vm13, $0x180, v1;
	v2 =	vsel vm9, $0x300, v2;
	v5 =	vunpack.c.0.s8.s32 v5  }
0x53: {  	v0 =	vsel vm3, $0x80, v0;
	v1 =	vsel vm12, $0x200, v1;
	v2 =	vsel vm8, $0x380, v2  }
0x54: {  	v0 =	vsel vm4, $0x100, v0;
	v1 =	vsel vm11, $0x280, v1;
	v2 =	vsel vm5, $0x400, v2  }
0x55: {  	v17 =	vand.u32 $0xFF, v5;
	v5 =	vunpack.c.0.s8.s32 v36;
	v0 =	vsel vm6, $0x180, v0  }
0x56: {  	v1 =	vsel vm10, $0x300, v1;
	v2 =	vsel vm0, $0x480, v2;
	v30 =	vsel vm7, $0x200, v0  }
0x57: {  	v0 =	vsel vm13, $0x200, v4;
	v1 =	vsel vm9, $0x380, v1;
	v2 =	vsel vm1, $0x500, v2  }
0x58: {  	v4 =	vimm.s32 $0xC8874605;
	v41 =	vand.u32 $0xFF, v5;
	v5 =	vunpack.c.0.s8.s32 v45  }
0x59: {  	v0 =	vsel vm12, $0x280, v0;
	v1 =	vsel vm8, $0x400, v1;
	v2 =	vsel vm2, $0x580, v2  }
0x5a: {  	v4 =	vunpack.c.0.s8.s32 v4;
	v0 =	vsel vm11, $0x300, v0;
	v2 =	vsel vm3, $0x600, v2  }
0x5b: {  	v1 =	vsel vm5, $0x480, v1;
	v8 =	vsel vm4, $0x680, v2;
	v2 =	vand.u32 $0xFF, v13  }
0x5c: {  	v48 =	vand.u32 $0xFF, v5;
	v0 =	vsel vm10, $0x380, v0;
	v2 =	vnsel vm15, $0x3C2, v2  }
0x5d: {  	v1 =	vsel vm0, $0x500, v1;
	v16 =	vand.u32 $0xFF, v4;
	v2 =	vsel vm10, $0x107, v2  }
0x5e: {  	v4 =	vunpack.c.0.s8.s32 v19;
	v0 =	vsel vm9, $0x400, v0;
	v2 =	vsel vm9, $0x148, v2  }
0x5f: {  	v1 =	vsel vm1, $0x580, v1;
	v0 =	vsel vm8, $0x480, v0;
	v2 =	vsel vm8, $0x189, v2  }
0x60: {  	v1 =	vsel vm2, $0x600, v1;
	v0 =	vsel vm5, $0x500, v0;
	v2 =	vsel vm5, $0x1CA, v2  }
0x61: {  	v1 =	vsel vm3, $0x680, v1;
	v0 =	vsel vm0, $0x580, v0;
	v2 =	vsel vm0, $0x20B, v2  }
0x62: {  	v1 =	vsel vm4, $0x700, v1;
	v0 =	vsel vm1, $0x600, v0;
	v2 =	vsel vm1, $0x24C, v2  }
0x63: {  	v7 =	vsel vm6, $0x780, v1;
	v1 =	vunpack.c.0.s8.s32 v10;
	v2 =	vsel vm2, $0x28D, v2  }
0x64: {  	v39 =	vand.u32 $0xFF, v4;
	v0 =	vsel vm2, $0x680, v0;
	v2 =	vsel vm3, $0x2CE, v2  }
0x65: {  	v0 =	vsel vm3, $0x700, v0;
	v1 =	vand.u32 $0xFF, v1;
	v2 =	vsel vm4, $0x30F, v2  }
0x66: {  	v0 =	vsel vm4, $0x780, v0;
	v1 =	vnsel vm15, $0x3C0, v1;
	v2 =	vsel vm6, $0x340, v2  }
0x67: {  	v0 =	vsel vm6, $0x0, v0;
	v21 =	vsel vm7, $0x381, v2;
	v2 =	vnsel vm15, $0x3C5, v17  }
0x68: {  	v1 =	vsel vm10, $0x105, v1;
	v29 =	vsel vm7, $0x80, v0;
	v2 =	vsel vm10, $0x10A, v2  }
0x69: {  	v0 =	vand.u32 $0xFF, v12;
	v1 =	vsel vm9, $0x146, v1;
	v2 =	vsel vm9, $0x14B, v2  }
0x6a: {  	v0 =	vnsel vm15, $0x3C1, v0;
	v1 =	vsel vm8, $0x187, v1;
	v2 =	vsel vm8, $0x18C, v2  }
0x6b: {  	v0 =	vsel vm10, $0x106, v0;
	v1 =	vsel vm5, $0x1C8, v1;
	v2 =	vsel vm5, $0x1CD, v2  }
0x6c: {  	v0 =	vsel vm9, $0x147, v0;
	v1 =	vsel vm0, $0x209, v1;
	v2 =	vsel vm0, $0x20E, v2  }
0x6d: {  	v0 =	vsel vm8, $0x188, v0;
	v1 =	vsel vm1, $0x24A, v1;
	v2 =	vsel vm1, $0x24F, v2  }
0x6e: {  	v0 =	vsel vm5, $0x1C9, v0;
	v1 =	vsel vm2, $0x28B, v1;
	v2 =	vsel vm2, $0x280, v2  }
0x6f: {  	v0 =	vsel vm0, $0x20A, v0;
	v1 =	vsel vm3, $0x2CC, v1;
	v2 =	vsel vm3, $0x2C1, v2  }
0x70: {  	v0 =	vsel vm1, $0x24B, v0;
	v1 =	vsel vm4, $0x30D, v1;
	v2 =	vsel vm4, $0x302, v2  }
0x71: {  	v0 =	vsel vm2, $0x28C, v0;
	v1 =	vsel vm6, $0x34E, v1;
	v2 =	vsel vm6, $0x343, v2  }
0x72: {  	v0 =	vsel vm3, $0x2CD, v0;
	v49 =	vsel vm7, $0x384, v2;
	v2 =	vnsel vm15, $0x3C8, v41  }
0x73: {  	v52 =	vsel vm7, $0x38F, v1;
	v1 =	vnsel vm15, $0x3C4, v16;
	v2 =	vsel vm10, $0x10D, v2  }
0x74: {  	v0 =	vsel vm4, $0x30E, v0;
	v1 =	vsel vm10, $0x109, v1;
	v2 =	vsel vm9, $0x14E, v2  }
0x75: {  	v0 =	vsel vm6, $0x34F, v0;
	v1 =	vsel vm9, $0x14A, v1;
	v2 =	vsel vm8, $0x18F, v2  }
0x76: {  	v37 =	vsel vm7, $0x380, v0;
	v0 =	vnsel vm15, $0x3C3, v15;
	v2 =	vsel vm5, $0x1C0, v2  }
0x77: {  	v1 =	vsel vm8, $0x18B, v1;
	v0 =	vsel vm10, $0x108, v0;
	v2 =	vsel vm0, $0x201, v2  }
0x78: {  	v1 =	vsel vm5, $0x1CC, v1;
	v0 =	vsel vm9, $0x149, v0;
	v2 =	vsel vm1, $0x242, v2  }
0x79: {  	v1 =	vsel vm0, $0x20D, v1;
	v0 =	vsel vm8, $0x18A, v0;
	v2 =	vsel vm2, $0x283, v2  }
0x7a: {  	v1 =	vsel vm1, $0x24E, v1;
	v0 =	vsel vm5, $0x1CB, v0;
	v2 =	vsel vm3, $0x2C4, v2  }
0x7b: {  	v1 =	vsel vm2, $0x28F, v1;
	v0 =	vsel vm0, $0x20C, v0;
	v2 =	vsel vm4, $0x305, v2  }
0x7c: {  	v1 =	vsel vm3, $0x2C0, v1;
	v0 =	vsel vm1, $0x24D, v0;
	v2 =	vsel vm6, $0x346, v2  }
0x7d: {  	v1 =	vsel vm4, $0x301, v1;
	v51 =	vsel vm7, $0x387, v2;
	v2 =	vnsel vm15, $0x3CB, v48  }
0x7e: {  	v0 =	vsel vm2, $0x28E, v0;
	v1 =	vsel vm6, $0x342, v1;
	v2 =	vsel vm10, $0x100, v2  }
0x7f: {  	v0 =	vsel vm3, $0x2CF, v0;
	v24 =	vsel vm7, $0x383, v1;
	v2 =	vsel vm9, $0x141, v2  }
0x80: {  	v1 =	vnsel vm15, $0x3C7, v39;
	v0 =	vsel vm4, $0x300, v0;
	v2 =	vsel vm8, $0x182, v2  }
0x81: {  	v1 =	vsel vm10, $0x10C, v1;
	v0 =	vsel vm6, $0x341, v0;
	v2 =	vsel vm5, $0x1C3, v2  }
0x82: {  	v22 =	vsel vm7, $0x382, v0;
	v0 =	vnsel vm15, $0x3C6, v38;
	v2 =	vsel vm0, $0x204, v2  }
0x83: {  	v1 =	vsel vm9, $0x14D, v1;
	v0 =	vsel vm10, $0x10B, v0;
	v2 =	vsel vm1, $0x245, v2  }
0x84: {  	v1 =	vsel vm8, $0x18E, v1;
	v0 =	vsel vm9, $0x14C, v0;
	v2 =	vsel vm2, $0x286, v2  }
0x85: {  	v1 =	vsel vm5, $0x1CF, v1;
	v0 =	vsel vm8, $0x18D, v0;
	v2 =	vsel vm3, $0x2C7, v2  }
0x86: {  	v1 =	vsel vm0, $0x200, v1;
	v0 =	vsel vm5, $0x1CE, v0;
	v2 =	vsel vm4, $0x308, v2  }
0x87: {  	v1 =	vsel vm1, $0x241, v1;
	v0 =	vsel vm0, $0x20F, v0;
	v2 =	vsel vm6, $0x349, v2  }
0x88: {  	s0 =	rddreg [dreg:$0x0];
	s4 =	simm.s32 $0x0;
	v1 =	vsel vm2, $0x282, v1;
	v0 =	vsel vm1, $0x240, v0;
	v55 =	vsel vm7, $0x38A, v2  }
0x89: {  	[smem:$0x7FF] =	sst s4;
	v4 =	vunpack.c.0.s8.s32 v44;
	v1 =	vsel vm3, $0x2C3, v1;
	v0 =	vsel vm2, $0x281, v0;
	[tilespmem:$0x1FE40] =	vst v55  }
0x8a: {  	s1 =	rddreg [dreg:$0x2];
	v5 =	vunpack.c.0.s8.s32 v54;
	v1 =	vsel vm4, $0x304, v1;
	v0 =	vsel vm3, $0x2C2, v0;
	_ =	strace $0x80000047;
	[tilespmem:$0x1FE60] =	vst v32  }
0x8b: {  	v47 =	vand.u32 $0xFF, v4;
	v1 =	vsel vm6, $0x345, v1;
	v0 =	vsel vm4, $0x303, v0;
	[tilespmem:$0x1FE70] =	vst v25  }
0x8c: {  	v59 =	vsel vm7, $0x386, v1;
	v1 =	vnsel vm15, $0x3CA, v47;
	v0 =	vsel vm6, $0x344, v0;
	[tilespmem:$0x1FE80] =	vst v21  }
0x8d: {  	v1 =	vsel vm10, $0x10F, v1;
	v23 =	vsel vm7, $0x385, v0;
	v0 =	vnsel vm15, $0x3C9, v46;
	[tilespmem:$0x1FE90] =	vst v37  }
0x8e: {  	v35 =	vsel vm7, $0x0, v7;
	v1 =	vsel vm9, $0x140, v1;
	v0 =	vsel vm10, $0x10E, v0;
	[tilespmem:$0x1FEA0] =	vst v33  }
0x8f: {  	v9 =	vsel vm6, $0x700, v8;
	v1 =	vsel vm8, $0x181, v1;
	v0 =	vsel vm9, $0x14F, v0;
	[tilespmem:$0x1FEB0] =	vst v35  }
0x90: {  	v61 =	vand.u32 $0xFF, v5;
	v1 =	vsel vm5, $0x1C2, v1;
	v0 =	vsel vm8, $0x180, v0;
	[tilespmem:$0x1FEC0] =	vst v34  }
0x91: {  	v4 =	vunpack.c.0.s8.s32 v53;
	v1 =	vsel vm0, $0x203, v1;
	[tilespmem:$0x1FEF0] =	vst v22;
	v0 =	vsel vm5, $0x1C1, v0  }
0x92: {  	v42 =	vsel vm7, $0x780, v9;
	v1 =	vsel vm1, $0x244, v1;
	[tilespmem:$0x1FF00] =	vst v23;
	v0 =	vsel vm0, $0x202, v0  }
0x93: {  	v60 =	vand.u32 $0xFF, v4;
	[tilespmem:$0x1FF10] =	vst v24;
	v1 =	vsel vm2, $0x285, v1;
	v0 =	vsel vm1, $0x243, v0  }
0x94: {  	v2 =	vnsel vm15, $0x3CE, v61;
	[tilespmem:$0x1FF20] =	vst v49;
	v1 =	vsel vm3, $0x2C6, v1;
	v0 =	vsel vm2, $0x284, v0  }
0x95: {  	v2 =	vsel vm10, $0x103, v2;
	[tilespmem:$0x1FF30] =	vst v40;
	v1 =	vsel vm4, $0x307, v1;
	v0 =	vsel vm3, $0x2C5, v0  }
0x96: {  	v2 =	vsel vm9, $0x144, v2;
	[tilespmem:$0x1FF40] =	vst v42;
	v1 =	vsel vm6, $0x348, v1;
	v0 =	vsel vm4, $0x306, v0  }
0x97: {  	[tilespmem:$0x1FF50] =	vst v56;
	v43 =	vsel vm7, $0x389, v1;
	v1 =	vnsel vm15, $0x3CD, v60;
	v0 =	vsel vm6, $0x347, v0  }
0x98: {  	[tilespmem:$0x1FF60] =	vst v62;
	v1 =	vsel vm10, $0x102, v1;
	v54 =	vsel vm7, $0x388, v0;
	v0 =	vnsel vm15, $0x3CC, v57  }
0x99: {  	[tilespmem:$0x1FF70] =	vst v27;
	v2 =	vsel vm8, $0x185, v2;
	v1 =	vsel vm9, $0x143, v1;
	v0 =	vsel vm10, $0x101, v0  }
0x9a: {  	[tilespmem:$0x1FF80] =	vst v29;
	v2 =	vsel vm5, $0x1C6, v2;
	v1 =	vsel vm8, $0x184, v1;
	v0 =	vsel vm9, $0x142, v0  }
0x9b: {  	[tilespmem:$0x1FF90] =	vst v30;
	v2 =	vsel vm0, $0x207, v2;
	v1 =	vsel vm5, $0x1C5, v1;
	v0 =	vsel vm8, $0x183, v0  }
0x9c: {  	s2 =	srdreg.scid;
	[tilespmem:$0x1FFA0] =	vst v51;
	v2 =	vsel vm1, $0x248, v2;
	v1 =	vsel vm0, $0x206, v1;
	v0 =	vsel vm5, $0x1C4, v0  }
0x9d: {  	s5 =	stileid.u32;
	s13 =	simm.s32 $0x1;
	s14 =	simm.s32 $0x4000;
	[tilespmem:$0x1FFD0] =	vst v52;
	v2 =	vsel vm2, $0x289, v2;
	v1 =	vsel vm1, $0x247, v1;
	v0 =	vsel vm0, $0x205, v0  }
0x9e: {  	s15 =	simm.s32 $0x2;
	s16 =	simm.s32 $0x2000;
	s17 =	simm.s32 $0x6000;
	[tilespmem:$0x1FFE0] =	vst v58;
	v2 =	vsel vm3, $0x2CA, v2;
	v1 =	vsel vm2, $0x288, v1;
	v0 =	vsel vm1, $0x246, v0  }
0x9f: {  	s18 =	simm.s32 $0x3;
	s19 =	simm.s32 $0x4;
	s20 =	simm.s32 $0x0;
	[tilespmem:$0x1FFF0] =	vst v59;
	v2 =	vsel vm4, $0x30B, v2;
	v1 =	vsel vm3, $0x2C9, v1;
	v0 =	vsel vm2, $0x287, v0  }
.Ltmp0:
0xa0: {  	s2 =	sand.u32 $0x1, s2;
	s5 =	sshll.u32 s5, $0x1;
	[tilespmem:$0x1FFC0] =	vst v43;
	v2 =	vsel vm6, $0x34C, v2;
	v1 =	vsel vm4, $0x30A, v1;
	v0 =	vsel vm3, $0x2C8, v0;
	(pc) =	sbr.rel .LBB2_1-.Ltmp0, $4  }
0xa1: {  	s6 =	sadd.s32 $0xA00, s1;
	s3 =	ssub.s32 $0x2, s2;
	s5 =	sor.u32 s2, s5;
	v63 =	vsel vm7, $0x38D, v2;
	[tilespmem:$0x1FFB0] =	vst v54;
	v1 =	vsel vm6, $0x34B, v1;
	v0 =	vsel vm4, $0x309, v0  }
0xa2: {  	s9 =	sadd.s32 $0x7A1A00, s1;
	s7 =	sshrl.u32 s3, $0x1;
	s31 =	sshll.u32 s5, $0x7;
	[tilespmem:$0x1FE50] =	vst v63;
	v17 =	vsel vm7, $0x38C, v1;
	v0 =	vsel vm6, $0x34A, v0  }
0xa3: {  	s8 =	sor.u32 $0x40, s5;
	s30 =	ssub.s32 s3, s7;
	s3 =	sadd.s32 s0, s31;
	[tilespmem:$0x1FEE0] =	vst v17;
	v16 =	vsel vm7, $0x38B, v0  }
0xa4: {  	p0 =	sne.s32 s5, $0x0;
	s10 =	smax.u32 s30, $0x1;
	[dreg:$0x4] =	wrdreg s3;
	[tilespmem:$0x1FED0] =	vst v16  }
.LBB2_11:
0xa5: {  	_ =	swait.ge [sflag:s18], $0x2000  }
0xa6: {  	[sflag:s18] =	ssyncset.done $0x0  }
0xa7: {  	[sflag:s18] =	ssyncadd.s32 $0xFFFFE000  }
0xa8: {  	_ =	swait.ge [sflag:s19], $0x2000  }
0xa9: {  	[sflag:s19] =	ssyncset.done $0x0  }
0xaa: {  	[sflag:s19] =	ssyncadd.s32 $0xFFFFE000  }
0xab: {  	s1 =	simm.s32 @!p0 $0x0;
	s2 =	simm.s32 @!p0 $0x4000;
	s3 =	rddreg [dreg:$0x1]  }
0xac: {  	[tilespmem:s2], [sflag:$0x5] =	stream.linear.gather @!p0 [hbm4b:s3+s1], $0x1000, $0x38;
	[tilespmem:$0x8000] =	vst v63  }
0xad: {  	s3 =	simm.s32 @!p0 $0x5  }
0xae: {  	s20 =	sadd.s32 $0x1, s20;
	_ =	swait.ge @!p0 [sflag:s3], $0x1000  }
0xaf: {  	p1 =	sne.s32 s20, s10;
	[sflag:s3] =	ssyncset.done @!p0 $0x0  }
.Ltmp1:
0xb0: {  	[sflag:s3] =	ssyncadd.s32 @!p0 $0xFFFFF000;
	(pc) =	sbr.rel @!p1 .LBB2_12-.Ltmp1, $4  }
0xb1: {  	[hbm4b:s9+s1] =	stream.linear.scatter @!p0 [tilespmem:s2], [sflag:$0x5], $0x1000, $0x38;
	[tilespmem:$0x8000] =	vst v63  }
0xb2: {  	_ =	swait.ge @!p0 [sflag:s3], $0x1000  }
0xb3: {  	[sflag:s3] =	ssyncset.done @!p0 $0x0  }
0xb4: {  	[sflag:s3] =	ssyncadd.s32 @!p0 $0xFFFFF000  }
.LBB2_1:
.Ltmp2:
0xb5: {  	(pc) =	sbr.rel .LBB2_2-.Ltmp2, $4  }
0xb6: {  	_ = 	snop  }
0xb7: {  	s1 =	rddreg [dreg:$0x4]  }
0xb8: {  	s2 =	simm.s32 $0x400;
	s3 =	simm.s32 $0x7A1400;
	s21 =	simm.s32 $0x0  }
0xb9: {  	[tilespmem:s4], [sflag:$0x1] =	stream.strided.gather [hbm4b:s1+s2], $0x2000, s3, s2, $0x38;
	[tilespmem:$0x8000] =	vst v63  }
.LBB2_10:
0xba: {  	s21 =	sadd.s32 $0x1, s21  }
0xbb: {  	p1 =	sne.s32 s21, $0x7B  }
.Ltmp3:
0xbc: {  	_ = 	snop;
	(pc) =	sbr.rel @!p1 .LBB2_11-.Ltmp3, $1  }
0xbd: {  	_ =	sdelay $0x3  }
.LBB2_2:
0xbe: {  	s23 =	sshll.u32 s21, $0x6  }
0xbf: {  	s24 =	sor.u32 s23, s5  }
0xc0: {  	p3 =	sgt.u32 s24, $0x1E83  }
.Ltmp4:
0xc1: {  	s22 =	sor.u32 $0x20, s24;
	(pc) =	sbr.rel @p3 .LBB2_6-.Ltmp4, $4  }
0xc2: {  	p2 =	sgt.u32 s22, $0x1E83  }
0xc3: {  	p1 =	seq.s32 s21, $0x0;
	s1 =	sshll.u32 @!p2 s22, $0x7;
	s2 =	simm.s32 @!p2 $0x400  }
0xc4: {  	s3 =	simm.s32 @!p2 $0x7A1400;
	s11 =	simm.s32 @!p2 $0x2000;
	s1 =	sadd.s32 @!p2 s0, s1  }
0xc5: {  	[tilespmem:s11], [sflag:$0x2] =	stream.strided.gather @!p2 [hbm4b:s1+s2], $0x2000, s3, s2, $0x38;
	[tilespmem:$0x8000] =	vst v63  }
0xc6: {  	s1 =	simm.s32 $0x0;
	s2 =	simm.s32 $0x0  }
0xc7: {  	s1 =	sand.u32 $0x30, s1;
	s3 =	sand.u32 $0x6, s2  }
0xc8: {  	v0 =	vmov s1;
	s2 =	sor.u32 $0x1, s3  }
0xc9: {  	v48 =	vshll.u32 v0, $0x7;
	s11 =	sshll.u32 s2, $0x4  }
0xca: {  	_ =	swait.ge [sflag:s13], $0x2000;
	v0 =	vor.u32 v33, v48;
	v47 =	vor.u32 s11, v31  }
0xcb: {  	[sflag:s13] =	ssyncset.done $0x0;
	v1 =	vor.u32 v47, v0  }
0xcc: {  	[sflag:s13] =	ssyncadd.s32 $0xFFFFE000;
	s11 =	simm.s32 @!p1 $0x3  }
0xcd: {  	_ =	swait.ge @!p1 [sflag:s11], $0x2000  }
0xce: {  	s2 =	sshll.u32 s2, $0xA;
	[sflag:s11] =	ssyncset.done @!p1 $0x0  }
0xcf: {  	s2 =	sor.u32 s1, s2;
	[sflag:s11] =	ssyncadd.s32 @!p1 $0xFFFFE000  }
0xd0: {  	v2 =	vor.u32 v42, v48;
	v3 =	vor.u32 s2, v58;
	v1 =	vld.idx.msk [tilespmem:v1+s4+$0x0], $0xffff  }
0xd1: {  	v4 =	vor.u32 v47, v2  }
0xd2: {  	s12 =	sshll.u32 s3, $0x4  }
0xd3: {  	v46 =	vor.u32 s12, v31  }
0xd4: {  	v0 =	vor.u32 v46, v0  }
0xd5: {  	[tilespmem:v3+s14+$0x0] =	vst.idx.msk $0xffff, v1  }
0xd6: {  	v1 =	vor.u32 v35, v48;
	v3 =	vor.u32 s2, v52;
	v4 =	vld.idx.msk [tilespmem:v4+s4+$0x0], $0xffff  }
0xd7: {  	s3 =	sshll.u32 s3, $0xA;
	v5 =	vor.u32 v47, v1  }
0xd8: {  	s3 =	sor.u32 s1, s3  }
0xd9: {  	v6 =	vor.u32 s3, v58;
	v0 =	vld.idx.msk [tilespmem:v0+s4+$0x0], $0xffff  }
0xda: {  	v2 =	vor.u32 v46, v2  }
0xdb: {  	[tilespmem:v3+s14+$0x0] =	vst.idx.msk $0xffff, v4  }
0xdc: {  	v3 =	vor.u32 v29, v48;
	v4 =	vor.u32 s2, v37;
	v5 =	vld.idx.msk [tilespmem:v5+s4+$0x0], $0xffff  }
0xdd: {  	v7 =	vor.u32 v47, v3  }
0xde: {  	v53 =	vld [tilespmem:$0x1FE10];
	[tilespmem:v6+s14+$0x0] =	vst.idx.msk $0xffff, v0  }
0xdf: {  	v0 =	vor.u32 s3, v52;
	v2 =	vld.idx.msk [tilespmem:v2+s4+$0x0], $0xffff  }
0xe0: {  	s25 =	simm.s32 $0x4;
	s26 =	simm.s32 $0x2;
	v1 =	vor.u32 v46, v1  }
0xe1: {  	s1 =	sand.u32 $0x30, s25;
	s11 =	sand.u32 $0x6, s26;
	[tilespmem:v4+s14+$0x0] =	vst.idx.msk $0xffff, v5  }
0xe2: {  	v8 =	vmov s1;
	s25 =	sor.u32 $0x1, s11;
	v4 =	vor.u32 v40, v48;
	v5 =	vor.u32 s2, v21;
	v6 =	vld.idx.msk [tilespmem:v7+s4+$0x0], $0xffff  }
0xe3: {  	v63 =	vmov v33;
	v33 =	vshll.u32 v8, $0x7;
	s26 =	sshll.u32 s25, $0x4;
	v7 =	vor.u32 v47, v4  }
0xe4: {  	v15 =	vmov v35;
	v8 =	vor.u32 v63, v33;
	v35 =	vor.u32 s26, v31;
	[tilespmem:v0+s14+$0x0] =	vst.idx.msk $0xffff, v2  }
0xe5: {  	v0 =	vor.u32 s3, v37;
	v2 =	vor.u32 v35, v8;
	v1 =	vld.idx.msk [tilespmem:v1+s4+$0x0], $0xffff  }
0xe6: {  	v3 =	vor.u32 v46, v3  }
0xe7: {  	[tilespmem:v5+s14+$0x0] =	vst.idx.msk $0xffff, v6  }
0xe8: {  	v10 =	vor.u32 v27, v48;
	s25 =	sshll.u32 s25, $0xA;
	v5 =	vor.u32 v34, v48;
	v6 =	vor.u32 s2, v22;
	v7 =	vld.idx.msk [tilespmem:v7+s4+$0x0], $0xffff  }
0xe9: {  	v13 =	vor.u32 v47, v10;
	s25 =	sor.u32 s1, s25;
	v9 =	vor.u32 v47, v5  }
0xea: {  	v11 =	vor.u32 v42, v33;
	v12 =	vor.u32 s25, v58;
	[tilespmem:v0+s14+$0x0] =	vst.idx.msk $0xffff, v1;
	v0 =	vld.idx.msk [tilespmem:v2+s4+$0x0], $0xffff  }
0xeb: {  	v1 =	vor.u32 v46, v4;
	v2 =	vor.u32 s3, v21;
	v4 =	vor.u32 v35, v11;
	v3 =	vld.idx.msk [tilespmem:v3+s4+$0x0], $0xffff  }
0xec: {  	s7 =	sshll.u32 s11, $0x4;
	[tilespmem:$0x1FDA0] =	vst v13  }
0xed: {  	v10 =	vor.u32 v46, v10;
	v28 =	vor.u32 s7, v31;
	[tilespmem:v6+s14+$0x0] =	vst.idx.msk $0xffff, v7  }
0xee: {  	v6 =	vor.u32 v28, v8;
	v9 =	vld.idx.msk [tilespmem:v9+s4+$0x0], $0xffff;
	[tilespmem:$0x1FDC0] =	vst v10  }
0xef: {  	v14 =	vor.u32 v15, v33;
	v7 =	vor.u32 v30, v48;
	v8 =	vor.u32 s2, v24;
	[tilespmem:v12+s14+$0x0] =	vst.idx.msk $0xffff, v0  }
0xf0: {  	v16 =	vor.u32 s25, v52;
	v13 =	vor.u32 v47, v7;
	[tilespmem:v2+s14+$0x0] =	vst.idx.msk $0xffff, v3;
	v2 =	vld.idx.msk [tilespmem:v4+s4+$0x0], $0xffff  }
0xf1: {  	s11 =	sshll.u32 s11, $0xA;
	v0 =	vor.u32 s3, v22;
	v3 =	vor.u32 v35, v14;
	v1 =	vld.idx.msk [tilespmem:v1+s4+$0x0], $0xffff  }
0xf2: {  	s26 =	sor.u32 s1, s11  }
0xf3: {  	v17 =	vor.u32 s26, v58;
	v6 =	vld.idx.msk [tilespmem:v6+s4+$0x0], $0xffff  }
0xf4: {  	v5 =	vor.u32 v46, v5;
	[tilespmem:v8+s14+$0x0] =	vst.idx.msk $0xffff, v9;
	v8 =	vor.u32 v28, v11  }
0xf5: {  	v9 =	vor.u32 v62, v48;
	v11 =	vor.u32 s2, v49;
	v13 =	vld.idx.msk [tilespmem:v13+s4+$0x0], $0xffff;
	[tilespmem:v16+s14+$0x0] =	vst.idx.msk $0xffff, v2  }
0xf6: {  	v2 =	vor.u32 v46, v7;
	v7 =	vor.u32 s25, v37;
	[tilespmem:v0+s14+$0x0] =	vst.idx.msk $0xffff, v1;
	v0 =	vld.idx.msk [tilespmem:v3+s4+$0x0], $0xffff  }
0xf7: {  	v10 =	vor.u32 v27, v33;
	v20 =	vor.u32 v47, v9  }
0xf8: {  	[tilespmem:v17+s14+$0x0] =	vst.idx.msk $0xffff, v6;
	v6 =	vor.u32 v46, v9;
	v9 =	vor.u32 v28, v10  }
0xf9: {  	v5 =	vld.idx.msk [tilespmem:v5+s4+$0x0], $0xffff;
	[tilespmem:$0x1FD30] =	vst v9  }
0xfa: {  	v57 =	vmov v34;
	v1 =	vor.u32 s3, v24;
	[tilespmem:v11+s14+$0x0] =	vst.idx.msk $0xffff, v13  }
0xfb: {  	v26 =	vmovc v62;
	v44 =	vmov v15;
	v15 =	vor.u32 v29, v33;
	v62 =	vmov v22;
	v22 =	vld [tilespmem:$0x1FE80];
	[tilespmem:v7+s14+$0x0] =	vst.idx.msk $0xffff, v0  }
0xfc: {  	s12 =	simm.s32 $0x4;
	v18 =	vor.u32 v57, v33;
	s11 =	simm.s32 $0x8;
	v12 =	vor.u32 v28, v14;
	v14 =	vor.u32 v35, v15;
	v0 =	vld [tilespmem:$0x1FE80]  }
0xfd: {  	s1 =	sand.u32 $0x30, s11;
	s11 =	sand.u32 $0x6, s12;
	v21 =	vor.u32 v28, v18;
	v41 =	vor.u32 v35, v10;
	v3 =	vor.u32 s26, v52;
	v8 =	vld.idx.msk [tilespmem:v8+s4+$0x0], $0xffff  }
0xfe: {  	s28 =	sshll.u32 s11, $0x4;
	v4 =	vor.u32 v28, v15;
	v10 =	vor.u32 v56, v48;
	v11 =	vor.u32 s2, v23;
	v13 =	vld.idx.msk [tilespmem:v20+s4+$0x0], $0xffff  }
0xff: {  	v36 =	vor.u32 s28, v31;
	v17 =	vor.u32 v46, v10;
	v10 =	vor.u32 v47, v10;
	[tilespmem:v1+s14+$0x0] =	vst.idx.msk $0xffff, v5  }
0x100: {  	v15 =	vor.u32 v40, v33;
	v9 =	vor.u32 s3, v49;
	v1 =	vmov s1;
	v2 =	vld.idx.msk [tilespmem:v2+s4+$0x0], $0xffff  }
0x101: {  	v60 =	vmovc v49;
	v19 =	vor.u32 v28, v15;
	v7 =	vld.idx.msk [tilespmem:v14+s4+$0x0], $0xffff;
	v39 =	vshll.u32 v1, $0x7;
	v0 =	vor.u32 s25, v0  }
0x102: {  	v15 =	vor.u32 v35, v15;
	v49 =	vmov v40;
	[tilespmem:v3+s14+$0x0] =	vst.idx.msk $0xffff, v8;
	v40 =	vor.u32 v44, v39  }
0x103: {  	v16 =	vor.u32 s26, v37;
	[tilespmem:v11+s14+$0x0] =	vst.idx.msk $0xffff, v13;
	v1 =	vld.idx.msk [tilespmem:v12+s4+$0x0], $0xffff;
	v34 =	vor.u32 v36, v40  }
0x104: {  	v45 =	vmovc v30;
	s29 =	sor.u32 $0x1, s11;
	v30 =	vmov v23;
	v14 =	vor.u32 v35, v18;
	v18 =	vor.u32 s2, v59;
	v10 =	vld.idx.msk [tilespmem:v10+s4+$0x0], $0xffff;
	[tilespmem:$0x1FD60] =	vst v34  }
0x105: {  	s28 =	sshll.u32 s29, $0x4;
	v20 =	vor.u32 s3, v23;
	v23 =	vor.u32 v25, v48;
	v61 =	vor.u32 v29, v39;
	[tilespmem:v9+s14+$0x0] =	vst.idx.msk $0xffff, v2  }
0x106: {  	v38 =	vor.u32 s28, v31;
	v12 =	vor.u32 v63, v39;
	[tilespmem:v0+s14+$0x0] =	vst.idx.msk $0xffff, v7;
	v0 =	vor.u32 v36, v61  }
0x107: {  	v13 =	vor.u32 v36, v12;
	v9 =	vor.u32 v38, v12;
	v12 =	vld.idx.msk [tilespmem:v15+s4+$0x0], $0xffff;
	[tilespmem:$0x1FD90] =	vst v0  }
0x108: {  	v5 =	vor.u32 v47, v23;
	[tilespmem:v16+s14+$0x0] =	vst.idx.msk $0xffff, v1  }
0x109: {  	[tilespmem:v18+s14+$0x0] =	vst.idx.msk $0xffff, v10  }
0x10a: {  	v15 =	vor.u32 v38, v61;
	v0 =	vor.u32 v49, v39;
	v61 =	vld [tilespmem:$0x1FE30]  }
0x10b: {  	v3 =	vor.u32 s25, v62;
	v6 =	vld.idx.msk [tilespmem:v6+s4+$0x0], $0xffff;
	v2 =	vor.u32 v36, v0  }
0x10c: {  	v1 =	vor.u32 v57, v39;
	v0 =	vor.u32 v38, v0;
	v4 =	vld.idx.msk [tilespmem:v4+s4+$0x0], $0xffff;
	[tilespmem:$0x1FDB0] =	vst v2  }
0x10d: {  	s11 =	sshll.u32 s11, $0xA;
	v22 =	vor.u32 s26, v22;
	v5 =	vld.idx.msk [tilespmem:v5+s4+$0x0], $0xffff;
	[tilespmem:$0x1FD80] =	vst v0;
	v0 =	vor.u32 v36, v1  }
0x10e: {  	v43 =	vor.u32 s2, v51;
	s28 =	sor.u32 s1, s11;
	v2 =	vld [tilespmem:$0x1FE40];
	[tilespmem:$0x1FDE0] =	vst v0  }
0x10f: {  	v55 =	vmovc v24;
	s7 =	sshll.u32 s29, $0xA;
	v8 =	vor.u32 v42, v39;
	v10 =	vor.u32 s28, v58;
	v13 =	vld.idx.msk [tilespmem:v13+s4+$0x0], $0xffff;
	v18 =	vor.u32 v61, v48  }
0x110: {  	s29 =	sor.u32 s1, s7;
	v7 =	vor.u32 v38, v40;
	[tilespmem:v3+s14+$0x0] =	vst.idx.msk $0xffff, v12;
	v3 =	vld.idx.msk [tilespmem:v9+s4+$0x0], $0xffff;
	v40 =	vor.u32 v47, v18  }
0x111: {  	v50 =	vmov v42;
	v42 =	vor.u32 s29, v58;
	v44 =	vor.u32 v45, v33;
	[tilespmem:v20+s14+$0x0] =	vst.idx.msk $0xffff, v6;
	v6 =	vld.idx.msk [tilespmem:v14+s4+$0x0], $0xffff  }
0x112: {  	v11 =	vor.u32 v27, v39;
	v61 =	vor.u32 s25, v55;
	v17 =	vld.idx.msk [tilespmem:v17+s4+$0x0], $0xffff;
	[tilespmem:v22+s14+$0x0] =	vst.idx.msk $0xffff, v4  }
0x113: {  	v24 =	vor.u32 v38, v8;
	v20 =	vor.u32 s3, v59;
	[tilespmem:v43+s14+$0x0] =	vst.idx.msk $0xffff, v5;
	v5 =	vld.idx.msk [tilespmem:v19+s4+$0x0], $0xffff  }
0x114: {  	v0 =	vor.u32 v38, v11;
	v12 =	vor.u32 v35, v44;
	v14 =	vor.u32 s26, v62;
	v34 =	vld [tilespmem:$0x1FE20];
	[tilespmem:v10+s14+$0x0] =	vst.idx.msk $0xffff, v13  }
0x115: {  	v4 =	vor.u32 v36, v8;
	v8 =	vor.u32 v46, v23;
	v13 =	vld.idx.msk [tilespmem:v40+s4+$0x0], $0xffff;
	[tilespmem:$0x1FD40] =	vst v0  }
0x116: {  	v10 =	vor.u32 s2, v54;
	[tilespmem:v42+s14+$0x0] =	vst.idx.msk $0xffff, v3  }
0x117: {  	[tilespmem:v61+s14+$0x0] =	vst.idx.msk $0xffff, v6  }
0x118: {  	[tilespmem:v20+s14+$0x0] =	vst.idx.msk $0xffff, v17;
	v24 =	vld.idx.msk [tilespmem:v24+s4+$0x0], $0xffff  }
0x119: {  	v0 =	vor.u32 v36, v11;
	[tilespmem:v14+s14+$0x0] =	vst.idx.msk $0xffff, v5;
	v12 =	vld.idx.msk [tilespmem:v12+s4+$0x0], $0xffff  }
0x11a: {  	v8 =	vld.idx.msk [tilespmem:v8+s4+$0x0], $0xffff;
	[tilespmem:$0x1FD50] =	vst v0  }
0x11b: {  	v19 =	vor.u32 v34, v48;
	[tilespmem:v10+s14+$0x0] =	vst.idx.msk $0xffff, v13  }
0x11c: {  	v23 =	vor.u32 v26, v33;
	v22 =	vor.u32 v47, v19;
	v26 =	vld [tilespmem:$0x1FFC0]  }
0x11d: {  	v3 =	vor.u32 s29, v52  }
0x11e: {  	v43 =	vor.u32 s25, v60  }
0x11f: {  	v6 =	vor.u32 v28, v23;
	v23 =	vor.u32 v35, v23;
	v20 =	vor.u32 s3, v51  }
0x120: {  	v18 =	vor.u32 v46, v18;
	v17 =	vor.u32 s26, v55;
	v10 =	vld.idx.msk [tilespmem:v21+s4+$0x0], $0xffff  }
0x121: {  	v22 =	vld.idx.msk [tilespmem:v22+s4+$0x0], $0xffff;
	v21 =	vor.u32 s2, v26  }
0x122: {  	v9 =	vor.u32 v28, v44;
	v4 =	vld.idx.msk [tilespmem:v4+s4+$0x0], $0xffff;
	[tilespmem:v3+s14+$0x0] =	vst.idx.msk $0xffff, v24  }
0x123: {  	[tilespmem:v43+s14+$0x0] =	vst.idx.msk $0xffff, v12;
	v7 =	vld.idx.msk [tilespmem:v7+s4+$0x0], $0xffff  }
0x124: {  	v14 =	vor.u32 s29, v37;
	[tilespmem:v20+s14+$0x0] =	vst.idx.msk $0xffff, v8;
	v20 =	vld.idx.msk [tilespmem:v23+s4+$0x0], $0xffff  }
0x125: {  	v45 =	vor.u32 v32, v48;
	v16 =	vmov v51;
	v51 =	vor.u32 s25, v30;
	v18 =	vld.idx.msk [tilespmem:v18+s4+$0x0], $0xffff;
	[tilespmem:v17+s14+$0x0] =	vst.idx.msk $0xffff, v10  }
0x126: {  	v5 =	vor.u32 s28, v52;
	v0 =	vor.u32 v46, v45;
	v3 =	vld [tilespmem:$0x1FE80];
	[tilespmem:v21+s14+$0x0] =	vst.idx.msk $0xffff, v22  }
0x127: {  	v8 =	vor.u32 v47, v45;
	v9 =	vld.idx.msk [tilespmem:v9+s4+$0x0], $0xffff;
	[tilespmem:$0x1FDF0] =	vst v0  }
0x128: {  	[tilespmem:$0x1FDD0] =	vst v8  }
0x129: {  	[tilespmem:v14+s14+$0x0] =	vst.idx.msk $0xffff, v7  }
0x12a: {  	[tilespmem:v51+s14+$0x0] =	vst.idx.msk $0xffff, v20  }
0x12b: {  	[tilespmem:v5+s14+$0x0] =	vst.idx.msk $0xffff, v4  }
0x12c: {  	v40 =	vor.u32 v38, v1;
	v1 =	vld [tilespmem:$0x1FD60];
	_ =	sdelay $0x1  }
0x12d: {  	v11 =	vor.u32 s26, v60  }
0x12e: {  	v42 =	vmov v54;
	v54 =	vor.u32 s3, v54;
	_ =	sdelay $0x1  }
0x12f: {  	s12 =	simm.s32 $0xC;
	v44 =	vor.u32 v53, v48  }
0x130: {  	s11 =	sand.u32 $0x30, s12;
	v56 =	vor.u32 v56, v33;
	v53 =	vor.u32 v47, v44  }
0x131: {  	v61 =	vor.u32 v28, v56;
	v12 =	vor.u32 v35, v56;
	v56 =	vmov s11;
	v14 =	vld.idx.msk [tilespmem:v15+s4+$0x0], $0xffff;
	[tilespmem:v11+s14+$0x0] =	vst.idx.msk $0xffff, v9  }
0x132: {  	v24 =	vor.u32 v46, v44;
	v44 =	vshll.u32 v56, $0x7;
	[tilespmem:v54+s14+$0x0] =	vst.idx.msk $0xffff, v18;
	v56 =	vld.idx.msk [tilespmem:v1+s4+$0x0], $0xffff  }
0x133: {  	v19 =	vor.u32 v46, v19;
	v3 =	vor.u32 s29, v3;
	v1 =	vld [tilespmem:$0x1FEB0]  }
0x134: {  	s1 =	simm.s32 $0x6  }
0x135: {  	s30 =	sand.u32 $0x6, s1;
	v8 =	vld.idx.msk [tilespmem:v53+s4+$0x0], $0xffff  }
0x136: {  	s31 =	sshll.u32 s30, $0x4;
	v12 =	vld.idx.msk [tilespmem:v12+s4+$0x0], $0xffff  }
0x137: {  	v43 =	vor.u32 s31, v31;
	v54 =	vor.u32 v29, v44;
	v6 =	vld.idx.msk [tilespmem:v6+s4+$0x0], $0xffff  }
0x138: {  	v19 =	vld.idx.msk [tilespmem:v19+s4+$0x0], $0xffff;
	[tilespmem:v3+s14+$0x0] =	vst.idx.msk $0xffff, v14;
	v11 =	vor.u32 v1, v44;
	v1 =	vor.u32 v43, v54  }
0x139: {  	v53 =	vor.u32 s25, v59;
	[tilespmem:$0x1FD70] =	vst v1;
	v1 =	vld [tilespmem:$0x1FD80]  }
0x13a: {  	v13 =	vor.u32 s28, v37;
	_ =	sdelay $0x1  }
0x13b: {  	v23 =	vor.u32 s26, v30;
	_ =	sdelay $0x1  }
0x13c: {  	[tilespmem:v53+s14+$0x0] =	vst.idx.msk $0xffff, v12  }
0x13d: {  	[tilespmem:v13+s14+$0x0] =	vst.idx.msk $0xffff, v56  }
0x13e: {  	v3 =	vld [tilespmem:$0x1FE80]  }
0x13f: {  	[tilespmem:v23+s14+$0x0] =	vst.idx.msk $0xffff, v6;
	v14 =	vld.idx.msk [tilespmem:v1+s4+$0x0], $0xffff  }
0x140: {  	v5 =	vor.u32 s3, v26;
	v1 =	vld [tilespmem:$0x1FE30]  }
0x141: {  	v21 =	vor.u32 s2, v2;
	_ =	sdelay $0x1  }
0x142: {  	v17 =	vor.u32 v25, v33  }
0x143: {  	v22 =	vor.u32 v35, v17  }
0x144: {  	v6 =	vor.u32 v1, v33;
	v1 =	vld [tilespmem:$0x1FD90];
	[tilespmem:v5+s14+$0x0] =	vst.idx.msk $0xffff, v19  }
0x145: {  	v7 =	vor.u32 s29, v62;
	[tilespmem:v21+s14+$0x0] =	vst.idx.msk $0xffff, v8  }
0x146: {  	v13 =	vor.u32 s28, v3;
	v3 =	vld [tilespmem:$0x1FF90];
	_ =	sdelay $0x1  }
0x147: {  	v4 =	vor.u32 v63, v44;
	v63 =	vor.u32 s25, v16;
	v12 =	vld.idx.msk [tilespmem:v22+s4+$0x0], $0xffff;
	_ =	sdelay $0x1  }
0x148: {  	v9 =	vor.u32 v43, v4;
	[tilespmem:v7+s14+$0x0] =	vst.idx.msk $0xffff, v14  }
0x149: {  	v21 =	vor.u32 v3, v39;
	v3 =	vld [tilespmem:$0x1FDA0]  }
0x14a: {  	s12 =	sor.u32 $0x1, s30  }
0x14b: {  	s30 =	sshll.u32 s30, $0xA;
	s31 =	sshll.u32 s12, $0x4;
	v15 =	vor.u32 v50, v44;
	v50 =	vmov v59;
	[tilespmem:v63+s14+$0x0] =	vst.idx.msk $0xffff, v12  }
0x14c: {  	v45 =	vor.u32 s31, v31;
	s31 =	sor.u32 s11, s30;
	v23 =	vor.u32 s26, v50;
	v50 =	vld [tilespmem:$0x1FED0]  }
0x14d: {  	v9 =	vld.idx.msk [tilespmem:v9+s4+$0x0], $0xffff;
	v22 =	vor.u32 s31, v58  }
0x14e: {  	v30 =	vmov v2;
	v2 =	vld.idx.msk [tilespmem:v1+s4+$0x0], $0xffff  }
0x14f: {  	v1 =	vld.idx.msk [tilespmem:v61+s4+$0x0], $0xffff  }
0x150: {  	v8 =	vld.idx.msk [tilespmem:v24+s4+$0x0], $0xffff;
	v14 =	vor.u32 v28, v17;
	v17 =	vor.u32 s3, v30  }
0x151: {  	v4 =	vor.u32 v45, v4;
	v61 =	vor.u32 s2, v50;
	v24 =	vld.idx.msk [tilespmem:v3+s4+$0x0], $0xffff  }
0x152: {  	[tilespmem:v22+s14+$0x0] =	vst.idx.msk $0xffff, v9  }
0x153: {  	v10 =	vor.u32 v43, v11;
	[tilespmem:v13+s14+$0x0] =	vst.idx.msk $0xffff, v2  }
0x154: {  	v51 =	vor.u32 v45, v11;
	v11 =	vor.u32 v49, v44;
	v3 =	vld [tilespmem:$0x1FF60];
	[tilespmem:v23+s14+$0x0] =	vst.idx.msk $0xffff, v1  }
0x155: {  	s12 =	sshll.u32 s12, $0xA;
	v0 =	vmov v52;
	v52 =	vor.u32 v43, v11;
	v1 =	vld [tilespmem:$0x1FDB0];
	[tilespmem:v17+s14+$0x0] =	vst.idx.msk $0xffff, v8  }
0x156: {  	s30 =	sor.u32 s11, s12;
	v59 =	vor.u32 v36, v21;
	v12 =	vor.u32 v38, v21;
	v21 =	vld.idx.msk [tilespmem:v4+s4+$0x0], $0xffff;
	[tilespmem:v61+s14+$0x0] =	vst.idx.msk $0xffff, v24  }
0x157: {  	v53 =	vor.u32 v45, v11;
	v19 =	vor.u32 s30, v58;
	v5 =	vor.u32 v35, v6;
	v11 =	vld [tilespmem:$0x1FDC0];
	_ =	sdelay $0x3  }
0x158: {  	v7 =	vor.u32 s29, v55;
	v9 =	vld.idx.msk [tilespmem:v40+s4+$0x0], $0xffff  }
0x159: {  	v2 =	vld.idx.msk [tilespmem:v5+s4+$0x0], $0xffff;
	v13 =	vor.u32 v3, v39;
	v3 =	vor.u32 s25, v42;
	[tilespmem:v19+s14+$0x0] =	vst.idx.msk $0xffff, v21  }
0x15a: {  	v5 =	vor.u32 s28, v62;
	v62 =	vor.u32 s31, v0;
	v19 =	vor.u32 s30, v0;
	v0 =	vld [tilespmem:$0x1FE00]  }
0x15b: {  	v1 =	vld.idx.msk [tilespmem:v1+s4+$0x0], $0xffff  }
0x15c: {  	v58 =	vor.u32 v36, v13;
	v23 =	vor.u32 v38, v13;
	v13 =	vor.u32 s26, v16;
	v16 =	vld.idx.msk [tilespmem:v11+s4+$0x0], $0xffff  }
0x15d: {  	v18 =	vor.u32 v45, v15;
	v11 =	vld [tilespmem:$0x1FDD0];
	[tilespmem:v7+s14+$0x0] =	vst.idx.msk $0xffff, v9  }
0x15e: {  	v4 =	vor.u32 v43, v15;
	v15 =	vor.u32 v34, v33;
	v34 =	vld [tilespmem:$0x1FEE0];
	[tilespmem:v3+s14+$0x0] =	vst.idx.msk $0xffff, v2  }
0x15f: {  	v21 =	vor.u32 v0, v48;
	v0 =	vld [tilespmem:$0x1FE10];
	_ =	sdelay $0x3  }
0x160: {  	v14 =	vld.idx.msk [tilespmem:v14+s4+$0x0], $0xffff;
	[tilespmem:v5+s14+$0x0] =	vst.idx.msk $0xffff, v1  }
0x161: {  	v24 =	vor.u32 v0, v33;
	v0 =	vld [tilespmem:$0x1FF50]  }
0x162: {  	v40 =	vor.u32 s28, v55  }
0x163: {  	v55 =	vor.u32 v28, v15;
	v8 =	vor.u32 v35, v15;
	v15 =	vor.u32 s3, v50  }
0x164: {  	v7 =	vor.u32 s2, v34;
	v17 =	vld.idx.msk [tilespmem:v11+s4+$0x0], $0xffff  }
0x165: {  	v18 =	vld.idx.msk [tilespmem:v18+s4+$0x0], $0xffff;
	[tilespmem:v13+s14+$0x0] =	vst.idx.msk $0xffff, v14  }
0x166: {  	v9 =	vor.u32 v47, v21;
	v1 =	vor.u32 v0, v39;
	v0 =	vld [tilespmem:$0x1FDE0]  }
0x167: {  	v22 =	vld.idx.msk [tilespmem:v12+s4+$0x0], $0xffff;
	v11 =	vor.u32 s29, v60  }
0x168: {  	v50 =	vld.idx.msk [tilespmem:v8+s4+$0x0], $0xffff;
	[tilespmem:v15+s14+$0x0] =	vst.idx.msk $0xffff, v16  }
0x169: {  	v5 =	vld [tilespmem:$0x1FF00];
	[tilespmem:v7+s14+$0x0] =	vst.idx.msk $0xffff, v17  }
0x16a: {  	v61 =	vor.u32 v36, v1;
	v13 =	vor.u32 v38, v1;
	v1 =	vld [tilespmem:$0x1FDF0]  }
0x16b: {  	v57 =	vor.u32 v57, v44;
	[tilespmem:v19+s14+$0x0] =	vst.idx.msk $0xffff, v18;
	v17 =	vld.idx.msk [tilespmem:v9+s4+$0x0], $0xffff  }
0x16c: {  	v20 =	vor.u32 v27, v44;
	v6 =	vor.u32 v28, v6;
	v3 =	vor.u32 s25, v26;
	v7 =	vld [tilespmem:$0x1FE80];
	[tilespmem:v11+s14+$0x0] =	vst.idx.msk $0xffff, v22  }
0x16d: {  	v54 =	vor.u32 v45, v54;
	v49 =	vor.u32 v45, v20;
	v15 =	vor.u32 v35, v24;
	v9 =	vld [tilespmem:$0x1FE50]  }
0x16e: {  	v56 =	vor.u32 v43, v57;
	v63 =	vor.u32 s28, v60;
	v48 =	vor.u32 v43, v20;
	v26 =	vld.idx.msk [tilespmem:v0+s4+$0x0], $0xffff  }
0x16f: {  	v20 =	vor.u32 s30, v37;
	v2 =	vor.u32 s31, v37;
	v47 =	vor.u32 v28, v24;
	v24 =	vld.idx.msk [tilespmem:v51+s4+$0x0], $0xffff  }
0x170: {  	v8 =	vor.u32 v46, v21;
	v14 =	vor.u32 s3, v34;
	v60 =	vor.u32 s25, v30;
	v23 =	vld.idx.msk [tilespmem:v23+s4+$0x0], $0xffff  }
0x171: {  	v11 =	vor.u32 v25, v39;
	[tilespmem:v3+s14+$0x0] =	vst.idx.msk $0xffff, v50;
	v12 =	vor.u32 s29, v5;
	v0 =	vld.idx.msk [tilespmem:v6+s4+$0x0], $0xffff;
	v6 =	vor.u32 s31, v7  }
0x172: {  	v50 =	vmovc v33;
	v46 =	vld.idx.msk [tilespmem:v15+s4+$0x0], $0xffff;
	v22 =	vor.u32 s30, v7;
	v19 =	vor.u32 s2, v9;
	v9 =	vor.u32 s3, v9  }
0x173: {  	v7 =	vor.u32 v32, v33;
	s2 =	simm.s32 $0x10;
	v16 =	vld.idx.msk [tilespmem:v1+s4+$0x0], $0xffff;
	v1 =	vor.u32 s28, v5;
	v5 =	vor.u32 s26, v42;
	[tilespmem:v40+s14+$0x0] =	vst.idx.msk $0xffff, v26  }
.LBB2_4:
0x174: {  	v3 =	vor.u32 v28, v7  }
0x175: {  	[tilespmem:$0x1FD10] =	vst v3;
	v3 =	vld [tilespmem:$0x1FD40];
	_ =	sdelay $0x2  }
0x176: {  	v4 =	vld.idx.msk [tilespmem:v4+s4+$0x0], $0xffff  }
0x177: {  	v32 =	vld [tilespmem:$0x1FFF0]  }
0x178: {  	v18 =	vor.u32 v35, v7;
	v15 =	vld [tilespmem:$0x1FF40];
	v7 =	vmov v3  }
0x179: {  	v3 =	vmov v49;
	[tilespmem:$0x1FD20] =	vst v7;
	v7 =	vld [tilespmem:$0x1FD30]  }
0x17a: {  	[tilespmem:$0x1FD40] =	vst v3;
	v3 =	vld [tilespmem:$0x1FD50]  }
0x17b: {  	v42 =	vmov v35;
	v35 =	vld [tilespmem:$0x1FFA0];
	[tilespmem:v19+s14+$0x0] =	vst.idx.msk $0xffff, v17  }
0x17c: {  	v33 =	vld [tilespmem:$0x1FE30];
	[tilespmem:v20+s14+$0x0] =	vst.idx.msk $0xffff, v24  }
0x17d: {  	v24 =	vld.idx.msk [tilespmem:v54+s4+$0x0], $0xffff;
	[tilespmem:v12+s14+$0x0] =	vst.idx.msk $0xffff, v23  }
0x17e: {  	v13 =	vld.idx.msk [tilespmem:v13+s4+$0x0], $0xffff  }
0x17f: {  	s11 =	sand.u32 $0x30, s2;
	v49 =	vld.idx.msk [tilespmem:v59+s4+$0x0], $0xffff;
	[tilespmem:v14+s14+$0x0] =	vst.idx.msk $0xffff, v16;
	v21 =	vmov v7;
	v7 =	vmov v3  }
0x180: {  	v59 =	vor.u32 s29, v32;
	v8 =	vld.idx.msk [tilespmem:v8+s4+$0x0], $0xffff;
	[tilespmem:$0x1FD30] =	vst v7;
	v7 =	vmov s11  }
0x181: {  	v25 =	vor.u32 v38, v11;
	v14 =	vshll.u32 v7, $0x7;
	v7 =	vld [tilespmem:$0x1FEF0]  }
0x182: {  	[tilespmem:v5+s14+$0x0] =	vst.idx.msk $0xffff, v0;
	v17 =	vor.u32 v15, v14;
	v15 =	vld [tilespmem:$0x1FEA0]  }
0x183: {  	v0 =	vld [tilespmem:$0x1FEB0];
	[tilespmem:v62+s14+$0x0] =	vst.idx.msk $0xffff, v4  }
0x184: {  	s1 =	sadd.s32 $0x2, s1;
	v4 =	vld.idx.msk [tilespmem:v10+s4+$0x0], $0xffff;
	[tilespmem:v22+s14+$0x0] =	vst.idx.msk $0xffff, v24  }
0x185: {  	s3 =	smov.u32 s31;
	s12 =	sand.u32 $0x6, s1;
	v24 =	vld.idx.msk [tilespmem:v53+s4+$0x0], $0xffff;
	[tilespmem:v59+s14+$0x0] =	vst.idx.msk $0xffff, v13  }
0x186: {  	s31 =	sshll.u32 s12, $0x4;
	v25 =	vld.idx.msk [tilespmem:v25+s4+$0x0], $0xffff;
	v16 =	vor.u32 s3, v7  }
0x187: {  	s7 =	sshll.u32 s12, $0xA;
	s12 =	sor.u32 $0x1, s12;
	[tilespmem:v60+s14+$0x0] =	vst.idx.msk $0xffff, v46;
	v46 =	vld [tilespmem:$0x1FFD0];
	v26 =	vor.u32 s30, v7;
	v7 =	vor.u32 s31, v31;
	v20 =	vor.u32 v15, v14  }
0x188: {  	v60 =	vld [tilespmem:$0x1FED0];
	v0 =	vor.u32 v0, v14;
	s31 =	sor.u32 s11, s7;
	s7 =	sshll.u32 s12, $0x4;
	v23 =	vor.u32 v7, v20  }
0x189: {  	[tilespmem:v63+s14+$0x0] =	vst.idx.msk $0xffff, v49;
	v5 =	vor.u32 v29, v14;
	v15 =	vor.u32 s7, v31;
	v51 =	vor.u32 v7, v0;
	v31 =	vld [tilespmem:$0x1FFE0]  }
0x18a: {  	v19 =	vor.u32 v15, v0;
	v0 =	vor.u32 v7, v5;
	v54 =	vor.u32 v15, v5;
	v5 =	vld.idx.msk [tilespmem:v58+s4+$0x0], $0xffff  }
0x18b: {  	[tilespmem:v9+s14+$0x0] =	vst.idx.msk $0xffff, v8;
	v8 =	vld [tilespmem:$0x1FF30]  }
0x18c: {  	v49 =	vld.idx.msk [tilespmem:v55+s4+$0x0], $0xffff  }
0x18d: {  	v23 =	vld.idx.msk [tilespmem:v23+s4+$0x0], $0xffff  }
0x18e: {  	v34 =	vmovc v29;
	v3 =	vmov v48;
	v29 =	vor.u32 s29, v35;
	v20 =	vor.u32 v15, v20;
	[tilespmem:v2+s14+$0x0] =	vst.idx.msk $0xffff, v4;
	v2 =	vld [tilespmem:$0x1FD70]  }
0x18f: {  	v48 =	vor.u32 v45, v57;
	[tilespmem:$0x1FD50] =	vst v3;
	v3 =	vld [tilespmem:$0x1FFC0];
	s12 =	sshll.u32 s12, $0xA  }
0x190: {  	s11 =	sor.u32 s11, s12;
	v9 =	vld [tilespmem:$0x1FEC0]  }
0x191: {  	[tilespmem:v26+s14+$0x0] =	vst.idx.msk $0xffff, v24;
	v55 =	vor.u32 s31, v31;
	v22 =	vor.u32 s11, v31;
	v31 =	vld [tilespmem:$0x1FF10]  }
0x192: {  	v24 =	vld.idx.msk [tilespmem:v41+s4+$0x0], $0xffff  }
0x193: {  	v8 =	vor.u32 v8, v14;
	v20 =	vld.idx.msk [tilespmem:v20+s4+$0x0], $0xffff;
	[tilespmem:v29+s14+$0x0] =	vst.idx.msk $0xffff, v25  }
0x194: {  	v12 =	vor.u32 s26, v3;
	v30 =	vor.u32 v7, v8;
	v8 =	vor.u32 v15, v8;
	v29 =	vld.idx.msk [tilespmem:v48+s4+$0x0], $0xffff  }
0x195: {  	v53 =	vmov v8;
	v8 =	vld [tilespmem:$0x1FF90]  }
0x196: {  	v33 =	vor.u32 v33, v39;
	v2 =	vld.idx.msk [tilespmem:v2+s4+$0x0], $0xffff  }
0x197: {  	[tilespmem:v1+s14+$0x0] =	vst.idx.msk $0xffff, v5;
	v1 =	vor.u32 s28, v32;
	v5 =	vor.u32 v38, v33;
	v32 =	vor.u32 v36, v33;
	v33 =	vld [tilespmem:$0x1FFB0]  }
0x198: {  	v4 =	vmov v0;
	v0 =	vld.idx.msk [tilespmem:v61+s4+$0x0], $0xffff  }
0x199: {  	[tilespmem:v12+s14+$0x0] =	vst.idx.msk $0xffff, v49;
	v49 =	vld [tilespmem:$0x1FE40]  }
0x19a: {  	v61 =	vld [tilespmem:$0x1FF20]  }
0x19b: {  	v25 =	vor.u32 s25, v60;
	v12 =	vld.idx.msk [tilespmem:v47+s4+$0x0], $0xffff  }
0x19c: {  	v47 =	vld [tilespmem:$0x1FE20]  }
0x19d: {  	v11 =	vor.u32 v36, v11;
	[tilespmem:v55+s14+$0x0] =	vst.idx.msk $0xffff, v23;
	v23 =	vld [tilespmem:$0x1FF60]  }
0x19e: {  	v40 =	vmov v28;
	[tilespmem:$0x1FD70] =	vst v4;
	v5 =	vld.idx.msk [tilespmem:v5+s4+$0x0], $0xffff  }
0x19f: {  	v28 =	vor.u32 v15, v17;
	v13 =	vor.u32 s30, v31;
	v8 =	vor.u32 v8, v44;
	[tilespmem:v6+s14+$0x0] =	vst.idx.msk $0xffff, v2;
	v2 =	vld [tilespmem:$0x1FE00]  }
0x1a0: {  	v59 =	vor.u32 v43, v8;
	v8 =	vor.u32 v45, v8;
	[tilespmem:v25+s14+$0x0] =	vst.idx.msk $0xffff, v24;
	v6 =	vld.idx.msk [tilespmem:v52+s4+$0x0], $0xffff  }
0x1a1: {  	v4 =	vor.u32 v7, v17;
	v17 =	vor.u32 s26, v49;
	[tilespmem:v1+s14+$0x0] =	vst.idx.msk $0xffff, v0;
	v52 =	vmovc v30;
	v30 =	vor.u32 s29, v3;
	v3 =	vld [tilespmem:$0x1FD10]  }
0x1a2: {  	[tilespmem:v22+s14+$0x0] =	vst.idx.msk $0xffff, v20;
	v1 =	vld.idx.msk [tilespmem:v11+s4+$0x0], $0xffff  }
0x1a3: {  	v18 =	vld.idx.msk [tilespmem:v18+s4+$0x0], $0xffff  }
0x1a4: {  	v41 =	vor.u32 v47, v39;
	v47 =	vor.u32 s29, v33;
	v25 =	vld.idx.msk [tilespmem:v28+s4+$0x0], $0xffff;
	[tilespmem:v13+s14+$0x0] =	vst.idx.msk $0xffff, v29  }
0x1a5: {  	v0 =	vor.u32 v38, v41;
	v29 =	vld.idx.msk [tilespmem:v8+s4+$0x0], $0xffff  }
0x1a6: {  	[tilespmem:v17+s14+$0x0] =	vst.idx.msk $0xffff, v12;
	v12 =	vld [tilespmem:$0x1FE90]  }
0x1a7: {  	v17 =	vld.idx.msk [tilespmem:v21+s4+$0x0], $0xffff  }
0x1a8: {  	v11 =	vor.u32 s28, v35;
	v21 =	vor.u32 v2, v50;
	v50 =	vld [tilespmem:$0x1FEE0]  }
0x1a9: {  	v22 =	vor.u32 s26, v60;
	v8 =	vld [tilespmem:$0x1FF00];
	[tilespmem:v47+s14+$0x0] =	vst.idx.msk $0xffff, v5  }
0x1aa: {  	v55 =	vor.u32 v36, v41;
	v2 =	vmov v39;
	v41 =	vld.idx.msk [tilespmem:v0+s4+$0x0], $0xffff  }
0x1ab: {  	v57 =	vor.u32 v9, v14;
	[tilespmem:v16+s14+$0x0] =	vst.idx.msk $0xffff, v6;
	v39 =	vmovc v2;
	v2 =	vor.u32 s31, v12;
	v20 =	vor.u32 s11, v12;
	v12 =	vld [tilespmem:$0x1FE10]  }
0x1ac: {  	v9 =	vor.u32 v7, v57;
	v60 =	vld.idx.msk [tilespmem:v56+s4+$0x0], $0xffff  }
0x1ad: {  	[tilespmem:v11+s14+$0x0] =	vst.idx.msk $0xffff, v1;
	v56 =	vmov v9;
	v9 =	vld [tilespmem:$0x1FD20];
	v28 =	vor.u32 s25, v50  }
0x1ae: {  	v37 =	vmov v27;
	v27 =	vor.u32 v27, v14;
	v26 =	vor.u32 s11, v46;
	v0 =	vld.idx.msk [tilespmem:v32+s4+$0x0], $0xffff;
	[tilespmem:v22+s14+$0x0] =	vst.idx.msk $0xffff, v17  }
0x1af: {  	v10 =	vor.u32 v15, v27;
	v24 =	vor.u32 v42, v21;
	v16 =	vld.idx.msk [tilespmem:v3+s4+$0x0], $0xffff  }
0x1b0: {  	v48 =	vor.u32 v7, v27;
	v31 =	vor.u32 s3, v31;
	v27 =	vor.u32 v12, v39;
	v12 =	vld [tilespmem:$0x1FF50]  }
0x1b1: {  	v62 =	vor.u32 s31, v46;
	v46 =	vor.u32 s30, v61;
	v23 =	vor.u32 v23, v44;
	v3 =	vld [tilespmem:$0x1FE50]  }
0x1b2: {  	v58 =	vor.u32 v43, v23;
	v23 =	vor.u32 v45, v23;
	v32 =	vld [tilespmem:$0x1FE60];
	[tilespmem:v28+s14+$0x0] =	vst.idx.msk $0xffff, v18  }
0x1b3: {  	v63 =	vor.u32 s3, v61;
	v35 =	vmov v38;
	v5 =	vor.u32 s28, v33;
	[tilespmem:v26+s14+$0x0] =	vst.idx.msk $0xffff, v25;
	v25 =	vld [tilespmem:$0x1FE70]  }
0x1b4: {  	v1 =	vor.u32 s3, v8;
	v11 =	vmovc v44;
	v47 =	vor.u32 v36, v27;
	v27 =	vor.u32 v38, v27;
	v17 =	vld.idx.msk [tilespmem:v24+s4+$0x0], $0xffff  }
0x1b5: {  	p3 =	slt.u32 s1, $0x1E;
	[tilespmem:v31+s14+$0x0] =	vst.idx.msk $0xffff, v60;
	v13 =	vor.u32 v12, v44;
	v12 =	vor.u32 s30, v8;
	v8 =	vor.u32 v40, v21;
	v21 =	vld [tilespmem:$0x1FE80]  }
.Ltmp5:
0x1b6: {  	v28 =	vmovc v36;
	v36 =	vmov v43;
	v38 =	vmov v45;
	v24 =	vld.idx.msk [tilespmem:v19+s4+$0x0], $0xffff;
	[tilespmem:v46+s14+$0x0] =	vst.idx.msk $0xffff, v29;
	v19 =	vor.u32 s25, v3;
	s25 =	smov.u32 s29;
	(pc) =	sbr.rel @p3 .LBB2_4-.Ltmp5, $4  }
0x1b7: {  	v31 =	vlaneseq.u32;
	v29 =	vmovc v34;
	v23 =	vld.idx.msk [tilespmem:v23+s4+$0x0], $0xffff;
	[tilespmem:v30+s14+$0x0] =	vst.idx.msk $0xffff, v41;
	v41 =	vmovc v9;
	v60 =	vor.u32 s25, v49;
	v49 =	vmov v10  }
0x1b8: {  	v10 =	vmovc v51;
	v9 =	vor.u32 s26, v3;
	v44 =	vmovc v14;
	v14 =	vor.u32 s26, v50;
	v61 =	vor.u32 v43, v13  }
0x1b9: {  	s2 =	sadd.s32 $0x4, s2;
	s29 =	smov.u32 s30;
	v50 =	vmovc v39;
	v13 =	vor.u32 v45, v13;
	v43 =	vmovc v7;
	v45 =	vmov v15;
	v7 =	vor.u32 v32, v39  }
0x1ba: {  	s30 =	smov.u32 s11;
	s26 =	smov.u32 s28;
	s28 =	smov.u32 s3;
	v39 =	vmovc v11;
	v46 =	vld.idx.msk [tilespmem:v27+s4+$0x0], $0xffff;
	v27 =	vmovc v37;
	v11 =	vor.u32 v25, v11;
	v6 =	vor.u32 s31, v21;
	v22 =	vor.u32 s11, v21  }
0x1bb: {  	_ =	sdelay $0x3  }
0x1bc: {  	v3 =	vld.idx.msk [tilespmem:v4+s4+$0x0], $0xffff;
	_ =	sdelay $0x4  }
0x1bd: {  	[tilespmem:v62+s14+$0x0] =	vst.idx.msk $0xffff, v3  }
0x1be: {  	v3 =	vld.idx.msk [tilespmem:v10+s4+$0x0], $0xffff  }
0x1bf: {  	[tilespmem:v20+s14+$0x0] =	vst.idx.msk $0xffff, v24  }
0x1c0: {  	v51 =	vld.idx.msk [tilespmem:v54+s4+$0x0], $0xffff;
	_ =	sdelay $0x2  }
0x1c1: {  	[tilespmem:v2+s14+$0x0] =	vst.idx.msk $0xffff, v3  }
0x1c2: {  	v2 =	vld [tilespmem:$0x1FD70]  }
0x1c3: {  	[tilespmem:v22+s14+$0x0] =	vst.idx.msk $0xffff, v51  }
0x1c4: {  	v22 =	vld [tilespmem:$0x1FEF0];
	_ =	sdelay $0x4  }
0x1c5: {  	v4 =	vld.idx.msk [tilespmem:v53+s4+$0x0], $0xffff;
	v54 =	vor.u32 s30, v22  }
0x1c6: {  	v2 =	vld.idx.msk [tilespmem:v2+s4+$0x0], $0xffff;
	_ =	sdelay $0x3  }
0x1c7: {  	v62 =	vor.u32 v45, v57;
	[tilespmem:v54+s14+$0x0] =	vst.idx.msk $0xffff, v4  }
0x1c8: {  	[tilespmem:v6+s14+$0x0] =	vst.idx.msk $0xffff, v2  }
0x1c9: {  	v24 =	vld [tilespmem:$0x1FF10];
	_ =	sdelay $0x2  }
0x1ca: {  	v2 =	vld.idx.msk [tilespmem:v62+s4+$0x0], $0xffff  }
0x1cb: {  	v15 =	vor.u32 s31, v22;
	v18 =	vld.idx.msk [tilespmem:v52+s4+$0x0], $0xffff  }
0x1cc: {  	v34 =	vld [tilespmem:$0x1FF90];
	v40 =	vor.u32 s30, v24;
	_ =	sdelay $0x3  }
0x1cd: {  	[tilespmem:v15+s14+$0x0] =	vst.idx.msk $0xffff, v18  }
0x1ce: {  	v37 =	vor.u32 v34, v44;
	[tilespmem:v40+s14+$0x0] =	vst.idx.msk $0xffff, v2  }
0x1cf: {  	v42 =	vor.u32 v45, v37;
	v53 =	vld [tilespmem:$0x1FF20];
	_ =	sdelay $0x1  }
0x1d0: {  	v57 =	vor.u32 s31, v24;
	v15 =	vld.idx.msk [tilespmem:v56+s4+$0x0], $0xffff  }
0x1d1: {  	v18 =	vld.idx.msk [tilespmem:v59+s4+$0x0], $0xffff  }
0x1d2: {  	v62 =	vld [tilespmem:$0x1FF60]  }
0x1d3: {  	v3 =	vor.u32 v43, v37;
	v6 =	vld.idx.msk [tilespmem:v42+s4+$0x0], $0xffff;
	v37 =	vor.u32 s30, v53;
	_ =	sdelay $0x1  }
0x1d4: {  	[tilespmem:v57+s14+$0x0] =	vst.idx.msk $0xffff, v15  }
0x1d5: {  	[tilespmem:v63+s14+$0x0] =	vst.idx.msk $0xffff, v18  }
0x1d6: {  	[tilespmem:v12+s14+$0x0] =	vst.idx.msk $0xffff, v23  }
0x1d7: {  	v33 =	vor.u32 v62, v44;
	[tilespmem:v37+s14+$0x0] =	vst.idx.msk $0xffff, v6  }
0x1d8: {  	v40 =	vor.u32 v45, v33;
	v23 =	vld [tilespmem:$0x1FF00]  }
0x1d9: {  	v3 =	vld.idx.msk [tilespmem:v3+s4+$0x0], $0xffff  }
0x1da: {  	v56 =	vld [tilespmem:$0x1FF50]  }
0x1db: {  	v42 =	vor.u32 s31, v53;
	v59 =	vld [tilespmem:$0x1FFF0]  }
0x1dc: {  	v18 =	vld.idx.msk [tilespmem:v58+s4+$0x0], $0xffff;
	v2 =	vor.u32 v43, v33  }
0x1dd: {  	v10 =	vld.idx.msk [tilespmem:v40+s4+$0x0], $0xffff;
	v52 =	vor.u32 s30, v23;
	_ =	sdelay $0x2  }
0x1de: {  	v13 =	vld.idx.msk [tilespmem:v13+s4+$0x0], $0xffff;
	[tilespmem:v42+s14+$0x0] =	vst.idx.msk $0xffff, v3;
	v51 =	vor.u32 v56, v44;
	v54 =	vor.u32 s29, v59  }
0x1df: {  	[tilespmem:v1+s14+$0x0] =	vst.idx.msk $0xffff, v18;
	v2 =	vld.idx.msk [tilespmem:v2+s4+$0x0], $0xffff;
	v63 =	vor.u32 s31, v23;
	v57 =	vor.u32 v45, v51  }
0x1e0: {  	[tilespmem:v52+s14+$0x0] =	vst.idx.msk $0xffff, v10  }
0x1e1: {  	v58 =	vor.u32 v38, v11;
	v4 =	vor.u32 v43, v51;
	v51 =	vld [tilespmem:$0x1FFA0]  }
0x1e2: {  	v20 =	vld.idx.msk [tilespmem:v61+s4+$0x0], $0xffff;
	v33 =	vor.u32 s28, v59  }
0x1e3: {  	[tilespmem:v54+s14+$0x0] =	vst.idx.msk $0xffff, v13  }
0x1e4: {  	v3 =	vld.idx.msk [tilespmem:v57+s4+$0x0], $0xffff;
	[tilespmem:v63+s14+$0x0] =	vst.idx.msk $0xffff, v2  }
0x1e5: {  	v52 =	vor.u32 s30, v59;
	v30 =	vld [tilespmem:$0x1FE30]  }
0x1e6: {  	v57 =	vld.idx.msk [tilespmem:v58+s4+$0x0], $0xffff;
	v40 =	vor.u32 s29, v51  }
0x1e7: {  	[tilespmem:v33+s14+$0x0] =	vst.idx.msk $0xffff, v20  }
0x1e8: {  	v37 =	vor.u32 v36, v11;
	[tilespmem:v14+s14+$0x0] =	vst.idx.msk $0xffff, v16  }
0x1e9: {  	[tilespmem:v19+s14+$0x0] =	vst.idx.msk $0xffff, v17  }
0x1ea: {  	v42 =	vor.u32 v25, v44;
	[tilespmem:v52+s14+$0x0] =	vst.idx.msk $0xffff, v3  }
0x1eb: {  	v58 =	vor.u32 v45, v42;
	v4 =	vld.idx.msk [tilespmem:v4+s4+$0x0], $0xffff;
	v54 =	vor.u32 v30, v39;
	[tilespmem:v40+s14+$0x0] =	vst.idx.msk $0xffff, v57  }
0x1ec: {  	v63 =	vor.u32 s31, v59;
	v61 =	vor.u32 v38, v54;
	v1 =	vor.u32 v36, v54;
	v54 =	vld [tilespmem:$0x1FFB0]  }
0x1ed: {  	v11 =	vld.idx.msk [tilespmem:v37+s4+$0x0], $0xffff;
	v16 =	vor.u32 s28, v51;
	_ =	sdelay $0x2  }
0x1ee: {  	v10 =	vor.u32 v43, v42;
	v33 =	vor.u32 s30, v51;
	v40 =	vld.idx.msk [tilespmem:v58+s4+$0x0], $0xffff  }
0x1ef: {  	[tilespmem:v63+s14+$0x0] =	vst.idx.msk $0xffff, v4;
	v52 =	vld.idx.msk [tilespmem:v61+s4+$0x0], $0xffff;
	v42 =	vor.u32 s29, v54  }
0x1f0: {  	[tilespmem:v16+s14+$0x0] =	vst.idx.msk $0xffff, v11  }
0x1f1: {  	v20 =	vld [tilespmem:$0x1FE20]  }
0x1f2: {  	v37 =	vor.u32 v30, v44;
	[tilespmem:v5+s14+$0x0] =	vst.idx.msk $0xffff, v0  }
0x1f3: {  	v57 =	vor.u32 v45, v37;
	v10 =	vld.idx.msk [tilespmem:v10+s4+$0x0], $0xffff;
	[tilespmem:v33+s14+$0x0] =	vst.idx.msk $0xffff, v40  }
0x1f4: {  	v58 =	vor.u32 s31, v51;
	v1 =	vld.idx.msk [tilespmem:v1+s4+$0x0], $0xffff;
	[tilespmem:v42+s14+$0x0] =	vst.idx.msk $0xffff, v52  }
0x1f5: {  	v3 =	vor.u32 v43, v37;
	v63 =	vor.u32 s28, v54;
	v18 =	vld [tilespmem:$0x1FFC0]  }
0x1f6: {  	v61 =	vor.u32 v20, v39  }
0x1f7: {  	v2 =	vld.idx.msk [tilespmem:v8+s4+$0x0], $0xffff;
	v0 =	vor.u32 v38, v61  }
0x1f8: {  	v4 =	vld.idx.msk [tilespmem:v57+s4+$0x0], $0xffff;
	v5 =	vor.u32 v36, v61  }
0x1f9: {  	v37 =	vor.u32 s30, v54;
	v57 =	vld.idx.msk [tilespmem:v55+s4+$0x0], $0xffff;
	v33 =	vor.u32 v20, v44;
	[tilespmem:v58+s14+$0x0] =	vst.idx.msk $0xffff, v10  }
0x1fa: {  	v58 =	vor.u32 v45, v33;
	[tilespmem:v63+s14+$0x0] =	vst.idx.msk $0xffff, v1;
	v61 =	vld.idx.msk [tilespmem:v3+s4+$0x0], $0xffff;
	v52 =	vor.u32 s26, v18  }
0x1fb: {  	v63 =	vor.u32 s31, v54;
	v40 =	vld [tilespmem:$0x1FE10]  }
0x1fc: {  	v0 =	vld.idx.msk [tilespmem:v0+s4+$0x0], $0xffff;
	v17 =	vor.u32 s29, v18  }
0x1fd: {  	v6 =	vor.u32 v43, v33;
	[tilespmem:v9+s14+$0x0] =	vst.idx.msk $0xffff, v2;
	v5 =	vld.idx.msk [tilespmem:v5+s4+$0x0], $0xffff;
	v33 =	vor.u32 s28, v18  }
0x1fe: {  	[tilespmem:v37+s14+$0x0] =	vst.idx.msk $0xffff, v4  }
0x1ff: {  	v10 =	vld.idx.msk [tilespmem:v58+s4+$0x0], $0xffff;
	[tilespmem:v52+s14+$0x0] =	vst.idx.msk $0xffff, v57;
	v52 =	vor.u32 s30, v18  }
0x200: {  	[tilespmem:v63+s14+$0x0] =	vst.idx.msk $0xffff, v61  }
0x201: {  	v13 =	vld [tilespmem:$0x1FE40];
	[tilespmem:v17+s14+$0x0] =	vst.idx.msk $0xffff, v0  }
0x202: {  	v16 =	vor.u32 v40, v39;
	[tilespmem:v33+s14+$0x0] =	vst.idx.msk $0xffff, v5  }
0x203: {  	v19 =	vor.u32 v38, v16;
	[tilespmem:v60+s14+$0x0] =	vst.idx.msk $0xffff, v46  }
0x204: {  	v37 =	vor.u32 v36, v16;
	[tilespmem:v52+s14+$0x0] =	vst.idx.msk $0xffff, v10  }
0x205: {  	v16 =	vld [tilespmem:$0x1FED0]  }
0x206: {  	v58 =	vor.u32 s31, v18;
	v6 =	vld.idx.msk [tilespmem:v6+s4+$0x0], $0xffff  }
0x207: {  	v12 =	vld.idx.msk [tilespmem:v47+s4+$0x0], $0xffff;
	v55 =	vor.u32 s26, v13  }
0x208: {  	v2 =	vld.idx.msk [tilespmem:v19+s4+$0x0], $0xffff;
	v61 =	vor.u32 s29, v13  }
0x209: {  	v4 =	vld.idx.msk [tilespmem:v37+s4+$0x0], $0xffff;
	v63 =	vor.u32 s28, v13  }
0x20a: {  	v14 =	vld.idx.msk [tilespmem:v41+s4+$0x0], $0xffff;
	v15 =	vor.u32 s25, v16  }
0x20b: {  	[tilespmem:v58+s14+$0x0] =	vst.idx.msk $0xffff, v6  }
0x20c: {  	[tilespmem:v55+s14+$0x0] =	vst.idx.msk $0xffff, v12  }
0x20d: {  	v0 =	vld [tilespmem:$0x1FD30];
	[tilespmem:v61+s14+$0x0] =	vst.idx.msk $0xffff, v2  }
0x20e: {  	v42 =	vor.u32 v40, v44;
	[tilespmem:v63+s14+$0x0] =	vst.idx.msk $0xffff, v4  }
0x20f: {  	v57 =	vor.u32 v45, v42;
	v4 =	vld [tilespmem:$0x1FD40];
	[tilespmem:v15+s14+$0x0] =	vst.idx.msk $0xffff, v14  }
0x210: {  	v8 =	vor.u32 v43, v42;
	v9 =	vld [tilespmem:$0x1FD50];
	_ =	sdelay $0x3  }
0x211: {  	v17 =	vld.idx.msk [tilespmem:v57+s4+$0x0], $0xffff;
	v19 =	vor.u32 s30, v13  }
0x212: {  	v40 =	vor.u32 s31, v13;
	v37 =	vld.idx.msk [tilespmem:v8+s4+$0x0], $0xffff  }
0x213: {  	v33 =	vor.u32 s26, v16;
	v0 =	vld.idx.msk [tilespmem:v0+s4+$0x0], $0xffff  }
0x214: {  	v41 =	vor.u32 s29, v16;
	v4 =	vld.idx.msk [tilespmem:v4+s4+$0x0], $0xffff  }
0x215: {  	v42 =	vor.u32 s28, v16;
	v9 =	vld.idx.msk [tilespmem:v9+s4+$0x0], $0xffff  }
0x216: {  	[tilespmem:v19+s14+$0x0] =	vst.idx.msk $0xffff, v17  }
0x217: {  	[tilespmem:v40+s14+$0x0] =	vst.idx.msk $0xffff, v37  }
0x218: {  	[tilespmem:v33+s14+$0x0] =	vst.idx.msk $0xffff, v0  }
0x219: {  	[tilespmem:v41+s14+$0x0] =	vst.idx.msk $0xffff, v4  }
0x21a: {  	[tilespmem:v42+s14+$0x0] =	vst.idx.msk $0xffff, v9  }
0x21b: {  	v30 =	vld [tilespmem:$0x1FE00]  }
0x21c: {  	v47 =	vor.u32 v35, v7;
	v17 =	vld [tilespmem:$0x1FEE0]  }
0x21d: {  	v46 =	vor.u32 v28, v7;
	_ =	sdelay $0x1  }
0x21e: {  	v57 =	vor.u32 s30, v16;
	v55 =	vld.idx.msk [tilespmem:v49+s4+$0x0], $0xffff  }
0x21f: {  	v61 =	vor.u32 s31, v16;
	v5 =	vld.idx.msk [tilespmem:v48+s4+$0x0], $0xffff  }
0x220: {  	v3 =	vld.idx.msk [tilespmem:v47+s4+$0x0], $0xffff;
	v14 =	vor.u32 v30, v50;
	v19 =	vor.u32 s25, v17  }
0x221: {  	v1 =	vld.idx.msk [tilespmem:v46+s4+$0x0], $0xffff;
	v33 =	vor.u32 v35, v14;
	v35 =	vor.u32 s26, v17  }
0x222: {  	v52 =	vor.u32 v32, v39  }
0x223: {  	v0 =	vor.u32 v38, v52;
	[tilespmem:v57+s14+$0x0] =	vst.idx.msk $0xffff, v55  }
0x224: {  	v60 =	vor.u32 v32, v44;
	v58 =	vor.u32 v36, v52;
	[tilespmem:v61+s14+$0x0] =	vst.idx.msk $0xffff, v5  }
0x225: {  	v63 =	vor.u32 v45, v60;
	[tilespmem:v19+s14+$0x0] =	vst.idx.msk $0xffff, v3  }
0x226: {  	v4 =	vor.u32 v43, v60;
	[tilespmem:v35+s14+$0x0] =	vst.idx.msk $0xffff, v1  }
0x227: {  	v49 =	vld [tilespmem:$0x1FE50]  }
0x228: {  	v0 =	vld.idx.msk [tilespmem:v0+s4+$0x0], $0xffff;
	v37 =	vor.u32 v30, v39;
	v39 =	vor.u32 s29, v17;
	v10 =	vor.u32 v28, v14  }
0x229: {  	v2 =	vld.idx.msk [tilespmem:v58+s4+$0x0], $0xffff;
	v41 =	vor.u32 s28, v17;
	v40 =	vor.u32 v38, v37  }
0x22a: {  	v9 =	vld.idx.msk [tilespmem:v63+s4+$0x0], $0xffff;
	v42 =	vor.u32 v30, v44;
	v44 =	vor.u32 s30, v17;
	v12 =	vor.u32 v36, v37  }
0x22b: {  	v4 =	vld.idx.msk [tilespmem:v4+s4+$0x0], $0xffff;
	v46 =	vor.u32 s31, v17;
	v45 =	vor.u32 v45, v42  }
0x22c: {  	v48 =	vor.u32 v43, v42;
	v47 =	vld.idx.msk [tilespmem:v33+s4+$0x0], $0xffff;
	v50 =	vor.u32 s25, v49  }
0x22d: {  	[tilespmem:v39+s14+$0x0] =	vst.idx.msk $0xffff, v0;
	v10 =	vld.idx.msk [tilespmem:v10+s4+$0x0], $0xffff;
	v52 =	vor.u32 s26, v49  }
0x22e: {  	[tilespmem:v41+s14+$0x0] =	vst.idx.msk $0xffff, v2;
	v55 =	vld.idx.msk [tilespmem:v40+s4+$0x0], $0xffff;
	v57 =	vor.u32 s29, v49  }
0x22f: {  	[tilespmem:v44+s14+$0x0] =	vst.idx.msk $0xffff, v9;
	v60 =	vld.idx.msk [tilespmem:v12+s4+$0x0], $0xffff;
	v58 =	vor.u32 s28, v49  }
0x230: {  	[tilespmem:v46+s14+$0x0] =	vst.idx.msk $0xffff, v4;
	v3 =	vld.idx.msk [tilespmem:v45+s4+$0x0], $0xffff;
	v61 =	vor.u32 s30, v49  }
0x231: {  	v6 =	vld.idx.msk [tilespmem:v48+s4+$0x0], $0xffff;
	v63 =	vor.u32 s31, v49;
	[tilespmem:v50+s14+$0x0] =	vst.idx.msk $0xffff, v47  }
0x232: {  	[tilespmem:v52+s14+$0x0] =	vst.idx.msk $0xffff, v10  }
0x233: {  	[tilespmem:v57+s14+$0x0] =	vst.idx.msk $0xffff, v55  }
0x234: {  	[tilespmem:v58+s14+$0x0] =	vst.idx.msk $0xffff, v60  }
0x235: {  	[tilespmem:v61+s14+$0x0] =	vst.idx.msk $0xffff, v3  }
0x236: {  	[tilespmem:v63+s14+$0x0] =	vst.idx.msk $0xffff, v6  }
0x237: {  	v30 =	vmov v34;
	v34 =	vld [tilespmem:$0x1FEC0]  }
0x238: {  	v40 =	vld [tilespmem:$0x1FF30]  }
0x239: {  	v35 =	vld [tilespmem:$0x1FEB0]  }
0x23a: {  	v42 =	vld [tilespmem:$0x1FF40]  }
0x23b: {  	v33 =	vld [tilespmem:$0x1FEA0]  }
0x23c: {  	s1 =	sshll.u32 s24, $0xA;
	v58 =	vld [tilespmem:$0x1FFE0]  }
0x23d: {  	s1 =	sadd.s32 s6, s1;
	v52 =	vld [tilespmem:$0x1FFD0]  }
0x23e: {  	v43 =	vmov v18;
	v49 =	vmov v53;
	[hbm4b:s1+s4] =	stream.linear.scatter [tilespmem:s14], [sflag:$0x3], $0x2000, $0x38;
	v37 =	vld [tilespmem:$0x1FE90]  }
.LBB2_6:
.Ltmp6:
0x23f: {  	s1 =	sadd.s32 s8, s23;
	(pc) =	sbr.rel @p2 .LBB2_10-.Ltmp6, $4  }
0x240: {  	p3 =	sgt.u32 s1, $0x1E83  }
0x241: {  	s1 =	sshll.u32 @!p3 s1, $0x7;
	s2 =	simm.s32 @!p3 $0x400  }
0x242: {  	s3 =	simm.s32 @!p3 $0x7A1400;
	s7 =	simm.s32 @!p3 $0x0;
	s1 =	sadd.s32 @!p3 s0, s1  }
0x243: {  	[tilespmem:s7], [sflag:$0x1] =	stream.strided.gather @!p3 [hbm4b:s1+s2], $0x2000, s3, s2, $0x38;
	[tilespmem:$0x8000] =	vst v63  }
0x244: {  	s1 =	simm.s32 $0x0;
	s2 =	simm.s32 $0x0  }
0x245: {  	s1 =	sand.u32 $0x30, s1;
	s3 =	sand.u32 $0x6, s2  }
0x246: {  	v0 =	vmov s1;
	s2 =	sor.u32 $0x1, s3  }
0x247: {  	v48 =	vshll.u32 v0, $0x7;
	s7 =	sshll.u32 s2, $0x4  }
0x248: {  	_ =	swait.ge [sflag:s15], $0x2000;
	v0 =	vor.u32 v33, v48;
	v47 =	vor.u32 s7, v31  }
0x249: {  	[sflag:s15] =	ssyncset.done $0x0;
	v1 =	vor.u32 v47, v0  }
0x24a: {  	[sflag:s15] =	ssyncadd.s32 $0xFFFFE000;
	s7 =	simm.s32 @!p1 $0x4  }
0x24b: {  	_ =	swait.ge @!p1 [sflag:s7], $0x2000  }
0x24c: {  	s2 =	sshll.u32 s2, $0xA;
	[sflag:s7] =	ssyncset.done @!p1 $0x0  }
0x24d: {  	s2 =	sor.u32 s1, s2;
	[sflag:s7] =	ssyncadd.s32 @!p1 $0xFFFFE000  }
0x24e: {  	v2 =	vor.u32 v42, v48;
	v3 =	vor.u32 s2, v58;
	v1 =	vld.idx.msk [tilespmem:v1+s16+$0x0], $0xffff  }
0x24f: {  	v4 =	vor.u32 v47, v2  }
0x250: {  	s11 =	sshll.u32 s3, $0x4  }
0x251: {  	v46 =	vor.u32 s11, v31  }
0x252: {  	v0 =	vor.u32 v46, v0  }
0x253: {  	[tilespmem:v3+s17+$0x0] =	vst.idx.msk $0xffff, v1  }
0x254: {  	v1 =	vor.u32 v35, v48;
	v3 =	vor.u32 s2, v52;
	v4 =	vld.idx.msk [tilespmem:v4+s16+$0x0], $0xffff  }
0x255: {  	s3 =	sshll.u32 s3, $0xA;
	v5 =	vor.u32 v47, v1  }
0x256: {  	s3 =	sor.u32 s1, s3  }
0x257: {  	v6 =	vor.u32 s3, v58;
	v0 =	vld.idx.msk [tilespmem:v0+s16+$0x0], $0xffff  }
0x258: {  	v2 =	vor.u32 v46, v2  }
0x259: {  	[tilespmem:v3+s17+$0x0] =	vst.idx.msk $0xffff, v4  }
0x25a: {  	v3 =	vor.u32 v29, v48;
	v4 =	vor.u32 s2, v37;
	v5 =	vld.idx.msk [tilespmem:v5+s16+$0x0], $0xffff  }
0x25b: {  	v7 =	vor.u32 v47, v3  }
0x25c: {  	[tilespmem:v6+s17+$0x0] =	vst.idx.msk $0xffff, v0  }
0x25d: {  	v0 =	vor.u32 s3, v52;
	v2 =	vld.idx.msk [tilespmem:v2+s16+$0x0], $0xffff  }
0x25e: {  	s12 =	simm.s32 $0x4;
	s23 =	simm.s32 $0x2;
	v1 =	vor.u32 v46, v1  }
0x25f: {  	s1 =	sand.u32 $0x30, s12;
	s7 =	sand.u32 $0x6, s23;
	[tilespmem:v4+s17+$0x0] =	vst.idx.msk $0xffff, v5  }
0x260: {  	v8 =	vmov s1;
	s11 =	sor.u32 $0x1, s7;
	v4 =	vor.u32 v40, v48;
	v5 =	vor.u32 s2, v21;
	v6 =	vld.idx.msk [tilespmem:v7+s16+$0x0], $0xffff  }
0x261: {  	v60 =	vshll.u32 v8, $0x7;
	s12 =	sshll.u32 s11, $0x4;
	v7 =	vor.u32 v47, v4  }
0x262: {  	v8 =	vor.u32 v33, v60;
	v28 =	vor.u32 s12, v31;
	[tilespmem:v0+s17+$0x0] =	vst.idx.msk $0xffff, v2  }
0x263: {  	v0 =	vor.u32 s3, v37;
	v2 =	vor.u32 v28, v8;
	v1 =	vld.idx.msk [tilespmem:v1+s16+$0x0], $0xffff  }
0x264: {  	v3 =	vor.u32 v46, v3  }
0x265: {  	[tilespmem:v5+s17+$0x0] =	vst.idx.msk $0xffff, v6  }
0x266: {  	v10 =	vor.u32 v27, v48;
	s11 =	sshll.u32 s11, $0xA;
	v5 =	vor.u32 v34, v48;
	v6 =	vor.u32 s2, v22;
	v7 =	vld.idx.msk [tilespmem:v7+s16+$0x0], $0xffff  }
0x267: {  	v13 =	vor.u32 v47, v10;
	s23 =	sor.u32 s1, s11;
	v9 =	vor.u32 v47, v5  }
0x268: {  	v11 =	vor.u32 v42, v60;
	v12 =	vor.u32 s23, v58;
	[tilespmem:v0+s17+$0x0] =	vst.idx.msk $0xffff, v1;
	v0 =	vld.idx.msk [tilespmem:v2+s16+$0x0], $0xffff  }
0x269: {  	s24 =	sshll.u32 s7, $0x4;
	v2 =	vor.u32 s3, v21;
	v1 =	vor.u32 v46, v4;
	v4 =	vor.u32 v28, v11;
	v3 =	vld.idx.msk [tilespmem:v3+s16+$0x0], $0xffff  }
0x26a: {  	v61 =	vor.u32 s24, v31;
	[tilespmem:$0x1FCA0] =	vst v13  }
0x26b: {  	v10 =	vor.u32 v46, v10;
	[tilespmem:v6+s17+$0x0] =	vst.idx.msk $0xffff, v7;
	v6 =	vor.u32 v61, v8  }
0x26c: {  	v7 =	vor.u32 v30, v48;
	v8 =	vor.u32 s2, v24;
	v9 =	vld.idx.msk [tilespmem:v9+s16+$0x0], $0xffff;
	[tilespmem:$0x1FCD0] =	vst v10  }
0x26d: {  	v13 =	vor.u32 v47, v7;
	[tilespmem:v12+s17+$0x0] =	vst.idx.msk $0xffff, v0  }
0x26e: {  	v14 =	vor.u32 v35, v60;
	s7 =	sshll.u32 s7, $0xA;
	v16 =	vor.u32 s23, v52;
	[tilespmem:v2+s17+$0x0] =	vst.idx.msk $0xffff, v3;
	v2 =	vld.idx.msk [tilespmem:v4+s16+$0x0], $0xffff  }
0x26f: {  	s24 =	sor.u32 s1, s7;
	v0 =	vor.u32 s3, v22;
	v3 =	vor.u32 v28, v14;
	v1 =	vld.idx.msk [tilespmem:v1+s16+$0x0], $0xffff  }
0x270: {  	v17 =	vor.u32 s24, v58;
	v6 =	vld.idx.msk [tilespmem:v6+s16+$0x0], $0xffff  }
0x271: {  	v5 =	vor.u32 v46, v5;
	[tilespmem:v8+s17+$0x0] =	vst.idx.msk $0xffff, v9  }
0x272: {  	v8 =	vor.u32 v61, v11;
	v9 =	vor.u32 v62, v48;
	v11 =	vor.u32 s2, v49;
	v13 =	vld.idx.msk [tilespmem:v13+s16+$0x0], $0xffff  }
0x273: {  	v10 =	vor.u32 v27, v60;
	v20 =	vor.u32 v47, v9;
	[tilespmem:v16+s17+$0x0] =	vst.idx.msk $0xffff, v2  }
0x274: {  	v2 =	vor.u32 v46, v7;
	v7 =	vor.u32 s23, v37;
	[tilespmem:v0+s17+$0x0] =	vst.idx.msk $0xffff, v1;
	v0 =	vld.idx.msk [tilespmem:v3+s16+$0x0], $0xffff  }
0x275: {  	[tilespmem:v17+s17+$0x0] =	vst.idx.msk $0xffff, v6;
	v6 =	vor.u32 v46, v9;
	v9 =	vor.u32 v61, v10  }
0x276: {  	v5 =	vld.idx.msk [tilespmem:v5+s16+$0x0], $0xffff;
	[tilespmem:$0x1FC10] =	vst v9  }
0x277: {  	[tilespmem:v11+s17+$0x0] =	vst.idx.msk $0xffff, v13  }
0x278: {  	v1 =	vor.u32 s3, v24;
	v45 =	vld [tilespmem:$0x1FE20]  }
0x279: {  	v55 =	vmov v22;
	v15 =	vor.u32 v29, v60;
	v22 =	vld [tilespmem:$0x1FE80];
	[tilespmem:v7+s17+$0x0] =	vst.idx.msk $0xffff, v0  }
0x27a: {  	v12 =	vor.u32 v61, v14;
	v14 =	vor.u32 v28, v15;
	v0 =	vld [tilespmem:$0x1FE80]  }
0x27b: {  	v3 =	vor.u32 s24, v52;
	v8 =	vld.idx.msk [tilespmem:v8+s16+$0x0], $0xffff  }
0x27c: {  	v41 =	vor.u32 v28, v10;
	v10 =	vor.u32 v56, v48;
	v11 =	vor.u32 s2, v23;
	v13 =	vld.idx.msk [tilespmem:v20+s16+$0x0], $0xffff  }
0x27d: {  	v17 =	vor.u32 v46, v10;
	v10 =	vor.u32 v47, v10;
	[tilespmem:v1+s17+$0x0] =	vst.idx.msk $0xffff, v5  }
0x27e: {  	s25 =	simm.s32 $0x8;
	v9 =	vor.u32 s3, v49;
	v2 =	vld.idx.msk [tilespmem:v2+s16+$0x0], $0xffff  }
0x27f: {  	s1 =	sand.u32 $0x30, s25;
	v4 =	vor.u32 v61, v15;
	v15 =	vor.u32 v40, v60;
	v7 =	vld.idx.msk [tilespmem:v14+s16+$0x0], $0xffff;
	v0 =	vor.u32 s23, v0  }
0x280: {  	s26 =	simm.s32 $0x4;
	v19 =	vor.u32 v61, v15;
	v15 =	vor.u32 v28, v15;
	v1 =	vmov s1;
	[tilespmem:v3+s17+$0x0] =	vst.idx.msk $0xffff, v8  }
0x281: {  	v18 =	vor.u32 v34, v60;
	s7 =	sand.u32 $0x6, s26;
	v16 =	vor.u32 s24, v37;
	v50 =	vshll.u32 v1, $0x7;
	[tilespmem:v11+s17+$0x0] =	vst.idx.msk $0xffff, v13;
	v1 =	vld.idx.msk [tilespmem:v12+s16+$0x0], $0xffff  }
0x282: {  	s30 =	sshll.u32 s7, $0x4;
	s31 =	sor.u32 $0x1, s7;
	v21 =	vor.u32 v61, v18;
	v14 =	vor.u32 v28, v18;
	v18 =	vor.u32 s2, v59;
	v10 =	vld.idx.msk [tilespmem:v10+s16+$0x0], $0xffff  }
0x283: {  	v53 =	vmov v23;
	v36 =	vor.u32 s30, v31;
	s25 =	sshll.u32 s31, $0x4;
	v26 =	vor.u32 v29, v50;
	[tilespmem:v9+s17+$0x0] =	vst.idx.msk $0xffff, v2  }
0x284: {  	v38 =	vor.u32 s25, v31;
	v12 =	vor.u32 v33, v50;
	[tilespmem:v0+s17+$0x0] =	vst.idx.msk $0xffff, v7;
	v0 =	vor.u32 v36, v26  }
0x285: {  	v20 =	vor.u32 s3, v23;
	v13 =	vor.u32 v36, v12;
	v9 =	vor.u32 v38, v12;
	v12 =	vld.idx.msk [tilespmem:v15+s16+$0x0], $0xffff;
	[tilespmem:$0x1FC80] =	vst v0  }
0x286: {  	v23 =	vor.u32 v25, v48;
	v0 =	vor.u32 v40, v50;
	v6 =	vld.idx.msk [tilespmem:v6+s16+$0x0], $0xffff;
	[tilespmem:v16+s17+$0x0] =	vst.idx.msk $0xffff, v1  }
0x287: {  	v5 =	vor.u32 v47, v23;
	[tilespmem:v18+s17+$0x0] =	vst.idx.msk $0xffff, v10;
	v1 =	vor.u32 v36, v0;
	v4 =	vld.idx.msk [tilespmem:v4+s16+$0x0], $0xffff  }
0x288: {  	[tilespmem:$0x1FCC0] =	vst v1;
	v1 =	vld [tilespmem:$0x1FE30]  }
0x289: {  	v39 =	vmov v37;
	v3 =	vor.u32 s23, v55  }
0x28a: {  	v63 =	vmovc v52;
	v8 =	vor.u32 v42, v50;
	v25 =	vor.u32 v35, v50;
	v16 =	vor.u32 v34, v50  }
0x28b: {  	s7 =	sshll.u32 s7, $0xA;
	v37 =	vmovc v24;
	v52 =	vmovc v27;
	v22 =	vor.u32 s24, v22;
	v57 =	vor.u32 v38, v0;
	v0 =	vor.u32 v36, v16  }
0x28c: {  	s25 =	sor.u32 s1, s7;
	v11 =	vor.u32 v27, v50;
	v24 =	vor.u32 v38, v8;
	v27 =	vor.u32 s2, v51;
	v5 =	vld.idx.msk [tilespmem:v5+s16+$0x0], $0xffff;
	[tilespmem:$0x1FCE0] =	vst v0  }
0x28d: {  	v44 =	vmovc v54;
	s26 =	sshll.u32 s31, $0xA;
	v54 =	vor.u32 v36, v25;
	v10 =	vor.u32 s25, v58;
	v13 =	vld.idx.msk [tilespmem:v13+s16+$0x0], $0xffff;
	v18 =	vor.u32 v1, v48  }
0x28e: {  	s26 =	sor.u32 s1, s26;
	v15 =	vor.u32 v38, v26;
	[tilespmem:v3+s17+$0x0] =	vst.idx.msk $0xffff, v12;
	v26 =	vor.u32 v47, v18  }
0x28f: {  	v2 =	vmov v29;
	v29 =	vor.u32 s26, v58;
	v7 =	vor.u32 v38, v25;
	v3 =	vld.idx.msk [tilespmem:v9+s16+$0x0], $0xffff;
	[tilespmem:v20+s17+$0x0] =	vst.idx.msk $0xffff, v6  }
0x290: {  	v31 =	vor.u32 s23, v37;
	v25 =	vmov v30;
	v30 =	vor.u32 v30, v60;
	v6 =	vld.idx.msk [tilespmem:v14+s16+$0x0], $0xffff;
	[tilespmem:v22+s17+$0x0] =	vst.idx.msk $0xffff, v4  }
0x291: {  	v0 =	vor.u32 v38, v11;
	v20 =	vor.u32 s3, v59;
	v17 =	vld.idx.msk [tilespmem:v17+s16+$0x0], $0xffff;
	[tilespmem:v27+s17+$0x0] =	vst.idx.msk $0xffff, v5  }
0x292: {  	v12 =	vor.u32 v28, v30;
	v14 =	vor.u32 s24, v55;
	v5 =	vld.idx.msk [tilespmem:v19+s16+$0x0], $0xffff;
	[tilespmem:v10+s17+$0x0] =	vst.idx.msk $0xffff, v13  }
0x293: {  	v4 =	vor.u32 v36, v8;
	v8 =	vor.u32 v46, v23;
	v13 =	vld.idx.msk [tilespmem:v26+s16+$0x0], $0xffff;
	[tilespmem:$0x1FC20] =	vst v0  }
0x294: {  	v10 =	vor.u32 s2, v44;
	[tilespmem:v29+s17+$0x0] =	vst.idx.msk $0xffff, v3  }
0x295: {  	[tilespmem:v31+s17+$0x0] =	vst.idx.msk $0xffff, v6  }
0x296: {  	[tilespmem:v20+s17+$0x0] =	vst.idx.msk $0xffff, v17;
	v24 =	vld.idx.msk [tilespmem:v24+s16+$0x0], $0xffff  }
0x297: {  	v0 =	vor.u32 v36, v11;
	[tilespmem:v14+s17+$0x0] =	vst.idx.msk $0xffff, v5;
	v12 =	vld.idx.msk [tilespmem:v12+s16+$0x0], $0xffff  }
0x298: {  	v8 =	vld.idx.msk [tilespmem:v8+s16+$0x0], $0xffff;
	[tilespmem:$0x1FC30] =	vst v0  }
0x299: {  	[tilespmem:v10+s17+$0x0] =	vst.idx.msk $0xffff, v13  }
0x29a: {  	v19 =	vor.u32 v45, v48;
	v3 =	vor.u32 s26, v63;
	v0 =	vld [tilespmem:$0x1FE10]  }
0x29b: {  	v22 =	vor.u32 v47, v19  }
0x29c: {  	v26 =	vor.u32 s23, v49  }
0x29d: {  	v20 =	vor.u32 s3, v51  }
0x29e: {  	v17 =	vor.u32 s24, v37;
	v29 =	vor.u32 v56, v60;
	v10 =	vld.idx.msk [tilespmem:v21+s16+$0x0], $0xffff  }
0x29f: {  	[tilespmem:v3+s17+$0x0] =	vst.idx.msk $0xffff, v24;
	v27 =	vor.u32 v0, v48;
	v0 =	vor.u32 v61, v29  }
0x2a0: {  	v22 =	vld.idx.msk [tilespmem:v22+s16+$0x0], $0xffff;
	[tilespmem:$0x1FC90] =	vst v0  }
0x2a1: {  	[tilespmem:v26+s17+$0x0] =	vst.idx.msk $0xffff, v12  }
0x2a2: {  	[tilespmem:v20+s17+$0x0] =	vst.idx.msk $0xffff, v8  }
0x2a3: {  	v21 =	vor.u32 s2, v43;
	[tilespmem:v17+s17+$0x0] =	vst.idx.msk $0xffff, v10  }
0x2a4: {  	v3 =	vld [tilespmem:$0x1FE80];
	_ =	sdelay $0x1  }
0x2a5: {  	v23 =	vor.u32 v62, v60  }
0x2a6: {  	v6 =	vor.u32 v61, v23;
	v23 =	vor.u32 v28, v23  }
0x2a7: {  	v9 =	vor.u32 v61, v30;
	[tilespmem:v21+s17+$0x0] =	vst.idx.msk $0xffff, v22  }
0x2a8: {  	v10 =	vor.u32 s26, v3;
	v3 =	vld [tilespmem:$0x1FE70]  }
0x2a9: {  	v18 =	vor.u32 v46, v18;
	v7 =	vld.idx.msk [tilespmem:v7+s16+$0x0], $0xffff  }
0x2aa: {  	v14 =	vor.u32 s26, v39;
	v4 =	vld.idx.msk [tilespmem:v4+s16+$0x0], $0xffff  }
0x2ab: {  	v30 =	vor.u32 s23, v53;
	v31 =	vor.u32 v47, v27;
	v20 =	vld.idx.msk [tilespmem:v23+s16+$0x0], $0xffff  }
0x2ac: {  	v5 =	vor.u32 s25, v63;
	v24 =	vor.u32 v46, v27;
	v27 =	vor.u32 v32, v48;
	v9 =	vld.idx.msk [tilespmem:v9+s16+$0x0], $0xffff  }
0x2ad: {  	v11 =	vor.u32 s24, v49;
	v0 =	vld [tilespmem:$0x1FE40];
	v17 =	vor.u32 v3, v60;
	v3 =	vor.u32 v46, v27  }
0x2ae: {  	v12 =	vor.u32 v28, v29;
	v26 =	vor.u32 s3, v44;
	v18 =	vld.idx.msk [tilespmem:v18+s16+$0x0], $0xffff;
	[tilespmem:$0x1FCF0] =	vst v3  }
0x2af: {  	s30 =	simm.s32 $0xC;
	[tilespmem:v14+s17+$0x0] =	vst.idx.msk $0xffff, v7  }
0x2b0: {  	s7 =	sand.u32 $0x30, s30;
	s1 =	simm.s32 $0x6;
	v13 =	vor.u32 s25, v39;
	v29 =	vld.idx.msk [tilespmem:v31+s16+$0x0], $0xffff;
	[tilespmem:v30+s17+$0x0] =	vst.idx.msk $0xffff, v20  }
0x2b1: {  	s11 =	sand.u32 $0x6, s1;
	v1 =	vmovc v43;
	v19 =	vor.u32 v46, v19;
	v32 =	vor.u32 s23, v59;
	v31 =	vmov s7;
	[tilespmem:v5+s17+$0x0] =	vst.idx.msk $0xffff, v4;
	v14 =	vld.idx.msk [tilespmem:v15+s16+$0x0], $0xffff  }
0x2b2: {  	s31 =	sshll.u32 s11, $0x4;
	v8 =	vmovc v44;
	v21 =	vor.u32 s2, v0;
	[tilespmem:v11+s17+$0x0] =	vst.idx.msk $0xffff, v9;
	v44 =	vshll.u32 v31, $0x7;
	v31 =	vlaneseq.u32  }
0x2b3: {  	v5 =	vor.u32 s3, v1;
	[tilespmem:v26+s17+$0x0] =	vst.idx.msk $0xffff, v18;
	v12 =	vld.idx.msk [tilespmem:v12+s16+$0x0], $0xffff;
	v43 =	vor.u32 s31, v31;
	v11 =	vor.u32 v35, v44  }
0x2b4: {  	v3 =	vmovc v1;
	v1 =	vmov v0;
	v20 =	vor.u32 v52, v44;
	v52 =	vld.idx.msk [tilespmem:v54+s16+$0x0], $0xffff;
	v0 =	vor.u32 v43, v11  }
0x2b5: {  	v6 =	vld.idx.msk [tilespmem:v6+s16+$0x0], $0xffff;
	v26 =	vor.u32 v2, v44;
	[tilespmem:$0x1FC40] =	vst v0  }
0x2b6: {  	v2 =	vor.u32 v43, v26;
	[tilespmem:v10+s17+$0x0] =	vst.idx.msk $0xffff, v14  }
0x2b7: {  	v22 =	vor.u32 v28, v17;
	v19 =	vld.idx.msk [tilespmem:v19+s16+$0x0], $0xffff;
	[tilespmem:$0x1FC50] =	vst v2  }
0x2b8: {  	s28 =	sor.u32 $0x1, s11;
	v23 =	vor.u32 s24, v53;
	v4 =	vor.u32 v33, v44;
	[tilespmem:v32+s17+$0x0] =	vst.idx.msk $0xffff, v12  }
0x2b9: {  	s30 =	sshll.u32 s28, $0x4;
	v9 =	vor.u32 v43, v4;
	[tilespmem:v13+s17+$0x0] =	vst.idx.msk $0xffff, v52  }
0x2ba: {  	v45 =	vor.u32 s30, v31;
	v10 =	vor.u32 v40, v44;
	v2 =	vld [tilespmem:$0x1FE30]  }
0x2bb: {  	v54 =	vor.u32 v45, v26;
	v26 =	vor.u32 v43, v10;
	v14 =	vld.idx.msk [tilespmem:v57+s16+$0x0], $0xffff  }
0x2bc: {  	v12 =	vld.idx.msk [tilespmem:v22+s16+$0x0], $0xffff;
	[tilespmem:$0x1FC60] =	vst v26  }
0x2bd: {  	v13 =	vld [tilespmem:$0x1FE80];
	[tilespmem:v23+s17+$0x0] =	vst.idx.msk $0xffff, v6;
	v6 =	vor.u32 v45, v10  }
0x2be: {  	v9 =	vld.idx.msk [tilespmem:v9+s16+$0x0], $0xffff;
	[tilespmem:$0x1FC70] =	vst v6  }
0x2bf: {  	v6 =	vor.u32 v2, v60;
	v2 =	vld [tilespmem:$0x1FC80];
	[tilespmem:v5+s17+$0x0] =	vst.idx.msk $0xffff, v19  }
0x2c0: {  	v52 =	vmov v1;
	v1 =	vld [tilespmem:$0x1FC90];
	_ =	sdelay $0x2  }
0x2c1: {  	v7 =	vor.u32 s26, v55;
	_ =	sdelay $0x3  }
0x2c2: {  	[tilespmem:v21+s17+$0x0] =	vst.idx.msk $0xffff, v29  }
0x2c3: {  	v30 =	vor.u32 s23, v51;
	[tilespmem:v7+s17+$0x0] =	vst.idx.msk $0xffff, v14;
	v10 =	vld.idx.msk [tilespmem:v1+s16+$0x0], $0xffff  }
0x2c4: {  	s11 =	sshll.u32 s11, $0xA;
	v1 =	vld [tilespmem:$0x1FCA0]  }
0x2c5: {  	s29 =	sor.u32 s7, s11;
	v4 =	vor.u32 v45, v4  }
0x2c6: {  	v16 =	vor.u32 v38, v16;
	v22 =	vor.u32 s29, v58  }
0x2c7: {  	v26 =	vmov v8;
	v8 =	vld.idx.msk [tilespmem:v24+s16+$0x0], $0xffff  }
0x2c8: {  	v2 =	vld.idx.msk [tilespmem:v2+s16+$0x0], $0xffff;
	[tilespmem:v30+s17+$0x0] =	vst.idx.msk $0xffff, v12  }
0x2c9: {  	v21 =	vor.u32 v25, v50;
	v30 =	vld [tilespmem:$0x1FED0]  }
0x2ca: {  	v23 =	vor.u32 s24, v59;
	v59 =	vor.u32 v36, v21;
	v12 =	vor.u32 v38, v21;
	v21 =	vld.idx.msk [tilespmem:v4+s16+$0x0], $0xffff  }
0x2cb: {  	v13 =	vor.u32 s25, v13;
	[tilespmem:v22+s17+$0x0] =	vst.idx.msk $0xffff, v9;
	v9 =	vld.idx.msk [tilespmem:v16+s16+$0x0], $0xffff  }
0x2cc: {  	v24 =	vld.idx.msk [tilespmem:v1+s16+$0x0], $0xffff;
	v1 =	vor.u32 v45, v20  }
0x2cd: {  	v14 =	vor.u32 v61, v17;
	v17 =	vor.u32 s3, v52;
	[tilespmem:$0x1FCB0] =	vst v1;
	v1 =	vld [tilespmem:$0x1FE20]  }
0x2ce: {  	v25 =	vor.u32 s2, v30;
	_ =	sdelay $0x1  }
0x2cf: {  	v15 =	vor.u32 v42, v44;
	[tilespmem:v13+s17+$0x0] =	vst.idx.msk $0xffff, v2  }
0x2d0: {  	v18 =	vor.u32 v45, v15;
	[tilespmem:v23+s17+$0x0] =	vst.idx.msk $0xffff, v10  }
0x2d1: {  	v4 =	vor.u32 v43, v15;
	v15 =	vor.u32 v1, v60;
	v1 =	vld [tilespmem:$0x1FCC0];
	[tilespmem:v17+s17+$0x0] =	vst.idx.msk $0xffff, v8  }
0x2d2: {  	[tilespmem:v25+s17+$0x0] =	vst.idx.msk $0xffff, v24  }
0x2d3: {  	v0 =	vld [tilespmem:$0x1FCD0]  }
0x2d4: {  	s31 =	sshll.u32 s28, $0xA  }
0x2d5: {  	s28 =	sor.u32 s7, s31;
	v5 =	vor.u32 v28, v6  }
0x2d6: {  	v19 =	vor.u32 s28, v58;
	_ =	sdelay $0x3  }
0x2d7: {  	v7 =	vor.u32 s26, v37;
	v2 =	vld.idx.msk [tilespmem:v5+s16+$0x0], $0xffff  }
0x2d8: {  	v10 =	vor.u32 s23, v26;
	[tilespmem:v19+s17+$0x0] =	vst.idx.msk $0xffff, v21;
	v16 =	vld.idx.msk [tilespmem:v0+s16+$0x0], $0xffff  }
0x2d9: {  	v0 =	vld [tilespmem:$0x1FE00];
	_ =	sdelay $0x2  }
0x2da: {  	v1 =	vld.idx.msk [tilespmem:v1+s16+$0x0], $0xffff;
	[tilespmem:v7+s17+$0x0] =	vst.idx.msk $0xffff, v9  }
0x2db: {  	v5 =	vor.u32 s25, v55;
	v32 =	vld [tilespmem:$0x1FEE0];
	[tilespmem:v10+s17+$0x0] =	vst.idx.msk $0xffff, v2  }
0x2dc: {  	v21 =	vor.u32 v0, v48;
	v0 =	vld [tilespmem:$0x1FE10];
	_ =	sdelay $0x1  }
0x2dd: {  	v13 =	vor.u32 v62, v50  }
0x2de: {  	v27 =	vor.u32 v47, v27;
	v58 =	vor.u32 v36, v13  }
0x2df: {  	v14 =	vld.idx.msk [tilespmem:v14+s16+$0x0], $0xffff;
	v23 =	vor.u32 v38, v13;
	v13 =	vor.u32 s24, v51;
	[tilespmem:v5+s17+$0x0] =	vst.idx.msk $0xffff, v1  }
0x2e0: {  	v24 =	vor.u32 v0, v60;
	v0 =	vld [tilespmem:$0x1FF50];
	_ =	sdelay $0x1  }
0x2e1: {  	v8 =	vor.u32 v28, v15;
	v55 =	vor.u32 v61, v15;
	v15 =	vor.u32 s3, v30  }
0x2e2: {  	v17 =	vld.idx.msk [tilespmem:v27+s16+$0x0], $0xffff;
	v7 =	vor.u32 s2, v32  }
0x2e3: {  	v19 =	vor.u32 s28, v63;
	v18 =	vld.idx.msk [tilespmem:v18+s16+$0x0], $0xffff;
	[tilespmem:v13+s17+$0x0] =	vst.idx.msk $0xffff, v14  }
0x2e4: {  	v1 =	vor.u32 v0, v50;
	v0 =	vld [tilespmem:$0x1FCE0]  }
0x2e5: {  	v22 =	vld.idx.msk [tilespmem:v12+s16+$0x0], $0xffff;
	v10 =	vor.u32 s26, v49;
	v9 =	vor.u32 v47, v21  }
0x2e6: {  	[tilespmem:v15+s17+$0x0] =	vst.idx.msk $0xffff, v16  }
0x2e7: {  	v29 =	vmov v61;
	v6 =	vor.u32 v61, v6;
	v25 =	vld.idx.msk [tilespmem:v8+s16+$0x0], $0xffff;
	[tilespmem:v7+s17+$0x0] =	vst.idx.msk $0xffff, v17  }
0x2e8: {  	v27 =	vor.u32 s23, v3;
	v61 =	vor.u32 v36, v1;
	v13 =	vor.u32 v38, v1;
	v1 =	vld [tilespmem:$0x1FCF0];
	[tilespmem:v19+s17+$0x0] =	vst.idx.msk $0xffff, v18  }
0x2e9: {  	v3 =	vld [tilespmem:$0x1FE80]  }
0x2ea: {  	v11 =	vor.u32 v45, v11;
	v17 =	vld.idx.msk [tilespmem:v9+s16+$0x0], $0xffff;
	[tilespmem:v10+s17+$0x0] =	vst.idx.msk $0xffff, v22  }
0x2eb: {  	v9 =	vld [tilespmem:$0x1FE50]  }
0x2ec: {  	v30 =	vld.idx.msk [tilespmem:v0+s16+$0x0], $0xffff  }
0x2ed: {  	v37 =	vor.u32 s25, v37;
	[tilespmem:v27+s17+$0x0] =	vst.idx.msk $0xffff, v25;
	v0 =	vld.idx.msk [tilespmem:v6+s16+$0x0], $0xffff  }
0x2ee: {  	v22 =	vor.u32 s28, v3;
	v6 =	vor.u32 s29, v3;
	v3 =	vld [tilespmem:$0x1FE60]  }
0x2ef: {  	v47 =	vor.u32 v29, v24;
	v15 =	vor.u32 v28, v24;
	v24 =	vld.idx.msk [tilespmem:v11+s16+$0x0], $0xffff  }
0x2f0: {  	v23 =	vld.idx.msk [tilespmem:v23+s16+$0x0], $0xffff  }
0x2f1: {  	v16 =	vld.idx.msk [tilespmem:v1+s16+$0x0], $0xffff;
	[tilespmem:$0x1FD00] =	vst v60  }
0x2f2: {  	[tilespmem:v37+s17+$0x0] =	vst.idx.msk $0xffff, v30  }
0x2f3: {  	v57 =	vor.u32 v34, v44;
	v7 =	vor.u32 v3, v60;
	v3 =	vld [tilespmem:$0x1FE70]  }
0x2f4: {  	v56 =	vor.u32 v43, v57;
	v62 =	vor.u32 s29, v63;
	v63 =	vor.u32 s25, v49  }
0x2f5: {  	v2 =	vor.u32 s29, v39;
	v12 =	vor.u32 s26, v53;
	v48 =	vor.u32 v43, v20  }
0x2f6: {  	v20 =	vor.u32 s28, v39;
	v5 =	vor.u32 s24, v26;
	v8 =	vor.u32 v46, v21  }
0x2f7: {  	v14 =	vor.u32 s3, v32;
	v19 =	vor.u32 s2, v9;
	v9 =	vor.u32 s3, v9  }
0x2f8: {  	v27 =	vmovc v28;
	s2 =	simm.s32 $0x10;
	v1 =	vor.u32 s25, v53;
	v46 =	vld.idx.msk [tilespmem:v15+s16+$0x0], $0xffff;
	v60 =	vor.u32 s23, v52;
	v11 =	vor.u32 v3, v50  }
.LBB2_8:
0x2f9: {  	v3 =	vor.u32 v29, v7  }
0x2fa: {  	[tilespmem:$0x1FBF0] =	vst v3;
	v3 =	vld [tilespmem:$0x1FC20];
	_ =	sdelay $0x4  }
0x2fb: {  	v18 =	vor.u32 v27, v7;
	v7 =	vmov v3  }
0x2fc: {  	[tilespmem:$0x1FC00] =	vst v7;
	v7 =	vld [tilespmem:$0x1FCB0];
	_ =	sdelay $0x4  }
0x2fd: {  	v3 =	vmov v7  }
0x2fe: {  	[tilespmem:$0x1FC20] =	vst v3;
	v3 =	vld [tilespmem:$0x1FC10];
	_ =	sdelay $0x4  }
0x2ff: {  	v7 =	vld [tilespmem:$0x1FC30];
	v21 =	vmov v3;
	v3 =	vmov v48  }
0x300: {  	[tilespmem:$0x1FC30] =	vst v3;
	v3 =	vld [tilespmem:$0x1FEF0];
	_ =	sdelay $0x2  }
0x301: {  	v4 =	vld.idx.msk [tilespmem:v4+s16+$0x0], $0xffff  }
0x302: {  	s3 =	smov.u32 s29;
	v51 =	vmov v27;
	v27 =	vld.idx.msk [tilespmem:v59+s16+$0x0], $0xffff  }
0x303: {  	v10 =	vmov v29;
	[tilespmem:v14+s17+$0x0] =	vst.idx.msk $0xffff, v16;
	v16 =	vor.u32 s3, v3;
	v29 =	vor.u32 s28, v3;
	v3 =	vld [tilespmem:$0x1FF70];
	_ =	sdelay $0x1  }
0x304: {  	s7 =	sand.u32 $0x30, s2;
	v7 =	vmov v7  }
0x305: {  	[tilespmem:$0x1FC10] =	vst v7;
	v7 =	vmov s7  }
0x306: {  	v14 =	vshll.u32 v7, $0x7  }
0x307: {  	v30 =	vor.u32 v3, v14;
	v3 =	vld [tilespmem:$0x1FF80];
	_ =	sdelay $0x3  }
0x308: {  	v8 =	vld.idx.msk [tilespmem:v8+s16+$0x0], $0xffff  }
0x309: {  	[tilespmem:v5+s17+$0x0] =	vst.idx.msk $0xffff, v0;
	v5 =	vor.u32 v3, v14;
	v3 =	vld [tilespmem:$0x1FC40];
	_ =	sdelay $0x3  }
0x30a: {  	s1 =	sadd.s32 $0x2, s1  }
0x30b: {  	[tilespmem:v19+s17+$0x0] =	vst.idx.msk $0xffff, v17;
	s11 =	sand.u32 $0x6, s1  }
0x30c: {  	[tilespmem:v20+s17+$0x0] =	vst.idx.msk $0xffff, v24;
	s12 =	sshll.u32 s11, $0x4;
	s29 =	sshll.u32 s11, $0xA;
	s11 =	sor.u32 $0x1, s11  }
0x30d: {  	v24 =	vld.idx.msk [tilespmem:v54+s16+$0x0], $0xffff;
	s31 =	sshll.u32 s11, $0x4;
	[tilespmem:v62+s17+$0x0] =	vst.idx.msk $0xffff, v4  }
0x30e: {  	[tilespmem:v12+s17+$0x0] =	vst.idx.msk $0xffff, v23;
	v15 =	vor.u32 s31, v31;
	v7 =	vor.u32 s12, v31;
	v0 =	vor.u32 v35, v14;
	v4 =	vld.idx.msk [tilespmem:v3+s16+$0x0], $0xffff  }
0x30f: {  	v20 =	vor.u32 v33, v14;
	v19 =	vor.u32 v15, v0;
	v0 =	vor.u32 v7, v0;
	v3 =	vld [tilespmem:$0x1FFE0]  }
0x310: {  	v52 =	vld [tilespmem:$0x1FFF0];
	v23 =	vor.u32 v7, v20;
	[tilespmem:$0x1FC40] =	vst v0  }
0x311: {  	v13 =	vld.idx.msk [tilespmem:v13+s16+$0x0], $0xffff;
	[tilespmem:v63+s17+$0x0] =	vst.idx.msk $0xffff, v27  }
0x312: {  	s11 =	sshll.u32 s11, $0xA;
	v0 =	vor.u32 v7, v5;
	v54 =	vor.u32 v15, v5;
	v5 =	vld.idx.msk [tilespmem:v58+s16+$0x0], $0xffff;
	[tilespmem:v9+s17+$0x0] =	vst.idx.msk $0xffff, v8  }
0x313: {  	s29 =	sor.u32 s7, s29;
	s11 =	sor.u32 s7, s11;
	v27 =	vld.idx.msk [tilespmem:v55+s16+$0x0], $0xffff  }
0x314: {  	[tilespmem:v22+s17+$0x0] =	vst.idx.msk $0xffff, v24;
	v48 =	vor.u32 s29, v3;
	v22 =	vor.u32 s11, v3;
	v3 =	vld [tilespmem:$0x1FC70]  }
0x315: {  	v23 =	vld.idx.msk [tilespmem:v23+s16+$0x0], $0xffff  }
0x316: {  	[tilespmem:v2+s17+$0x0] =	vst.idx.msk $0xffff, v4;
	v2 =	vld [tilespmem:$0x1FC50];
	_ =	sdelay $0x1  }
0x317: {  	v39 =	vld [tilespmem:$0x1FFC0];
	v28 =	vor.u32 s26, v52  }
0x318: {  	v49 =	vld [tilespmem:$0x1FFA0]  }
0x319: {  	v53 =	vld [tilespmem:$0x1FE40]  }
0x31a: {  	v63 =	vld [tilespmem:$0x1FF20]  }
0x31b: {  	v25 =	vor.u32 v38, v11;
	v24 =	vld.idx.msk [tilespmem:v3+s16+$0x0], $0xffff  }
0x31c: {  	v12 =	vor.u32 s24, v39;
	v8 =	vor.u32 v40, v14;
	[tilespmem:v28+s17+$0x0] =	vst.idx.msk $0xffff, v13;
	v28 =	vld [tilespmem:$0x1FE30]  }
0x31d: {  	v37 =	vor.u32 v7, v8;
	v8 =	vor.u32 v15, v8;
	v2 =	vld.idx.msk [tilespmem:v2+s16+$0x0], $0xffff  }
0x31e: {  	v3 =	vmov v8;
	[tilespmem:v1+s17+$0x0] =	vst.idx.msk $0xffff, v5;
	v1 =	vor.u32 s25, v52;
	v52 =	vld [tilespmem:$0x1FFB0]  }
0x31f: {  	[tilespmem:$0x1FC70] =	vst v3;
	v3 =	vld [tilespmem:$0x1FF90]  }
0x320: {  	v25 =	vld.idx.msk [tilespmem:v25+s16+$0x0], $0xffff  }
0x321: {  	v4 =	vmov v0;
	v0 =	vld.idx.msk [tilespmem:v61+s16+$0x0], $0xffff;
	[tilespmem:v12+s17+$0x0] =	vst.idx.msk $0xffff, v27  }
0x322: {  	v12 =	vor.u32 v15, v30;
	[tilespmem:v60+s17+$0x0] =	vst.idx.msk $0xffff, v46;
	v27 =	vld [tilespmem:$0x1FFD0]  }
0x323: {  	v46 =	vld [tilespmem:$0x1FED0];
	[tilespmem:$0x1FCB0] =	vst v12  }
0x324: {  	v32 =	vor.u32 s26, v49;
	v20 =	vor.u32 v15, v20;
	v12 =	vld.idx.msk [tilespmem:v47+s16+$0x0], $0xffff;
	[tilespmem:v48+s17+$0x0] =	vst.idx.msk $0xffff, v23  }
0x325: {  	[tilespmem:v6+s17+$0x0] =	vst.idx.msk $0xffff, v2;
	v2 =	vld [tilespmem:$0x1FC60]  }
0x326: {  	v26 =	vor.u32 v45, v57;
	v60 =	vld [tilespmem:$0x1FEE0];
	v28 =	vor.u32 v28, v50  }
0x327: {  	[tilespmem:v29+s17+$0x0] =	vst.idx.msk $0xffff, v24;
	v29 =	vld [tilespmem:$0x1FE20];
	v5 =	vor.u32 v38, v28  }
0x328: {  	v24 =	vld.idx.msk [tilespmem:v41+s16+$0x0], $0xffff  }
0x329: {  	v11 =	vor.u32 v36, v11;
	v20 =	vld.idx.msk [tilespmem:v20+s16+$0x0], $0xffff;
	[tilespmem:v32+s17+$0x0] =	vst.idx.msk $0xffff, v25;
	v25 =	vor.u32 s23, v46  }
0x32a: {  	v17 =	vor.u32 v42, v14;
	v8 =	vor.u32 v3, v44;
	v3 =	vld [tilespmem:$0x1FF10]  }
0x32b: {  	v31 =	vor.u32 v15, v17;
	[tilespmem:$0x1FC50] =	vst v4;
	v4 =	vor.u32 v7, v17;
	v17 =	vor.u32 s24, v53;
	v26 =	vld.idx.msk [tilespmem:v26+s16+$0x0], $0xffff  }
0x32c: {  	v5 =	vld.idx.msk [tilespmem:v5+s16+$0x0], $0xffff  }
0x32d: {  	v6 =	vld.idx.msk [tilespmem:v2+s16+$0x0], $0xffff;
	[tilespmem:v1+s17+$0x0] =	vst.idx.msk $0xffff, v0  }
0x32e: {  	[tilespmem:v25+s17+$0x0] =	vst.idx.msk $0xffff, v24;
	v2 =	vmov v37;
	v1 =	vld.idx.msk [tilespmem:v11+s16+$0x0], $0xffff  }
0x32f: {  	[tilespmem:$0x1FC60] =	vst v2;
	v2 =	vld [tilespmem:$0x1FD00]  }
0x330: {  	v13 =	vor.u32 s28, v3;
	[tilespmem:v17+s17+$0x0] =	vst.idx.msk $0xffff, v12;
	v12 =	vld [tilespmem:$0x1FE00]  }
0x331: {  	v23 =	vld [tilespmem:$0x1FF60];
	v59 =	vor.u32 v43, v8;
	v8 =	vor.u32 v45, v8;
	[tilespmem:v22+s17+$0x0] =	vst.idx.msk $0xffff, v20  }
0x332: {  	v41 =	vor.u32 s26, v52;
	v29 =	vor.u32 v29, v50;
	v18 =	vld.idx.msk [tilespmem:v18+s16+$0x0], $0xffff  }
0x333: {  	v0 =	vor.u32 v38, v29;
	v25 =	vld.idx.msk [tilespmem:v31+s16+$0x0], $0xffff  }
0x334: {  	v17 =	vld.idx.msk [tilespmem:v21+s16+$0x0], $0xffff  }
0x335: {  	[tilespmem:v13+s17+$0x0] =	vst.idx.msk $0xffff, v26;
	v21 =	vor.u32 v12, v2;
	v12 =	vld [tilespmem:$0x1FE90]  }
0x336: {  	v48 =	vor.u32 v7, v30;
	v55 =	vor.u32 v36, v29;
	v29 =	vor.u32 s23, v60;
	v30 =	vld.idx.msk [tilespmem:v8+s16+$0x0], $0xffff  }
0x337: {  	v62 =	vor.u32 s29, v27;
	v27 =	vor.u32 s11, v27;
	v8 =	vld [tilespmem:$0x1FF00];
	[tilespmem:v41+s17+$0x0] =	vst.idx.msk $0xffff, v5  }
0x338: {  	v11 =	vor.u32 s25, v49;
	v37 =	vld.idx.msk [tilespmem:v0+s16+$0x0], $0xffff  }
0x339: {  	v28 =	vor.u32 v36, v28;
	[tilespmem:v16+s17+$0x0] =	vst.idx.msk $0xffff, v6;
	v6 =	vld [tilespmem:$0x1FBF0]  }
0x33a: {  	v2 =	vor.u32 s29, v12;
	v20 =	vor.u32 s11, v12;
	v12 =	vld [tilespmem:$0x1FE10]  }
0x33b: {  	v57 =	vor.u32 v34, v14;
	v22 =	vor.u32 s24, v46;
	[tilespmem:v29+s17+$0x0] =	vst.idx.msk $0xffff, v18;
	v46 =	vld.idx.msk [tilespmem:v56+s16+$0x0], $0xffff  }
0x33c: {  	v9 =	vor.u32 v7, v57;
	[tilespmem:v27+s17+$0x0] =	vst.idx.msk $0xffff, v25;
	v25 =	vld [tilespmem:$0x1FE70];
	v24 =	vor.u32 v51, v21  }
0x33d: {  	[tilespmem:v11+s17+$0x0] =	vst.idx.msk $0xffff, v1;
	v56 =	vmov v9;
	v9 =	vld [tilespmem:$0x1FC00]  }
0x33e: {  	v32 =	vor.u32 s28, v63;
	v49 =	vmov v50;
	v0 =	vld.idx.msk [tilespmem:v28+s16+$0x0], $0xffff  }
0x33f: {  	v23 =	vor.u32 v23, v44;
	v26 =	vor.u32 v12, v49;
	v12 =	vld [tilespmem:$0x1FF50]  }
0x340: {  	v58 =	vor.u32 v43, v23;
	v28 =	vld [tilespmem:$0x1FE50]  }
0x341: {  	v23 =	vor.u32 v45, v23;
	v31 =	vor.u32 s26, v39;
	[tilespmem:v22+s17+$0x0] =	vst.idx.msk $0xffff, v17;
	v17 =	vld.idx.msk [tilespmem:v24+s16+$0x0], $0xffff  }
0x342: {  	v3 =	vor.u32 s3, v3;
	v24 =	vld.idx.msk [tilespmem:v19+s16+$0x0], $0xffff  }
0x343: {  	v1 =	vor.u32 s3, v8;
	[tilespmem:v32+s17+$0x0] =	vst.idx.msk $0xffff, v30;
	v32 =	vld [tilespmem:$0x1FE60];
	v47 =	vor.u32 v36, v26;
	v26 =	vor.u32 v38, v26  }
0x344: {  	p1 =	slt.u32 s1, $0x1E;
	v13 =	vor.u32 v12, v44;
	v12 =	vor.u32 s28, v8;
	v8 =	vor.u32 v10, v21;
	v21 =	vld [tilespmem:$0x1FE80]  }
.Ltmp7:
0x345: {  	v63 =	vor.u32 s3, v63;
	v50 =	vmovc v44;
	[tilespmem:$0x1FD00] =	vst v49;
	v5 =	vor.u32 s25, v52;
	v29 =	vmov v36;
	(pc) =	sbr.rel @p1 .LBB2_8-.Ltmp7, $4  }
0x346: {  	v27 =	vmov v38;
	v11 =	vor.u32 v25, v50;
	v19 =	vor.u32 s23, v28;
	v23 =	vld.idx.msk [tilespmem:v23+s16+$0x0], $0xffff;
	[tilespmem:v31+s17+$0x0] =	vst.idx.msk $0xffff, v37  }
0x347: {  	v41 =	vmovc v9;
	s23 =	smov.u32 s26;
	v9 =	vor.u32 s24, v28;
	v16 =	vld.idx.msk [tilespmem:v6+s16+$0x0], $0xffff;
	v31 =	vlaneseq.u32;
	[tilespmem:v3+s17+$0x0] =	vst.idx.msk $0xffff, v46;
	v44 =	vmovc v14;
	v14 =	vor.u32 s24, v60  }
0x348: {  	s2 =	sadd.s32 $0x4, s2;
	s26 =	smov.u32 s28;
	v36 =	vmovc v43;
	v38 =	vmovc v45;
	v60 =	vor.u32 s23, v53;
	v61 =	vor.u32 v43, v13;
	v13 =	vor.u32 v45, v13  }
0x349: {  	s28 =	smov.u32 s11;
	s24 =	smov.u32 s25;
	s25 =	smov.u32 s3;
	v43 =	vmovc v7;
	v45 =	vmovc v15;
	v7 =	vor.u32 v32, v49;
	v46 =	vld.idx.msk [tilespmem:v26+s16+$0x0], $0xffff;
	v6 =	vor.u32 s29, v21;
	v22 =	vor.u32 s11, v21  }
0x34a: {  	_ =	sdelay $0x3  }
0x34b: {  	v3 =	vld.idx.msk [tilespmem:v4+s16+$0x0], $0xffff;
	_ =	sdelay $0x4  }
0x34c: {  	[tilespmem:v62+s17+$0x0] =	vst.idx.msk $0xffff, v3  }
0x34d: {  	v3 =	vld [tilespmem:$0x1FC40];
	_ =	sdelay $0x7  }
0x34e: {  	v3 =	vld.idx.msk [tilespmem:v3+s16+$0x0], $0xffff  }
0x34f: {  	[tilespmem:v20+s17+$0x0] =	vst.idx.msk $0xffff, v24  }
0x350: {  	v54 =	vld.idx.msk [tilespmem:v54+s16+$0x0], $0xffff;
	_ =	sdelay $0x2  }
0x351: {  	[tilespmem:v2+s17+$0x0] =	vst.idx.msk $0xffff, v3  }
0x352: {  	v2 =	vld [tilespmem:$0x1FC50]  }
0x353: {  	[tilespmem:v22+s17+$0x0] =	vst.idx.msk $0xffff, v54  }
0x354: {  	v4 =	vld [tilespmem:$0x1FC70];
	_ =	sdelay $0x2  }
0x355: {  	v22 =	vld [tilespmem:$0x1FEF0];
	_ =	sdelay $0x2  }
0x356: {  	v2 =	vld.idx.msk [tilespmem:v2+s16+$0x0], $0xffff;
	_ =	sdelay $0x1  }
0x357: {  	v62 =	vor.u32 s28, v22;
	v4 =	vld.idx.msk [tilespmem:v4+s16+$0x0], $0xffff;
	_ =	sdelay $0x2  }
0x358: {  	[tilespmem:v6+s17+$0x0] =	vst.idx.msk $0xffff, v2  }
0x359: {  	v10 =	vld [tilespmem:$0x1FC60]  }
0x35a: {  	[tilespmem:v62+s17+$0x0] =	vst.idx.msk $0xffff, v4  }
0x35b: {  	v15 =	vor.u32 v45, v57;
	v24 =	vld [tilespmem:$0x1FF10];
	_ =	sdelay $0x2  }
0x35c: {  	v30 =	vld [tilespmem:$0x1FF90];
	_ =	sdelay $0x1  }
0x35d: {  	v2 =	vld.idx.msk [tilespmem:v15+s16+$0x0], $0xffff;
	v39 =	vor.u32 s28, v24  }
0x35e: {  	v18 =	vor.u32 s29, v22;
	v10 =	vld.idx.msk [tilespmem:v10+s16+$0x0], $0xffff;
	_ =	sdelay $0x1  }
0x35f: {  	v37 =	vor.u32 v30, v44  }
0x360: {  	v49 =	vor.u32 v45, v37  }
0x361: {  	[tilespmem:v39+s17+$0x0] =	vst.idx.msk $0xffff, v2  }
0x362: {  	[tilespmem:v18+s17+$0x0] =	vst.idx.msk $0xffff, v10  }
0x363: {  	v53 =	vld [tilespmem:$0x1FF20];
	_ =	sdelay $0x1  }
0x364: {  	v6 =	vld.idx.msk [tilespmem:v49+s16+$0x0], $0xffff  }
0x365: {  	v18 =	vld.idx.msk [tilespmem:v59+s16+$0x0], $0xffff  }
0x366: {  	v57 =	vor.u32 s29, v24;
	v15 =	vld.idx.msk [tilespmem:v56+s16+$0x0], $0xffff  }
0x367: {  	v3 =	vor.u32 v43, v37;
	v62 =	vld [tilespmem:$0x1FF60];
	v37 =	vor.u32 s28, v53;
	_ =	sdelay $0x1  }
0x368: {  	[tilespmem:v12+s17+$0x0] =	vst.idx.msk $0xffff, v23  }
0x369: {  	[tilespmem:v63+s17+$0x0] =	vst.idx.msk $0xffff, v18  }
0x36a: {  	[tilespmem:v57+s17+$0x0] =	vst.idx.msk $0xffff, v15  }
0x36b: {  	v59 =	vor.u32 v62, v44;
	[tilespmem:v37+s17+$0x0] =	vst.idx.msk $0xffff, v6  }
0x36c: {  	v39 =	vor.u32 v45, v59;
	v23 =	vld [tilespmem:$0x1FF00]  }
0x36d: {  	v3 =	vld.idx.msk [tilespmem:v3+s16+$0x0], $0xffff  }
0x36e: {  	v56 =	vld [tilespmem:$0x1FF50]  }
0x36f: {  	v49 =	vor.u32 s29, v53;
	v2 =	vor.u32 v43, v59;
	v59 =	vld [tilespmem:$0x1FFF0]  }
0x370: {  	v18 =	vld.idx.msk [tilespmem:v58+s16+$0x0], $0xffff  }
0x371: {  	v10 =	vld.idx.msk [tilespmem:v39+s16+$0x0], $0xffff;
	v52 =	vor.u32 s28, v23;
	_ =	sdelay $0x2  }
0x372: {  	v13 =	vld.idx.msk [tilespmem:v13+s16+$0x0], $0xffff;
	[tilespmem:v49+s17+$0x0] =	vst.idx.msk $0xffff, v3;
	v51 =	vor.u32 v56, v44;
	v54 =	vor.u32 s26, v59  }
0x373: {  	[tilespmem:v1+s17+$0x0] =	vst.idx.msk $0xffff, v18;
	v2 =	vld.idx.msk [tilespmem:v2+s16+$0x0], $0xffff;
	v63 =	vor.u32 s29, v23;
	v57 =	vor.u32 v45, v51  }
0x374: {  	[tilespmem:v52+s17+$0x0] =	vst.idx.msk $0xffff, v10  }
0x375: {  	v58 =	vor.u32 v38, v11;
	v4 =	vor.u32 v43, v51;
	v51 =	vld [tilespmem:$0x1FFA0]  }
0x376: {  	v20 =	vld.idx.msk [tilespmem:v61+s16+$0x0], $0xffff;
	v37 =	vor.u32 s25, v59  }
0x377: {  	[tilespmem:v54+s17+$0x0] =	vst.idx.msk $0xffff, v13  }
0x378: {  	v3 =	vld.idx.msk [tilespmem:v57+s16+$0x0], $0xffff;
	[tilespmem:v63+s17+$0x0] =	vst.idx.msk $0xffff, v2  }
0x379: {  	v54 =	vor.u32 s28, v59;
	v49 =	vld [tilespmem:$0x1FE30]  }
0x37a: {  	v58 =	vld.idx.msk [tilespmem:v58+s16+$0x0], $0xffff;
	v6 =	vor.u32 s26, v51  }
0x37b: {  	[tilespmem:v37+s17+$0x0] =	vst.idx.msk $0xffff, v20  }
0x37c: {  	v39 =	vor.u32 v36, v11;
	[tilespmem:v14+s17+$0x0] =	vst.idx.msk $0xffff, v16  }
0x37d: {  	[tilespmem:v19+s17+$0x0] =	vst.idx.msk $0xffff, v17  }
0x37e: {  	v52 =	vor.u32 v25, v44;
	[tilespmem:v54+s17+$0x0] =	vst.idx.msk $0xffff, v3  }
0x37f: {  	v61 =	vor.u32 v45, v52;
	v4 =	vld.idx.msk [tilespmem:v4+s16+$0x0], $0xffff;
	v57 =	vor.u32 v49, v50;
	[tilespmem:v6+s17+$0x0] =	vst.idx.msk $0xffff, v58  }
0x380: {  	v37 =	vor.u32 s29, v59;
	v63 =	vor.u32 v38, v57;
	v54 =	vld [tilespmem:$0x1FFB0]  }
0x381: {  	v11 =	vld.idx.msk [tilespmem:v39+s16+$0x0], $0xffff;
	v39 =	vor.u32 s25, v51;
	_ =	sdelay $0x2  }
0x382: {  	v10 =	vor.u32 v43, v52;
	v2 =	vor.u32 s28, v51;
	v1 =	vor.u32 v36, v57;
	v57 =	vld.idx.msk [tilespmem:v61+s16+$0x0], $0xffff  }
0x383: {  	[tilespmem:v37+s17+$0x0] =	vst.idx.msk $0xffff, v4;
	v61 =	vld.idx.msk [tilespmem:v63+s16+$0x0], $0xffff;
	v58 =	vor.u32 s26, v54  }
0x384: {  	[tilespmem:v39+s17+$0x0] =	vst.idx.msk $0xffff, v11  }
0x385: {  	v20 =	vld [tilespmem:$0x1FE20]  }
0x386: {  	v3 =	vor.u32 v49, v44;
	[tilespmem:v5+s17+$0x0] =	vst.idx.msk $0xffff, v0  }
0x387: {  	v63 =	vor.u32 v45, v3;
	v10 =	vld.idx.msk [tilespmem:v10+s16+$0x0], $0xffff;
	[tilespmem:v2+s17+$0x0] =	vst.idx.msk $0xffff, v57  }
0x388: {  	v37 =	vor.u32 s29, v51;
	v1 =	vld.idx.msk [tilespmem:v1+s16+$0x0], $0xffff;
	[tilespmem:v58+s17+$0x0] =	vst.idx.msk $0xffff, v61  }
0x389: {  	v3 =	vor.u32 v43, v3;
	v49 =	vor.u32 s25, v54;
	v18 =	vld [tilespmem:$0x1FFC0]  }
0x38a: {  	v39 =	vor.u32 v20, v50  }
0x38b: {  	v2 =	vld.idx.msk [tilespmem:v8+s16+$0x0], $0xffff;
	v0 =	vor.u32 v38, v39  }
0x38c: {  	v4 =	vld.idx.msk [tilespmem:v63+s16+$0x0], $0xffff;
	v5 =	vor.u32 v36, v39  }
0x38d: {  	v57 =	vor.u32 s28, v54;
	v52 =	vor.u32 v20, v44;
	v61 =	vld.idx.msk [tilespmem:v55+s16+$0x0], $0xffff;
	[tilespmem:v37+s17+$0x0] =	vst.idx.msk $0xffff, v10  }
0x38e: {  	v63 =	vor.u32 v45, v52;
	[tilespmem:v49+s17+$0x0] =	vst.idx.msk $0xffff, v1;
	v16 =	vld.idx.msk [tilespmem:v3+s16+$0x0], $0xffff;
	v58 =	vor.u32 s24, v18  }
0x38f: {  	v17 =	vor.u32 s29, v54;
	v19 =	vld [tilespmem:$0x1FE10]  }
0x390: {  	v0 =	vld.idx.msk [tilespmem:v0+s16+$0x0], $0xffff;
	v39 =	vor.u32 s26, v18  }
0x391: {  	[tilespmem:v9+s17+$0x0] =	vst.idx.msk $0xffff, v2;
	v5 =	vld.idx.msk [tilespmem:v5+s16+$0x0], $0xffff;
	v55 =	vor.u32 s25, v18  }
0x392: {  	[tilespmem:v57+s17+$0x0] =	vst.idx.msk $0xffff, v4  }
0x393: {  	v10 =	vld.idx.msk [tilespmem:v63+s16+$0x0], $0xffff;
	[tilespmem:v58+s17+$0x0] =	vst.idx.msk $0xffff, v61;
	v61 =	vor.u32 s28, v18  }
0x394: {  	[tilespmem:v17+s17+$0x0] =	vst.idx.msk $0xffff, v16  }
0x395: {  	v6 =	vor.u32 v43, v52;
	v13 =	vld [tilespmem:$0x1FE40];
	[tilespmem:v39+s17+$0x0] =	vst.idx.msk $0xffff, v0  }
0x396: {  	v37 =	vor.u32 v19, v50;
	[tilespmem:v55+s17+$0x0] =	vst.idx.msk $0xffff, v5  }
0x397: {  	v52 =	vor.u32 v38, v37;
	[tilespmem:v60+s17+$0x0] =	vst.idx.msk $0xffff, v46  }
0x398: {  	v57 =	vor.u32 v36, v37;
	[tilespmem:v61+s17+$0x0] =	vst.idx.msk $0xffff, v10  }
0x399: {  	v16 =	vld [tilespmem:$0x1FED0]  }
0x39a: {  	v6 =	vld.idx.msk [tilespmem:v6+s16+$0x0], $0xffff;
	v39 =	vor.u32 s29, v18  }
0x39b: {  	v12 =	vld.idx.msk [tilespmem:v47+s16+$0x0], $0xffff;
	v63 =	vor.u32 s24, v13  }
0x39c: {  	v2 =	vld.idx.msk [tilespmem:v52+s16+$0x0], $0xffff;
	v47 =	vor.u32 s26, v13  }
0x39d: {  	v4 =	vld.idx.msk [tilespmem:v57+s16+$0x0], $0xffff;
	v49 =	vor.u32 s25, v13  }
0x39e: {  	v52 =	vld.idx.msk [tilespmem:v41+s16+$0x0], $0xffff;
	v55 =	vor.u32 s23, v16  }
0x39f: {  	[tilespmem:v39+s17+$0x0] =	vst.idx.msk $0xffff, v6  }
0x3a0: {  	[tilespmem:v63+s17+$0x0] =	vst.idx.msk $0xffff, v12  }
0x3a1: {  	v0 =	vld [tilespmem:$0x1FC10];
	[tilespmem:v47+s17+$0x0] =	vst.idx.msk $0xffff, v2  }
0x3a2: {  	v58 =	vor.u32 v19, v44;
	[tilespmem:v49+s17+$0x0] =	vst.idx.msk $0xffff, v4  }
0x3a3: {  	v37 =	vor.u32 v45, v58;
	v4 =	vld [tilespmem:$0x1FC20];
	[tilespmem:v55+s17+$0x0] =	vst.idx.msk $0xffff, v52  }
0x3a4: {  	v9 =	vld [tilespmem:$0x1FC30]  }
0x3a5: {  	v8 =	vor.u32 v43, v58;
	_ =	sdelay $0x2  }
0x3a6: {  	v57 =	vld.idx.msk [tilespmem:v37+s16+$0x0], $0xffff;
	v58 =	vor.u32 s28, v13  }
0x3a7: {  	v60 =	vor.u32 s24, v16;
	v0 =	vld.idx.msk [tilespmem:v0+s16+$0x0], $0xffff  }
0x3a8: {  	v61 =	vld.idx.msk [tilespmem:v8+s16+$0x0], $0xffff;
	v63 =	vor.u32 s29, v13  }
0x3a9: {  	v12 =	vor.u32 s26, v16;
	v4 =	vld.idx.msk [tilespmem:v4+s16+$0x0], $0xffff  }
0x3aa: {  	v13 =	vor.u32 s25, v16;
	v9 =	vld.idx.msk [tilespmem:v9+s16+$0x0], $0xffff  }
0x3ab: {  	[tilespmem:v58+s17+$0x0] =	vst.idx.msk $0xffff, v57  }
0x3ac: {  	[tilespmem:v60+s17+$0x0] =	vst.idx.msk $0xffff, v0  }
0x3ad: {  	v6 =	vld [tilespmem:$0x1FCB0];
	[tilespmem:v63+s17+$0x0] =	vst.idx.msk $0xffff, v61  }
0x3ae: {  	v37 =	vor.u32 v27, v7;
	[tilespmem:v12+s17+$0x0] =	vst.idx.msk $0xffff, v4  }
0x3af: {  	[tilespmem:v13+s17+$0x0] =	vst.idx.msk $0xffff, v9  }
0x3b0: {  	v14 =	vor.u32 v29, v7;
	v10 =	vld [tilespmem:$0x1FD00]  }
0x3b1: {  	v46 =	vor.u32 v32, v50;
	v58 =	vld [tilespmem:$0x1FE00]  }
0x3b2: {  	v0 =	vor.u32 v38, v46;
	v17 =	vld [tilespmem:$0x1FEE0]  }
0x3b3: {  	v49 =	vor.u32 v36, v46;
	v3 =	vld.idx.msk [tilespmem:v37+s16+$0x0], $0xffff  }
0x3b4: {  	v52 =	vor.u32 v32, v44;
	v55 =	vor.u32 s29, v16;
	v5 =	vld.idx.msk [tilespmem:v48+s16+$0x0], $0xffff  }
0x3b5: {  	v4 =	vor.u32 v43, v52;
	v1 =	vld.idx.msk [tilespmem:v14+s16+$0x0], $0xffff  }
0x3b6: {  	v47 =	vor.u32 s28, v16;
	v6 =	vld.idx.msk [tilespmem:v6+s16+$0x0], $0xffff  }
0x3b7: {  	v57 =	vor.u32 v45, v52;
	v0 =	vld.idx.msk [tilespmem:v0+s16+$0x0], $0xffff;
	v10 =	vor.u32 v58, v10;
	v60 =	vor.u32 s23, v17  }
0x3b8: {  	v2 =	vld.idx.msk [tilespmem:v49+s16+$0x0], $0xffff;
	v63 =	vor.u32 s24, v17;
	v61 =	vor.u32 v27, v10  }
0x3b9: {  	[tilespmem:v55+s17+$0x0] =	vst.idx.msk $0xffff, v5;
	v19 =	vor.u32 v58, v50;
	v37 =	vor.u32 s26, v17;
	v10 =	vor.u32 v29, v10  }
0x3ba: {  	v4 =	vld.idx.msk [tilespmem:v4+s16+$0x0], $0xffff;
	v39 =	vor.u32 s25, v17;
	v38 =	vor.u32 v38, v19  }
0x3bb: {  	v41 =	vor.u32 v58, v44;
	v12 =	vor.u32 v36, v19;
	[tilespmem:v47+s17+$0x0] =	vst.idx.msk $0xffff, v6;
	v47 =	vor.u32 s29, v17  }
0x3bc: {  	v44 =	vor.u32 s28, v17;
	v49 =	vor.u32 v43, v41;
	v9 =	vld.idx.msk [tilespmem:v57+s16+$0x0], $0xffff;
	[tilespmem:v60+s17+$0x0] =	vst.idx.msk $0xffff, v3  }
0x3bd: {  	v50 =	vor.u32 s23, v28;
	v46 =	vor.u32 v45, v41;
	[tilespmem:v63+s17+$0x0] =	vst.idx.msk $0xffff, v1;
	v48 =	vld.idx.msk [tilespmem:v61+s16+$0x0], $0xffff  }
0x3be: {  	v52 =	vor.u32 s24, v28;
	[tilespmem:v37+s17+$0x0] =	vst.idx.msk $0xffff, v0;
	v10 =	vld.idx.msk [tilespmem:v10+s16+$0x0], $0xffff  }
0x3bf: {  	v57 =	vor.u32 s26, v28;
	[tilespmem:v39+s17+$0x0] =	vst.idx.msk $0xffff, v2;
	v55 =	vld.idx.msk [tilespmem:v38+s16+$0x0], $0xffff  }
0x3c0: {  	v58 =	vor.u32 s25, v28;
	v60 =	vld.idx.msk [tilespmem:v12+s16+$0x0], $0xffff;
	[tilespmem:v47+s17+$0x0] =	vst.idx.msk $0xffff, v4  }
0x3c1: {  	v63 =	vor.u32 s29, v28;
	[tilespmem:v44+s17+$0x0] =	vst.idx.msk $0xffff, v9;
	v6 =	vld.idx.msk [tilespmem:v49+s16+$0x0], $0xffff  }
0x3c2: {  	v61 =	vor.u32 s28, v28;
	v3 =	vld.idx.msk [tilespmem:v46+s16+$0x0], $0xffff;
	[tilespmem:v50+s17+$0x0] =	vst.idx.msk $0xffff, v48  }
0x3c3: {  	[tilespmem:v52+s17+$0x0] =	vst.idx.msk $0xffff, v10  }
0x3c4: {  	[tilespmem:v57+s17+$0x0] =	vst.idx.msk $0xffff, v55  }
0x3c5: {  	[tilespmem:v58+s17+$0x0] =	vst.idx.msk $0xffff, v60  }
0x3c6: {  	[tilespmem:v63+s17+$0x0] =	vst.idx.msk $0xffff, v6  }
0x3c7: {  	[tilespmem:v61+s17+$0x0] =	vst.idx.msk $0xffff, v3  }
.Ltmp8:
0x3c8: {  	v27 =	vld [tilespmem:$0x1FF70];
	(pc) =	sbr.rel .LBB2_10-.Ltmp8, $4  }
0x3c9: {  	v29 =	vld [tilespmem:$0x1FF80]  }
0x3ca: {  	s1 =	sshll.u32 s22, $0xA;
	v58 =	vld [tilespmem:$0x1FFE0]  }
0x3cb: {  	s1 =	sadd.s32 s6, s1;
	v52 =	vld [tilespmem:$0x1FFD0]  }
0x3cc: {  	v43 =	vmov v18;
	v49 =	vmov v53;
	[hbm4b:s1+s4] =	stream.linear.scatter [tilespmem:s17], [sflag:$0x4], $0x2000, $0x38;
	v37 =	vld [tilespmem:$0x1FE90]  }
.LBB2_12:
0x3cd: {  	_ =	sfence.sel $0x180000  }
0x3ce: {  	[bflag:$0x0] =	sbarrier.arrive $0xFFFF  }
0x3cf: {  	_ =	strace $0x90000047  }
0x3d0: {  	s0 =	stileid.u32;
	[bflag:$0x2] =	sbarrier.arrive $0xFFFF  }
0x3d1: {  	p0 =	sne.s32 s0, $0x0;
	s0 =	rddreg [dreg:$0x3]  }
0x3d2: {  	s0 =	sadd.s32 @!p0 $0x100000, s0  }
0x3d3: {  	[sflag:s0] =	ssyncadd.tile.s32 @!p0 $0x1;
	_ =	shalt  }
.Lfunc_end2:
_tile_overlayer_lowered:
.L_overlay_start_2:
0x3d4: {  	(tag) =	ssettag $0x2  }
0x3d5: {  	s0 =	rddreg [dreg:$0x0];
	s2 =	stileid.u32  }
0x3d6: {  	s1 =	rddreg [dreg:$0x1];
	p0 =	sne.s32 s2, $0x0  }
0x3d7: {  	s3 =	rddreg [dreg:$0x2];
	[bflag:$0x3] =	sbarrier.arrive $0xFFFF;
	s2 =	simm.s32 @!p0 $0x1C05  }
0x3d8: {  	[timem:s3], [sflag:s2] =	dma.local @!p0 [hbm:s0], s1  }
0x3d9: {  	s0 =	simm.s32 @!p0 $0x5  }
0x3da: {  	_ =	swait.ge @!p0 [sflag:s0], s1  }
0x3db: {  	s1 =	ssub.s32 @!p0 $0x0, s1;
	[sflag:s0] =	ssyncset.done @!p0 $0x0  }
0x3dc: {  	[sflag:s0] =	ssyncadd.s32 @!p0 s1  }
0x3dd: {  	[bflag:$0x3] =	sbarrier.arrive $0xFFFF  }
0x3de: {  	_ =	shalt  }

// kernel: _embed.7.cloned.1.call-start
scs
__scs_entry_jumppad:
0x0: {  	(pc) =	sbr.rel $0x88, $3  }
0x1: {  	(tag) =	ssettag $0x0;
	lr =	simm.s32 $0x1  }
0x2: {  	[smem:$0x3F9F] =	sst lr;
	_ =	strace $0xD0000000  }
0x3: {  	_ = 	snop  }
0x4: {  	_ = 	snop  }
0x5: {  	_ = 	snop  }
0x6: {  	_ = 	snop  }
0x7: {  	_ = 	snop  }
__scs_overlays_trampoline_lowered:
0x8: {  	[smem:$0x3FAE] =	sst s0  }
0x9: {  	[smem:$0x3FAF] =	sst s1  }
0xa: {  	[smem:$0x3FB0] =	sst s2  }
0xb: {  	[smem:$0x3FB1] =	sst s3  }
0xc: {  	[smem:$0x3FB2] =	sst s4  }
0xd: {  	[smem:$0x3FB3] =	sst s5  }
0xe: {  	[smem:$0x3FB4] =	sst s6  }
0xf: {  	[smem:$0x3FB5] =	sst s7  }
0x10: {  	[smem:$0x3FB6] =	sst s8  }
0x11: {  	[smem:$0x3FB7] =	sst s9;
	s0 =	simm.s32 @!p0 $0x0  }
0x12: {  	s1 =	sld [smem:$0x3F9D];
	s0 =	simm.s32 @p0 $0x1  }
0x13: {  	[smem:$0x3FB8] =	sst s0;
	s0 =	simm.s32 @!p1 $0x0  }
0x14: {  	s2 =	sld [smem:$0x3F9C];
	s0 =	simm.s32 @p1 $0x1  }
0x15: {  	[smem:$0x3FB9] =	sst s0;
	s0 =	simm.s32 @!p2 $0x0  }
0x16: {  	s3 =	sld [smem:$0x3FDB];
	s0 =	simm.s32 @p2 $0x1  }
0x17: {  	s4 =	simm.s32 $0x1BF5;
	[smem:$0x3FBB] =	sst s0  }
0x18: {  	s0 =	sld [smem:$0x3F9E];
	_ =	swait.ge [sflag:s4], $0x0  }
0x19: {  	s7 =	sld [smem:$0x3F9F]  }
0x1a: {  	s8 =	sadd.s32 $0xFFFFE003, lr  }
0x1b: {  	s9 =	sadd.s32 $0xFFFFFEF7, lr;
	s5 =	simm.s32 $0xFFFFFFFF;
	p2 =	slt.u32 s8, $0xFFFFF086  }
0x1c: {  	p1 =	slt.u32 s9, $0xF7A;
	s5 =	simm.s32 @!p2 $0x0  }
0x1d: {  	s5 =	simm.s32 @p1 $0x1;
	p0 =	seq.s32 s7, s2  }
0x1e: {  	s7 =	smul.u32 @!p0 $0xF7A, s2;
	p2 =	seq.s32 @!p0 s5, $0x0  }
0x1f: {  	s9 =	smul.u32 $0xF7A, s1;
	s8 =	simm.s32 @!p0 $0x1BF5;
	p2 =	por !p2, p0  }
0x20: {  	[sflag:s8] =	ssyncset.s32 @!p0 $0xFFFFF086;
	s6 =	sadd.s32 @!p0 s3, s7;
	s7 =	simm.s32 @!p0 $0x108  }
0x21: {  	s3 =	sadd.s32 s3, s9;
	s6 =	sadd.s32 @!p0 $0x88, s6;
	s7 =	simm.s32 @p2 $0x1082  }
0x22: {  	[simem:s7], [sflag:s8] =	dma.local @!p0 [hbm:s6], $0xF7A  }
0x23: {  	s9 =	sor.u32 $0xD0000000, s2;
	s6 =	simm.s32 $0x108;
	_ =	swait.ge @!p0 [sflag:s8], $0x0  }
0x24: {  	s3 =	sadd.s32 $0x88, s3;
	s6 =	simm.s32 @!p1 $0x1082;
	[sflag:s4] =	ssyncset.s32 $0xFFFFF086  }
0x25: {  	[simem:s6], [sflag:s4] =	dma.local [hbm:s3], $0xF7A  }
0x26: {  	[smem:$0x3F9F] =	sst s1;
	(tag) =	ssettag s2;
	_ =	strace s9  }
0x27: {  	s1 =	sld [smem:$0x3FAF]  }
0x28: {  	s2 =	sld [smem:$0x3FB0]  }
0x29: {  	s4 =	sld [smem:$0x3FB2]  }
0x2a: {  	p0 =	seq.s32 s5, $0x0;
	s5 =	sld [smem:$0x3FB3]  }
0x2b: {  	s6 =	sld [smem:$0x3FB4]  }
0x2c: {  	s7 =	sld [smem:$0x3FB5]  }
0x2d: {  	s3 =	simm.s32 $0x108;
	s8 =	sld [smem:$0x3FB6]  }
0x2e: {  	s3 =	simm.s32 @!p0 $0x1082;
	s9 =	sld [smem:$0x3FB7]  }
0x2f: {  	lr =	sadd.s32 s0, s3;
	s0 =	sld [smem:$0x3FAE]  }
0x30: {  	s3 =	sld [smem:$0x3FB1]  }
0x31: {  	[smem:$0x3FBA] =	sst s10  }
0x32: {  	s10 =	sld [smem:$0x3FB8];
	_ =	sdelay $0x3  }
0x33: {  	p0 =	seq.s32 s10, $0x1;
	s10 =	sld [smem:$0x3FBA];
	_ =	sdelay $0x3  }
0x34: {  	[smem:$0x3FBA] =	sst s10  }
0x35: {  	s10 =	sld [smem:$0x3FB9];
	_ =	sdelay $0x3  }
0x36: {  	p1 =	seq.s32 s10, $0x1;
	s10 =	sld [smem:$0x3FBA];
	_ =	sdelay $0x3  }
0x37: {  	[smem:$0x3FBA] =	sst s10  }
0x38: {  	s10 =	sld [smem:$0x3FBB]  }
0x39: {  	_ = 	snop;
	(pc) =	sbr.ind lr, $3  }
0x3a: {  	_ = 	snop  }
0x3b: {  	_ = 	snop  }
0x3c: {  	p2 =	seq.s32 s10, $0x1;
	s10 =	sld [smem:$0x3FBA]  }
0x3d: {  	_ =	shalt  }
0x3e: {  	_ =	shalt  }
0x3f: {  	_ =	shalt  }
0x40: {  	_ =	shalt  }
0x41: {  	_ =	shalt  }
0x42: {  	_ =	shalt  }
0x43: {  	_ =	shalt  }
0x44: {  	_ =	shalt  }
0x45: {  	_ =	shalt  }
0x46: {  	_ =	shalt  }
0x47: {  	_ =	shalt  }
0x48: {  	_ =	shalt  }
0x49: {  	_ =	shalt  }
0x4a: {  	_ =	shalt  }
0x4b: {  	_ =	shalt  }
0x4c: {  	_ =	shalt  }
0x4d: {  	_ =	shalt  }
0x4e: {  	_ =	shalt  }
0x4f: {  	_ =	shalt  }
0x50: {  	_ =	shalt  }
0x51: {  	_ =	shalt  }
0x52: {  	_ =	shalt  }
0x53: {  	_ =	shalt  }
0x54: {  	_ =	shalt  }
0x55: {  	_ =	shalt  }
0x56: {  	_ =	shalt  }
0x57: {  	_ =	shalt  }
0x58: {  	_ =	shalt  }
0x59: {  	_ =	shalt  }
0x5a: {  	_ =	shalt  }
0x5b: {  	_ =	shalt  }
0x5c: {  	_ =	shalt  }
0x5d: {  	_ =	shalt  }
0x5e: {  	_ =	shalt  }
0x5f: {  	_ =	shalt  }
0x60: {  	_ =	shalt  }
0x61: {  	_ =	shalt  }
0x62: {  	_ =	shalt  }
0x63: {  	_ =	shalt  }
0x64: {  	_ =	shalt  }
0x65: {  	_ =	shalt  }
0x66: {  	_ =	shalt  }
0x67: {  	_ =	shalt  }
0x68: {  	_ =	shalt  }
0x69: {  	_ =	shalt  }
0x6a: {  	_ =	shalt  }
0x6b: {  	_ =	shalt  }
0x6c: {  	_ =	shalt  }
0x6d: {  	_ =	shalt  }
0x6e: {  	_ =	shalt  }
0x6f: {  	_ =	shalt  }
0x70: {  	_ =	shalt  }
0x71: {  	_ =	shalt  }
0x72: {  	_ =	shalt  }
0x73: {  	_ =	shalt  }
0x74: {  	_ =	shalt  }
0x75: {  	_ =	shalt  }
0x76: {  	_ =	shalt  }
0x77: {  	_ =	shalt  }
0x78: {  	_ =	shalt  }
0x79: {  	_ =	shalt  }
0x7a: {  	_ =	shalt  }
0x7b: {  	_ =	shalt  }
0x7c: {  	_ =	shalt  }
0x7d: {  	_ =	shalt  }
0x7e: {  	_ =	shalt  }
0x7f: {  	_ =	shalt  }
0x80: {  	_ =	shalt  }
0x81: {  	_ =	shalt  }
0x82: {  	_ =	shalt  }
0x83: {  	_ =	shalt  }
0x84: {  	_ =	shalt  }
0x85: {  	_ =	shalt  }
0x86: {  	_ =	shalt  }
0x87: {  	_ =	shalt  }
.Lfunc_end0:
.L_simem_size_0:
called_computation.1_lowered:
.L_overlay_start_0:
0x88: {  	s2 =	sld [smem:$0x3FD9]  }
0x89: {  	s3 =	sld [smem:$0x3FFE];
	_ =	sdelay $0x1  }
0x8a: {  	s1 =	srdreg.scid  }
0x8b: {  	s0 =	sand.u32 $0x1, s1  }
0x8c: {  	s17 =	sshll.u32 s0, $0xA;
	s2 =	sadd.s32 s3, s2  }
0x8d: {  	s2 =	sadd.s32 s2, s17  }
0x8e: {  	[smem:$0x3FC6] =	sst s2  }
0x8f: {  	_ = 	snop  }
0x90: {  	s2 =	sld [smem:$0x3FD0];
	(tm) =	ssettm $0x1  }
0x91: {  	s18 =	sld [smem:$0x3FFB];
	_ =	sdelay $0x3  }
0x92: {  	_ =	strace s18  }
0x93: {  	s3 =	sld [smem:$0x3FFC];
	_ =	sdelay $0x3  }
0x94: {  	_ =	strace s3  }
0x95: {  	s3 =	sld [smem:$0x3FFD];
	_ =	sdelay $0x3  }
0x96: {  	_ =	strace s3  }
0x97: {  	_ =	strace $0x8FFFFFFF  }
0x98: {  	s19 =	sld [smem:$0x3FDB];
	_ =	sdelay $0x1  }
0x99: {  	s4 =	simm.s32 $_scs_section_size  }
0x9a: {  	s5 =	simm.s32 $_size__tile_overlayer_lowered;
	s6 =	simm.s32 $_tile_overlayer_lowered  }
0x9b: {  	s22 =	simm.s32 $0x1BFF;
	s21 =	sshll.u32 s6, $0x1;
	s3 =	sadd.s32 s4, s19  }
0x9c: {  	s7 =	simm.s32 $0x0;
	s20 =	sshll.u32 s5, $0x1;
	s5 =	sadd.s32 s21, s3  }
0x9d: {  	[timem:s7], [sflag:s22] =	dma.local [hbm:s5], s20  }
0x9e: {  	_ =	swait.ge [sflag:s22], s20  }
0x9f: {  	s4 =	ssub.s32 $0x0, s20;
	[sflag:s22] =	ssyncset.done $0x0  }
0xa0: {  	[sflag:s22] =	ssyncadd.s32 s4;
	_ =	sdelay $0x1  }
0xa1: {  	s23 =	simm.s32 $0x1B8B  }
0xa2: {  	_ =	swait.ge [sflag:s23], $0x1  }
0xa3: {  	[sflag:s23] =	ssyncset.done $0x0  }
0xa4: {  	s25 =	simm.s32 $0x1B8E;
	s24 =	sld [smem:$0x3FFE];
	[sflag:s23] =	ssyncadd.s32 $0xFFFFFFFF  }
0xa5: {  	s26 =	simm.s32 $execute0_lowered;
	[smem:$0x3FD2] =	sst s25  }
0xa6: {  	s5 =	sshll.u32 s26, $0x1;
	_ =	strace $0x80000049;
	[dreg:$0x1] =	wrdreg $0xFFFFFFFF  }
0xa7: {  	s28 =	simm.s32 $_size_execute0_lowered;
	s3 =	sadd.s32 s3, s5;
	[dreg:$0x0] =	wrdreg $0x0  }
0xa8: {  	s5 =	sshll.u32 s28, $0x1;
	[dreg:$0x2] =	wrdreg s3  }
0xa9: {  	[dreg:$0x3] =	wrdreg s5  }
0xaa: {  	[dreg:$0x4] =	wrdreg $0xC0  }
0xab: {  	_ =	task [dreg:s7], $0x5FFFF  }
0xac: {  	[dreg:$0x1] =	wrdreg $0xFFFFFFFF  }
0xad: {  	[dreg:$0x0] =	wrdreg $0x60  }
0xae: {  	[dreg:$0x2] =	wrdreg s24  }
0xaf: {  	[dreg:$0x3] =	wrdreg s2  }
0xb0: {  	[dreg:$0x4] =	wrdreg $0x9  }
0xb1: {  	_ =	task.clear_ibuf [dreg:s7], $0x5FFFF;
	_ =	strace $0x90000049  }
0xb2: {  	s29 =	simm.s32 $0x9;
	_ =	strace $0x8000004B  }
0xb3: {  	_ =	swait.ge [sflag:s29], $0x1  }
0xb4: {  	[sflag:s29] =	ssyncadd.s32 $0xFFFFFFFF  }
0xb5: {  	_ =	strace $0x9000004B  }
0xb6: {  	_ =	sfence  }
0xb7: {  	s30 =	sld [smem:$0x0];
	_ =	sdelay $0x2  }
0xb8: {  	s31 =	sshll.u32 s1, $0xD;
	s1 =	sshrl.u32 s1, $0x2  }
0xb9: {  	s3 =	sand.u32 $0x4000, s31;
	s1 =	sadd.s32 s1, s30  }
0xba: {  	s0 =	sor.u32 s3, s0;
	s1 =	sshll.u32 s1, $0x11  }
0xbb: {  	s0 =	sor.u32 s1, s0  }
0xbc: {  	s0 =	sadd.s32 $0x8F2B, s0  }
0xbd: {  	[sflag:s0] =	ssyncadd.remote.s32 $0x1  }
0xbe: {  	_ =	sfence.sel $0xFFFF  }
0xbf: {  	[dreg:$0x0] =	wrdreg $0xFFFFFFFF;
	(pc) =	sbr.abs _section_cstart, $3  }
0xc0: {  	[dreg:$0x1] =	wrdreg $0xFFFFFFFF  }
0xc1: {  	_ =	task.clear_ibuf [dreg:s7], $0x2FFFF;
	_ =	strace $0x9FFFFFFF  }
0xc2: {  	(tm) =	ssettm $0x7FFFFFFF  }
0xc3: {  	_ =	shalt  }
tec
execute0_lowered:
.L_overlay_start_1:
0x0: {  	(tag) =	ssettag $0x1  }
0x1: {  	s0 =	rddreg [dreg:$0x0]  }
0x2: {  	s1 =	srdreg.scid;
	s3 =	stileid.u32;
	v0 =	vlaneseq.u32  }
0x3: {  	s2 =	rddreg [dreg:$0x1];
	s16 =	simm.s32 $0x80;
	s19 =	simm.s32 $0x1;
	v0 =	vmul.u32 $0x88, v0  }
0x4: {  	s20 =	simm.s32 $0xA400;
	s14 =	simm.s32 $0x4;
	s15 =	simm.s32 $0xC600;
	v1 =	vimm.s32 $0x0;
	vm0 =	vcmask $0x300  }
0x5: {  	s17 =	simm.s32 $0xE448;
	s18 =	simm.s32 $0xE4D0;
	s21 =	simm.s32 $0xE558;
	v1 =	vsel vm0, $0x3, v1;
	v2 =	vadd.s32 $0x880, v0  }
0x6: {  	s22 =	simm.s32 $0xE5E0;
	s23 =	simm.s32 $0xE668;
	s24 =	simm.s32 $0xE6F0;
	v3 =	vadd.s32 $0x1100, v0;
	v4 =	vadd.s32 $0x1980, v0;
	v5 =	vor.u32 $0x1, v0  }
0x7: {  	s25 =	simm.s32 $0xE778;
	s1 =	sand.u32 $0x1, s1;
	s4 =	sshll.u32 s3, $0x1;
	v6 =	vadd.s32 $0x881, v0;
	v7 =	vadd.s32 $0x1101, v0;
	v8 =	vadd.s32 $0x1981, v0  }
0x8: {  	s3 =	simm.s32 $0x0;
	s8 =	sadd.s32 $0x2000, s2;
	s9 =	sadd.s32 $0x3000, s2;
	v9 =	vor.u32 $0x2, v0;
	v10 =	vadd.s32 $0x882, v0;
	v11 =	vadd.s32 $0x1102, v0  }
0x9: {  	s10 =	sadd.s32 $0x4000, s2;
	s11 =	sadd.s32 $0x5000, s2;
	s12 =	sadd.s32 $0x6000, s2;
	v12 =	vadd.s32 $0x1982, v0;
	v13 =	vor.u32 $0x3, v0;
	v14 =	vadd.s32 $0x883, v0  }
0xa: {  	s13 =	sadd.s32 $0x7000, s2;
	s5 =	sor.u32 s1, s4;
	s1 =	ssub.s32 $0x2, s1;
	v15 =	vadd.s32 $0x1103, v0;
	v16 =	vadd.s32 $0x1983, v0;
	v17 =	vor.u32 $0x4, v0  }
0xb: {  	[smem:$0x7FF] =	sst s3;
	s4 =	smul.u32 $0xC80, s5;
	s6 =	sshrl.u32 s1, $0x1;
	v18 =	vadd.s32 $0x884, v0;
	v19 =	vadd.s32 $0x1104, v0;
	v20 =	vadd.s32 $0x1984, v0  }
0xc: {  	_ =	strace $0x8000004A;
	s5 =	smul.u32 $0xC8, s5;
	v21 =	vor.u32 $0x5, v0;
	v22 =	vadd.s32 $0x885, v0;
	v23 =	vadd.s32 $0x1105, v0;
	s30 =	ssub.s32 s1, s6  }
0xd: {  	v24 =	vadd.s32 $0x1985, v0;
	v25 =	vor.u32 $0x6, v0;
	v26 =	vadd.s32 $0x886, v0;
	s7 =	sadd.s32 s4, s0;
	s4 =	sadd.s32 $0xA00, s0;
	s0 =	smax.u32 s30, $0x1  }
0xe: {  	v27 =	vadd.s32 $0x1106, v0;
	v28 =	vadd.s32 $0x1986, v0;
	v29 =	vor.u32 $0x7, v0;
	s6 =	simm.s32 $0x2;
	s31 =	sadd.s32 $0x7A1C00, s7;
	[dreg:$0x4] =	wrdreg s0  }
0xf: {  	v30 =	vadd.s32 $0x887, v0;
	v31 =	vadd.s32 $0x1107, v0;
	v32 =	vadd.s32 $0x1987, v0;
	s1 =	simm.s32 $0x0;
	s7 =	sadd.s32 $0x1000, s2;
	[dreg:$0x3] =	wrdreg s31  }
.LBB2_1:
0x10: {  	[dreg:$0x5] =	wrdreg s1  }
0x11: {  	s0 =	rddreg [dreg:$0x3];
	s30 =	simm.s32 $0x5  }
0x12: {  	[tilespmem:s3], [sflag:$0x5] =	stream.linear.gather [hbm4b:s0+s3], $0x6400, $0x38;
	[tilespmem:$0xE800] =	vst v63  }
0x13: {  	_ =	swait.ge [sflag:s30], $0x6400  }
0x14: {  	[sflag:s30] =	ssyncset.done $0x0  }
0x15: {  	s31 =	simm.s32 $0x6400;
	s26 =	simm.s32 $0x0;
	[sflag:s30] =	ssyncadd.s32 $0xFFFF9C00  }
0x16: {  	[tilespmem:s31], [sflag:$0x1] =	stream.indirect.gather [hbm4b:s4+s16], $0x40, s3, s16, $0xb8;
	[tilespmem:$0xE800] =	vst v63  }
.LBB2_2:
0x17: {  	s28 =	sshllo.u32 s26, $0x1  }
0x18: {  	s1 =	sshll.u32 s28, $0x7  }
0x19: {  	s0 =	simm.s32 $0x8400;
	s1 =	sand.u32 $0x3FFFFF80, s1  }
0x1a: {  	[tilespmem:s0], [sflag:$0x2] =	stream.indirect.gather [hbm4b:s4+s16], $0x40, s1, s16, $0xb8;
	[tilespmem:$0xE800] =	vst v63  }
0x1b: {  	_ =	swait.ge [sflag:s19], $0x2000  }
0x1c: {  	p0 =	seq.s32 s26, $0x0;
	[sflag:s19] =	ssyncset.done $0x0  }
0x1d: {  	s1 =	simm.s32 @!p0 $0x3;
	[sflag:s19] =	ssyncadd.s32 $0xFFFFE000  }
0x1e: {  	_ =	swait.ge @!p0 [sflag:s1], $0x400  }
0x1f: {  	[sflag:s1] =	ssyncset.done @!p0 $0x0  }
0x20: {  	[sflag:s1] =	ssyncadd.s32 @!p0 $0xFFFFFC00  }
0x21: {  	_ =	swait.ge @!p0 [sflag:s1], $0x400  }
0x22: {  	[sflag:s1] =	ssyncset.done @!p0 $0x0  }
0x23: {  	[sflag:s1] =	ssyncadd.s32 @!p0 $0xFFFFFC00  }
0x24: {  	_ =	swait.ge @!p0 [sflag:s1], $0x400  }
0x25: {  	[sflag:s1] =	ssyncset.done @!p0 $0x0  }
0x26: {  	[sflag:s1] =	ssyncadd.s32 @!p0 $0xFFFFFC00  }
0x27: {  	_ =	swait.ge @!p0 [sflag:s1], $0x400  }
0x28: {  	[sflag:s1] =	ssyncset.done @!p0 $0x0  }
0x29: {  	[sflag:s1] =	ssyncadd.s32 @!p0 $0xFFFFFC00  }
0x2a: {  	_ =	swait.ge @!p0 [sflag:s1], $0x400  }
0x2b: {  	[sflag:s1] =	ssyncset.done @!p0 $0x0  }
0x2c: {  	[sflag:s1] =	ssyncadd.s32 @!p0 $0xFFFFFC00  }
0x2d: {  	_ =	swait.ge @!p0 [sflag:s1], $0x400  }
0x2e: {  	s29 =	simm.s32 $0x0;
	s30 =	simm.s32 $0x2;
	[sflag:s1] =	ssyncset.done @!p0 $0x0  }
0x2f: {  	s31 =	simm.s32 $0x7;
	v33 =	vmov s29;
	s29 =	simm.s32 $0x1;
	v35 =	vmov s30;
	[sflag:s1] =	ssyncadd.s32 @!p0 $0xFFFFFC00  }
0x30: {  	s30 =	simm.s32 $0x4;
	v38 =	vmov s31;
	v33 =	vshrl.u32 v33, $0x3;
	v34 =	vmov s29;
	_ =	swait.ge @!p0 [sflag:s1], $0x400  }
0x31: {  	s29 =	simm.s32 $0x3;
	v37 =	vmov s30;
	v38 =	vshrl.u32 v38, $0x3;
	v35 =	vshrl.u32 v35, $0x3;
	[sflag:s1] =	ssyncset.done @!p0 $0x0  }
0x32: {  	v36 =	vmov s29;
	v33 =	vshll.u32 v33, v1;
	v34 =	vshrl.u32 v34, $0x3;
	[sflag:s1] =	ssyncadd.s32 @!p0 $0xFFFFFC00  }
0x33: {  	s29 =	simm.s32 $0x5;
	v38 =	vshll.u32 v38, v1;
	v37 =	vshrl.u32 v37, $0x3;
	v51 =	vshll.u32 v35, v1;
	_ =	swait.ge @!p0 [sflag:s1], $0x400  }
0x34: {  	v39 =	vmov s29;
	v36 =	vshrl.u32 v36, $0x3;
	v38 =	vbroadcast v38, $0x0;
	[sflag:s1] =	ssyncset.done @!p0 $0x0  }
0x35: {  	s30 =	simm.s32 $0x6500;
	v33 =	vbroadcast v33, $0x0;
	v34 =	vshll.u32 v34, v1;
	v53 =	vbroadcast v51, $0x0;
	[sflag:s1] =	ssyncadd.s32 @!p0 $0xFFFFFC00  }
0x36: {  	s29 =	simm.s32 $0x6;
	v54 =	vshll.u32 v37, v1;
	v47 =	vbroadcast v34, $0x0;
	v42 =	vadd.s32 v29, v38;
	v41 =	vld [tilespmem:s30+$0xC0]  }
0x37: {  	v40 =	vmov s29;
	v52 =	vshll.u32 v36, v1;
	v44 =	vadd.s32 v0, v33;
	v43 =	vld [tilespmem:s30+$0xFFFFFF00]  }
0x38: {  	v55 =	vshrl.u32 v39, $0x3;
	v35 =	vbroadcast v52, $0x0;
	v46 =	vadd.s32 v5, v47;
	v45 =	vld [tilespmem:s30+$0xFFFFFF40]  }
0x39: {  	v34 =	vbroadcast v54, $0x0;
	v49 =	vadd.s32 v9, v53;
	v36 =	vshll.u32 v55, v1;
	v48 =	vld [tilespmem:s30+$0xFFFFFF80]  }
0x3a: {  	v40 =	vshrl.u32 v40, $0x3;
	v37 =	vbroadcast v36, $0x0;
	v50 =	vadd.s32 v13, v35;
	v39 =	vld [tilespmem:s30+$0xFFFFFFC0]  }
0x3b: {  	v52 =	vadd.s32 v17, v34;
	v56 =	vshll.u32 v40, v1;
	v51 =	vld [tilespmem:s30+$0x0];
	[tilespmem:v42+s20+$0x0] =	vst.idx.msk $0xffff, v41  }
0x3c: {  	v36 =	vbroadcast v56, $0x0;
	v60 =	vadd.s32 v21, v37;
	v59 =	vld [tilespmem:s30+$0x40];
	[tilespmem:v44+s20+$0x0] =	vst.idx.msk $0xffff, v43  }
0x3d: {  	v58 =	vadd.s32 v30, v38;
	[tilespmem:v46+s20+$0x0] =	vst.idx.msk $0xffff, v45;
	v57 =	vld [tilespmem:s30+$0xD0]  }
0x3e: {  	v62 =	vadd.s32 v25, v36;
	v61 =	vld [tilespmem:s30+$0x80];
	[tilespmem:v49+s20+$0x0] =	vst.idx.msk $0xffff, v48  }
0x3f: {  	v63 =	vadd.s32 v6, v47;
	[tilespmem:v50+s20+$0x0] =	vst.idx.msk $0xffff, v39;
	v46 =	vld [tilespmem:s30+$0xFFFFFF50]  }
0x40: {  	v55 =	vadd.s32 v10, v53;
	[tilespmem:v52+s20+$0x0] =	vst.idx.msk $0xffff, v51;
	v54 =	vld [tilespmem:s30+$0xFFFFFF90]  }
0x41: {  	v56 =	vadd.s32 v14, v35;
	[tilespmem:v60+s20+$0x0] =	vst.idx.msk $0xffff, v59;
	v50 =	vld [tilespmem:s30+$0xFFFFFFD0]  }
0x42: {  	v45 =	vadd.s32 v22, v37;
	v44 =	vld [tilespmem:s30+$0x50];
	[tilespmem:v58+s20+$0x0] =	vst.idx.msk $0xffff, v57  }
0x43: {  	[tilespmem:v62+s20+$0x0] =	vst.idx.msk $0xffff, v61;
	v57 =	vadd.s32 v31, v38;
	v40 =	vld [tilespmem:s30+$0xE0]  }
0x44: {  	v62 =	vadd.s32 v2, v33;
	v61 =	vld [tilespmem:s30+$0xFFFFFF10];
	[tilespmem:v63+s20+$0x0] =	vst.idx.msk $0xffff, v46  }
0x45: {  	v59 =	vadd.s32 v18, v34;
	v58 =	vld [tilespmem:s30+$0x10];
	[tilespmem:v55+s20+$0x0] =	vst.idx.msk $0xffff, v54  }
0x46: {  	v60 =	vadd.s32 v26, v36;
	v63 =	vld [tilespmem:s30+$0x90];
	[tilespmem:v56+s20+$0x0] =	vst.idx.msk $0xffff, v50  }
0x47: {  	v51 =	vadd.s32 v7, v47;
	[tilespmem:v45+s20+$0x0] =	vst.idx.msk $0xffff, v44;
	v50 =	vld [tilespmem:s30+$0xFFFFFF60]  }
0x48: {  	v56 =	vadd.s32 v11, v53;
	v55 =	vld [tilespmem:s30+$0xFFFFFFA0];
	[tilespmem:v57+s20+$0x0] =	vst.idx.msk $0xffff, v40  }
0x49: {  	v38 =	vadd.s32 v32, v38;
	[tilespmem:v62+s20+$0x0] =	vst.idx.msk $0xffff, v61;
	v54 =	vld [tilespmem:s30+$0xF0]  }
0x4a: {  	[tilespmem:v59+s20+$0x0] =	vst.idx.msk $0xffff, v58;
	v58 =	vadd.s32 v15, v35;
	v57 =	vld [tilespmem:s30+$0xFFFFFFE0]  }
0x4b: {  	s0 =	simm.s32 $0x8;
	[tilespmem:v60+s20+$0x0] =	vst.idx.msk $0xffff, v63;
	v60 =	vadd.s32 v19, v34;
	v59 =	vld [tilespmem:s30+$0x20]  }
0x4c: {  	v41 =	vadd.s32 v23, v37;
	v63 =	vmov s0;
	s0 =	simm.s32 $0x9;
	[tilespmem:v51+s20+$0x0] =	vst.idx.msk $0xffff, v50;
	v40 =	vld [tilespmem:s30+$0x60]  }
0x4d: {  	s29 =	simm.s32 $0xB;
	v43 =	vadd.s32 v27, v36;
	v48 =	vadd.s32 v3, v33;
	v52 =	vmov s0;
	s0 =	simm.s32 $0xA;
	v42 =	vld [tilespmem:s30+$0xA0];
	[tilespmem:v56+s20+$0x0] =	vst.idx.msk $0xffff, v55  }
0x4e: {  	v44 =	vmov s29;
	v53 =	vadd.s32 v12, v53;
	v45 =	vld [tilespmem:s30+$0xFFFFFF20];
	[tilespmem:v38+s20+$0x0] =	vst.idx.msk $0xffff, v54;
	v54 =	vmov s0;
	s0 =	simm.s32 $0xC  }
0x4f: {  	s29 =	simm.s32 $0xD;
	v39 =	vshrl.u32 v63, $0x3;
	v51 =	vadd.s32 v8, v47;
	v49 =	vld [tilespmem:s30+$0xFFFFFF70];
	[tilespmem:v58+s20+$0x0] =	vst.idx.msk $0xffff, v57;
	v46 =	vmov s0;
	s0 =	simm.s32 $0xE  }
0x50: {  	s31 =	simm.s32 $0x10;
	s1 =	simm.s32 $0xF;
	v47 =	vshll.u32 v39, v1;
	v50 =	vld [tilespmem:s30+$0xFFFFFFB0];
	[tilespmem:v60+s20+$0x0] =	vst.idx.msk $0xffff, v59;
	v38 =	vmov s29;
	s29 =	sshll.u32 s26, $0x1;
	v39 =	vmov s0  }
.LBB2_3:
0x51: {  	p1 =	slt.u32 s31, $0x78;
	v52 =	vshrl.u32 v52, $0x3;
	v55 =	vmov s1;
	v56 =	vld [tilespmem:s30+$0xFFFFFFF0];
	v35 =	vadd.s32 v16, v35;
	[tilespmem:v41+s20+$0x0] =	vst.idx.msk $0xffff, v40  }
0x52: {  	v40 =	vshrl.u32 v54, $0x3;
	v34 =	vadd.s32 v20, v34;
	v41 =	vshrl.u32 v55, $0x3;
	v54 =	vld [tilespmem:s30+$0x30];
	[tilespmem:v43+s20+$0x0] =	vst.idx.msk $0xffff, v42  }
0x53: {  	v37 =	vadd.s32 v24, v37;
	v42 =	vshrl.u32 v44, $0x3;
	v41 =	vshll.u32 v41, v1;
	[tilespmem:v48+s20+$0x0] =	vst.idx.msk $0xffff, v45;
	v43 =	vld [tilespmem:s30+$0x70]  }
0x54: {  	v36 =	vadd.s32 v28, v36;
	v44 =	vshrl.u32 v46, $0x3;
	v41 =	vbroadcast v41, $0x0;
	[tilespmem:v51+s20+$0x0] =	vst.idx.msk $0xffff, v49;
	v45 =	vld [tilespmem:s30+$0xB0]  }
0x55: {  	v46 =	vshll.u32 v52, v1;
	v49 =	vadd.s32 v4, v33;
	v33 =	vbroadcast v47, $0x0;
	v48 =	vld [tilespmem:s30+$0xFFFFFF30];
	[tilespmem:v53+s20+$0x0] =	vst.idx.msk $0xffff, v50;
	s30 =	sadd.s32 $0x200, s30  }
0x56: {  	v40 =	vshll.u32 v40, v1;
	v47 =	vbroadcast v46, $0x0;
	v46 =	vld [tilespmem:s30+$0xC0];
	v50 =	vadd.s32 v29, v41;
	[tilespmem:v35+s20+$0x0] =	vst.idx.msk $0xffff, v56  }
0x57: {  	v53 =	vbroadcast v40, $0x0;
	v52 =	vadd.s32 v0, v33;
	v35 =	vshll.u32 v42, v1;
	v51 =	vld [tilespmem:s30+$0xFFFFFF00];
	[tilespmem:v34+s20+$0x0] =	vst.idx.msk $0xffff, v54  }
0x58: {  	v42 =	vadd.s32 v5, v47;
	v35 =	vbroadcast v35, $0x0;
	v34 =	vshll.u32 v44, v1;
	v40 =	vld [tilespmem:s30+$0xFFFFFF40];
	[tilespmem:v37+s20+$0x0] =	vst.idx.msk $0xffff, v43  }
0x59: {  	v44 =	vadd.s32 v9, v53;
	v34 =	vbroadcast v34, $0x0;
	v37 =	vshrl.u32 v38, $0x3;
	v43 =	vld [tilespmem:s30+$0xFFFFFF80];
	[tilespmem:v36+s20+$0x0] =	vst.idx.msk $0xffff, v45  }
0x5a: {  	v39 =	vshrl.u32 v39, $0x3;
	v45 =	vadd.s32 v13, v35;
	v36 =	vshll.u32 v37, v1;
	v38 =	vld [tilespmem:s30+$0xFFFFFFC0];
	[tilespmem:v49+s20+$0x0] =	vst.idx.msk $0xffff, v48  }
0x5b: {  	v49 =	vadd.s32 v17, v34;
	v37 =	vbroadcast v36, $0x0;
	v36 =	vshll.u32 v39, v1;
	v48 =	vld [tilespmem:s30+$0x0];
	[tilespmem:v50+s20+$0x0] =	vst.idx.msk $0xffff, v46  }
0x5c: {  	v36 =	vbroadcast v36, $0x0;
	v46 =	vadd.s32 v30, v41;
	[tilespmem:v52+s20+$0x0] =	vst.idx.msk $0xffff, v51;
	v39 =	vld [tilespmem:s30+$0xD0]  }
0x5d: {  	[tilespmem:v42+s20+$0x0] =	vst.idx.msk $0xffff, v40;
	v40 =	vld [tilespmem:s30+$0x40];
	v42 =	vadd.s32 v21, v37  }
0x5e: {  	[tilespmem:v44+s20+$0x0] =	vst.idx.msk $0xffff, v43;
	v43 =	vld [tilespmem:s30+$0x80];
	v44 =	vadd.s32 v25, v36  }
0x5f: {  	v51 =	vadd.s32 v6, v47;
	v50 =	vld [tilespmem:s30+$0xFFFFFF50];
	[tilespmem:v45+s20+$0x0] =	vst.idx.msk $0xffff, v38  }
0x60: {  	v45 =	vadd.s32 v10, v53;
	v38 =	vld [tilespmem:s30+$0xFFFFFF90];
	[tilespmem:v49+s20+$0x0] =	vst.idx.msk $0xffff, v48  }
0x61: {  	v49 =	vadd.s32 v14, v35;
	v48 =	vld [tilespmem:s30+$0xFFFFFFD0];
	[tilespmem:v46+s20+$0x0] =	vst.idx.msk $0xffff, v39  }
0x62: {  	[tilespmem:v42+s20+$0x0] =	vst.idx.msk $0xffff, v40;
	v39 =	vld [tilespmem:s30+$0xE0];
	v40 =	vadd.s32 v31, v41  }
0x63: {  	v46 =	vadd.s32 v18, v34;
	v42 =	vld [tilespmem:s30+$0x10];
	[tilespmem:v44+s20+$0x0] =	vst.idx.msk $0xffff, v43  }
0x64: {  	v44 =	vadd.s32 v22, v37;
	[tilespmem:v51+s20+$0x0] =	vst.idx.msk $0xffff, v50;
	v43 =	vld [tilespmem:s30+$0x50]  }
0x65: {  	[tilespmem:v45+s20+$0x0] =	vst.idx.msk $0xffff, v38;
	v38 =	vld [tilespmem:s30+$0x90];
	v45 =	vadd.s32 v26, v36  }
0x66: {  	v51 =	vadd.s32 v2, v33;
	v50 =	vld [tilespmem:s30+$0xFFFFFF10];
	[tilespmem:v49+s20+$0x0] =	vst.idx.msk $0xffff, v48  }
0x67: {  	v49 =	vadd.s32 v7, v47;
	v48 =	vld [tilespmem:s30+$0xFFFFFF60];
	[tilespmem:v40+s20+$0x0] =	vst.idx.msk $0xffff, v39  }
0x68: {  	[tilespmem:v46+s20+$0x0] =	vst.idx.msk $0xffff, v42;
	v39 =	vld [tilespmem:s30+$0xF0];
	v46 =	vadd.s32 v32, v41  }
0x69: {  	v56 =	vadd.s32 v11, v53;
	v55 =	vld [tilespmem:s30+$0xFFFFFFA0];
	[tilespmem:v44+s20+$0x0] =	vst.idx.msk $0xffff, v43  }
0x6a: {  	v58 =	vadd.s32 v15, v35;
	v57 =	vld [tilespmem:s30+$0xFFFFFFE0];
	[tilespmem:v45+s20+$0x0] =	vst.idx.msk $0xffff, v38  }
0x6b: {  	v60 =	vadd.s32 v19, v34;
	[tilespmem:v51+s20+$0x0] =	vst.idx.msk $0xffff, v50;
	v59 =	vld [tilespmem:s30+$0x20]  }
.Ltmp0:
0x6c: {  	s1 =	sadd.s32 $0x1, s31;
	v41 =	vadd.s32 v23, v37;
	v38 =	vmov s31;
	[tilespmem:v49+s20+$0x0] =	vst.idx.msk $0xffff, v48;
	v40 =	vld [tilespmem:s30+$0x60];
	(pc) =	sbr.rel @p1 .LBB2_3-.Ltmp0, $4  }
0x6d: {  	s0 =	sadd.s32 $0x3, s31;
	v52 =	vmov s1;
	s1 =	sadd.s32 $0x2, s31;
	v43 =	vadd.s32 v27, v36;
	v50 =	vshrl.u32 v38, $0x3;
	v42 =	vld [tilespmem:s30+$0xA0];
	[tilespmem:v46+s20+$0x0] =	vst.idx.msk $0xffff, v39  }
0x6e: {  	v54 =	vmov s1;
	s1 =	sadd.s32 $0x5, s31;
	v44 =	vmov s0;
	s0 =	sadd.s32 $0x4, s31;
	v48 =	vadd.s32 v3, v33;
	v45 =	vld [tilespmem:s30+$0xFFFFFF20];
	[tilespmem:v56+s20+$0x0] =	vst.idx.msk $0xffff, v55  }
0x6f: {  	v38 =	vmov s1;
	v51 =	vadd.s32 v8, v47;
	v46 =	vmov s0;
	s0 =	sadd.s32 $0x6, s31;
	v49 =	vld [tilespmem:s30+$0xFFFFFF70];
	[tilespmem:v58+s20+$0x0] =	vst.idx.msk $0xffff, v57  }
0x70: {  	v53 =	vadd.s32 v12, v53;
	s1 =	sadd.s32 $0x7, s31;
	v47 =	vshll.u32 v50, v1;
	s31 =	sadd.s32 $0x8, s31;
	v39 =	vmov s0;
	v50 =	vld [tilespmem:s30+$0xFFFFFFB0];
	[tilespmem:v60+s20+$0x0] =	vst.idx.msk $0xffff, v59  }
0x71: {  	_ =	sdelay $0x2  }
0x72: {  	v52 =	vshrl.u32 v52, $0x3  }
0x73: {  	v55 =	vmov s1;
	v56 =	vld [tilespmem:s30+$0xFFFFFFF0];
	v35 =	vadd.s32 v16, v35;
	[tilespmem:v41+s20+$0x0] =	vst.idx.msk $0xffff, v40;
	v57 =	vshrl.u32 v54, $0x3  }
0x74: {  	v59 =	vld [tilespmem:s30+$0x30];
	v34 =	vadd.s32 v20, v34;
	v60 =	vshrl.u32 v44, $0x3;
	v58 =	vshrl.u32 v55, $0x3;
	[tilespmem:v43+s20+$0x0] =	vst.idx.msk $0xffff, v42  }
0x75: {  	v37 =	vadd.s32 v24, v37;
	v62 =	vshrl.u32 v46, $0x3;
	v61 =	vld [tilespmem:s30+$0x70];
	v41 =	vshll.u32 v58, v1;
	[tilespmem:v48+s20+$0x0] =	vst.idx.msk $0xffff, v45  }
0x76: {  	v36 =	vadd.s32 v28, v36;
	v46 =	vbroadcast v47, $0x0;
	v63 =	vld [tilespmem:s30+$0xB0];
	v41 =	vbroadcast v41, $0x0;
	[tilespmem:v51+s20+$0x0] =	vst.idx.msk $0xffff, v49  }
0x77: {  	v33 =	vadd.s32 v4, v33;
	s1 =	sadd.s32 $0x200, s30;
	v38 =	vshrl.u32 v38, $0x3;
	v55 =	vshll.u32 v52, v1;
	v48 =	vld [tilespmem:s30+$0xFFFFFF30];
	[tilespmem:v53+s20+$0x0] =	vst.idx.msk $0xffff, v50  }
0x78: {  	v40 =	vshll.u32 v57, v1;
	v47 =	vbroadcast v55, $0x0;
	v49 =	vld [tilespmem:s1+$0xC0];
	v50 =	vadd.s32 v29, v41;
	[tilespmem:v35+s20+$0x0] =	vst.idx.msk $0xffff, v56  }
0x79: {  	v42 =	vshll.u32 v60, v1;
	v40 =	vbroadcast v40, $0x0;
	v35 =	vld [tilespmem:s1+$0xFFFFFF00];
	v56 =	vadd.s32 v0, v46;
	[tilespmem:v34+s20+$0x0] =	vst.idx.msk $0xffff, v59  }
0x7a: {  	v57 =	vld [tilespmem:s1+$0xFFFFFF40];
	v44 =	vshll.u32 v62, v1;
	v42 =	vbroadcast v42, $0x0;
	v58 =	vadd.s32 v5, v47;
	[tilespmem:v37+s20+$0x0] =	vst.idx.msk $0xffff, v61  }
0x7b: {  	v38 =	vshll.u32 v38, v1;
	v44 =	vbroadcast v44, $0x0;
	v60 =	vadd.s32 v9, v40;
	v59 =	vld [tilespmem:s1+$0xFFFFFF80];
	[tilespmem:v36+s20+$0x0] =	vst.idx.msk $0xffff, v63  }
0x7c: {  	v38 =	vbroadcast v38, $0x0;
	v62 =	vadd.s32 v13, v42;
	v61 =	vld [tilespmem:s1+$0xFFFFFFC0];
	[tilespmem:v33+s20+$0x0] =	vst.idx.msk $0xffff, v48  }
0x7d: {  	v39 =	vshrl.u32 v39, $0x3;
	v63 =	vadd.s32 v17, v44;
	v33 =	vld [tilespmem:s1+$0x0];
	[tilespmem:v50+s20+$0x0] =	vst.idx.msk $0xffff, v49  }
0x7e: {  	v39 =	vshll.u32 v39, v1;
	v34 =	vld [tilespmem:s1+$0x40];
	[tilespmem:v56+s20+$0x0] =	vst.idx.msk $0xffff, v35;
	v56 =	vadd.s32 v21, v38  }
0x7f: {  	[tilespmem:v58+s20+$0x0] =	vst.idx.msk $0xffff, v57;
	v35 =	vbroadcast v39, $0x0;
	v49 =	vadd.s32 v30, v41;
	v39 =	vld [tilespmem:s1+$0xD0]  }
0x80: {  	[tilespmem:v60+s20+$0x0] =	vst.idx.msk $0xffff, v59;
	v59 =	vld [tilespmem:s1+$0xFFFFFF50];
	v60 =	vadd.s32 v6, v47  }
0x81: {  	v57 =	vld [tilespmem:s1+$0x80];
	[tilespmem:v62+s20+$0x0] =	vst.idx.msk $0xffff, v61;
	v58 =	vadd.s32 v25, v35  }
0x82: {  	v61 =	vld [tilespmem:s1+$0xFFFFFF90];
	v62 =	vadd.s32 v10, v40;
	[tilespmem:v63+s20+$0x0] =	vst.idx.msk $0xffff, v33  }
0x83: {  	v33 =	vld [tilespmem:s1+$0xFFFFFFD0];
	v63 =	vadd.s32 v14, v42;
	[tilespmem:v56+s20+$0x0] =	vst.idx.msk $0xffff, v34  }
0x84: {  	v56 =	vadd.s32 v18, v44;
	[tilespmem:v49+s20+$0x0] =	vst.idx.msk $0xffff, v39;
	v49 =	vld [tilespmem:s1+$0x10]  }
0x85: {  	[tilespmem:v60+s20+$0x0] =	vst.idx.msk $0xffff, v59;
	v39 =	vadd.s32 v31, v41;
	v34 =	vld [tilespmem:s1+$0xE0]  }
0x86: {  	[tilespmem:v58+s20+$0x0] =	vst.idx.msk $0xffff, v57;
	v57 =	vld [tilespmem:s1+$0x50];
	v58 =	vadd.s32 v22, v38  }
0x87: {  	[tilespmem:v62+s20+$0x0] =	vst.idx.msk $0xffff, v61;
	v61 =	vld [tilespmem:s1+$0xFFFFFF10];
	v62 =	vadd.s32 v2, v46  }
0x88: {  	v60 =	vadd.s32 v26, v35;
	v59 =	vld [tilespmem:s1+$0x90];
	[tilespmem:v63+s20+$0x0] =	vst.idx.msk $0xffff, v33  }
0x89: {  	v55 =	vadd.s32 v11, v40;
	v54 =	vadd.s32 v32, v41;
	v41 =	vld [tilespmem:s1+$0xFFFFFFA0];
	[tilespmem:v56+s20+$0x0] =	vst.idx.msk $0xffff, v49  }
0x8a: {  	v53 =	vadd.s32 v7, v47;
	v63 =	vld [tilespmem:s1+$0xFFFFFF60];
	[tilespmem:v39+s20+$0x0] =	vst.idx.msk $0xffff, v34  }
0x8b: {  	v56 =	vld [tilespmem:s1+$0xFFFFFFE0];
	[tilespmem:v58+s20+$0x0] =	vst.idx.msk $0xffff, v57;
	v57 =	vadd.s32 v15, v42  }
0x8c: {  	[tilespmem:v62+s20+$0x0] =	vst.idx.msk $0xffff, v61;
	v34 =	vld [tilespmem:s1+$0xF0]  }
0x8d: {  	v58 =	vld [tilespmem:s1+$0x20];
	[tilespmem:v60+s20+$0x0] =	vst.idx.msk $0xffff, v59;
	v59 =	vadd.s32 v19, v44  }
0x8e: {  	v61 =	vadd.s32 v23, v38;
	[tilespmem:v55+s20+$0x0] =	vst.idx.msk $0xffff, v41;
	v60 =	vld [tilespmem:s1+$0x60]  }
0x8f: {  	[tilespmem:v53+s20+$0x0] =	vst.idx.msk $0xffff, v63;
	v63 =	vadd.s32 v27, v35;
	v62 =	vld [tilespmem:s1+$0xA0]  }
0x90: {  	v47 =	vadd.s32 v8, v47;
	v55 =	vld [tilespmem:s1+$0xFFFFFF70];
	[tilespmem:v57+s20+$0x0] =	vst.idx.msk $0xffff, v56  }
0x91: {  	v53 =	vld [tilespmem:s1+$0xFFFFFF20];
	[tilespmem:v54+s20+$0x0] =	vst.idx.msk $0xffff, v34;
	v54 =	vadd.s32 v3, v46  }
0x92: {  	v40 =	vadd.s32 v12, v40;
	v56 =	vld [tilespmem:s1+$0xFFFFFFB0];
	[tilespmem:v59+s20+$0x0] =	vst.idx.msk $0xffff, v58  }
0x93: {  	v42 =	vadd.s32 v16, v42;
	v57 =	vld [tilespmem:s1+$0xFFFFFFF0];
	[tilespmem:v61+s20+$0x0] =	vst.idx.msk $0xffff, v60  }
0x94: {  	v59 =	vadd.s32 v20, v44;
	v58 =	vld [tilespmem:s1+$0x30];
	[tilespmem:v63+s20+$0x0] =	vst.idx.msk $0xffff, v62  }
0x95: {  	v38 =	vadd.s32 v24, v38;
	v60 =	vld [tilespmem:s1+$0x70];
	[tilespmem:v47+s20+$0x0] =	vst.idx.msk $0xffff, v55  }
0x96: {  	v35 =	vadd.s32 v28, v35;
	v61 =	vld [tilespmem:s1+$0xB0];
	[tilespmem:v54+s20+$0x0] =	vst.idx.msk $0xffff, v53  }
0x97: {  	v63 =	vadd.s32 v4, v46;
	[tilespmem:v40+s20+$0x0] =	vst.idx.msk $0xffff, v56;
	v62 =	vld [tilespmem:s1+$0xFFFFFF30]  }
0x98: {  	s0 =	sadd.s32 s5, s29;
	[tilespmem:v42+s20+$0x0] =	vst.idx.msk $0xffff, v57  }
0x99: {  	s30 =	sshll.u32 s0, $0xA;
	s0 =	sshll.u32 s0, $0x7;
	[tilespmem:v59+s20+$0x0] =	vst.idx.msk $0xffff, v58  }
0x9a: {  	s0 =	sand.u32 $0xF00, s0;
	[tilespmem:v38+s20+$0x0] =	vst.idx.msk $0xffff, v60;
	s1 =	sand.u32 $0xFFF8000, s30  }
0x9b: {  	[tilespmem:v35+s20+$0x0] =	vst.idx.msk $0xffff, v61;
	s29 =	sor.u32 s0, s1  }
0x9c: {  	s0 =	sadd.s32 s2, s29;
	[tilespmem:v63+s20+$0x0] =	vst.idx.msk $0xffff, v62  }
0x9d: {  	[hbm4b:s0+s3] =	stream.linear.scatter [tilespmem:s20], [sflag:$0x3], $0x80, $0x38;
	[tilespmem:$0xE800] =	vst v63  }
0x9e: {  	s31 =	simm.s32 $0xA488;
	s1 =	sadd.s32 $0x10, s0  }
0x9f: {  	[hbm4b:s1+s3] =	stream.linear.scatter [tilespmem:s31], [sflag:$0x3], $0x80, $0x38;
	[tilespmem:$0xE800] =	vst v63  }
0xa0: {  	s1 =	sadd.s32 $0x20, s0;
	s31 =	simm.s32 $0xA510  }
0xa1: {  	[hbm4b:s1+s3] =	stream.linear.scatter [tilespmem:s31], [sflag:$0x3], $0x80, $0x38;
	[tilespmem:$0xE800] =	vst v63  }
0xa2: {  	s1 =	sadd.s32 $0x30, s0;
	s31 =	simm.s32 $0xA598  }
0xa3: {  	[hbm4b:s1+s3] =	stream.linear.scatter [tilespmem:s31], [sflag:$0x3], $0x80, $0x38;
	[tilespmem:$0xE800] =	vst v63  }
0xa4: {  	s1 =	sadd.s32 $0x40, s0;
	s31 =	simm.s32 $0xA620  }
0xa5: {  	[hbm4b:s1+s3] =	stream.linear.scatter [tilespmem:s31], [sflag:$0x3], $0x80, $0x38;
	[tilespmem:$0xE800] =	vst v63  }
0xa6: {  	s1 =	sadd.s32 $0x50, s0;
	s31 =	simm.s32 $0xA6A8  }
0xa7: {  	[hbm4b:s1+s3] =	stream.linear.scatter [tilespmem:s31], [sflag:$0x3], $0x80, $0x38;
	[tilespmem:$0xE800] =	vst v63  }
0xa8: {  	s1 =	sadd.s32 $0x60, s0;
	s31 =	simm.s32 $0xA730  }
0xa9: {  	[hbm4b:s1+s3] =	stream.linear.scatter [tilespmem:s31], [sflag:$0x3], $0x80, $0x38;
	[tilespmem:$0xE800] =	vst v63  }
0xaa: {  	s0 =	sadd.s32 $0x70, s0;
	s31 =	simm.s32 $0xA7B8  }
0xab: {  	[hbm4b:s0+s3] =	stream.linear.scatter [tilespmem:s31], [sflag:$0x3], $0x80, $0x38;
	[tilespmem:$0xE800] =	vst v63  }
0xac: {  	s30 =	simm.s32 $0xA840;
	s0 =	sadd.s32 s29, s7  }
0xad: {  	[hbm4b:s0+s3] =	stream.linear.scatter [tilespmem:s30], [sflag:$0x3], $0x80, $0x38;
	[tilespmem:$0xE800] =	vst v63  }
0xae: {  	s31 =	simm.s32 $0xA8C8;
	s1 =	sadd.s32 $0x10, s0  }
0xaf: {  	[hbm4b:s1+s3] =	stream.linear.scatter [tilespmem:s31], [sflag:$0x3], $0x80, $0x38;
	[tilespmem:$0xE800] =	vst v63  }
0xb0: {  	s1 =	sadd.s32 $0x20, s0;
	s31 =	simm.s32 $0xA950  }
0xb1: {  	[hbm4b:s1+s3] =	stream.linear.scatter [tilespmem:s31], [sflag:$0x3], $0x80, $0x38;
	[tilespmem:$0xE800] =	vst v63  }
0xb2: {  	s1 =	sadd.s32 $0x30, s0;
	s31 =	simm.s32 $0xA9D8  }
0xb3: {  	[hbm4b:s1+s3] =	stream.linear.scatter [tilespmem:s31], [sflag:$0x3], $0x80, $0x38;
	[tilespmem:$0xE800] =	vst v63  }
0xb4: {  	s1 =	sadd.s32 $0x40, s0;
	s31 =	simm.s32 $0xAA60  }
0xb5: {  	[hbm4b:s1+s3] =	stream.linear.scatter [tilespmem:s31], [sflag:$0x3], $0x80, $0x38;
	[tilespmem:$0xE800] =	vst v63  }
0xb6: {  	s1 =	sadd.s32 $0x50, s0;
	s31 =	simm.s32 $0xAAE8  }
0xb7: {  	[hbm4b:s1+s3] =	stream.linear.scatter [tilespmem:s31], [sflag:$0x3], $0x80, $0x38;
	[tilespmem:$0xE800] =	vst v63  }
0xb8: {  	s1 =	sadd.s32 $0x60, s0;
	s31 =	simm.s32 $0xAB70  }
0xb9: {  	[hbm4b:s1+s3] =	stream.linear.scatter [tilespmem:s31], [sflag:$0x3], $0x80, $0x38;
	[tilespmem:$0xE800] =	vst v63  }
0xba: {  	s0 =	sadd.s32 $0x70, s0;
	s31 =	simm.s32 $0xABF8  }
0xbb: {  	[hbm4b:s0+s3] =	stream.linear.scatter [tilespmem:s31], [sflag:$0x3], $0x80, $0x38;
	[tilespmem:$0xE800] =	vst v63  }
0xbc: {  	s30 =	simm.s32 $0xAC80;
	s0 =	sadd.s32 s29, s8  }
0xbd: {  	[hbm4b:s0+s3] =	stream.linear.scatter [tilespmem:s30], [sflag:$0x3], $0x80, $0x38;
	[tilespmem:$0xE800] =	vst v63  }
0xbe: {  	s31 =	simm.s32 $0xAD08;
	s1 =	sadd.s32 $0x10, s0  }
0xbf: {  	[hbm4b:s1+s3] =	stream.linear.scatter [tilespmem:s31], [sflag:$0x3], $0x80, $0x38;
	[tilespmem:$0xE800] =	vst v63  }
0xc0: {  	s1 =	sadd.s32 $0x20, s0;
	s31 =	simm.s32 $0xAD90  }
0xc1: {  	[hbm4b:s1+s3] =	stream.linear.scatter [tilespmem:s31], [sflag:$0x3], $0x80, $0x38;
	[tilespmem:$0xE800] =	vst v63  }
0xc2: {  	s1 =	sadd.s32 $0x30, s0;
	s31 =	simm.s32 $0xAE18  }
0xc3: {  	[hbm4b:s1+s3] =	stream.linear.scatter [tilespmem:s31], [sflag:$0x3], $0x80, $0x38;
	[tilespmem:$0xE800] =	vst v63  }
0xc4: {  	s1 =	sadd.s32 $0x40, s0;
	s31 =	simm.s32 $0xAEA0  }
0xc5: {  	[hbm4b:s1+s3] =	stream.linear.scatter [tilespmem:s31], [sflag:$0x3], $0x80, $0x38;
	[tilespmem:$0xE800] =	vst v63  }
0xc6: {  	s1 =	sadd.s32 $0x50, s0;
	s31 =	simm.s32 $0xAF28  }
0xc7: {  	[hbm4b:s1+s3] =	stream.linear.scatter [tilespmem:s31], [sflag:$0x3], $0x80, $0x38;
	[tilespmem:$0xE800] =	vst v63  }
0xc8: {  	s1 =	sadd.s32 $0x60, s0;
	s31 =	simm.s32 $0xAFB0  }
0xc9: {  	[hbm4b:s1+s3] =	stream.linear.scatter [tilespmem:s31], [sflag:$0x3], $0x80, $0x38;
	[tilespmem:$0xE800] =	vst v63  }
0xca: {  	s0 =	sadd.s32 $0x70, s0;
	s31 =	simm.s32 $0xB038  }
0xcb: {  	[hbm4b:s0+s3] =	stream.linear.scatter [tilespmem:s31], [sflag:$0x3], $0x80, $0x38;
	[tilespmem:$0xE800] =	vst v63  }
0xcc: {  	s30 =	simm.s32 $0xB0C0;
	s0 =	sadd.s32 s29, s9  }
0xcd: {  	[hbm4b:s0+s3] =	stream.linear.scatter [tilespmem:s30], [sflag:$0x3], $0x80, $0x38;
	[tilespmem:$0xE800] =	vst v63  }
0xce: {  	s31 =	simm.s32 $0xB148;
	s1 =	sadd.s32 $0x10, s0  }
0xcf: {  	[hbm4b:s1+s3] =	stream.linear.scatter [tilespmem:s31], [sflag:$0x3], $0x80, $0x38;
	[tilespmem:$0xE800] =	vst v63  }
0xd0: {  	s1 =	sadd.s32 $0x20, s0;
	s31 =	simm.s32 $0xB1D0  }
0xd1: {  	[hbm4b:s1+s3] =	stream.linear.scatter [tilespmem:s31], [sflag:$0x3], $0x80, $0x38;
	[tilespmem:$0xE800] =	vst v63  }
0xd2: {  	s1 =	sadd.s32 $0x30, s0;
	s31 =	simm.s32 $0xB258  }
0xd3: {  	[hbm4b:s1+s3] =	stream.linear.scatter [tilespmem:s31], [sflag:$0x3], $0x80, $0x38;
	[tilespmem:$0xE800] =	vst v63  }
0xd4: {  	s1 =	sadd.s32 $0x40, s0;
	s31 =	simm.s32 $0xB2E0  }
0xd5: {  	[hbm4b:s1+s3] =	stream.linear.scatter [tilespmem:s31], [sflag:$0x3], $0x80, $0x38;
	[tilespmem:$0xE800] =	vst v63  }
0xd6: {  	s1 =	sadd.s32 $0x50, s0;
	s31 =	simm.s32 $0xB368  }
0xd7: {  	[hbm4b:s1+s3] =	stream.linear.scatter [tilespmem:s31], [sflag:$0x3], $0x80, $0x38;
	[tilespmem:$0xE800] =	vst v63  }
0xd8: {  	s1 =	sadd.s32 $0x60, s0;
	s31 =	simm.s32 $0xB3F0  }
0xd9: {  	[hbm4b:s1+s3] =	stream.linear.scatter [tilespmem:s31], [sflag:$0x3], $0x80, $0x38;
	[tilespmem:$0xE800] =	vst v63  }
0xda: {  	s0 =	sadd.s32 $0x70, s0;
	s31 =	simm.s32 $0xB478  }
0xdb: {  	[hbm4b:s0+s3] =	stream.linear.scatter [tilespmem:s31], [sflag:$0x3], $0x80, $0x38;
	[tilespmem:$0xE800] =	vst v63  }
0xdc: {  	s30 =	simm.s32 $0xB500;
	s0 =	sadd.s32 s29, s10  }
0xdd: {  	[hbm4b:s0+s3] =	stream.linear.scatter [tilespmem:s30], [sflag:$0x3], $0x80, $0x38;
	[tilespmem:$0xE800] =	vst v63  }
0xde: {  	s31 =	simm.s32 $0xB588;
	s1 =	sadd.s32 $0x10, s0  }
0xdf: {  	[hbm4b:s1+s3] =	stream.linear.scatter [tilespmem:s31], [sflag:$0x3], $0x80, $0x38;
	[tilespmem:$0xE800] =	vst v63  }
0xe0: {  	s1 =	sadd.s32 $0x20, s0;
	s31 =	simm.s32 $0xB610  }
0xe1: {  	[hbm4b:s1+s3] =	stream.linear.scatter [tilespmem:s31], [sflag:$0x3], $0x80, $0x38;
	[tilespmem:$0xE800] =	vst v63  }
0xe2: {  	s1 =	sadd.s32 $0x30, s0;
	s31 =	simm.s32 $0xB698  }
0xe3: {  	[hbm4b:s1+s3] =	stream.linear.scatter [tilespmem:s31], [sflag:$0x3], $0x80, $0x38;
	[tilespmem:$0xE800] =	vst v63  }
0xe4: {  	s1 =	sadd.s32 $0x40, s0;
	s31 =	simm.s32 $0xB720  }
0xe5: {  	[hbm4b:s1+s3] =	stream.linear.scatter [tilespmem:s31], [sflag:$0x3], $0x80, $0x38;
	[tilespmem:$0xE800] =	vst v63  }
0xe6: {  	s1 =	sadd.s32 $0x50, s0;
	s31 =	simm.s32 $0xB7A8  }
0xe7: {  	[hbm4b:s1+s3] =	stream.linear.scatter [tilespmem:s31], [sflag:$0x3], $0x80, $0x38;
	[tilespmem:$0xE800] =	vst v63  }
0xe8: {  	s1 =	sadd.s32 $0x60, s0;
	s31 =	simm.s32 $0xB830  }
0xe9: {  	[hbm4b:s1+s3] =	stream.linear.scatter [tilespmem:s31], [sflag:$0x3], $0x80, $0x38;
	[tilespmem:$0xE800] =	vst v63  }
0xea: {  	s0 =	sadd.s32 $0x70, s0;
	s31 =	simm.s32 $0xB8B8  }
0xeb: {  	[hbm4b:s0+s3] =	stream.linear.scatter [tilespmem:s31], [sflag:$0x3], $0x80, $0x38;
	[tilespmem:$0xE800] =	vst v63  }
0xec: {  	s30 =	simm.s32 $0xB940;
	s0 =	sadd.s32 s29, s11  }
0xed: {  	[hbm4b:s0+s3] =	stream.linear.scatter [tilespmem:s30], [sflag:$0x3], $0x80, $0x38;
	[tilespmem:$0xE800] =	vst v63  }
0xee: {  	s31 =	simm.s32 $0xB9C8;
	s1 =	sadd.s32 $0x10, s0  }
0xef: {  	[hbm4b:s1+s3] =	stream.linear.scatter [tilespmem:s31], [sflag:$0x3], $0x80, $0x38;
	[tilespmem:$0xE800] =	vst v63  }
0xf0: {  	s1 =	sadd.s32 $0x20, s0;
	s31 =	simm.s32 $0xBA50  }
0xf1: {  	[hbm4b:s1+s3] =	stream.linear.scatter [tilespmem:s31], [sflag:$0x3], $0x80, $0x38;
	[tilespmem:$0xE800] =	vst v63  }
0xf2: {  	s1 =	sadd.s32 $0x30, s0;
	s31 =	simm.s32 $0xBAD8  }
0xf3: {  	[hbm4b:s1+s3] =	stream.linear.scatter [tilespmem:s31], [sflag:$0x3], $0x80, $0x38;
	[tilespmem:$0xE800] =	vst v63  }
0xf4: {  	s1 =	sadd.s32 $0x40, s0;
	s31 =	simm.s32 $0xBB60  }
0xf5: {  	[hbm4b:s1+s3] =	stream.linear.scatter [tilespmem:s31], [sflag:$0x3], $0x80, $0x38;
	[tilespmem:$0xE800] =	vst v63  }
0xf6: {  	s1 =	sadd.s32 $0x50, s0;
	s31 =	simm.s32 $0xBBE8  }
0xf7: {  	[hbm4b:s1+s3] =	stream.linear.scatter [tilespmem:s31], [sflag:$0x3], $0x80, $0x38;
	[tilespmem:$0xE800] =	vst v63  }
0xf8: {  	s1 =	sadd.s32 $0x60, s0;
	s31 =	simm.s32 $0xBC70  }
0xf9: {  	[hbm4b:s1+s3] =	stream.linear.scatter [tilespmem:s31], [sflag:$0x3], $0x80, $0x38;
	[tilespmem:$0xE800] =	vst v63  }
0xfa: {  	s0 =	sadd.s32 $0x70, s0;
	s31 =	simm.s32 $0xBCF8  }
0xfb: {  	[hbm4b:s0+s3] =	stream.linear.scatter [tilespmem:s31], [sflag:$0x3], $0x80, $0x38;
	[tilespmem:$0xE800] =	vst v63  }
0xfc: {  	s30 =	simm.s32 $0xBD80;
	s0 =	sadd.s32 s29, s12  }
0xfd: {  	[hbm4b:s0+s3] =	stream.linear.scatter [tilespmem:s30], [sflag:$0x3], $0x80, $0x38;
	[tilespmem:$0xE800] =	vst v63  }
0xfe: {  	s31 =	simm.s32 $0xBE08;
	s1 =	sadd.s32 $0x10, s0  }
0xff: {  	[hbm4b:s1+s3] =	stream.linear.scatter [tilespmem:s31], [sflag:$0x3], $0x80, $0x38;
	[tilespmem:$0xE800] =	vst v63  }
0x100: {  	s1 =	sadd.s32 $0x20, s0;
	s31 =	simm.s32 $0xBE90  }
0x101: {  	[hbm4b:s1+s3] =	stream.linear.scatter [tilespmem:s31], [sflag:$0x3], $0x80, $0x38;
	[tilespmem:$0xE800] =	vst v63  }
0x102: {  	s1 =	sadd.s32 $0x30, s0;
	s31 =	simm.s32 $0xBF18  }
0x103: {  	[hbm4b:s1+s3] =	stream.linear.scatter [tilespmem:s31], [sflag:$0x3], $0x80, $0x38;
	[tilespmem:$0xE800] =	vst v63  }
0x104: {  	s1 =	sadd.s32 $0x40, s0;
	s31 =	simm.s32 $0xBFA0  }
0x105: {  	[hbm4b:s1+s3] =	stream.linear.scatter [tilespmem:s31], [sflag:$0x3], $0x80, $0x38;
	[tilespmem:$0xE800] =	vst v63  }
0x106: {  	s1 =	sadd.s32 $0x50, s0;
	s31 =	simm.s32 $0xC028  }
0x107: {  	[hbm4b:s1+s3] =	stream.linear.scatter [tilespmem:s31], [sflag:$0x3], $0x80, $0x38;
	[tilespmem:$0xE800] =	vst v63  }
0x108: {  	s1 =	sadd.s32 $0x60, s0;
	s31 =	simm.s32 $0xC0B0  }
0x109: {  	[hbm4b:s1+s3] =	stream.linear.scatter [tilespmem:s31], [sflag:$0x3], $0x80, $0x38;
	[tilespmem:$0xE800] =	vst v63  }
0x10a: {  	s0 =	sadd.s32 $0x70, s0;
	s31 =	simm.s32 $0xC138  }
0x10b: {  	[hbm4b:s0+s3] =	stream.linear.scatter [tilespmem:s31], [sflag:$0x3], $0x80, $0x38;
	[tilespmem:$0xE800] =	vst v63  }
0x10c: {  	s30 =	simm.s32 $0xC1C0;
	s0 =	sadd.s32 s29, s13  }
0x10d: {  	[hbm4b:s0+s3] =	stream.linear.scatter [tilespmem:s30], [sflag:$0x3], $0x80, $0x38;
	[tilespmem:$0xE800] =	vst v63  }
0x10e: {  	s31 =	sadd.s32 $0x10, s0;
	s30 =	simm.s32 $0xC248  }
0x10f: {  	[hbm4b:s31+s3] =	stream.linear.scatter [tilespmem:s30], [sflag:$0x3], $0x80, $0x38;
	[tilespmem:$0xE800] =	vst v63  }
0x110: {  	s31 =	sadd.s32 $0x20, s0;
	s30 =	simm.s32 $0xC2D0  }
0x111: {  	[hbm4b:s31+s3] =	stream.linear.scatter [tilespmem:s30], [sflag:$0x3], $0x80, $0x38;
	[tilespmem:$0xE800] =	vst v63  }
0x112: {  	s31 =	sadd.s32 $0x30, s0;
	s30 =	simm.s32 $0xC358  }
0x113: {  	[hbm4b:s31+s3] =	stream.linear.scatter [tilespmem:s30], [sflag:$0x3], $0x80, $0x38;
	[tilespmem:$0xE800] =	vst v63  }
0x114: {  	s31 =	sadd.s32 $0x40, s0;
	s30 =	simm.s32 $0xC3E0  }
0x115: {  	[hbm4b:s31+s3] =	stream.linear.scatter [tilespmem:s30], [sflag:$0x3], $0x80, $0x38;
	[tilespmem:$0xE800] =	vst v63  }
0x116: {  	p1 =	sne.s32 s26, $0x63;
	s31 =	sadd.s32 $0x50, s0;
	s30 =	simm.s32 $0xC468  }
0x117: {  	[hbm4b:s31+s3] =	stream.linear.scatter [tilespmem:s30], [sflag:$0x3], $0x80, $0x38;
	[tilespmem:$0xE800] =	vst v63  }
.Ltmp1:
0x118: {  	_ = 	snop;
	(pc) =	sbr.rel @p1 .LBB2_6-.Ltmp1, $4  }
0x119: {  	s31 =	sadd.s32 $0x60, s0;
	s30 =	simm.s32 $0xC4F0  }
0x11a: {  	[hbm4b:s31+s3] =	stream.linear.scatter [tilespmem:s30], [sflag:$0x3], $0x80, $0x38;
	[tilespmem:$0xE800] =	vst v63  }
0x11b: {  	s0 =	sadd.s32 $0x70, s0;
	s31 =	simm.s32 $0xC578  }
0x11c: {  	[hbm4b:s0+s3] =	stream.linear.scatter [tilespmem:s31], [sflag:$0x3], $0x80, $0x38;
	[tilespmem:$0xE800] =	vst v63  }
.Ltmp2:
0x11d: {  	(pc) =	sbr.rel .LBB2_7-.Ltmp2, $4  }
0x11e: {  	_ = 	snop  }
0x11f: {  	_ =	swait.ge [sflag:s6], $0x2000  }
0x120: {  	[sflag:s6] =	ssyncset.done $0x0  }
0x121: {  	[sflag:s6] =	ssyncadd.s32 $0xFFFFE000  }
.LBB2_6:
0x122: {  	s0 =	sshll.u32 s26, $0x8  }
0x123: {  	s0 =	sand.u32 $0x3FFFFF00, s0  }
.Ltmp3:
0x124: {  	s1 =	simm.s32 $0x6400;
	s0 =	sadd.s32 $0x100, s0;
	(pc) =	sbr.rel @p0 .LBB2_8-.Ltmp3, $4  }
0x125: {  	[tilespmem:s1], [sflag:$0x1] =	stream.indirect.gather [hbm4b:s4+s16], $0x40, s0, s16, $0xb8;
	[tilespmem:$0xE800] =	vst v63  }
0x126: {  	_ =	swait.ge [sflag:s6], $0x2000  }
0x127: {  	[sflag:s6] =	ssyncset.done $0x0  }
0x128: {  	[sflag:s6] =	ssyncadd.s32 $0xFFFFE000  }
.LBB2_7:
0x129: {  	_ =	swait.ge [sflag:s14], $0x400  }
0x12a: {  	[sflag:s14] =	ssyncset.done $0x0  }
0x12b: {  	[sflag:s14] =	ssyncadd.s32 $0xFFFFFC00  }
0x12c: {  	_ =	swait.ge [sflag:s14], $0x400  }
0x12d: {  	[sflag:s14] =	ssyncset.done $0x0  }
0x12e: {  	[sflag:s14] =	ssyncadd.s32 $0xFFFFFC00  }
0x12f: {  	_ =	swait.ge [sflag:s14], $0x400  }
0x130: {  	[sflag:s14] =	ssyncset.done $0x0  }
0x131: {  	[sflag:s14] =	ssyncadd.s32 $0xFFFFFC00  }
0x132: {  	_ =	swait.ge [sflag:s14], $0x400  }
0x133: {  	[sflag:s14] =	ssyncset.done $0x0  }
0x134: {  	[sflag:s14] =	ssyncadd.s32 $0xFFFFFC00  }
0x135: {  	_ =	swait.ge [sflag:s14], $0x400  }
0x136: {  	[sflag:s14] =	ssyncset.done $0x0  }
0x137: {  	[sflag:s14] =	ssyncadd.s32 $0xFFFFFC00  }
0x138: {  	_ =	swait.ge [sflag:s14], $0x400  }
0x139: {  	[sflag:s14] =	ssyncset.done $0x0  }
0x13a: {  	[sflag:s14] =	ssyncadd.s32 $0xFFFFFC00  }
0x13b: {  	_ =	swait.ge [sflag:s14], $0x400  }
0x13c: {  	[sflag:s14] =	ssyncset.done $0x0  }
0x13d: {  	[sflag:s14] =	ssyncadd.s32 $0xFFFFFC00  }
0x13e: {  	_ =	swait.ge [sflag:s14], $0x400  }
0x13f: {  	[sflag:s14] =	ssyncset.done $0x0  }
0x140: {  	[sflag:s14] =	ssyncadd.s32 $0xFFFFFC00  }
.LBB2_8:
0x141: {  	s0 =	simm.s32 $0x0;
	s31 =	simm.s32 $0x1;
	s1 =	simm.s32 $0x2  }
0x142: {  	s29 =	simm.s32 $0x7;
	v33 =	vmov s0;
	v34 =	vmov s31;
	s31 =	simm.s32 $0x3;
	v35 =	vmov s1  }
0x143: {  	s1 =	simm.s32 $0x4;
	v38 =	vmov s29;
	v33 =	vshrl.u32 v33, $0x3;
	v36 =	vmov s31  }
0x144: {  	s31 =	simm.s32 $0x5;
	v37 =	vmov s1;
	v38 =	vshrl.u32 v38, $0x3;
	v34 =	vshrl.u32 v34, $0x3  }
0x145: {  	v35 =	vshrl.u32 v35, $0x3;
	v39 =	vmov s31;
	v33 =	vshll.u32 v33, v1  }
0x146: {  	v38 =	vshll.u32 v38, v1;
	v36 =	vshrl.u32 v36, $0x3;
	v37 =	vshrl.u32 v37, $0x3  }
0x147: {  	s31 =	simm.s32 $0x6;
	v34 =	vshll.u32 v34, v1;
	v52 =	vshll.u32 v35, v1;
	v38 =	vbroadcast v38, $0x0  }
0x148: {  	s29 =	simm.s32 $0x85F0;
	v40 =	vmov s31;
	v33 =	vbroadcast v33, $0x0;
	v45 =	vbroadcast v34, $0x0  }
0x149: {  	v41 =	vld [tilespmem:s29+$0xFFFFFFD0];
	v52 =	vbroadcast v52, $0x0;
	v53 =	vshll.u32 v36, v1;
	v42 =	vadd.s32 v29, v38  }
0x14a: {  	v43 =	vld [tilespmem:s29+$0xFFFFFE10];
	v54 =	vshll.u32 v37, v1;
	v55 =	vshrl.u32 v39, $0x3;
	v44 =	vadd.s32 v0, v33  }
0x14b: {  	v46 =	vld [tilespmem:s29+$0xFFFFFE50];
	v35 =	vbroadcast v53, $0x0;
	v34 =	vbroadcast v54, $0x0;
	v47 =	vadd.s32 v5, v45  }
0x14c: {  	v48 =	vld [tilespmem:s29+$0xFFFFFE90];
	v36 =	vshll.u32 v55, v1;
	v40 =	vshrl.u32 v40, $0x3;
	v49 =	vadd.s32 v9, v52  }
0x14d: {  	v39 =	vld [tilespmem:s29+$0xFFFFFED0];
	v37 =	vbroadcast v36, $0x0;
	v56 =	vshll.u32 v40, v1;
	v50 =	vadd.s32 v13, v35  }
0x14e: {  	v51 =	vld [tilespmem:s29+$0xFFFFFF10];
	v53 =	vadd.s32 v17, v34;
	v36 =	vbroadcast v56, $0x0;
	[tilespmem:v42+s15+$0x0] =	vst.idx.msk $0xffff, v41  }
0x14f: {  	v59 =	vld [tilespmem:s29+$0xFFFFFF50];
	v60 =	vadd.s32 v21, v37;
	[tilespmem:v44+s15+$0x0] =	vst.idx.msk $0xffff, v43  }
0x150: {  	v61 =	vld [tilespmem:s29+$0xFFFFFF90];
	v62 =	vadd.s32 v25, v36;
	[tilespmem:v47+s15+$0x0] =	vst.idx.msk $0xffff, v46  }
0x151: {  	v58 =	vadd.s32 v30, v38;
	[tilespmem:v49+s15+$0x0] =	vst.idx.msk $0xffff, v48;
	v57 =	vld [tilespmem:s29+$0xFFFFFFE0]  }
0x152: {  	v63 =	vadd.s32 v6, v45;
	v47 =	vld [tilespmem:s29+$0xFFFFFE60];
	[tilespmem:v50+s15+$0x0] =	vst.idx.msk $0xffff, v39  }
0x153: {  	v55 =	vadd.s32 v10, v52;
	v54 =	vld [tilespmem:s29+$0xFFFFFEA0];
	[tilespmem:v53+s15+$0x0] =	vst.idx.msk $0xffff, v51  }
0x154: {  	v56 =	vadd.s32 v14, v35;
	v50 =	vld [tilespmem:s29+$0xFFFFFEE0];
	[tilespmem:v60+s15+$0x0] =	vst.idx.msk $0xffff, v59  }
0x155: {  	v46 =	vadd.s32 v22, v37;
	[tilespmem:v62+s15+$0x0] =	vst.idx.msk $0xffff, v61;
	v44 =	vld [tilespmem:s29+$0xFFFFFF60]  }
0x156: {  	v59 =	vadd.s32 v18, v34;
	[tilespmem:v58+s15+$0x0] =	vst.idx.msk $0xffff, v57;
	v58 =	vld [tilespmem:s29+$0xFFFFFF20]  }
0x157: {  	v57 =	vadd.s32 v31, v38;
	[tilespmem:v63+s15+$0x0] =	vst.idx.msk $0xffff, v47;
	v40 =	vld [tilespmem:s29+$0xFFFFFFF0]  }
0x158: {  	v61 =	vld [tilespmem:s29+$0xFFFFFE20];
	v62 =	vadd.s32 v2, v33;
	[tilespmem:v55+s15+$0x0] =	vst.idx.msk $0xffff, v54  }
0x159: {  	v60 =	vadd.s32 v26, v36;
	v63 =	vld [tilespmem:s29+$0xFFFFFFA0];
	[tilespmem:v56+s15+$0x0] =	vst.idx.msk $0xffff, v50  }
0x15a: {  	v51 =	vadd.s32 v7, v45;
	v50 =	vld [tilespmem:s29+$0xFFFFFE70];
	[tilespmem:v46+s15+$0x0] =	vst.idx.msk $0xffff, v44  }
0x15b: {  	v55 =	vld [tilespmem:s29+$0xFFFFFEB0];
	v56 =	vadd.s32 v11, v52;
	[tilespmem:v59+s15+$0x0] =	vst.idx.msk $0xffff, v58  }
0x15c: {  	v58 =	vadd.s32 v15, v35;
	[tilespmem:v57+s15+$0x0] =	vst.idx.msk $0xffff, v40;
	v57 =	vld [tilespmem:s29+$0xFFFFFEF0]  }
0x15d: {  	v38 =	vadd.s32 v32, v38;
	[tilespmem:v62+s15+$0x0] =	vst.idx.msk $0xffff, v61;
	v54 =	vld [tilespmem:s29+$0x0]  }
0x15e: {  	[tilespmem:v60+s15+$0x0] =	vst.idx.msk $0xffff, v63;
	v60 =	vadd.s32 v19, v34;
	v59 =	vld [tilespmem:s29+$0xFFFFFF30]  }
0x15f: {  	s1 =	simm.s32 $0x8;
	s31 =	simm.s32 $0x9;
	v41 =	vadd.s32 v23, v37;
	v43 =	vadd.s32 v27, v36;
	[tilespmem:v51+s15+$0x0] =	vst.idx.msk $0xffff, v50;
	v40 =	vld [tilespmem:s29+$0xFFFFFF70]  }
0x160: {  	v48 =	vadd.s32 v3, v33;
	v53 =	vmov s31;
	s31 =	simm.s32 $0xB;
	v63 =	vmov s1;
	v42 =	vld [tilespmem:s29+$0xFFFFFFB0];
	[tilespmem:v56+s15+$0x0] =	vst.idx.msk $0xffff, v55  }
0x161: {  	v52 =	vadd.s32 v12, v52;
	v44 =	vmov s31;
	s31 =	simm.s32 $0xD;
	v46 =	vld [tilespmem:s29+$0xFFFFFE30];
	s1 =	simm.s32 $0xA;
	v39 =	vshrl.u32 v63, $0x3;
	[tilespmem:v58+s15+$0x0] =	vst.idx.msk $0xffff, v57  }
0x162: {  	v51 =	vadd.s32 v8, v45;
	v49 =	vld [tilespmem:s29+$0xFFFFFE80];
	[tilespmem:v38+s15+$0x0] =	vst.idx.msk $0xffff, v54;
	v54 =	vmov s1;
	s1 =	simm.s32 $0xC;
	v38 =	vmov s31;
	s31 =	simm.s32 $0xE  }
0x163: {  	s30 =	simm.s32 $0x10;
	v45 =	vshll.u32 v39, v1;
	v50 =	vld [tilespmem:s29+$0xFFFFFEC0];
	[tilespmem:v60+s15+$0x0] =	vst.idx.msk $0xffff, v59;
	v47 =	vmov s1;
	v39 =	vmov s31;
	s1 =	simm.s32 $0xF  }
.LBB2_9:
0x164: {  	p0 =	slt.u32 s30, $0x78;
	v53 =	vshrl.u32 v53, $0x3;
	v55 =	vmov s1;
	v56 =	vld [tilespmem:s29+$0xFFFFFF00];
	v35 =	vadd.s32 v16, v35;
	[tilespmem:v41+s15+$0x0] =	vst.idx.msk $0xffff, v40  }
0x165: {  	v40 =	vshrl.u32 v54, $0x3;
	v34 =	vadd.s32 v20, v34;
	v41 =	vshrl.u32 v55, $0x3;
	v54 =	vld [tilespmem:s29+$0xFFFFFF40];
	[tilespmem:v43+s15+$0x0] =	vst.idx.msk $0xffff, v42  }
0x166: {  	v37 =	vadd.s32 v24, v37;
	v42 =	vshrl.u32 v44, $0x3;
	v41 =	vshll.u32 v41, v1;
	[tilespmem:v48+s15+$0x0] =	vst.idx.msk $0xffff, v46;
	v43 =	vld [tilespmem:s29+$0xFFFFFF80]  }
0x167: {  	v36 =	vadd.s32 v28, v36;
	v44 =	vshrl.u32 v47, $0x3;
	v41 =	vbroadcast v41, $0x0;
	[tilespmem:v51+s15+$0x0] =	vst.idx.msk $0xffff, v49;
	v46 =	vld [tilespmem:s29+$0xFFFFFFC0]  }
0x168: {  	v47 =	vshll.u32 v53, v1;
	v49 =	vadd.s32 v4, v33;
	v33 =	vbroadcast v45, $0x0;
	v48 =	vld [tilespmem:s29+$0xFFFFFE40];
	[tilespmem:v52+s15+$0x0] =	vst.idx.msk $0xffff, v50;
	s29 =	sadd.s32 $0x200, s29  }
0x169: {  	v40 =	vshll.u32 v40, v1;
	v45 =	vbroadcast v47, $0x0;
	v47 =	vld [tilespmem:s29+$0xFFFFFFD0];
	v50 =	vadd.s32 v29, v41;
	[tilespmem:v35+s15+$0x0] =	vst.idx.msk $0xffff, v56  }
0x16a: {  	v55 =	vbroadcast v40, $0x0;
	v52 =	vadd.s32 v0, v33;
	v35 =	vshll.u32 v42, v1;
	v51 =	vld [tilespmem:s29+$0xFFFFFE10];
	[tilespmem:v34+s15+$0x0] =	vst.idx.msk $0xffff, v54  }
0x16b: {  	v42 =	vadd.s32 v5, v45;
	v35 =	vbroadcast v35, $0x0;
	v34 =	vshll.u32 v44, v1;
	v40 =	vld [tilespmem:s29+$0xFFFFFE50];
	[tilespmem:v37+s15+$0x0] =	vst.idx.msk $0xffff, v43  }
0x16c: {  	v44 =	vadd.s32 v9, v55;
	v34 =	vbroadcast v34, $0x0;
	v37 =	vshrl.u32 v38, $0x3;
	v43 =	vld [tilespmem:s29+$0xFFFFFE90];
	[tilespmem:v36+s15+$0x0] =	vst.idx.msk $0xffff, v46  }
0x16d: {  	v39 =	vshrl.u32 v39, $0x3;
	v46 =	vadd.s32 v13, v35;
	v36 =	vshll.u32 v37, v1;
	v38 =	vld [tilespmem:s29+$0xFFFFFED0];
	[tilespmem:v49+s15+$0x0] =	vst.idx.msk $0xffff, v48  }
0x16e: {  	v49 =	vadd.s32 v17, v34;
	v37 =	vbroadcast v36, $0x0;
	v36 =	vshll.u32 v39, v1;
	v48 =	vld [tilespmem:s29+$0xFFFFFF10];
	[tilespmem:v50+s15+$0x0] =	vst.idx.msk $0xffff, v47  }
0x16f: {  	v36 =	vbroadcast v36, $0x0;
	v47 =	vadd.s32 v30, v41;
	[tilespmem:v52+s15+$0x0] =	vst.idx.msk $0xffff, v51;
	v39 =	vld [tilespmem:s29+$0xFFFFFFE0]  }
0x170: {  	[tilespmem:v42+s15+$0x0] =	vst.idx.msk $0xffff, v40;
	v40 =	vld [tilespmem:s29+$0xFFFFFF50];
	v42 =	vadd.s32 v21, v37  }
0x171: {  	[tilespmem:v44+s15+$0x0] =	vst.idx.msk $0xffff, v43;
	v43 =	vld [tilespmem:s29+$0xFFFFFF90];
	v44 =	vadd.s32 v25, v36  }
0x172: {  	v51 =	vadd.s32 v6, v45;
	v50 =	vld [tilespmem:s29+$0xFFFFFE60];
	[tilespmem:v46+s15+$0x0] =	vst.idx.msk $0xffff, v38  }
0x173: {  	v46 =	vadd.s32 v10, v55;
	v38 =	vld [tilespmem:s29+$0xFFFFFEA0];
	[tilespmem:v49+s15+$0x0] =	vst.idx.msk $0xffff, v48  }
0x174: {  	v49 =	vadd.s32 v14, v35;
	v48 =	vld [tilespmem:s29+$0xFFFFFEE0];
	[tilespmem:v47+s15+$0x0] =	vst.idx.msk $0xffff, v39  }
0x175: {  	[tilespmem:v42+s15+$0x0] =	vst.idx.msk $0xffff, v40;
	v39 =	vld [tilespmem:s29+$0xFFFFFFF0];
	v40 =	vadd.s32 v31, v41  }
0x176: {  	v47 =	vadd.s32 v18, v34;
	v42 =	vld [tilespmem:s29+$0xFFFFFF20];
	[tilespmem:v44+s15+$0x0] =	vst.idx.msk $0xffff, v43  }
0x177: {  	v44 =	vadd.s32 v22, v37;
	[tilespmem:v51+s15+$0x0] =	vst.idx.msk $0xffff, v50;
	v43 =	vld [tilespmem:s29+$0xFFFFFF60]  }
0x178: {  	[tilespmem:v46+s15+$0x0] =	vst.idx.msk $0xffff, v38;
	v38 =	vld [tilespmem:s29+$0xFFFFFFA0];
	v46 =	vadd.s32 v26, v36  }
0x179: {  	v51 =	vadd.s32 v2, v33;
	v50 =	vld [tilespmem:s29+$0xFFFFFE20];
	[tilespmem:v49+s15+$0x0] =	vst.idx.msk $0xffff, v48  }
0x17a: {  	v49 =	vadd.s32 v7, v45;
	v48 =	vld [tilespmem:s29+$0xFFFFFE70];
	[tilespmem:v40+s15+$0x0] =	vst.idx.msk $0xffff, v39  }
0x17b: {  	[tilespmem:v47+s15+$0x0] =	vst.idx.msk $0xffff, v42;
	v39 =	vld [tilespmem:s29+$0x0];
	v47 =	vadd.s32 v32, v41  }
0x17c: {  	v56 =	vadd.s32 v11, v55;
	v52 =	vld [tilespmem:s29+$0xFFFFFEB0];
	[tilespmem:v44+s15+$0x0] =	vst.idx.msk $0xffff, v43  }
0x17d: {  	v58 =	vadd.s32 v15, v35;
	v57 =	vld [tilespmem:s29+$0xFFFFFEF0];
	[tilespmem:v46+s15+$0x0] =	vst.idx.msk $0xffff, v38  }
0x17e: {  	v60 =	vadd.s32 v19, v34;
	[tilespmem:v51+s15+$0x0] =	vst.idx.msk $0xffff, v50;
	v59 =	vld [tilespmem:s29+$0xFFFFFF30]  }
.Ltmp4:
0x17f: {  	s0 =	sadd.s32 $0x1, s30;
	v41 =	vadd.s32 v23, v37;
	v38 =	vmov s30;
	[tilespmem:v49+s15+$0x0] =	vst.idx.msk $0xffff, v48;
	v40 =	vld [tilespmem:s29+$0xFFFFFF70];
	(pc) =	sbr.rel @p0 .LBB2_9-.Ltmp4, $4  }
0x180: {  	s1 =	sadd.s32 $0x3, s30;
	v53 =	vmov s0;
	s0 =	sadd.s32 $0x2, s30;
	v43 =	vadd.s32 v27, v36;
	v50 =	vshrl.u32 v38, $0x3;
	v42 =	vld [tilespmem:s29+$0xFFFFFFB0];
	[tilespmem:v47+s15+$0x0] =	vst.idx.msk $0xffff, v39  }
0x181: {  	v54 =	vmov s0;
	s0 =	sadd.s32 $0x4, s30;
	v44 =	vmov s1;
	s1 =	sadd.s32 $0x5, s30;
	v48 =	vadd.s32 v3, v33;
	v46 =	vld [tilespmem:s29+$0xFFFFFE30];
	[tilespmem:v56+s15+$0x0] =	vst.idx.msk $0xffff, v52  }
0x182: {  	v38 =	vmov s1;
	v51 =	vadd.s32 v8, v45;
	v47 =	vmov s0;
	s0 =	sadd.s32 $0x6, s30;
	v49 =	vld [tilespmem:s29+$0xFFFFFE80];
	[tilespmem:v58+s15+$0x0] =	vst.idx.msk $0xffff, v57  }
0x183: {  	s1 =	sadd.s32 $0x7, s30;
	v45 =	vshll.u32 v50, v1;
	s30 =	sadd.s32 $0x8, s30;
	v39 =	vmov s0;
	v52 =	vadd.s32 v12, v55;
	v50 =	vld [tilespmem:s29+$0xFFFFFEC0];
	[tilespmem:v60+s15+$0x0] =	vst.idx.msk $0xffff, v59  }
0x184: {  	_ =	sdelay $0x2  }
0x185: {  	v53 =	vshrl.u32 v53, $0x3  }
0x186: {  	v55 =	vmov s1;
	v56 =	vld [tilespmem:s29+$0xFFFFFF00];
	v35 =	vadd.s32 v16, v35;
	[tilespmem:v41+s15+$0x0] =	vst.idx.msk $0xffff, v40;
	v57 =	vshrl.u32 v54, $0x3  }
0x187: {  	v59 =	vld [tilespmem:s29+$0xFFFFFF40];
	v34 =	vadd.s32 v20, v34;
	v60 =	vshrl.u32 v44, $0x3;
	v58 =	vshrl.u32 v55, $0x3;
	[tilespmem:v43+s15+$0x0] =	vst.idx.msk $0xffff, v42  }
0x188: {  	v37 =	vadd.s32 v24, v37;
	v62 =	vshrl.u32 v47, $0x3;
	v61 =	vld [tilespmem:s29+$0xFFFFFF80];
	v41 =	vshll.u32 v58, v1;
	[tilespmem:v48+s15+$0x0] =	vst.idx.msk $0xffff, v46  }
0x189: {  	v36 =	vadd.s32 v28, v36;
	v45 =	vbroadcast v45, $0x0;
	v63 =	vld [tilespmem:s29+$0xFFFFFFC0];
	v41 =	vbroadcast v41, $0x0;
	[tilespmem:v51+s15+$0x0] =	vst.idx.msk $0xffff, v49  }
0x18a: {  	v33 =	vadd.s32 v4, v33;
	s1 =	sadd.s32 $0x200, s29;
	v38 =	vshrl.u32 v38, $0x3;
	v55 =	vshll.u32 v53, v1;
	v48 =	vld [tilespmem:s29+$0xFFFFFE40];
	[tilespmem:v52+s15+$0x0] =	vst.idx.msk $0xffff, v50  }
0x18b: {  	v40 =	vshll.u32 v57, v1;
	v47 =	vbroadcast v55, $0x0;
	v49 =	vld [tilespmem:s1+$0xFFFFFFD0];
	v50 =	vadd.s32 v29, v41;
	[tilespmem:v35+s15+$0x0] =	vst.idx.msk $0xffff, v56  }
0x18c: {  	v42 =	vshll.u32 v60, v1;
	v40 =	vbroadcast v40, $0x0;
	v35 =	vld [tilespmem:s1+$0xFFFFFE10];
	v56 =	vadd.s32 v0, v45;
	[tilespmem:v34+s15+$0x0] =	vst.idx.msk $0xffff, v59  }
0x18d: {  	v57 =	vld [tilespmem:s1+$0xFFFFFE50];
	v44 =	vshll.u32 v62, v1;
	v42 =	vbroadcast v42, $0x0;
	v58 =	vadd.s32 v5, v47;
	[tilespmem:v37+s15+$0x0] =	vst.idx.msk $0xffff, v61  }
0x18e: {  	v38 =	vshll.u32 v38, v1;
	v44 =	vbroadcast v44, $0x0;
	v60 =	vadd.s32 v9, v40;
	v59 =	vld [tilespmem:s1+$0xFFFFFE90];
	[tilespmem:v36+s15+$0x0] =	vst.idx.msk $0xffff, v63  }
0x18f: {  	v38 =	vbroadcast v38, $0x0;
	v62 =	vadd.s32 v13, v42;
	v61 =	vld [tilespmem:s1+$0xFFFFFED0];
	[tilespmem:v33+s15+$0x0] =	vst.idx.msk $0xffff, v48  }
0x190: {  	v39 =	vshrl.u32 v39, $0x3;
	v63 =	vadd.s32 v17, v44;
	v33 =	vld [tilespmem:s1+$0xFFFFFF10];
	[tilespmem:v50+s15+$0x0] =	vst.idx.msk $0xffff, v49  }
0x191: {  	v39 =	vshll.u32 v39, v1;
	v34 =	vld [tilespmem:s1+$0xFFFFFF50];
	[tilespmem:v56+s15+$0x0] =	vst.idx.msk $0xffff, v35;
	v56 =	vadd.s32 v21, v38  }
0x192: {  	[tilespmem:v58+s15+$0x0] =	vst.idx.msk $0xffff, v57;
	v35 =	vbroadcast v39, $0x0;
	v49 =	vadd.s32 v30, v41;
	v39 =	vld [tilespmem:s1+$0xFFFFFFE0]  }
0x193: {  	[tilespmem:v60+s15+$0x0] =	vst.idx.msk $0xffff, v59;
	v59 =	vld [tilespmem:s1+$0xFFFFFE60];
	v60 =	vadd.s32 v6, v47  }
0x194: {  	v57 =	vld [tilespmem:s1+$0xFFFFFF90];
	[tilespmem:v62+s15+$0x0] =	vst.idx.msk $0xffff, v61;
	v58 =	vadd.s32 v25, v35  }
0x195: {  	v61 =	vld [tilespmem:s1+$0xFFFFFEA0];
	v62 =	vadd.s32 v10, v40;
	[tilespmem:v63+s15+$0x0] =	vst.idx.msk $0xffff, v33  }
0x196: {  	v33 =	vld [tilespmem:s1+$0xFFFFFEE0];
	v63 =	vadd.s32 v14, v42;
	[tilespmem:v56+s15+$0x0] =	vst.idx.msk $0xffff, v34  }
0x197: {  	v56 =	vadd.s32 v18, v44;
	[tilespmem:v49+s15+$0x0] =	vst.idx.msk $0xffff, v39;
	v49 =	vld [tilespmem:s1+$0xFFFFFF20]  }
0x198: {  	[tilespmem:v60+s15+$0x0] =	vst.idx.msk $0xffff, v59;
	v39 =	vadd.s32 v31, v41;
	v34 =	vld [tilespmem:s1+$0xFFFFFFF0]  }
0x199: {  	[tilespmem:v58+s15+$0x0] =	vst.idx.msk $0xffff, v57;
	v57 =	vld [tilespmem:s1+$0xFFFFFF60];
	v58 =	vadd.s32 v22, v38  }
0x19a: {  	[tilespmem:v62+s15+$0x0] =	vst.idx.msk $0xffff, v61;
	v61 =	vld [tilespmem:s1+$0xFFFFFE20];
	v62 =	vadd.s32 v2, v45  }
0x19b: {  	v60 =	vadd.s32 v26, v35;
	v59 =	vld [tilespmem:s1+$0xFFFFFFA0];
	[tilespmem:v63+s15+$0x0] =	vst.idx.msk $0xffff, v33  }
0x19c: {  	v55 =	vadd.s32 v11, v40;
	v54 =	vadd.s32 v32, v41;
	v41 =	vld [tilespmem:s1+$0xFFFFFEB0];
	[tilespmem:v56+s15+$0x0] =	vst.idx.msk $0xffff, v49  }
0x19d: {  	v53 =	vadd.s32 v7, v47;
	v63 =	vld [tilespmem:s1+$0xFFFFFE70];
	[tilespmem:v39+s15+$0x0] =	vst.idx.msk $0xffff, v34  }
0x19e: {  	v56 =	vld [tilespmem:s1+$0xFFFFFEF0];
	[tilespmem:v58+s15+$0x0] =	vst.idx.msk $0xffff, v57;
	v57 =	vadd.s32 v15, v42  }
0x19f: {  	[tilespmem:v62+s15+$0x0] =	vst.idx.msk $0xffff, v61;
	v34 =	vld [tilespmem:s1+$0x0]  }
0x1a0: {  	v58 =	vld [tilespmem:s1+$0xFFFFFF30];
	[tilespmem:v60+s15+$0x0] =	vst.idx.msk $0xffff, v59;
	v59 =	vadd.s32 v19, v44  }
0x1a1: {  	v61 =	vadd.s32 v23, v38;
	[tilespmem:v55+s15+$0x0] =	vst.idx.msk $0xffff, v41;
	v60 =	vld [tilespmem:s1+$0xFFFFFF70]  }
0x1a2: {  	[tilespmem:v53+s15+$0x0] =	vst.idx.msk $0xffff, v63;
	v63 =	vadd.s32 v27, v35;
	v62 =	vld [tilespmem:s1+$0xFFFFFFB0]  }
0x1a3: {  	v47 =	vadd.s32 v8, v47;
	v55 =	vld [tilespmem:s1+$0xFFFFFE80];
	[tilespmem:v57+s15+$0x0] =	vst.idx.msk $0xffff, v56  }
0x1a4: {  	v53 =	vld [tilespmem:s1+$0xFFFFFE30];
	[tilespmem:v54+s15+$0x0] =	vst.idx.msk $0xffff, v34;
	v54 =	vadd.s32 v3, v45  }
0x1a5: {  	v40 =	vadd.s32 v12, v40;
	v56 =	vld [tilespmem:s1+$0xFFFFFEC0];
	[tilespmem:v59+s15+$0x0] =	vst.idx.msk $0xffff, v58  }
0x1a6: {  	v42 =	vadd.s32 v16, v42;
	v57 =	vld [tilespmem:s1+$0xFFFFFF00];
	[tilespmem:v61+s15+$0x0] =	vst.idx.msk $0xffff, v60  }
0x1a7: {  	v59 =	vadd.s32 v20, v44;
	v58 =	vld [tilespmem:s1+$0xFFFFFF40];
	[tilespmem:v63+s15+$0x0] =	vst.idx.msk $0xffff, v62  }
0x1a8: {  	v38 =	vadd.s32 v24, v38;
	v60 =	vld [tilespmem:s1+$0xFFFFFF80];
	[tilespmem:v47+s15+$0x0] =	vst.idx.msk $0xffff, v55  }
0x1a9: {  	v35 =	vadd.s32 v28, v35;
	v61 =	vld [tilespmem:s1+$0xFFFFFFC0];
	[tilespmem:v54+s15+$0x0] =	vst.idx.msk $0xffff, v53  }
0x1aa: {  	v63 =	vadd.s32 v4, v45;
	[tilespmem:v40+s15+$0x0] =	vst.idx.msk $0xffff, v56;
	v62 =	vld [tilespmem:s1+$0xFFFFFE40]  }
0x1ab: {  	s0 =	sadd.s32 s5, s28;
	[tilespmem:v42+s15+$0x0] =	vst.idx.msk $0xffff, v57  }
0x1ac: {  	s30 =	sshll.u32 s0, $0xA;
	s0 =	sshll.u32 s0, $0x7;
	[tilespmem:v59+s15+$0x0] =	vst.idx.msk $0xffff, v58  }
0x1ad: {  	s0 =	sand.u32 $0xF80, s0;
	[tilespmem:v38+s15+$0x0] =	vst.idx.msk $0xffff, v60;
	s1 =	sand.u32 $0xFFF8000, s30  }
0x1ae: {  	[tilespmem:v35+s15+$0x0] =	vst.idx.msk $0xffff, v61;
	s28 =	sor.u32 s0, s1  }
0x1af: {  	s0 =	sadd.s32 s2, s28;
	[tilespmem:v63+s15+$0x0] =	vst.idx.msk $0xffff, v62  }
0x1b0: {  	[hbm4b:s0+s3] =	stream.linear.scatter [tilespmem:s15], [sflag:$0x4], $0x80, $0x38;
	[tilespmem:$0xE800] =	vst v63  }
0x1b1: {  	s30 =	simm.s32 $0xC688;
	s31 =	sadd.s32 $0x10, s0  }
0x1b2: {  	[hbm4b:s31+s3] =	stream.linear.scatter [tilespmem:s30], [sflag:$0x4], $0x80, $0x38;
	[tilespmem:$0xE800] =	vst v63  }
0x1b3: {  	s31 =	sadd.s32 $0x20, s0;
	s30 =	simm.s32 $0xC710  }
0x1b4: {  	[hbm4b:s31+s3] =	stream.linear.scatter [tilespmem:s30], [sflag:$0x4], $0x80, $0x38;
	[tilespmem:$0xE800] =	vst v63  }
0x1b5: {  	s31 =	sadd.s32 $0x30, s0;
	s30 =	simm.s32 $0xC798  }
0x1b6: {  	[hbm4b:s31+s3] =	stream.linear.scatter [tilespmem:s30], [sflag:$0x4], $0x80, $0x38;
	[tilespmem:$0xE800] =	vst v63  }
0x1b7: {  	s31 =	sadd.s32 $0x40, s0;
	s30 =	simm.s32 $0xC820  }
0x1b8: {  	[hbm4b:s31+s3] =	stream.linear.scatter [tilespmem:s30], [sflag:$0x4], $0x80, $0x38;
	[tilespmem:$0xE800] =	vst v63  }
0x1b9: {  	s31 =	sadd.s32 $0x50, s0;
	s30 =	simm.s32 $0xC8A8  }
0x1ba: {  	[hbm4b:s31+s3] =	stream.linear.scatter [tilespmem:s30], [sflag:$0x4], $0x80, $0x38;
	[tilespmem:$0xE800] =	vst v63  }
0x1bb: {  	s31 =	sadd.s32 $0x60, s0;
	s30 =	simm.s32 $0xC930  }
0x1bc: {  	[hbm4b:s31+s3] =	stream.linear.scatter [tilespmem:s30], [sflag:$0x4], $0x80, $0x38;
	[tilespmem:$0xE800] =	vst v63  }
0x1bd: {  	s0 =	sadd.s32 $0x70, s0;
	s31 =	simm.s32 $0xC9B8  }
0x1be: {  	[hbm4b:s0+s3] =	stream.linear.scatter [tilespmem:s31], [sflag:$0x4], $0x80, $0x38;
	[tilespmem:$0xE800] =	vst v63  }
0x1bf: {  	s29 =	simm.s32 $0xCA40;
	s0 =	sadd.s32 s28, s7  }
0x1c0: {  	[hbm4b:s0+s3] =	stream.linear.scatter [tilespmem:s29], [sflag:$0x4], $0x80, $0x38;
	[tilespmem:$0xE800] =	vst v63  }
0x1c1: {  	s31 =	simm.s32 $0xCAC8;
	s30 =	sadd.s32 $0x10, s0  }
0x1c2: {  	[hbm4b:s30+s3] =	stream.linear.scatter [tilespmem:s31], [sflag:$0x4], $0x80, $0x38;
	[tilespmem:$0xE800] =	vst v63  }
0x1c3: {  	s30 =	sadd.s32 $0x20, s0;
	s31 =	simm.s32 $0xCB50  }
0x1c4: {  	[hbm4b:s30+s3] =	stream.linear.scatter [tilespmem:s31], [sflag:$0x4], $0x80, $0x38;
	[tilespmem:$0xE800] =	vst v63  }
0x1c5: {  	s30 =	sadd.s32 $0x30, s0;
	s31 =	simm.s32 $0xCBD8  }
0x1c6: {  	[hbm4b:s30+s3] =	stream.linear.scatter [tilespmem:s31], [sflag:$0x4], $0x80, $0x38;
	[tilespmem:$0xE800] =	vst v63  }
0x1c7: {  	s30 =	sadd.s32 $0x40, s0;
	s31 =	simm.s32 $0xCC60  }
0x1c8: {  	[hbm4b:s30+s3] =	stream.linear.scatter [tilespmem:s31], [sflag:$0x4], $0x80, $0x38;
	[tilespmem:$0xE800] =	vst v63  }
0x1c9: {  	s30 =	sadd.s32 $0x50, s0;
	s31 =	simm.s32 $0xCCE8  }
0x1ca: {  	[hbm4b:s30+s3] =	stream.linear.scatter [tilespmem:s31], [sflag:$0x4], $0x80, $0x38;
	[tilespmem:$0xE800] =	vst v63  }
0x1cb: {  	s30 =	sadd.s32 $0x60, s0;
	s31 =	simm.s32 $0xCD70  }
0x1cc: {  	[hbm4b:s30+s3] =	stream.linear.scatter [tilespmem:s31], [sflag:$0x4], $0x80, $0x38;
	[tilespmem:$0xE800] =	vst v63  }
0x1cd: {  	s29 =	simm.s32 $0xCDF8;
	s0 =	sadd.s32 $0x70, s0  }
0x1ce: {  	[hbm4b:s0+s3] =	stream.linear.scatter [tilespmem:s29], [sflag:$0x4], $0x80, $0x38;
	[tilespmem:$0xE800] =	vst v63  }
0x1cf: {  	s30 =	simm.s32 $0xCE80;
	s0 =	sadd.s32 s28, s8  }
0x1d0: {  	[hbm4b:s0+s3] =	stream.linear.scatter [tilespmem:s30], [sflag:$0x4], $0x80, $0x38;
	[tilespmem:$0xE800] =	vst v63  }
0x1d1: {  	s31 =	sadd.s32 $0x10, s0;
	s30 =	simm.s32 $0xCF08  }
0x1d2: {  	[hbm4b:s31+s3] =	stream.linear.scatter [tilespmem:s30], [sflag:$0x4], $0x80, $0x38;
	[tilespmem:$0xE800] =	vst v63  }
0x1d3: {  	s31 =	sadd.s32 $0x20, s0;
	s30 =	simm.s32 $0xCF90  }
0x1d4: {  	[hbm4b:s31+s3] =	stream.linear.scatter [tilespmem:s30], [sflag:$0x4], $0x80, $0x38;
	[tilespmem:$0xE800] =	vst v63  }
0x1d5: {  	s31 =	sadd.s32 $0x30, s0;
	s30 =	simm.s32 $0xD018  }
0x1d6: {  	[hbm4b:s31+s3] =	stream.linear.scatter [tilespmem:s30], [sflag:$0x4], $0x80, $0x38;
	[tilespmem:$0xE800] =	vst v63  }
0x1d7: {  	s31 =	sadd.s32 $0x40, s0;
	s30 =	simm.s32 $0xD0A0  }
0x1d8: {  	[hbm4b:s31+s3] =	stream.linear.scatter [tilespmem:s30], [sflag:$0x4], $0x80, $0x38;
	[tilespmem:$0xE800] =	vst v63  }
0x1d9: {  	s31 =	sadd.s32 $0x50, s0;
	s30 =	simm.s32 $0xD128  }
0x1da: {  	[hbm4b:s31+s3] =	stream.linear.scatter [tilespmem:s30], [sflag:$0x4], $0x80, $0x38;
	[tilespmem:$0xE800] =	vst v63  }
0x1db: {  	s31 =	sadd.s32 $0x60, s0;
	s30 =	simm.s32 $0xD1B0  }
0x1dc: {  	[hbm4b:s31+s3] =	stream.linear.scatter [tilespmem:s30], [sflag:$0x4], $0x80, $0x38;
	[tilespmem:$0xE800] =	vst v63  }
0x1dd: {  	s0 =	sadd.s32 $0x70, s0;
	s31 =	simm.s32 $0xD238  }
0x1de: {  	[hbm4b:s0+s3] =	stream.linear.scatter [tilespmem:s31], [sflag:$0x4], $0x80, $0x38;
	[tilespmem:$0xE800] =	vst v63  }
0x1df: {  	s29 =	simm.s32 $0xD2C0;
	s0 =	sadd.s32 s28, s9  }
0x1e0: {  	[hbm4b:s0+s3] =	stream.linear.scatter [tilespmem:s29], [sflag:$0x4], $0x80, $0x38;
	[tilespmem:$0xE800] =	vst v63  }
0x1e1: {  	s31 =	simm.s32 $0xD348;
	s30 =	sadd.s32 $0x10, s0  }
0x1e2: {  	[hbm4b:s30+s3] =	stream.linear.scatter [tilespmem:s31], [sflag:$0x4], $0x80, $0x38;
	[tilespmem:$0xE800] =	vst v63  }
0x1e3: {  	s30 =	sadd.s32 $0x20, s0;
	s31 =	simm.s32 $0xD3D0  }
0x1e4: {  	[hbm4b:s30+s3] =	stream.linear.scatter [tilespmem:s31], [sflag:$0x4], $0x80, $0x38;
	[tilespmem:$0xE800] =	vst v63  }
0x1e5: {  	s30 =	sadd.s32 $0x30, s0;
	s31 =	simm.s32 $0xD458  }
0x1e6: {  	[hbm4b:s30+s3] =	stream.linear.scatter [tilespmem:s31], [sflag:$0x4], $0x80, $0x38;
	[tilespmem:$0xE800] =	vst v63  }
0x1e7: {  	s30 =	sadd.s32 $0x40, s0;
	s31 =	simm.s32 $0xD4E0  }
0x1e8: {  	[hbm4b:s30+s3] =	stream.linear.scatter [tilespmem:s31], [sflag:$0x4], $0x80, $0x38;
	[tilespmem:$0xE800] =	vst v63  }
0x1e9: {  	s30 =	sadd.s32 $0x50, s0;
	s31 =	simm.s32 $0xD568  }
0x1ea: {  	[hbm4b:s30+s3] =	stream.linear.scatter [tilespmem:s31], [sflag:$0x4], $0x80, $0x38;
	[tilespmem:$0xE800] =	vst v63  }
0x1eb: {  	s30 =	sadd.s32 $0x60, s0;
	s31 =	simm.s32 $0xD5F0  }
0x1ec: {  	[hbm4b:s30+s3] =	stream.linear.scatter [tilespmem:s31], [sflag:$0x4], $0x80, $0x38;
	[tilespmem:$0xE800] =	vst v63  }
0x1ed: {  	s29 =	simm.s32 $0xD678;
	s0 =	sadd.s32 $0x70, s0  }
0x1ee: {  	[hbm4b:s0+s3] =	stream.linear.scatter [tilespmem:s29], [sflag:$0x4], $0x80, $0x38;
	[tilespmem:$0xE800] =	vst v63  }
0x1ef: {  	s30 =	simm.s32 $0xD700;
	s0 =	sadd.s32 s28, s10  }
0x1f0: {  	[hbm4b:s0+s3] =	stream.linear.scatter [tilespmem:s30], [sflag:$0x4], $0x80, $0x38;
	[tilespmem:$0xE800] =	vst v63  }
0x1f1: {  	s31 =	sadd.s32 $0x10, s0;
	s30 =	simm.s32 $0xD788  }
0x1f2: {  	[hbm4b:s31+s3] =	stream.linear.scatter [tilespmem:s30], [sflag:$0x4], $0x80, $0x38;
	[tilespmem:$0xE800] =	vst v63  }
0x1f3: {  	s31 =	sadd.s32 $0x20, s0;
	s30 =	simm.s32 $0xD810  }
0x1f4: {  	[hbm4b:s31+s3] =	stream.linear.scatter [tilespmem:s30], [sflag:$0x4], $0x80, $0x38;
	[tilespmem:$0xE800] =	vst v63  }
0x1f5: {  	s31 =	sadd.s32 $0x30, s0;
	s30 =	simm.s32 $0xD898  }
0x1f6: {  	[hbm4b:s31+s3] =	stream.linear.scatter [tilespmem:s30], [sflag:$0x4], $0x80, $0x38;
	[tilespmem:$0xE800] =	vst v63  }
0x1f7: {  	s31 =	sadd.s32 $0x40, s0;
	s30 =	simm.s32 $0xD920  }
0x1f8: {  	[hbm4b:s31+s3] =	stream.linear.scatter [tilespmem:s30], [sflag:$0x4], $0x80, $0x38;
	[tilespmem:$0xE800] =	vst v63  }
0x1f9: {  	s31 =	sadd.s32 $0x50, s0;
	s30 =	simm.s32 $0xD9A8  }
0x1fa: {  	[hbm4b:s31+s3] =	stream.linear.scatter [tilespmem:s30], [sflag:$0x4], $0x80, $0x38;
	[tilespmem:$0xE800] =	vst v63  }
0x1fb: {  	s31 =	sadd.s32 $0x60, s0;
	s30 =	simm.s32 $0xDA30  }
0x1fc: {  	[hbm4b:s31+s3] =	stream.linear.scatter [tilespmem:s30], [sflag:$0x4], $0x80, $0x38;
	[tilespmem:$0xE800] =	vst v63  }
0x1fd: {  	s0 =	sadd.s32 $0x70, s0;
	s31 =	simm.s32 $0xDAB8  }
0x1fe: {  	[hbm4b:s0+s3] =	stream.linear.scatter [tilespmem:s31], [sflag:$0x4], $0x80, $0x38;
	[tilespmem:$0xE800] =	vst v63  }
0x1ff: {  	s29 =	simm.s32 $0xDB40;
	s0 =	sadd.s32 s28, s11  }
0x200: {  	[hbm4b:s0+s3] =	stream.linear.scatter [tilespmem:s29], [sflag:$0x4], $0x80, $0x38;
	[tilespmem:$0xE800] =	vst v63  }
0x201: {  	s31 =	simm.s32 $0xDBC8;
	s30 =	sadd.s32 $0x10, s0  }
0x202: {  	[hbm4b:s30+s3] =	stream.linear.scatter [tilespmem:s31], [sflag:$0x4], $0x80, $0x38;
	[tilespmem:$0xE800] =	vst v63  }
0x203: {  	s30 =	sadd.s32 $0x20, s0;
	s31 =	simm.s32 $0xDC50  }
0x204: {  	[hbm4b:s30+s3] =	stream.linear.scatter [tilespmem:s31], [sflag:$0x4], $0x80, $0x38;
	[tilespmem:$0xE800] =	vst v63  }
0x205: {  	s30 =	sadd.s32 $0x30, s0;
	s31 =	simm.s32 $0xDCD8  }
0x206: {  	[hbm4b:s30+s3] =	stream.linear.scatter [tilespmem:s31], [sflag:$0x4], $0x80, $0x38;
	[tilespmem:$0xE800] =	vst v63  }
0x207: {  	s30 =	sadd.s32 $0x40, s0;
	s31 =	simm.s32 $0xDD60  }
0x208: {  	[hbm4b:s30+s3] =	stream.linear.scatter [tilespmem:s31], [sflag:$0x4], $0x80, $0x38;
	[tilespmem:$0xE800] =	vst v63  }
0x209: {  	s30 =	sadd.s32 $0x50, s0;
	s31 =	simm.s32 $0xDDE8  }
0x20a: {  	[hbm4b:s30+s3] =	stream.linear.scatter [tilespmem:s31], [sflag:$0x4], $0x80, $0x38;
	[tilespmem:$0xE800] =	vst v63  }
0x20b: {  	s30 =	sadd.s32 $0x60, s0;
	s31 =	simm.s32 $0xDE70  }
0x20c: {  	[hbm4b:s30+s3] =	stream.linear.scatter [tilespmem:s31], [sflag:$0x4], $0x80, $0x38;
	[tilespmem:$0xE800] =	vst v63  }
0x20d: {  	s29 =	simm.s32 $0xDEF8;
	s0 =	sadd.s32 $0x70, s0  }
0x20e: {  	[hbm4b:s0+s3] =	stream.linear.scatter [tilespmem:s29], [sflag:$0x4], $0x80, $0x38;
	[tilespmem:$0xE800] =	vst v63  }
0x20f: {  	s30 =	simm.s32 $0xDF80;
	s0 =	sadd.s32 s28, s12  }
0x210: {  	[hbm4b:s0+s3] =	stream.linear.scatter [tilespmem:s30], [sflag:$0x4], $0x80, $0x38;
	[tilespmem:$0xE800] =	vst v63  }
0x211: {  	s31 =	sadd.s32 $0x10, s0;
	s30 =	simm.s32 $0xE008  }
0x212: {  	[hbm4b:s31+s3] =	stream.linear.scatter [tilespmem:s30], [sflag:$0x4], $0x80, $0x38;
	[tilespmem:$0xE800] =	vst v63  }
0x213: {  	s31 =	sadd.s32 $0x20, s0;
	s30 =	simm.s32 $0xE090  }
0x214: {  	[hbm4b:s31+s3] =	stream.linear.scatter [tilespmem:s30], [sflag:$0x4], $0x80, $0x38;
	[tilespmem:$0xE800] =	vst v63  }
0x215: {  	s31 =	sadd.s32 $0x30, s0;
	s30 =	simm.s32 $0xE118  }
0x216: {  	[hbm4b:s31+s3] =	stream.linear.scatter [tilespmem:s30], [sflag:$0x4], $0x80, $0x38;
	[tilespmem:$0xE800] =	vst v63  }
0x217: {  	s31 =	sadd.s32 $0x40, s0;
	s30 =	simm.s32 $0xE1A0  }
0x218: {  	[hbm4b:s31+s3] =	stream.linear.scatter [tilespmem:s30], [sflag:$0x4], $0x80, $0x38;
	[tilespmem:$0xE800] =	vst v63  }
0x219: {  	s31 =	sadd.s32 $0x50, s0;
	s30 =	simm.s32 $0xE228  }
0x21a: {  	[hbm4b:s31+s3] =	stream.linear.scatter [tilespmem:s30], [sflag:$0x4], $0x80, $0x38;
	[tilespmem:$0xE800] =	vst v63  }
0x21b: {  	s31 =	sadd.s32 $0x60, s0;
	s30 =	simm.s32 $0xE2B0  }
0x21c: {  	[hbm4b:s31+s3] =	stream.linear.scatter [tilespmem:s30], [sflag:$0x4], $0x80, $0x38;
	[tilespmem:$0xE800] =	vst v63  }
0x21d: {  	s0 =	sadd.s32 $0x70, s0;
	s31 =	simm.s32 $0xE338  }
0x21e: {  	[hbm4b:s0+s3] =	stream.linear.scatter [tilespmem:s31], [sflag:$0x4], $0x80, $0x38;
	[tilespmem:$0xE800] =	vst v63  }
0x21f: {  	s29 =	simm.s32 $0xE3C0;
	s0 =	sadd.s32 s28, s13  }
0x220: {  	[hbm4b:s0+s3] =	stream.linear.scatter [tilespmem:s29], [sflag:$0x4], $0x80, $0x38;
	[tilespmem:$0xE800] =	vst v63  }
0x221: {  	s30 =	sadd.s32 $0x10, s0  }
0x222: {  	[hbm4b:s30+s3] =	stream.linear.scatter [tilespmem:s17], [sflag:$0x4], $0x80, $0x38;
	[tilespmem:$0xE800] =	vst v63  }
0x223: {  	s31 =	sadd.s32 $0x20, s0  }
0x224: {  	[hbm4b:s31+s3] =	stream.linear.scatter [tilespmem:s18], [sflag:$0x4], $0x80, $0x38;
	[tilespmem:$0xE800] =	vst v63  }
0x225: {  	s28 =	sadd.s32 $0x30, s0  }
0x226: {  	[hbm4b:s28+s3] =	stream.linear.scatter [tilespmem:s21], [sflag:$0x4], $0x80, $0x38;
	[tilespmem:$0xE800] =	vst v63  }
0x227: {  	s26 =	sadd.s32 $0x1, s26;
	s29 =	sadd.s32 $0x40, s0  }
0x228: {  	[hbm4b:s29+s3] =	stream.linear.scatter [tilespmem:s22], [sflag:$0x4], $0x80, $0x38;
	[tilespmem:$0xE800] =	vst v63  }
0x229: {  	p0 =	sne.s32 s26, $0x64;
	s30 =	sadd.s32 $0x50, s0  }
0x22a: {  	[hbm4b:s30+s3] =	stream.linear.scatter [tilespmem:s23], [sflag:$0x4], $0x80, $0x38;
	[tilespmem:$0xE800] =	vst v63  }
.Ltmp5:
0x22b: {  	_ = 	snop;
	(pc) =	sbr.rel @p0 .LBB2_2-.Ltmp5, $4  }
0x22c: {  	s31 =	sadd.s32 $0x60, s0  }
0x22d: {  	[hbm4b:s31+s3] =	stream.linear.scatter [tilespmem:s24], [sflag:$0x4], $0x80, $0x38;
	[tilespmem:$0xE800] =	vst v63  }
0x22e: {  	s0 =	sadd.s32 $0x70, s0  }
0x22f: {  	[hbm4b:s0+s3] =	stream.linear.scatter [tilespmem:s25], [sflag:$0x4], $0x80, $0x38;
	[tilespmem:$0xE800] =	vst v63  }
0x230: {  	s0 =	simm.s32 $0x3  }
0x231: {  	_ =	swait.ge [sflag:s0], $0x400  }
0x232: {  	[sflag:s0] =	ssyncset.done $0x0  }
0x233: {  	[sflag:s0] =	ssyncadd.s32 $0xFFFFFC00  }
0x234: {  	_ =	swait.ge [sflag:s0], $0x400  }
0x235: {  	[sflag:s0] =	ssyncset.done $0x0  }
0x236: {  	[sflag:s0] =	ssyncadd.s32 $0xFFFFFC00  }
0x237: {  	_ =	swait.ge [sflag:s0], $0x400  }
0x238: {  	[sflag:s0] =	ssyncset.done $0x0  }
0x239: {  	[sflag:s0] =	ssyncadd.s32 $0xFFFFFC00  }
0x23a: {  	_ =	swait.ge [sflag:s0], $0x400  }
0x23b: {  	[sflag:s0] =	ssyncset.done $0x0  }
0x23c: {  	[sflag:s0] =	ssyncadd.s32 $0xFFFFFC00  }
0x23d: {  	_ =	swait.ge [sflag:s0], $0x400  }
0x23e: {  	[sflag:s0] =	ssyncset.done $0x0  }
0x23f: {  	[sflag:s0] =	ssyncadd.s32 $0xFFFFFC00  }
0x240: {  	_ =	swait.ge [sflag:s0], $0x400  }
0x241: {  	[sflag:s0] =	ssyncset.done $0x0  }
0x242: {  	[sflag:s0] =	ssyncadd.s32 $0xFFFFFC00  }
0x243: {  	_ =	swait.ge [sflag:s0], $0x400  }
0x244: {  	[sflag:s0] =	ssyncset.done $0x0  }
0x245: {  	[sflag:s0] =	ssyncadd.s32 $0xFFFFFC00  }
0x246: {  	_ =	swait.ge [sflag:s0], $0x400  }
0x247: {  	[sflag:s0] =	ssyncset.done $0x0  }
0x248: {  	[sflag:s0] =	ssyncadd.s32 $0xFFFFFC00  }
0x249: {  	_ =	swait.ge [sflag:s14], $0x400  }
0x24a: {  	[sflag:s14] =	ssyncset.done $0x0  }
0x24b: {  	[sflag:s14] =	ssyncadd.s32 $0xFFFFFC00  }
0x24c: {  	_ =	swait.ge [sflag:s14], $0x400  }
0x24d: {  	[sflag:s14] =	ssyncset.done $0x0  }
0x24e: {  	[sflag:s14] =	ssyncadd.s32 $0xFFFFFC00  }
0x24f: {  	_ =	swait.ge [sflag:s14], $0x400  }
0x250: {  	[sflag:s14] =	ssyncset.done $0x0  }
0x251: {  	[sflag:s14] =	ssyncadd.s32 $0xFFFFFC00  }
0x252: {  	_ =	swait.ge [sflag:s14], $0x400  }
0x253: {  	[sflag:s14] =	ssyncset.done $0x0  }
0x254: {  	[sflag:s14] =	ssyncadd.s32 $0xFFFFFC00  }
0x255: {  	_ =	swait.ge [sflag:s14], $0x400  }
0x256: {  	[sflag:s14] =	ssyncset.done $0x0  }
0x257: {  	[sflag:s14] =	ssyncadd.s32 $0xFFFFFC00  }
0x258: {  	_ =	swait.ge [sflag:s14], $0x400  }
0x259: {  	[sflag:s14] =	ssyncset.done $0x0  }
0x25a: {  	[sflag:s14] =	ssyncadd.s32 $0xFFFFFC00  }
0x25b: {  	_ =	swait.ge [sflag:s14], $0x400  }
0x25c: {  	[sflag:s14] =	ssyncset.done $0x0  }
0x25d: {  	[sflag:s14] =	ssyncadd.s32 $0xFFFFFC00  }
0x25e: {  	_ =	swait.ge [sflag:s14], $0x400  }
0x25f: {  	s1 =	rddreg [dreg:$0x5]  }
0x260: {  	s31 =	rddreg [dreg:$0x4];
	s1 =	sadd.s32 $0x1, s1  }
0x261: {  	p0 =	sne.s32 s1, s31  }
.Ltmp6:
0x262: {  	_ = 	snop;
	(pc) =	sbr.rel @p0 .LBB2_1-.Ltmp6, $3  }
0x263: {  	_ =	sdelay $0x1  }
0x264: {  	[sflag:s14] =	ssyncset.done $0x0  }
0x265: {  	[sflag:s14] =	ssyncadd.s32 $0xFFFFFC00  }
0x266: {  	_ =	sfence.sel $0x180000  }
0x267: {  	[bflag:$0x0] =	sbarrier.arrive $0xFFFF  }
0x268: {  	_ =	strace $0x9000004A  }
0x269: {  	s0 =	stileid.u32;
	[bflag:$0x2] =	sbarrier.arrive $0xFFFF  }
0x26a: {  	p0 =	sne.s32 s0, $0x0;
	s0 =	rddreg [dreg:$0x2]  }
0x26b: {  	s0 =	sadd.s32 @!p0 $0x100000, s0  }
0x26c: {  	[sflag:s0] =	ssyncadd.tile.s32 @!p0 $0x1;
	_ =	shalt  }
.Lfunc_end2:
_tile_overlayer_lowered:
.L_overlay_start_2:
0x26d: {  	(tag) =	ssettag $0x2  }
0x26e: {  	s0 =	rddreg [dreg:$0x0];
	s2 =	stileid.u32  }
0x26f: {  	s1 =	rddreg [dreg:$0x1];
	p0 =	sne.s32 s2, $0x0  }
0x270: {  	s3 =	rddreg [dreg:$0x2];
	[bflag:$0x3] =	sbarrier.arrive $0xFFFF;
	s2 =	simm.s32 @!p0 $0x1C05  }
0x271: {  	[timem:s3], [sflag:s2] =	dma.local @!p0 [hbm:s0], s1  }
0x272: {  	s0 =	simm.s32 @!p0 $0x5  }
0x273: {  	_ =	swait.ge @!p0 [sflag:s0], s1  }
0x274: {  	s1 =	ssub.s32 @!p0 $0x0, s1;
	[sflag:s0] =	ssyncset.done @!p0 $0x0  }
0x275: {  	[sflag:s0] =	ssyncadd.s32 @!p0 s1  }
0x276: {  	[bflag:$0x3] =	sbarrier.arrive $0xFFFF  }
0x277: {  	_ =	shalt  }

</sc_bundles>
